<compile_context>
chip_gen: v7x
topology: tpu7x:2x2x1
jax: 0.10.2.dev20260603
libtpu: 0.0.44.dev20260713+nightly
codegen_flags: <defaults>
</compile_context>

<pallas_src>
import functools

import jax
import jax.numpy as jnp
from jax import lax
from jax.experimental import pallas as pl
from jax.experimental.pallas import tpu as pltpu
from jax.experimental.pallas import tpu_sc as plsc

N = 10000
E = 320000
D_IN = 128
D_H = 256
B = 64
HALF = 128
NC, NS, LANES = 2, 16, 16
CH = 80
SLAB = E // NS
NCHUNK = SLAB // CH
DSLAB = E // (NC * NS)
DNCHUNK = DSLAB // CH
NPAD = 10240
RPT = NPAD // NS
ZR = 128
HN = NPAD // 2
HRPT = HN // NS

_vsc_mesh = functools.partial(
    plsc.VectorSubcoreMesh, core_axis_name="c", subcore_axis_name="s")


@functools.cache
def _deg_kernel():
  @functools.partial(
      pl.kernel,
      mesh=_vsc_mesh(),
      out_type=jax.ShapeDtypeStruct((NC * NPAD, LANES), jnp.float32),
      scratch_types=[
          pltpu.VMEM((DNCHUNK, CH), jnp.int32),
          pltpu.VMEM((CH, LANES), jnp.float32),
          pltpu.VMEM((CH, LANES), jnp.float32),
          pltpu.VMEM_SHARED((NPAD, LANES), jnp.float32),
          pltpu.SemaphoreType.DMA,
      ],
  )
  def k(dst_hbm, out_hbm, dstv, ones, zbuf, acc, sem):
    c = lax.axis_index("c")
    s = lax.axis_index("s")

    @pl.loop(0, CH)
    def _(r):
      zbuf[r, :] = jnp.zeros((LANES,), jnp.float32)
      ones[r, :] = jnp.full((LANES,), 1.0, jnp.float32)

    pltpu.sync_copy(dst_hbm.at[c, s], dstv)

    @pl.loop(0, RPT // CH)
    def _(j):
      pltpu.sync_copy(zbuf, acc.at[pl.ds(s * RPT + j * CH, CH)])

    plsc.subcore_barrier()

    @pl.loop(0, DNCHUNK)
    def _(kk):
      pltpu.sync_copy(ones, acc.at[dstv.at[kk]], add=True)

    plsc.subcore_barrier()
    pltpu.sync_copy(acc.at[pl.ds(s * RPT, RPT)],
                    out_hbm.at[pl.ds(c * NPAD + s * RPT, RPT)])

  return k


@functools.cache
def _segsum_kernel():
  @functools.partial(
      pl.kernel,
      mesh=_vsc_mesh(),
      out_type=jax.ShapeDtypeStruct((NC * NPAD, HALF), jnp.float32),
      scratch_types=[
          pltpu.VMEM((NCHUNK, CH), jnp.int32),
          pltpu.VMEM((NCHUNK, CH), jnp.int32),
          pltpu.VMEM((CH, HALF), jnp.float32),
          pltpu.VMEM_SHARED((NPAD, HALF), jnp.float32),
          pltpu.SemaphoreType.DMA,
      ],
  )
  def k(tab_hbm, src_hbm, dst_hbm, out_hbm, srcv, dstv, rows, acc, sem):
    c = lax.axis_index("c")
    s = lax.axis_index("s")

    @pl.loop(0, CH)
    def _(r):
      @pl.loop(0, HALF, step=LANES)
      def _(j):
        rows[r, pl.ds(j, LANES)] = jnp.zeros((LANES,), jnp.float32)

    pltpu.sync_copy(src_hbm.at[s], srcv)
    pltpu.sync_copy(dst_hbm.at[s], dstv)
    off = c * N

    @pl.loop(0, NCHUNK)
    def _(kk):
      @pl.loop(0, CH, step=LANES)
      def _(j):
        srcv[kk, pl.ds(j, LANES)] = srcv[kk, pl.ds(j, LANES)] + off

    @pl.loop(0, RPT // CH)
    def _(j):
      pltpu.sync_copy(rows, acc.at[pl.ds(s * RPT + j * CH, CH)])

    plsc.subcore_barrier()

    @pl.loop(0, NCHUNK)
    def _(kk):
      pltpu.async_copy(tab_hbm.at[srcv.at[kk]], rows, sem).wait()
      pltpu.sync_copy(rows, acc.at[dstv.at[kk]], add=True)

    plsc.subcore_barrier()
    pltpu.sync_copy(acc.at[pl.ds(s * RPT, RPT)],
                    out_hbm.at[pl.ds(c * NPAD + s * RPT, RPT)])

  return k


@functools.cache
def _segsum_half_kernel():
  @functools.partial(
      pl.kernel,
      mesh=_vsc_mesh(),
      out_type=jax.ShapeDtypeStruct((NC * NPAD, HALF), jnp.float32),
      scratch_types=[
          pltpu.VMEM((NCHUNK, CH), jnp.int32),
          pltpu.VMEM((NCHUNK, CH), jnp.int32),
          pltpu.VMEM((CH,), jnp.int32),
          pltpu.VMEM((CH,), jnp.int32),
          pltpu.VMEM((CH, HALF), jnp.float32),
          pltpu.VMEM((CH, HALF), jnp.float32),
          pltpu.VMEM_SHARED((HN + 8, HALF), jnp.float32),
          pltpu.SemaphoreType.DMA,
          pltpu.SemaphoreType.DMA,
      ],
  )
  def k(tab_hbm, src_hbm, dst_hbm, out_hbm, srcv, dstv, idxb0, idxb1,
        rows0, rows1, acc, gsem0, gsem1):
    c = lax.axis_index("c")
    s = lax.axis_index("s")

    pltpu.sync_copy(src_hbm.at[s], srcv)

    for p in range(2):
      @pl.loop(0, CH)
      def _(r):
        @pl.loop(0, HALF, step=LANES)
        def _(j):
          rows0[r, pl.ds(j, LANES)] = jnp.zeros((LANES,), jnp.float32)

      pltpu.sync_copy(dst_hbm.at[s], dstv)

      @pl.loop(0, NCHUNK)
      def _(kk):
        @pl.loop(0, CH, step=LANES)
        def _(j):
          d = dstv[kk, pl.ds(j, LANES)]
          loc = d - p * HN
          m = (loc >= 0) & (loc < HN)
          dstv[kk, pl.ds(j, LANES)] = jnp.where(m, loc, HN)

      @pl.loop(0, HRPT // CH)
      def _(j):
        pltpu.sync_copy(rows0, acc.at[pl.ds(s * HRPT + j * CH, CH)])

      plsc.subcore_barrier()

      for cc in range(NC):
        @pl.when(c == cc)
        def _():
          def build_idx(idxb, kk):
            @pl.loop(0, CH, step=LANES)
            def _(j):
              idxb[pl.ds(j, LANES)] = srcv[kk, pl.ds(j, LANES)] + (cc * N)

          @pl.loop(0, NCHUNK // 2)
          def _(kk2):
            k0 = kk2 * 2
            build_idx(idxb0, k0)
            pltpu.async_copy(tab_hbm.at[idxb0], rows0, gsem0).wait()
            s0 = pltpu.async_copy(rows0, acc.at[dstv.at[k0]], gsem1, add=True)
            build_idx(idxb1, k0 + 1)
            pltpu.async_copy(tab_hbm.at[idxb1], rows1, gsem0).wait()
            s0.wait()
            pltpu.sync_copy(rows1, acc.at[dstv.at[k0 + 1]], add=True)

      plsc.subcore_barrier()
      pltpu.sync_copy(acc.at[pl.ds(s * HRPT, HRPT)],
                      out_hbm.at[pl.ds(c * NPAD + p * HN + s * HRPT, HRPT)])
      plsc.subcore_barrier()

  return k


def _tc1_body(x_ref, w_ref, cnt_ref, g_ref, dinv_ref):
  cnt = cnt_ref[...]
  deg = cnt[0, :, :1] + cnt[1, :, :1] + 1.0
  dinv = lax.rsqrt(deg)
  h = jnp.dot(x_ref[...], w_ref[...], preferred_element_type=jnp.float32)
  g = h * dinv
  g_ref[0] = g[:, :HALF]
  g_ref[1] = g[:, HALF:]
  dinv_ref[...] = dinv


def _tc1(x, W1, cnt2):
  R = 1000
  return pl.pallas_call(
      _tc1_body,
      grid=(N // R,),
      in_specs=[
          pl.BlockSpec((R, D_IN), lambda i: (i, 0)),
          pl.BlockSpec((D_IN, D_H), lambda i: (0, 0)),
          pl.BlockSpec((NC, R, LANES), lambda i: (0, i, 0)),
      ],
      out_specs=[
          pl.BlockSpec((NC, R, HALF), lambda i: (0, i, 0)),
          pl.BlockSpec((R, 1), lambda i: (i, 0)),
      ],
      out_shape=[
          jax.ShapeDtypeStruct((NC, N, HALF), jnp.float32),
          jax.ShapeDtypeStruct((N, 1), jnp.float32),
      ],
  )(x, W1, cnt2)


def _tc2_body(acc_ref, g_ref, dinv_ref, b_ref, w_ref, out_ref):
  acc = acc_ref[...]
  g = g_ref[...]
  pre = jnp.concatenate([acc[0] + g[0], acc[1] + g[1]], axis=1)
  dinv = dinv_ref[...]
  t = jnp.maximum(dinv * pre + b_ref[...], 0.0)
  h2 = jnp.dot(t, w_ref[...], preferred_element_type=jnp.float32)
  g2 = h2 * dinv
  out_ref[0] = g2[:, :HALF]
  out_ref[1] = g2[:, HALF:]


def _tc2(acc1, g1, dinv, b1, W2):
  R = 1000
  return pl.pallas_call(
      _tc2_body,
      grid=(N // R,),
      in_specs=[
          pl.BlockSpec((NC, R, HALF), lambda i: (0, i, 0)),
          pl.BlockSpec((NC, R, HALF), lambda i: (0, i, 0)),
          pl.BlockSpec((R, 1), lambda i: (i, 0)),
          pl.BlockSpec((1, D_H), lambda i: (0, 0)),
          pl.BlockSpec((D_H, D_H), lambda i: (0, 0)),
      ],
      out_specs=pl.BlockSpec((NC, R, HALF), lambda i: (0, i, 0)),
      out_shape=jax.ShapeDtypeStruct((NC, N, HALF), jnp.float32),
  )(acc1, g1, dinv, b1, W2)


def _softplus(x):
  return jnp.maximum(x, 0.0) + jnp.log1p(jnp.exp(-jnp.abs(x)))


def _tc3_body(acc_ref, g_ref, dinv_ref, b_ref, batch_ref, fw1_ref, fb1_ref,
              fw2_ref, fb2_ref, rr_ref, ri_ref, zsum, csum):
  i = pl.program_id(0)

  @pl.when(i == 0)
  def _():
    zsum[...] = jnp.zeros_like(zsum)
    csum[...] = jnp.zeros_like(csum)

  acc = acc_ref[...]
  g = g_ref[...]
  pre = jnp.concatenate([acc[0] + g[0], acc[1] + g[1]], axis=1)
  t = jnp.maximum(dinv_ref[...] * pre + b_ref[...], 0.0)
  bb = batch_ref[...][0]
  oh = (lax.broadcasted_iota(jnp.int32, (B, bb.shape[1]), 0) == bb)
  oh = oh.astype(jnp.float32)
  zsum[...] += jnp.dot(oh, t, preferred_element_type=jnp.float32)
  csum[...] += jnp.sum(oh, axis=1, keepdims=True)

  @pl.when(i == pl.num_programs(0) - 1)
  def _():
    z = zsum[...] / jnp.maximum(csum[...], 1.0)
    p1 = jnp.dot(z, fw1_ref[...], preferred_element_type=jnp.float32)
    p1 = jnp.maximum(p1 + fb1_ref[...], 0.0)
    p = jnp.dot(p1, fw2_ref[...], preferred_element_type=jnp.float32)
    p = p + fb2_ref[...]

    def col(j):
      return p[:, j:j + 1]

    d0, d1, d2, d3 = (_softplus(col(j)) for j in range(4))
    r10, i10 = col(4), col(5)
    r20, i20 = col(6), col(7)
    r21, i21 = col(8), col(9)
    r30, i30 = col(10), col(11)
    r31, i31 = col(12), col(13)
    r32, i32 = col(14), col(15)

    m00 = d0 * d0
    m10r, m10i = r10 * d0, i10 * d0
    m11 = r10 * r10 + i10 * i10 + d1 * d1
    m20r, m20i = r20 * d0, i20 * d0
    m21r = r20 * r10 + i20 * i10 + r21 * d1
    m21i = i20 * r10 - r20 * i10 + i21 * d1
    m22 = r20 * r20 + i20 * i20 + r21 * r21 + i21 * i21 + d2 * d2
    m30r, m30i = r30 * d0, i30 * d0
    m31r = r30 * r10 + i30 * i10 + r31 * d1
    m31i = i30 * r10 - r30 * i10 + i31 * d1
    m32r = r30 * r20 + i30 * i20 + r31 * r21 + i31 * i21 + r32 * d2
    m32i = i30 * r20 - r30 * i20 + i31 * r21 - r31 * i21 + i32 * d2
    m33 = (r30 * r30 + i30 * i30 + r31 * r31 + i31 * i31
           + r32 * r32 + i32 * i32 + d3 * d3)
    tr = m00 + m11 + m22 + m33
    zc = jnp.zeros_like(d0)
    rr = jnp.concatenate([
        m00, m10r, m20r, m30r,
        m10r, m11, m21r, m31r,
        m20r, m21r, m22, m32r,
        m30r, m31r, m32r, m33], axis=1) / tr
    ri = jnp.concatenate([
        zc, -m10i, -m20i, -m30i,
        m10i, zc, -m21i, -m31i,
        m20i, m21i, zc, -m32i,
        m30i, m31i, m32i, zc], axis=1) / tr
    rr_ref[...] = rr
    ri_ref[...] = ri


def _tc3(acc2, g2, dinv, b2, batch3, FW1, FB1, FW2, FB2):
  R = 1000
  return pl.pallas_call(
      _tc3_body,
      grid=(N // R,),
      in_specs=[
          pl.BlockSpec((NC, R, HALF), lambda i: (0, i, 0)),
          pl.BlockSpec((NC, R, HALF), lambda i: (0, i, 0)),
          pl.BlockSpec((R, 1), lambda i: (i, 0)),
          pl.BlockSpec((1, D_H), lambda i: (0, 0)),
          pl.BlockSpec((1, 1, R), lambda i: (i, 0, 0)),
          pl.BlockSpec((D_H, 128), lambda i: (0, 0)),
          pl.BlockSpec((1, 128), lambda i: (0, 0)),
          pl.BlockSpec((128, 16), lambda i: (0, 0)),
          pl.BlockSpec((1, 16), lambda i: (0, 0)),
      ],
      out_specs=[
          pl.BlockSpec((B, 16), lambda i: (0, 0)),
          pl.BlockSpec((B, 16), lambda i: (0, 0)),
      ],
      out_shape=[
          jax.ShapeDtypeStruct((B, 16), jnp.float32),
          jax.ShapeDtypeStruct((B, 16), jnp.float32),
      ],
      scratch_shapes=[
          pltpu.VMEM((B, D_H), jnp.float32),
          pltpu.VMEM((B, 1), jnp.float32),
      ],
  )(acc2, g2, dinv, b2, batch3, FW1, FB1, FW2, FB2)


def kernel(x, edge_index, batch, W1, b1, W2, b2, FW1, FB1, FW2, FB2):
  src = edge_index[0]
  dst = edge_index[1]
  dst3d = dst.reshape(NC, NS, DNCHUNK, CH)
  src3 = src.reshape(NS, NCHUNK, CH)
  dst3 = dst.reshape(NS, NCHUNK, CH)

  def _segsum_dbg(table):
    out = [jax.ops.segment_sum(table[c * N + src], dst, num_segments=NPAD)
           for c in range(NC)]
    return jnp.concatenate(out, axis=0)

  cnt = _deg_kernel()(dst3d)
  g1, dinv = _tc1(x, W1, cnt.reshape(NC, NPAD, LANES))
  acc1 = _segsum_half_kernel()(g1.reshape(NC * N, HALF), src3, dst3)
  g2 = _tc2(acc1.reshape(NC, NPAD, HALF), g1, dinv, b1.reshape(1, D_H), W2)
  acc2 = _segsum_half_kernel()(g2.reshape(NC * N, HALF), src3, dst3)
  rr, ri = _tc3(acc2.reshape(NC, NPAD, HALF), g2, dinv, b2.reshape(1, D_H),
                batch.reshape(N // 1000, 1, 1000), FW1, FB1.reshape(1, 128),
                FW2, FB2.reshape(1, 16))
  rho = lax.complex(rr, ri).reshape(B, 4, 4)
  return rho

# --- scband reference (transcript-rebuilt; emitter-appended) ---
"""Pipeline reference for scband-quantum-gnn-63565515980871 (READ-ONLY COPY).

The authoritative reference and input builder live on the scoring server;
editing this copy changes nothing except your own understanding.
"""

import jax, jax.numpy as jnp
import numpy as np

N = 10000
E = 320000
D_IN = 128
D_H = 256
B = 64


def setup_inputs(seed: int = 0) -> dict:
    key = jax.random.key(seed)
    ks = jax.random.split(key, 12)
    x = jax.random.normal(ks[0], (N, D_IN), dtype=jnp.float32)
    edge_index = jax.random.randint(ks[1], (2, E), 0, N).astype(jnp.int32)
    batch = jnp.sort(jax.random.randint(ks[2], (N,), 0, B)).astype(jnp.int32)
    W1 = jax.random.normal(ks[3], (D_IN, D_H), dtype=jnp.float32) * 0.05
    b1 = jnp.zeros((D_H,), dtype=jnp.float32)
    W2 = jax.random.normal(ks[4], (D_H, D_H), dtype=jnp.float32) * 0.05
    b2 = jnp.zeros((D_H,), dtype=jnp.float32)
    FW1 = jax.random.normal(ks[5], (D_H, 128), dtype=jnp.float32) * 0.05
    FB1 = jnp.zeros((128,), dtype=jnp.float32)
    FW2 = jax.random.normal(ks[6], (128, 16), dtype=jnp.float32) * 0.05
    FB2 = jnp.zeros((16,), dtype=jnp.float32)
    return {"x": x, "edge_index": edge_index, "batch": batch,
            "W1": W1, "b1": b1, "W2": W2, "b2": b2,
            "FW1": FW1, "FB1": FB1, "FW2": FW2, "FB2": FB2}


def _gcn_conv(x, edge_index, W, b):
    # GCNConv: add self-loops, symmetric normalization, linear transform, scatter-add
    h = x @ W
    loop = jnp.arange(N, dtype=edge_index.dtype)
    src = jnp.concatenate([edge_index[0], loop])
    dst = jnp.concatenate([edge_index[1], loop])
    deg = jax.ops.segment_sum(jnp.ones_like(dst, dtype=jnp.float32), dst, num_segments=N)
    dinv = 1.0 / jnp.sqrt(jnp.clip(deg, 1.0))
    norm = dinv[src] * dinv[dst]
    out = jax.ops.segment_sum(h[src] * norm[:, None], dst, num_segments=N)
    return out + b


def _global_mean_pool(x, batch):
    s = jax.ops.segment_sum(x, batch, num_segments=B)
    cnt = jax.ops.segment_sum(jnp.ones((x.shape[0],), dtype=jnp.float32), batch, num_segments=B)
    return s / jnp.clip(cnt, 1.0)[:, None]


def _reconstruct_density_matrix(params):
    bsz = params.shape[0]
    diag = jax.nn.softplus(params[:, 0:4]).astype(jnp.complex64)
    L = jnp.zeros((bsz, 4, 4), dtype=jnp.complex64)
    di = jnp.arange(4)
    L = L.at[:, di, di].set(diag)
    # lower-triangular off-diagonal order matches the torch loop: (1,0),(2,0),(2,1),(3,0),(3,1),(3,2)
    rows = jnp.array([1, 2, 2, 3, 3, 3])
    cols = jnp.array([0, 0, 1, 0, 1, 2])
    off = params[:, 4:16].reshape(bsz, 6, 2)
    comp = (off[..., 0] + 1j * off[..., 1]).astype(jnp.complex64)
    L = L.at[:, rows, cols].set(comp)
    L_dag = jnp.conjugate(jnp.swapaxes(L, 1, 2))
    rho_unnorm = jnp.matmul(L, L_dag)
    trace = jnp.real(jnp.trace(rho_unnorm, axis1=-2, axis2=-1))
    rho = rho_unnorm / trace[:, None, None].astype(jnp.complex64)
    return rho


def reference(x, edge_index, batch, W1, b1, W2, b2, FW1, FB1, FW2, FB2):
    h = jax.nn.relu(_gcn_conv(x, edge_index, W1, b1))
    h = jax.nn.relu(_gcn_conv(h, edge_index, W2, b2))
    z = _global_mean_pool(h, batch)
    p = jax.nn.relu(z @ FW1 + FB1) @ FW2 + FB2
    rho = _reconstruct_density_matrix(p)
    return rho

if __name__ == "__main__":
    import jax
    _d = setup_inputs()
    print(jax.jit(kernel)(*tuple(_d.values())))

</pallas_src>

<mosaic_0001>
#map = affine_map<(d0, d1) -> (0, 0)>
#map1 = affine_map<(d0, d1) -> (0, 0, 0)>
module attributes {stable_mosaic.version = 14 : i64} {
  func.func @k(%arg0: i32, %arg1: i32, %arg2: memref<20000x128xf32, #tpu.memory_space<hbm>>, %arg3: memref<16x250x80xi32, #tpu.memory_space<hbm>>, %arg4: memref<16x250x80xi32, #tpu.memory_space<hbm>>, %arg5: memref<20480x128xf32, #tpu.memory_space<hbm>>, %arg6: memref<250x80xi32, #tpu.memory_space<vmem>>, %arg7: memref<250x80xi32, #tpu.memory_space<vmem>>, %arg8: memref<80xi32, #tpu.memory_space<vmem>>, %arg9: memref<80xi32, #tpu.memory_space<vmem>>, %arg10: memref<80x128xf32, #tpu.memory_space<vmem>>, %arg11: memref<80x128xf32, #tpu.memory_space<vmem>>, %arg12: memref<5128x128xf32, #tpu.memory_space<vmem_shared>>, %arg13: memref<!tpu.dma_semaphore, #tpu.memory_space<semaphore_mem>>, %arg14: memref<!tpu.dma_semaphore, #tpu.memory_space<semaphore_mem>>) attributes {dimension_semantics = [#tpu.dimension_semantics<core_parallel>, #tpu.dimension_semantics<subcore_parallel>], iteration_bounds = array<i64: 2, 16>, scalar_prefetch = 0 : i64, scratch_operands = 9 : i64, tpu.core_type = #tpu.core_type<sc_vector_subcore>, window_params = [{transform_indices = #map}, {transform_indices = #map1}, {transform_indices = #map1}, {transform_indices = #map}]} {
    "tpu.region"() ({
      %run_scoped3A = tpu.sem_alloc : memref<!tpu.dma_semaphore, #tpu.memory_space<semaphore_mem>>
      %dma_start3A = arith.constant 0 : i32
      %dma_start3A_67 = arith.constant 0 : i32
      %dma_start3A_68 = tpu.memref_slice %arg3[%arg1, %dma_start3A, %dma_start3A_67] : memref<16x250x80xi32, #tpu.memory_space<hbm>> -> memref<1x250x80xi32, #tpu.memory_space<hbm>>
      %dma_start3A_69 = tpu.memref_squeeze %dma_start3A_68 : memref<1x250x80xi32, #tpu.memory_space<hbm>> -> memref<250x80xi32, #tpu.memory_space<hbm>>
      %dma_start3A_70 = arith.constant 0 : i32
      %dma_start3A_71 = arith.constant 0 : i32
      %dma_start3A_72 = tpu.memref_slice %arg3[%arg1, %dma_start3A_70, %dma_start3A_71] : memref<16x250x80xi32, #tpu.memory_space<hbm>> -> memref<1x250x80xi32, #tpu.memory_space<hbm>>
      %dma_start3A_73 = tpu.memref_squeeze %dma_start3A_72 : memref<1x250x80xi32, #tpu.memory_space<hbm>> -> memref<250x80xi32, #tpu.memory_space<hbm>>
      tpu.enqueue_dma source(%dma_start3A_73 : memref<250x80xi32, #tpu.memory_space<hbm>>) target(%arg6 : memref<250x80xi32, #tpu.memory_space<vmem>>) target_semaphore(%run_scoped3A : memref<!tpu.dma_semaphore, #tpu.memory_space<semaphore_mem>>)
      %dma_wait3A = arith.constant 0 : i32
      %dma_wait3A_74 = arith.constant 0 : i32
      %dma_wait3A_75 = tpu.memref_slice %arg3[%arg1, %dma_wait3A, %dma_wait3A_74] : memref<16x250x80xi32, #tpu.memory_space<hbm>> -> memref<1x250x80xi32, #tpu.memory_space<hbm>>
      %dma_wait3A_76 = tpu.memref_squeeze %dma_wait3A_75 : memref<1x250x80xi32, #tpu.memory_space<hbm>> -> memref<250x80xi32, #tpu.memory_space<hbm>>
      %dma_wait3A_77 = arith.constant 0 : i32
      %dma_wait3A_78 = arith.constant 0 : i32
      %dma_wait3A_79 = tpu.memref_slice %arg3[%arg1, %dma_wait3A_77, %dma_wait3A_78] : memref<16x250x80xi32, #tpu.memory_space<hbm>> -> memref<1x250x80xi32, #tpu.memory_space<hbm>>
      %dma_wait3A_80 = tpu.memref_squeeze %dma_wait3A_79 : memref<1x250x80xi32, #tpu.memory_space<hbm>> -> memref<250x80xi32, #tpu.memory_space<hbm>>
      tpu.wait_dma2 semaphore(%run_scoped3A : memref<!tpu.dma_semaphore, #tpu.memory_space<semaphore_mem>>) src(%dma_wait3A_80 : memref<250x80xi32, #tpu.memory_space<hbm>>) dst(%arg6 : memref<250x80xi32, #tpu.memory_space<vmem>>)
      tpu.yield
    }) : () -> ()
    %scan3A = arith.constant 0 : i32
    %scan3A_0 = arith.constant 80 : i32
    %scan3A_1 = arith.addi %scan3A, %scan3A_0 : i32
    %scan3A_2 = arith.constant 1 : i32
    scf.for %scan3A_67 = %scan3A to %scan3A_1 step %scan3A_2  : i32 {
      %mul3A_68 = arith.constant 1 : i32
      %mul3A_69 = arith.muli %scan3A_67, %mul3A_68 : i32
      %add3A_70 = arith.constant 0 : i32
      %add3A_71 = arith.addi %add3A_70, %mul3A_69 : i32
      %scan3A_72 = arith.constant 0 : i32
      %scan3A_73 = arith.constant 8 : i32
      %scan3A_74 = arith.addi %scan3A_72, %scan3A_73 : i32
      %scan3A_75 = arith.constant 1 : i32
      scf.for %scan3A_77 = %scan3A_72 to %scan3A_74 step %scan3A_75  : i32 {
        %mul3A_78 = arith.constant 16 : i32
        %mul3A_79 = arith.muli %scan3A_77, %mul3A_78 : i32
        %add3A_80 = arith.constant 0 : i32
        %add3A_81 = arith.addi %add3A_80, %mul3A_79 : i32
        %broadcast_in_dim3A = arith.constant 0.000000e+00 : f32
        %broadcast_in_dim3A_82 = vector.broadcast %broadcast_in_dim3A : f32 to vector<16xf32>
        %swap3A = arith.index_cast %add3A_71 : i32 to index
        %swap3A_83 = arith.index_cast %add3A_81 : i32 to index
        %swap3A_84 = tpu.vector_load %arg10[%swap3A, %swap3A_83] {strides = array<i32>} : memref<80x128xf32, #tpu.memory_space<vmem>>, vector<1x16xf32>,
        %swap3A_85 = vector.shape_cast %swap3A_84 : vector<1x16xf32> to vector<16xf32>
        %swap3A_86 = vector.shape_cast %broadcast_in_dim3A_82 : vector<16xf32> to vector<1x16xf32>
        tpu.vector_store %arg10[%swap3A, %swap3A_83], %swap3A_86 {strides = array<i32>} : memref<80x128xf32, #tpu.memory_space<vmem>>, vector<1x16xf32>,
      }
      %scan3A_76 = arith.constant 8 : i32
    }
    %scan3A_3 = arith.constant 80 : i32
    "tpu.region"() ({
      %run_scoped3A = tpu.sem_alloc : memref<!tpu.dma_semaphore, #tpu.memory_space<semaphore_mem>>
      %dma_start3A = arith.constant 0 : i32
      %dma_start3A_67 = arith.constant 0 : i32
      %dma_start3A_68 = tpu.memref_slice %arg4[%arg1, %dma_start3A, %dma_start3A_67] : memref<16x250x80xi32, #tpu.memory_space<hbm>> -> memref<1x250x80xi32, #tpu.memory_space<hbm>>
      %dma_start3A_69 = tpu.memref_squeeze %dma_start3A_68 : memref<1x250x80xi32, #tpu.memory_space<hbm>> -> memref<250x80xi32, #tpu.memory_space<hbm>>
      %dma_start3A_70 = arith.constant 0 : i32
      %dma_start3A_71 = arith.constant 0 : i32
      %dma_start3A_72 = tpu.memref_slice %arg4[%arg1, %dma_start3A_70, %dma_start3A_71] : memref<16x250x80xi32, #tpu.memory_space<hbm>> -> memref<1x250x80xi32, #tpu.memory_space<hbm>>
      %dma_start3A_73 = tpu.memref_squeeze %dma_start3A_72 : memref<1x250x80xi32, #tpu.memory_space<hbm>> -> memref<250x80xi32, #tpu.memory_space<hbm>>
      tpu.enqueue_dma source(%dma_start3A_73 : memref<250x80xi32, #tpu.memory_space<hbm>>) target(%arg7 : memref<250x80xi32, #tpu.memory_space<vmem>>) target_semaphore(%run_scoped3A : memref<!tpu.dma_semaphore, #tpu.memory_space<semaphore_mem>>)
      %dma_wait3A = arith.constant 0 : i32
      %dma_wait3A_74 = arith.constant 0 : i32
      %dma_wait3A_75 = tpu.memref_slice %arg4[%arg1, %dma_wait3A, %dma_wait3A_74] : memref<16x250x80xi32, #tpu.memory_space<hbm>> -> memref<1x250x80xi32, #tpu.memory_space<hbm>>
      %dma_wait3A_76 = tpu.memref_squeeze %dma_wait3A_75 : memref<1x250x80xi32, #tpu.memory_space<hbm>> -> memref<250x80xi32, #tpu.memory_space<hbm>>
      %dma_wait3A_77 = arith.constant 0 : i32
      %dma_wait3A_78 = arith.constant 0 : i32
      %dma_wait3A_79 = tpu.memref_slice %arg4[%arg1, %dma_wait3A_77, %dma_wait3A_78] : memref<16x250x80xi32, #tpu.memory_space<hbm>> -> memref<1x250x80xi32, #tpu.memory_space<hbm>>
      %dma_wait3A_80 = tpu.memref_squeeze %dma_wait3A_79 : memref<1x250x80xi32, #tpu.memory_space<hbm>> -> memref<250x80xi32, #tpu.memory_space<hbm>>
      tpu.wait_dma2 semaphore(%run_scoped3A : memref<!tpu.dma_semaphore, #tpu.memory_space<semaphore_mem>>) src(%dma_wait3A_80 : memref<250x80xi32, #tpu.memory_space<hbm>>) dst(%arg7 : memref<250x80xi32, #tpu.memory_space<vmem>>)
      tpu.yield
    }) : () -> ()
    %scan3A_4 = arith.constant 0 : i32
    %scan3A_5 = arith.constant 250 : i32
    %scan3A_6 = arith.addi %scan3A_4, %scan3A_5 : i32
    %scan3A_7 = arith.constant 1 : i32
    scf.for %scan3A_67 = %scan3A_4 to %scan3A_6 step %scan3A_7  : i32 {
      %mul3A_68 = arith.constant 1 : i32
      %mul3A_69 = arith.muli %scan3A_67, %mul3A_68 : i32
      %add3A_70 = arith.constant 0 : i32
      %add3A_71 = arith.addi %add3A_70, %mul3A_69 : i32
      %scan3A_72 = arith.constant 0 : i32
      %scan3A_73 = arith.constant 5 : i32
      %scan3A_74 = arith.addi %scan3A_72, %scan3A_73 : i32
      %scan3A_75 = arith.constant 1 : i32
      scf.for %scan3A_77 = %scan3A_72 to %scan3A_74 step %scan3A_75  : i32 {
        %mul3A_78 = arith.constant 16 : i32
        %mul3A_79 = arith.muli %scan3A_77, %mul3A_78 : i32
        %add3A_80 = arith.constant 0 : i32
        %add3A_81 = arith.addi %add3A_80, %mul3A_79 : i32
        %get3A = arith.index_cast %add3A_71 : i32 to index
        %get3A_82 = arith.index_cast %add3A_81 : i32 to index
        %get3A_83 = tpu.vector_load %arg7[%get3A, %get3A_82] {strides = array<i32>} : memref<250x80xi32, #tpu.memory_space<vmem>>, vector<1x16xi32>,
        %get3A_84 = vector.shape_cast %get3A_83 : vector<1x16xi32> to vector<16xi32>
        %sub3A = arith.constant 0 : i32
        %sub3A_85 = vector.broadcast %sub3A : i32 to vector<16xi32>
        %sub3A_86 = arith.subi %get3A_84, %sub3A_85 : vector<16xi32>
        %ge3A = arith.constant 0 : i32
        %ge3A_87 = vector.broadcast %ge3A : i32 to vector<16xi32>
        %ge3A_88 = arith.cmpi sge, %sub3A_86, %ge3A_87 : vector<16xi32>
        %lt3A = arith.constant 5120 : i32
        %lt3A_89 = vector.broadcast %lt3A : i32 to vector<16xi32>
        %lt3A_90 = arith.cmpi slt, %sub3A_86, %lt3A_89 : vector<16xi32>
        %and3A = arith.andi %ge3A_88, %lt3A_90 : vector<16xi1>
        %jit3A = arith.constant 5120 : i32
        %broadcast_in_dim3A = vector.broadcast %jit3A : i32 to vector<16xi32>
        %select_n3A = arith.select %and3A, %sub3A_86, %broadcast_in_dim3A : vector<16xi1>, vector<16xi32>
        %swap3A = arith.index_cast %add3A_71 : i32 to index
        %swap3A_91 = arith.index_cast %add3A_81 : i32 to index
        %swap3A_92 = tpu.vector_load %arg7[%swap3A, %swap3A_91] {strides = array<i32>} : memref<250x80xi32, #tpu.memory_space<vmem>>, vector<1x16xi32>,
        %swap3A_93 = vector.shape_cast %swap3A_92 : vector<1x16xi32> to vector<16xi32>
        %swap3A_94 = vector.shape_cast %select_n3A : vector<16xi32> to vector<1x16xi32>
        tpu.vector_store %arg7[%swap3A, %swap3A_91], %swap3A_94 {strides = array<i32>} : memref<250x80xi32, #tpu.memory_space<vmem>>, vector<1x16xi32>,
      }
      %scan3A_76 = arith.constant 5 : i32
    }
    %scan3A_8 = arith.constant 250 : i32
    %scan3A_9 = arith.constant 0 : i32
    %scan3A_10 = arith.constant 4 : i32
    %scan3A_11 = arith.addi %scan3A_9, %scan3A_10 : i32
    %scan3A_12 = arith.constant 1 : i32
    scf.for %scan3A_67 = %scan3A_9 to %scan3A_11 step %scan3A_12  : i32 {
      %mul3A_68 = arith.constant 1 : i32
      %mul3A_69 = arith.muli %scan3A_67, %mul3A_68 : i32
      %add3A_70 = arith.constant 0 : i32
      %add3A_71 = arith.addi %add3A_70, %mul3A_69 : i32
      %mul3A_72 = arith.constant 320 : i32
      %mul3A_73 = arith.muli %arg1, %mul3A_72 : i32
      %mul3A_74 = arith.constant 80 : i32
      %mul3A_75 = arith.muli %add3A_71, %mul3A_74 : i32
      %add3A_76 = arith.addi %mul3A_73, %mul3A_75 : i32
      "tpu.region"() ({
        %run_scoped3A = tpu.sem_alloc : memref<!tpu.dma_semaphore, #tpu.memory_space<semaphore_mem>>
        %dma_start3A = arith.constant 0 : i32
        %dma_start3A_77 = tpu.memref_slice %arg12[%add3A_76, %dma_start3A] : memref<5128x128xf32, #tpu.memory_space<vmem_shared>> -> memref<80x128xf32, #tpu.memory_space<vmem_shared>>
        %dma_start3A_78 = arith.constant 0 : i32
        %dma_start3A_79 = tpu.memref_slice %arg12[%add3A_76, %dma_start3A_78] : memref<5128x128xf32, #tpu.memory_space<vmem_shared>> -> memref<80x128xf32, #tpu.memory_space<vmem_shared>>
        tpu.enqueue_dma source(%arg10 : memref<80x128xf32, #tpu.memory_space<vmem>>) target(%dma_start3A_79 : memref<80x128xf32, #tpu.memory_space<vmem_shared>>) target_semaphore(%run_scoped3A : memref<!tpu.dma_semaphore, #tpu.memory_space<semaphore_mem>>)
        %dma_wait3A = arith.constant 0 : i32
        %dma_wait3A_80 = tpu.memref_slice %arg12[%add3A_76, %dma_wait3A] : memref<5128x128xf32, #tpu.memory_space<vmem_shared>> -> memref<80x128xf32, #tpu.memory_space<vmem_shared>>
        %dma_wait3A_81 = arith.constant 0 : i32
        %dma_wait3A_82 = tpu.memref_slice %arg12[%add3A_76, %dma_wait3A_81] : memref<5128x128xf32, #tpu.memory_space<vmem_shared>> -> memref<80x128xf32, #tpu.memory_space<vmem_shared>>
        tpu.wait_dma2 semaphore(%run_scoped3A : memref<!tpu.dma_semaphore, #tpu.memory_space<semaphore_mem>>) src(%arg10 : memref<80x128xf32, #tpu.memory_space<vmem>>) dst(%dma_wait3A_82 : memref<80x128xf32, #tpu.memory_space<vmem_shared>>)
        tpu.yield
      }) : () -> ()
    }
    %scan3A_13 = arith.constant 4 : i32
    %barrier3A = arith.constant 0 : index
    tpu.barrier barrier_id(%barrier3A)
    %eq3A = arith.constant 0 : i32
    %eq3A_14 = arith.cmpi eq, %arg0, %eq3A : i32
    %convert_element_type3A = arith.extui %eq3A_14 : i1 to i32
    %cond3A = arith.constant 0 : i32
    %cond3A_15 = arith.cmpi ne, %convert_element_type3A, %cond3A : i32
    scf.if %cond3A_15 {
      %scan3A_67 = arith.constant 0 : i32
      %scan3A_68 = arith.constant 125 : i32
      %scan3A_69 = arith.addi %scan3A_67, %scan3A_68 : i32
      %scan3A_70 = arith.constant 1 : i32
      scf.for %scan3A_72 = %scan3A_67 to %scan3A_69 step %scan3A_70  : i32 {
        %mul3A_73 = arith.constant 1 : i32
        %mul3A_74 = arith.muli %scan3A_72, %mul3A_73 : i32
        %add3A_75 = arith.constant 0 : i32
        %add3A_76 = arith.addi %add3A_75, %mul3A_74 : i32
        %mul3A_77 = arith.constant 2 : i32
        %mul3A_78 = arith.muli %add3A_76, %mul3A_77 : i32
        %scan3A_79 = arith.constant 0 : i32
        %scan3A_80 = arith.constant 5 : i32
        %scan3A_81 = arith.addi %scan3A_79, %scan3A_80 : i32
        %scan3A_82 = arith.constant 1 : i32
        scf.for %scan3A_115 = %scan3A_79 to %scan3A_81 step %scan3A_82  : i32 {
          %mul3A_116 = arith.constant 16 : i32
          %mul3A_117 = arith.muli %scan3A_115, %mul3A_116 : i32
          %add3A_118 = arith.constant 0 : i32
          %add3A_119 = arith.addi %add3A_118, %mul3A_117 : i32
          %get3A = arith.index_cast %mul3A_78 : i32 to index
          %get3A_120 = arith.index_cast %add3A_119 : i32 to index
          %get3A_121 = tpu.vector_load %arg6[%get3A, %get3A_120] {strides = array<i32>} : memref<250x80xi32, #tpu.memory_space<vmem>>, vector<1x16xi32>,
          %get3A_122 = vector.shape_cast %get3A_121 : vector<1x16xi32> to vector<16xi32>
          %add3A_123 = arith.constant 0 : i32
          %add3A_124 = vector.broadcast %add3A_123 : i32 to vector<16xi32>
          %add3A_125 = arith.addi %get3A_122, %add3A_124 : vector<16xi32>
          %swap3A = arith.index_cast %add3A_119 : i32 to index
          %swap3A_126 = tpu.vector_load %arg8[%swap3A] {strides = array<i32>} : memref<80xi32, #tpu.memory_space<vmem>>, vector<16xi32>,
          %swap3A_127 = vector.shape_cast %swap3A_126 : vector<16xi32> to vector<16xi32>
          %swap3A_128 = vector.shape_cast %add3A_125 : vector<16xi32> to vector<16xi32>
          tpu.vector_store %arg8[%swap3A], %swap3A_128 {strides = array<i32>} : memref<80xi32, #tpu.memory_space<vmem>>, vector<16xi32>,
        }
        %scan3A_83 = arith.constant 5 : i32
        %dma_start3A = arith.constant 0 : i32
        %dma_start3A_84 = arith.constant 0 : i32
        %dma_start3A_85 = tpu.memref_slice %arg2[%dma_start3A, %dma_start3A_84] : memref<20000x128xf32, #tpu.memory_space<hbm>> -> memref<20000x128xf32, #tpu.memory_space<hbm>>
        tpu.enqueue_indirect_dma source(%dma_start3A_85 : memref<20000x128xf32, #tpu.memory_space<hbm>>) target(%arg10 : memref<80x128xf32, #tpu.memory_space<vmem>>) offsets(%arg8 : memref<80xi32, #tpu.memory_space<vmem>>) semaphore(%arg13 : memref<!tpu.dma_semaphore, #tpu.memory_space<semaphore_mem>>)
        %dma_wait3A = arith.constant 0 : i32
        %dma_wait3A_86 = arith.constant 0 : i32
        %dma_wait3A_87 = tpu.memref_slice %arg2[%dma_wait3A, %dma_wait3A_86] : memref<20000x128xf32, #tpu.memory_space<hbm>> -> memref<20000x128xf32, #tpu.memory_space<hbm>>
        tpu.wait_indirect_dma semaphore(%arg13 : memref<!tpu.dma_semaphore, #tpu.memory_space<semaphore_mem>>) src(%dma_wait3A_87 : memref<20000x128xf32, #tpu.memory_space<hbm>>) dst(%arg10 : memref<80x128xf32, #tpu.memory_space<vmem>>)
        %dma_start3A_88 = arith.constant 0 : i32
        %dma_start3A_89 = tpu.memref_slice %arg7[%mul3A_78, %dma_start3A_88] : memref<250x80xi32, #tpu.memory_space<vmem>> -> memref<1x80xi32, #tpu.memory_space<vmem>>
        %dma_start3A_90 = tpu.memref_squeeze %dma_start3A_89 : memref<1x80xi32, #tpu.memory_space<vmem>> -> memref<80xi32, #tpu.memory_space<vmem>>
        %dma_start3A_91 = arith.constant 0 : i32
        %dma_start3A_92 = arith.constant 0 : i32
        %dma_start3A_93 = tpu.memref_slice %arg12[%dma_start3A_91, %dma_start3A_92] : memref<5128x128xf32, #tpu.memory_space<vmem_shared>> -> memref<5128x128xf32, #tpu.memory_space<vmem_shared>>
        tpu.enqueue_indirect_dma source(%arg10 : memref<80x128xf32, #tpu.memory_space<vmem>>) target(%dma_start3A_93 : memref<5128x128xf32, #tpu.memory_space<vmem_shared>>) offsets(%dma_start3A_90 : memref<80xi32, #tpu.memory_space<vmem>>) semaphore(%arg14 : memref<!tpu.dma_semaphore, #tpu.memory_space<semaphore_mem>>) {add = true}
        %add3A_94 = arith.constant 1 : i32
        %add3A_95 = arith.addi %mul3A_78, %add3A_94 : i32
        %scan3A_96 = arith.constant 0 : i32
        %scan3A_97 = arith.constant 5 : i32
        %scan3A_98 = arith.addi %scan3A_96, %scan3A_97 : i32
        %scan3A_99 = arith.constant 1 : i32
        scf.for %scan3A_115 = %scan3A_96 to %scan3A_98 step %scan3A_99  : i32 {
          %mul3A_116 = arith.constant 16 : i32
          %mul3A_117 = arith.muli %scan3A_115, %mul3A_116 : i32
          %add3A_118 = arith.constant 0 : i32
          %add3A_119 = arith.addi %add3A_118, %mul3A_117 : i32
          %get3A = arith.index_cast %add3A_95 : i32 to index
          %get3A_120 = arith.index_cast %add3A_119 : i32 to index
          %get3A_121 = tpu.vector_load %arg6[%get3A, %get3A_120] {strides = array<i32>} : memref<250x80xi32, #tpu.memory_space<vmem>>, vector<1x16xi32>,
          %get3A_122 = vector.shape_cast %get3A_121 : vector<1x16xi32> to vector<16xi32>
          %add3A_123 = arith.constant 0 : i32
          %add3A_124 = vector.broadcast %add3A_123 : i32 to vector<16xi32>
          %add3A_125 = arith.addi %get3A_122, %add3A_124 : vector<16xi32>
          %swap3A = arith.index_cast %add3A_119 : i32 to index
          %swap3A_126 = tpu.vector_load %arg9[%swap3A] {strides = array<i32>} : memref<80xi32, #tpu.memory_space<vmem>>, vector<16xi32>,
          %swap3A_127 = vector.shape_cast %swap3A_126 : vector<16xi32> to vector<16xi32>
          %swap3A_128 = vector.shape_cast %add3A_125 : vector<16xi32> to vector<16xi32>
          tpu.vector_store %arg9[%swap3A], %swap3A_128 {strides = array<i32>} : memref<80xi32, #tpu.memory_space<vmem>>, vector<16xi32>,
        }
        %scan3A_100 = arith.constant 5 : i32
        %dma_start3A_101 = arith.constant 0 : i32
        %dma_start3A_102 = arith.constant 0 : i32
        %dma_start3A_103 = tpu.memref_slice %arg2[%dma_start3A_101, %dma_start3A_102] : memref<20000x128xf32, #tpu.memory_space<hbm>> -> memref<20000x128xf32, #tpu.memory_space<hbm>>
        tpu.enqueue_indirect_dma source(%dma_start3A_103 : memref<20000x128xf32, #tpu.memory_space<hbm>>) target(%arg11 : memref<80x128xf32, #tpu.memory_space<vmem>>) offsets(%arg9 : memref<80xi32, #tpu.memory_space<vmem>>) semaphore(%arg13 : memref<!tpu.dma_semaphore, #tpu.memory_space<semaphore_mem>>)
        %dma_wait3A_104 = arith.constant 0 : i32
        %dma_wait3A_105 = arith.constant 0 : i32
        %dma_wait3A_106 = tpu.memref_slice %arg2[%dma_wait3A_104, %dma_wait3A_105] : memref<20000x128xf32, #tpu.memory_space<hbm>> -> memref<20000x128xf32, #tpu.memory_space<hbm>>
        tpu.wait_indirect_dma semaphore(%arg13 : memref<!tpu.dma_semaphore, #tpu.memory_space<semaphore_mem>>) src(%dma_wait3A_106 : memref<20000x128xf32, #tpu.memory_space<hbm>>) dst(%arg11 : memref<80x128xf32, #tpu.memory_space<vmem>>)
        %dma_wait3A_107 = arith.constant 0 : i32
        %dma_wait3A_108 = tpu.memref_slice %arg7[%mul3A_78, %dma_wait3A_107] : memref<250x80xi32, #tpu.memory_space<vmem>> -> memref<1x80xi32, #tpu.memory_space<vmem>>
        %dma_wait3A_109 = tpu.memref_squeeze %dma_wait3A_108 : memref<1x80xi32, #tpu.memory_space<vmem>> -> memref<80xi32, #tpu.memory_space<vmem>>
        %dma_wait3A_110 = arith.constant 0 : i32
        %dma_wait3A_111 = arith.constant 0 : i32
        %dma_wait3A_112 = tpu.memref_slice %arg12[%dma_wait3A_110, %dma_wait3A_111] : memref<5128x128xf32, #tpu.memory_space<vmem_shared>> -> memref<5128x128xf32, #tpu.memory_space<vmem_shared>>
        tpu.wait_indirect_dma semaphore(%arg14 : memref<!tpu.dma_semaphore, #tpu.memory_space<semaphore_mem>>) src(%arg10 : memref<80x128xf32, #tpu.memory_space<vmem>>) dst(%dma_wait3A_112 : memref<5128x128xf32, #tpu.memory_space<vmem_shared>>)
        %add3A_113 = arith.constant 1 : i32
        %add3A_114 = arith.addi %mul3A_78, %add3A_113 : i32
        "tpu.region"() ({
          %run_scoped3A = tpu.sem_alloc : memref<!tpu.dma_semaphore, #tpu.memory_space<semaphore_mem>>
          %dma_start3A_115 = arith.constant 0 : i32
          %dma_start3A_116 = tpu.memref_slice %arg7[%add3A_114, %dma_start3A_115] : memref<250x80xi32, #tpu.memory_space<vmem>> -> memref<1x80xi32, #tpu.memory_space<vmem>>
          %dma_start3A_117 = tpu.memref_squeeze %dma_start3A_116 : memref<1x80xi32, #tpu.memory_space<vmem>> -> memref<80xi32, #tpu.memory_space<vmem>>
          %dma_start3A_118 = arith.constant 0 : i32
          %dma_start3A_119 = arith.constant 0 : i32
          %dma_start3A_120 = tpu.memref_slice %arg12[%dma_start3A_118, %dma_start3A_119] : memref<5128x128xf32, #tpu.memory_space<vmem_shared>> -> memref<5128x128xf32, #tpu.memory_space<vmem_shared>>
          tpu.enqueue_indirect_dma source(%arg11 : memref<80x128xf32, #tpu.memory_space<vmem>>) target(%dma_start3A_120 : memref<5128x128xf32, #tpu.memory_space<vmem_shared>>) offsets(%dma_start3A_117 : memref<80xi32, #tpu.memory_space<vmem>>) semaphore(%run_scoped3A : memref<!tpu.dma_semaphore, #tpu.memory_space<semaphore_mem>>) {add = true}
          %dma_wait3A_121 = arith.constant 0 : i32
          %dma_wait3A_122 = tpu.memref_slice %arg7[%add3A_114, %dma_wait3A_121] : memref<250x80xi32, #tpu.memory_space<vmem>> -> memref<1x80xi32, #tpu.memory_space<vmem>>
          %dma_wait3A_123 = tpu.memref_squeeze %dma_wait3A_122 : memref<1x80xi32, #tpu.memory_space<vmem>> -> memref<80xi32, #tpu.memory_space<vmem>>
          %dma_wait3A_124 = arith.constant 0 : i32
          %dma_wait3A_125 = arith.constant 0 : i32
          %dma_wait3A_126 = tpu.memref_slice %arg12[%dma_wait3A_124, %dma_wait3A_125] : memref<5128x128xf32, #tpu.memory_space<vmem_shared>> -> memref<5128x128xf32, #tpu.memory_space<vmem_shared>>
          tpu.wait_indirect_dma semaphore(%run_scoped3A : memref<!tpu.dma_semaphore, #tpu.memory_space<semaphore_mem>>) src(%arg11 : memref<80x128xf32, #tpu.memory_space<vmem>>) dst(%dma_wait3A_126 : memref<5128x128xf32, #tpu.memory_space<vmem_shared>>)
          tpu.yield
        }) : () -> ()
      }
      %scan3A_71 = arith.constant 125 : i32
    } else {
    }
    %eq3A_16 = arith.constant 1 : i32
    %eq3A_17 = arith.cmpi eq, %arg0, %eq3A_16 : i32
    %convert_element_type3A_18 = arith.extui %eq3A_17 : i1 to i32
    %cond3A_19 = arith.constant 0 : i32
    %cond3A_20 = arith.cmpi ne, %convert_element_type3A_18, %cond3A_19 : i32
    scf.if %cond3A_20 {
      %scan3A_67 = arith.constant 0 : i32
      %scan3A_68 = arith.constant 125 : i32
      %scan3A_69 = arith.addi %scan3A_67, %scan3A_68 : i32
      %scan3A_70 = arith.constant 1 : i32
      scf.for %scan3A_72 = %scan3A_67 to %scan3A_69 step %scan3A_70  : i32 {
        %mul3A_73 = arith.constant 1 : i32
        %mul3A_74 = arith.muli %scan3A_72, %mul3A_73 : i32
        %add3A_75 = arith.constant 0 : i32
        %add3A_76 = arith.addi %add3A_75, %mul3A_74 : i32
        %mul3A_77 = arith.constant 2 : i32
        %mul3A_78 = arith.muli %add3A_76, %mul3A_77 : i32
        %scan3A_79 = arith.constant 0 : i32
        %scan3A_80 = arith.constant 5 : i32
        %scan3A_81 = arith.addi %scan3A_79, %scan3A_80 : i32
        %scan3A_82 = arith.constant 1 : i32
        scf.for %scan3A_115 = %scan3A_79 to %scan3A_81 step %scan3A_82  : i32 {
          %mul3A_116 = arith.constant 16 : i32
          %mul3A_117 = arith.muli %scan3A_115, %mul3A_116 : i32
          %add3A_118 = arith.constant 0 : i32
          %add3A_119 = arith.addi %add3A_118, %mul3A_117 : i32
          %get3A = arith.index_cast %mul3A_78 : i32 to index
          %get3A_120 = arith.index_cast %add3A_119 : i32 to index
          %get3A_121 = tpu.vector_load %arg6[%get3A, %get3A_120] {strides = array<i32>} : memref<250x80xi32, #tpu.memory_space<vmem>>, vector<1x16xi32>,
          %get3A_122 = vector.shape_cast %get3A_121 : vector<1x16xi32> to vector<16xi32>
          %add3A_123 = arith.constant 10000 : i32
          %add3A_124 = vector.broadcast %add3A_123 : i32 to vector<16xi32>
          %add3A_125 = arith.addi %get3A_122, %add3A_124 : vector<16xi32>
          %swap3A = arith.index_cast %add3A_119 : i32 to index
          %swap3A_126 = tpu.vector_load %arg8[%swap3A] {strides = array<i32>} : memref<80xi32, #tpu.memory_space<vmem>>, vector<16xi32>,
          %swap3A_127 = vector.shape_cast %swap3A_126 : vector<16xi32> to vector<16xi32>
          %swap3A_128 = vector.shape_cast %add3A_125 : vector<16xi32> to vector<16xi32>
          tpu.vector_store %arg8[%swap3A], %swap3A_128 {strides = array<i32>} : memref<80xi32, #tpu.memory_space<vmem>>, vector<16xi32>,
        }
        %scan3A_83 = arith.constant 5 : i32
        %dma_start3A = arith.constant 0 : i32
        %dma_start3A_84 = arith.constant 0 : i32
        %dma_start3A_85 = tpu.memref_slice %arg2[%dma_start3A, %dma_start3A_84] : memref<20000x128xf32, #tpu.memory_space<hbm>> -> memref<20000x128xf32, #tpu.memory_space<hbm>>
        tpu.enqueue_indirect_dma source(%dma_start3A_85 : memref<20000x128xf32, #tpu.memory_space<hbm>>) target(%arg10 : memref<80x128xf32, #tpu.memory_space<vmem>>) offsets(%arg8 : memref<80xi32, #tpu.memory_space<vmem>>) semaphore(%arg13 : memref<!tpu.dma_semaphore, #tpu.memory_space<semaphore_mem>>)
        %dma_wait3A = arith.constant 0 : i32
        %dma_wait3A_86 = arith.constant 0 : i32
        %dma_wait3A_87 = tpu.memref_slice %arg2[%dma_wait3A, %dma_wait3A_86] : memref<20000x128xf32, #tpu.memory_space<hbm>> -> memref<20000x128xf32, #tpu.memory_space<hbm>>
        tpu.wait_indirect_dma semaphore(%arg13 : memref<!tpu.dma_semaphore, #tpu.memory_space<semaphore_mem>>) src(%dma_wait3A_87 : memref<20000x128xf32, #tpu.memory_space<hbm>>) dst(%arg10 : memref<80x128xf32, #tpu.memory_space<vmem>>)
        %dma_start3A_88 = arith.constant 0 : i32
        %dma_start3A_89 = tpu.memref_slice %arg7[%mul3A_78, %dma_start3A_88] : memref<250x80xi32, #tpu.memory_space<vmem>> -> memref<1x80xi32, #tpu.memory_space<vmem>>
        %dma_start3A_90 = tpu.memref_squeeze %dma_start3A_89 : memref<1x80xi32, #tpu.memory_space<vmem>> -> memref<80xi32, #tpu.memory_space<vmem>>
        %dma_start3A_91 = arith.constant 0 : i32
        %dma_start3A_92 = arith.constant 0 : i32
        %dma_start3A_93 = tpu.memref_slice %arg12[%dma_start3A_91, %dma_start3A_92] : memref<5128x128xf32, #tpu.memory_space<vmem_shared>> -> memref<5128x128xf32, #tpu.memory_space<vmem_shared>>
        tpu.enqueue_indirect_dma source(%arg10 : memref<80x128xf32, #tpu.memory_space<vmem>>) target(%dma_start3A_93 : memref<5128x128xf32, #tpu.memory_space<vmem_shared>>) offsets(%dma_start3A_90 : memref<80xi32, #tpu.memory_space<vmem>>) semaphore(%arg14 : memref<!tpu.dma_semaphore, #tpu.memory_space<semaphore_mem>>) {add = true}
        %add3A_94 = arith.constant 1 : i32
        %add3A_95 = arith.addi %mul3A_78, %add3A_94 : i32
        %scan3A_96 = arith.constant 0 : i32
        %scan3A_97 = arith.constant 5 : i32
        %scan3A_98 = arith.addi %scan3A_96, %scan3A_97 : i32
        %scan3A_99 = arith.constant 1 : i32
        scf.for %scan3A_115 = %scan3A_96 to %scan3A_98 step %scan3A_99  : i32 {
          %mul3A_116 = arith.constant 16 : i32
          %mul3A_117 = arith.muli %scan3A_115, %mul3A_116 : i32
          %add3A_118 = arith.constant 0 : i32
          %add3A_119 = arith.addi %add3A_118, %mul3A_117 : i32
          %get3A = arith.index_cast %add3A_95 : i32 to index
          %get3A_120 = arith.index_cast %add3A_119 : i32 to index
          %get3A_121 = tpu.vector_load %arg6[%get3A, %get3A_120] {strides = array<i32>} : memref<250x80xi32, #tpu.memory_space<vmem>>, vector<1x16xi32>,
          %get3A_122 = vector.shape_cast %get3A_121 : vector<1x16xi32> to vector<16xi32>
          %add3A_123 = arith.constant 10000 : i32
          %add3A_124 = vector.broadcast %add3A_123 : i32 to vector<16xi32>
          %add3A_125 = arith.addi %get3A_122, %add3A_124 : vector<16xi32>
          %swap3A = arith.index_cast %add3A_119 : i32 to index
          %swap3A_126 = tpu.vector_load %arg9[%swap3A] {strides = array<i32>} : memref<80xi32, #tpu.memory_space<vmem>>, vector<16xi32>,
          %swap3A_127 = vector.shape_cast %swap3A_126 : vector<16xi32> to vector<16xi32>
          %swap3A_128 = vector.shape_cast %add3A_125 : vector<16xi32> to vector<16xi32>
          tpu.vector_store %arg9[%swap3A], %swap3A_128 {strides = array<i32>} : memref<80xi32, #tpu.memory_space<vmem>>, vector<16xi32>,
        }
        %scan3A_100 = arith.constant 5 : i32
        %dma_start3A_101 = arith.constant 0 : i32
        %dma_start3A_102 = arith.constant 0 : i32
        %dma_start3A_103 = tpu.memref_slice %arg2[%dma_start3A_101, %dma_start3A_102] : memref<20000x128xf32, #tpu.memory_space<hbm>> -> memref<20000x128xf32, #tpu.memory_space<hbm>>
        tpu.enqueue_indirect_dma source(%dma_start3A_103 : memref<20000x128xf32, #tpu.memory_space<hbm>>) target(%arg11 : memref<80x128xf32, #tpu.memory_space<vmem>>) offsets(%arg9 : memref<80xi32, #tpu.memory_space<vmem>>) semaphore(%arg13 : memref<!tpu.dma_semaphore, #tpu.memory_space<semaphore_mem>>)
        %dma_wait3A_104 = arith.constant 0 : i32
        %dma_wait3A_105 = arith.constant 0 : i32
        %dma_wait3A_106 = tpu.memref_slice %arg2[%dma_wait3A_104, %dma_wait3A_105] : memref<20000x128xf32, #tpu.memory_space<hbm>> -> memref<20000x128xf32, #tpu.memory_space<hbm>>
        tpu.wait_indirect_dma semaphore(%arg13 : memref<!tpu.dma_semaphore, #tpu.memory_space<semaphore_mem>>) src(%dma_wait3A_106 : memref<20000x128xf32, #tpu.memory_space<hbm>>) dst(%arg11 : memref<80x128xf32, #tpu.memory_space<vmem>>)
        %dma_wait3A_107 = arith.constant 0 : i32
        %dma_wait3A_108 = tpu.memref_slice %arg7[%mul3A_78, %dma_wait3A_107] : memref<250x80xi32, #tpu.memory_space<vmem>> -> memref<1x80xi32, #tpu.memory_space<vmem>>
        %dma_wait3A_109 = tpu.memref_squeeze %dma_wait3A_108 : memref<1x80xi32, #tpu.memory_space<vmem>> -> memref<80xi32, #tpu.memory_space<vmem>>
        %dma_wait3A_110 = arith.constant 0 : i32
        %dma_wait3A_111 = arith.constant 0 : i32
        %dma_wait3A_112 = tpu.memref_slice %arg12[%dma_wait3A_110, %dma_wait3A_111] : memref<5128x128xf32, #tpu.memory_space<vmem_shared>> -> memref<5128x128xf32, #tpu.memory_space<vmem_shared>>
        tpu.wait_indirect_dma semaphore(%arg14 : memref<!tpu.dma_semaphore, #tpu.memory_space<semaphore_mem>>) src(%arg10 : memref<80x128xf32, #tpu.memory_space<vmem>>) dst(%dma_wait3A_112 : memref<5128x128xf32, #tpu.memory_space<vmem_shared>>)
        %add3A_113 = arith.constant 1 : i32
        %add3A_114 = arith.addi %mul3A_78, %add3A_113 : i32
        "tpu.region"() ({
          %run_scoped3A = tpu.sem_alloc : memref<!tpu.dma_semaphore, #tpu.memory_space<semaphore_mem>>
          %dma_start3A_115 = arith.constant 0 : i32
          %dma_start3A_116 = tpu.memref_slice %arg7[%add3A_114, %dma_start3A_115] : memref<250x80xi32, #tpu.memory_space<vmem>> -> memref<1x80xi32, #tpu.memory_space<vmem>>
          %dma_start3A_117 = tpu.memref_squeeze %dma_start3A_116 : memref<1x80xi32, #tpu.memory_space<vmem>> -> memref<80xi32, #tpu.memory_space<vmem>>
          %dma_start3A_118 = arith.constant 0 : i32
          %dma_start3A_119 = arith.constant 0 : i32
          %dma_start3A_120 = tpu.memref_slice %arg12[%dma_start3A_118, %dma_start3A_119] : memref<5128x128xf32, #tpu.memory_space<vmem_shared>> -> memref<5128x128xf32, #tpu.memory_space<vmem_shared>>
          tpu.enqueue_indirect_dma source(%arg11 : memref<80x128xf32, #tpu.memory_space<vmem>>) target(%dma_start3A_120 : memref<5128x128xf32, #tpu.memory_space<vmem_shared>>) offsets(%dma_start3A_117 : memref<80xi32, #tpu.memory_space<vmem>>) semaphore(%run_scoped3A : memref<!tpu.dma_semaphore, #tpu.memory_space<semaphore_mem>>) {add = true}
          %dma_wait3A_121 = arith.constant 0 : i32
          %dma_wait3A_122 = tpu.memref_slice %arg7[%add3A_114, %dma_wait3A_121] : memref<250x80xi32, #tpu.memory_space<vmem>> -> memref<1x80xi32, #tpu.memory_space<vmem>>
          %dma_wait3A_123 = tpu.memref_squeeze %dma_wait3A_122 : memref<1x80xi32, #tpu.memory_space<vmem>> -> memref<80xi32, #tpu.memory_space<vmem>>
          %dma_wait3A_124 = arith.constant 0 : i32
          %dma_wait3A_125 = arith.constant 0 : i32
          %dma_wait3A_126 = tpu.memref_slice %arg12[%dma_wait3A_124, %dma_wait3A_125] : memref<5128x128xf32, #tpu.memory_space<vmem_shared>> -> memref<5128x128xf32, #tpu.memory_space<vmem_shared>>
          tpu.wait_indirect_dma semaphore(%run_scoped3A : memref<!tpu.dma_semaphore, #tpu.memory_space<semaphore_mem>>) src(%arg11 : memref<80x128xf32, #tpu.memory_space<vmem>>) dst(%dma_wait3A_126 : memref<5128x128xf32, #tpu.memory_space<vmem_shared>>)
          tpu.yield
        }) : () -> ()
      }
      %scan3A_71 = arith.constant 125 : i32
    } else {
    }
    %barrier3A_21 = arith.constant 0 : index
    tpu.barrier barrier_id(%barrier3A_21)
    %mul3A = arith.constant 320 : i32
    %mul3A_22 = arith.muli %arg1, %mul3A : i32
    %mul3A_23 = arith.constant 10240 : i32
    %mul3A_24 = arith.muli %arg0, %mul3A_23 : i32
    %add3A = arith.constant 0 : i32
    %add3A_25 = arith.addi %mul3A_24, %add3A : i32
    %mul3A_26 = arith.constant 320 : i32
    %mul3A_27 = arith.muli %arg1, %mul3A_26 : i32
    %add3A_28 = arith.addi %add3A_25, %mul3A_27 : i32
    "tpu.region"() ({
      %run_scoped3A = tpu.sem_alloc : memref<!tpu.dma_semaphore, #tpu.memory_space<semaphore_mem>>
      %dma_start3A = arith.constant 0 : i32
      %dma_start3A_67 = tpu.memref_slice %arg5[%add3A_28, %dma_start3A] : memref<20480x128xf32, #tpu.memory_space<hbm>> -> memref<320x128xf32, #tpu.memory_space<hbm>>
      %dma_start3A_68 = arith.constant 0 : i32
      %dma_start3A_69 = tpu.memref_slice %arg12[%mul3A_22, %dma_start3A_68] : memref<5128x128xf32, #tpu.memory_space<vmem_shared>> -> memref<320x128xf32, #tpu.memory_space<vmem_shared>>
      tpu.enqueue_dma source(%dma_start3A_69 : memref<320x128xf32, #tpu.memory_space<vmem_shared>>) target(%dma_start3A_67 : memref<320x128xf32, #tpu.memory_space<hbm>>) target_semaphore(%run_scoped3A : memref<!tpu.dma_semaphore, #tpu.memory_space<semaphore_mem>>)
      %dma_wait3A = arith.constant 0 : i32
      %dma_wait3A_70 = tpu.memref_slice %arg5[%add3A_28, %dma_wait3A] : memref<20480x128xf32, #tpu.memory_space<hbm>> -> memref<320x128xf32, #tpu.memory_space<hbm>>
      %dma_wait3A_71 = arith.constant 0 : i32
      %dma_wait3A_72 = tpu.memref_slice %arg12[%mul3A_22, %dma_wait3A_71] : memref<5128x128xf32, #tpu.memory_space<vmem_shared>> -> memref<320x128xf32, #tpu.memory_space<vmem_shared>>
      tpu.wait_dma2 semaphore(%run_scoped3A : memref<!tpu.dma_semaphore, #tpu.memory_space<semaphore_mem>>) src(%dma_wait3A_72 : memref<320x128xf32, #tpu.memory_space<vmem_shared>>) dst(%dma_wait3A_70 : memref<320x128xf32, #tpu.memory_space<hbm>>)
      tpu.yield
    }) : () -> ()
    %barrier3A_29 = arith.constant 0 : index
    tpu.barrier barrier_id(%barrier3A_29)
    %scan3A_30 = arith.constant 0 : i32
    %scan3A_31 = arith.constant 80 : i32
    %scan3A_32 = arith.addi %scan3A_30, %scan3A_31 : i32
    %scan3A_33 = arith.constant 1 : i32
    scf.for %scan3A_67 = %scan3A_30 to %scan3A_32 step %scan3A_33  : i32 {
      %mul3A_68 = arith.constant 1 : i32
      %mul3A_69 = arith.muli %scan3A_67, %mul3A_68 : i32
      %add3A_70 = arith.constant 0 : i32
      %add3A_71 = arith.addi %add3A_70, %mul3A_69 : i32
      %scan3A_72 = arith.constant 0 : i32
      %scan3A_73 = arith.constant 8 : i32
      %scan3A_74 = arith.addi %scan3A_72, %scan3A_73 : i32
      %scan3A_75 = arith.constant 1 : i32
      scf.for %scan3A_77 = %scan3A_72 to %scan3A_74 step %scan3A_75  : i32 {
        %mul3A_78 = arith.constant 16 : i32
        %mul3A_79 = arith.muli %scan3A_77, %mul3A_78 : i32
        %add3A_80 = arith.constant 0 : i32
        %add3A_81 = arith.addi %add3A_80, %mul3A_79 : i32
        %broadcast_in_dim3A = arith.constant 0.000000e+00 : f32
        %broadcast_in_dim3A_82 = vector.broadcast %broadcast_in_dim3A : f32 to vector<16xf32>
        %swap3A = arith.index_cast %add3A_71 : i32 to index
        %swap3A_83 = arith.index_cast %add3A_81 : i32 to index
        %swap3A_84 = tpu.vector_load %arg10[%swap3A, %swap3A_83] {strides = array<i32>} : memref<80x128xf32, #tpu.memory_space<vmem>>, vector<1x16xf32>,
        %swap3A_85 = vector.shape_cast %swap3A_84 : vector<1x16xf32> to vector<16xf32>
        %swap3A_86 = vector.shape_cast %broadcast_in_dim3A_82 : vector<16xf32> to vector<1x16xf32>
        tpu.vector_store %arg10[%swap3A, %swap3A_83], %swap3A_86 {strides = array<i32>} : memref<80x128xf32, #tpu.memory_space<vmem>>, vector<1x16xf32>,
      }
      %scan3A_76 = arith.constant 8 : i32
    }
    %scan3A_34 = arith.constant 80 : i32
    "tpu.region"() ({
      %run_scoped3A = tpu.sem_alloc : memref<!tpu.dma_semaphore, #tpu.memory_space<semaphore_mem>>
      %dma_start3A = arith.constant 0 : i32
      %dma_start3A_67 = arith.constant 0 : i32
      %dma_start3A_68 = tpu.memref_slice %arg4[%arg1, %dma_start3A, %dma_start3A_67] : memref<16x250x80xi32, #tpu.memory_space<hbm>> -> memref<1x250x80xi32, #tpu.memory_space<hbm>>
      %dma_start3A_69 = tpu.memref_squeeze %dma_start3A_68 : memref<1x250x80xi32, #tpu.memory_space<hbm>> -> memref<250x80xi32, #tpu.memory_space<hbm>>
      %dma_start3A_70 = arith.constant 0 : i32
      %dma_start3A_71 = arith.constant 0 : i32
      %dma_start3A_72 = tpu.memref_slice %arg4[%arg1, %dma_start3A_70, %dma_start3A_71] : memref<16x250x80xi32, #tpu.memory_space<hbm>> -> memref<1x250x80xi32, #tpu.memory_space<hbm>>
      %dma_start3A_73 = tpu.memref_squeeze %dma_start3A_72 : memref<1x250x80xi32, #tpu.memory_space<hbm>> -> memref<250x80xi32, #tpu.memory_space<hbm>>
      tpu.enqueue_dma source(%dma_start3A_73 : memref<250x80xi32, #tpu.memory_space<hbm>>) target(%arg7 : memref<250x80xi32, #tpu.memory_space<vmem>>) target_semaphore(%run_scoped3A : memref<!tpu.dma_semaphore, #tpu.memory_space<semaphore_mem>>)
      %dma_wait3A = arith.constant 0 : i32
      %dma_wait3A_74 = arith.constant 0 : i32
      %dma_wait3A_75 = tpu.memref_slice %arg4[%arg1, %dma_wait3A, %dma_wait3A_74] : memref<16x250x80xi32, #tpu.memory_space<hbm>> -> memref<1x250x80xi32, #tpu.memory_space<hbm>>
      %dma_wait3A_76 = tpu.memref_squeeze %dma_wait3A_75 : memref<1x250x80xi32, #tpu.memory_space<hbm>> -> memref<250x80xi32, #tpu.memory_space<hbm>>
      %dma_wait3A_77 = arith.constant 0 : i32
      %dma_wait3A_78 = arith.constant 0 : i32
      %dma_wait3A_79 = tpu.memref_slice %arg4[%arg1, %dma_wait3A_77, %dma_wait3A_78] : memref<16x250x80xi32, #tpu.memory_space<hbm>> -> memref<1x250x80xi32, #tpu.memory_space<hbm>>
      %dma_wait3A_80 = tpu.memref_squeeze %dma_wait3A_79 : memref<1x250x80xi32, #tpu.memory_space<hbm>> -> memref<250x80xi32, #tpu.memory_space<hbm>>
      tpu.wait_dma2 semaphore(%run_scoped3A : memref<!tpu.dma_semaphore, #tpu.memory_space<semaphore_mem>>) src(%dma_wait3A_80 : memref<250x80xi32, #tpu.memory_space<hbm>>) dst(%arg7 : memref<250x80xi32, #tpu.memory_space<vmem>>)
      tpu.yield
    }) : () -> ()
    %scan3A_35 = arith.constant 0 : i32
    %scan3A_36 = arith.constant 250 : i32
    %scan3A_37 = arith.addi %scan3A_35, %scan3A_36 : i32
    %scan3A_38 = arith.constant 1 : i32
    scf.for %scan3A_67 = %scan3A_35 to %scan3A_37 step %scan3A_38  : i32 {
      %mul3A_68 = arith.constant 1 : i32
      %mul3A_69 = arith.muli %scan3A_67, %mul3A_68 : i32
      %add3A_70 = arith.constant 0 : i32
      %add3A_71 = arith.addi %add3A_70, %mul3A_69 : i32
      %scan3A_72 = arith.constant 0 : i32
      %scan3A_73 = arith.constant 5 : i32
      %scan3A_74 = arith.addi %scan3A_72, %scan3A_73 : i32
      %scan3A_75 = arith.constant 1 : i32
      scf.for %scan3A_77 = %scan3A_72 to %scan3A_74 step %scan3A_75  : i32 {
        %mul3A_78 = arith.constant 16 : i32
        %mul3A_79 = arith.muli %scan3A_77, %mul3A_78 : i32
        %add3A_80 = arith.constant 0 : i32
        %add3A_81 = arith.addi %add3A_80, %mul3A_79 : i32
        %get3A = arith.index_cast %add3A_71 : i32 to index
        %get3A_82 = arith.index_cast %add3A_81 : i32 to index
        %get3A_83 = tpu.vector_load %arg7[%get3A, %get3A_82] {strides = array<i32>} : memref<250x80xi32, #tpu.memory_space<vmem>>, vector<1x16xi32>,
        %get3A_84 = vector.shape_cast %get3A_83 : vector<1x16xi32> to vector<16xi32>
        %sub3A = arith.constant 5120 : i32
        %sub3A_85 = vector.broadcast %sub3A : i32 to vector<16xi32>
        %sub3A_86 = arith.subi %get3A_84, %sub3A_85 : vector<16xi32>
        %ge3A = arith.constant 0 : i32
        %ge3A_87 = vector.broadcast %ge3A : i32 to vector<16xi32>
        %ge3A_88 = arith.cmpi sge, %sub3A_86, %ge3A_87 : vector<16xi32>
        %lt3A = arith.constant 5120 : i32
        %lt3A_89 = vector.broadcast %lt3A : i32 to vector<16xi32>
        %lt3A_90 = arith.cmpi slt, %sub3A_86, %lt3A_89 : vector<16xi32>
        %and3A = arith.andi %ge3A_88, %lt3A_90 : vector<16xi1>
        %jit3A = arith.constant 5120 : i32
        %broadcast_in_dim3A = vector.broadcast %jit3A : i32 to vector<16xi32>
        %select_n3A = arith.select %and3A, %sub3A_86, %broadcast_in_dim3A : vector<16xi1>, vector<16xi32>
        %swap3A = arith.index_cast %add3A_71 : i32 to index
        %swap3A_91 = arith.index_cast %add3A_81 : i32 to index
        %swap3A_92 = tpu.vector_load %arg7[%swap3A, %swap3A_91] {strides = array<i32>} : memref<250x80xi32, #tpu.memory_space<vmem>>, vector<1x16xi32>,
        %swap3A_93 = vector.shape_cast %swap3A_92 : vector<1x16xi32> to vector<16xi32>
        %swap3A_94 = vector.shape_cast %select_n3A : vector<16xi32> to vector<1x16xi32>
        tpu.vector_store %arg7[%swap3A, %swap3A_91], %swap3A_94 {strides = array<i32>} : memref<250x80xi32, #tpu.memory_space<vmem>>, vector<1x16xi32>,
      }
      %scan3A_76 = arith.constant 5 : i32
    }
    %scan3A_39 = arith.constant 250 : i32
    %scan3A_40 = arith.constant 0 : i32
    %scan3A_41 = arith.constant 4 : i32
    %scan3A_42 = arith.addi %scan3A_40, %scan3A_41 : i32
    %scan3A_43 = arith.constant 1 : i32
    scf.for %scan3A_67 = %scan3A_40 to %scan3A_42 step %scan3A_43  : i32 {
      %mul3A_68 = arith.constant 1 : i32
      %mul3A_69 = arith.muli %scan3A_67, %mul3A_68 : i32
      %add3A_70 = arith.constant 0 : i32
      %add3A_71 = arith.addi %add3A_70, %mul3A_69 : i32
      %mul3A_72 = arith.constant 320 : i32
      %mul3A_73 = arith.muli %arg1, %mul3A_72 : i32
      %mul3A_74 = arith.constant 80 : i32
      %mul3A_75 = arith.muli %add3A_71, %mul3A_74 : i32
      %add3A_76 = arith.addi %mul3A_73, %mul3A_75 : i32
      "tpu.region"() ({
        %run_scoped3A = tpu.sem_alloc : memref<!tpu.dma_semaphore, #tpu.memory_space<semaphore_mem>>
        %dma_start3A = arith.constant 0 : i32
        %dma_start3A_77 = tpu.memref_slice %arg12[%add3A_76, %dma_start3A] : memref<5128x128xf32, #tpu.memory_space<vmem_shared>> -> memref<80x128xf32, #tpu.memory_space<vmem_shared>>
        %dma_start3A_78 = arith.constant 0 : i32
        %dma_start3A_79 = tpu.memref_slice %arg12[%add3A_76, %dma_start3A_78] : memref<5128x128xf32, #tpu.memory_space<vmem_shared>> -> memref<80x128xf32, #tpu.memory_space<vmem_shared>>
        tpu.enqueue_dma source(%arg10 : memref<80x128xf32, #tpu.memory_space<vmem>>) target(%dma_start3A_79 : memref<80x128xf32, #tpu.memory_space<vmem_shared>>) target_semaphore(%run_scoped3A : memref<!tpu.dma_semaphore, #tpu.memory_space<semaphore_mem>>)
        %dma_wait3A = arith.constant 0 : i32
        %dma_wait3A_80 = tpu.memref_slice %arg12[%add3A_76, %dma_wait3A] : memref<5128x128xf32, #tpu.memory_space<vmem_shared>> -> memref<80x128xf32, #tpu.memory_space<vmem_shared>>
        %dma_wait3A_81 = arith.constant 0 : i32
        %dma_wait3A_82 = tpu.memref_slice %arg12[%add3A_76, %dma_wait3A_81] : memref<5128x128xf32, #tpu.memory_space<vmem_shared>> -> memref<80x128xf32, #tpu.memory_space<vmem_shared>>
        tpu.wait_dma2 semaphore(%run_scoped3A : memref<!tpu.dma_semaphore, #tpu.memory_space<semaphore_mem>>) src(%arg10 : memref<80x128xf32, #tpu.memory_space<vmem>>) dst(%dma_wait3A_82 : memref<80x128xf32, #tpu.memory_space<vmem_shared>>)
        tpu.yield
      }) : () -> ()
    }
    %scan3A_44 = arith.constant 4 : i32
    %barrier3A_45 = arith.constant 0 : index
    tpu.barrier barrier_id(%barrier3A_45)
    %eq3A_46 = arith.constant 0 : i32
    %eq3A_47 = arith.cmpi eq, %arg0, %eq3A_46 : i32
    %convert_element_type3A_48 = arith.extui %eq3A_47 : i1 to i32
    %cond3A_49 = arith.constant 0 : i32
    %cond3A_50 = arith.cmpi ne, %convert_element_type3A_48, %cond3A_49 : i32
    scf.if %cond3A_50 {
      %scan3A_67 = arith.constant 0 : i32
      %scan3A_68 = arith.constant 125 : i32
      %scan3A_69 = arith.addi %scan3A_67, %scan3A_68 : i32
      %scan3A_70 = arith.constant 1 : i32
      scf.for %scan3A_72 = %scan3A_67 to %scan3A_69 step %scan3A_70  : i32 {
        %mul3A_73 = arith.constant 1 : i32
        %mul3A_74 = arith.muli %scan3A_72, %mul3A_73 : i32
        %add3A_75 = arith.constant 0 : i32
        %add3A_76 = arith.addi %add3A_75, %mul3A_74 : i32
        %mul3A_77 = arith.constant 2 : i32
        %mul3A_78 = arith.muli %add3A_76, %mul3A_77 : i32
        %scan3A_79 = arith.constant 0 : i32
        %scan3A_80 = arith.constant 5 : i32
        %scan3A_81 = arith.addi %scan3A_79, %scan3A_80 : i32
        %scan3A_82 = arith.constant 1 : i32
        scf.for %scan3A_115 = %scan3A_79 to %scan3A_81 step %scan3A_82  : i32 {
          %mul3A_116 = arith.constant 16 : i32
          %mul3A_117 = arith.muli %scan3A_115, %mul3A_116 : i32
          %add3A_118 = arith.constant 0 : i32
          %add3A_119 = arith.addi %add3A_118, %mul3A_117 : i32
          %get3A = arith.index_cast %mul3A_78 : i32 to index
          %get3A_120 = arith.index_cast %add3A_119 : i32 to index
          %get3A_121 = tpu.vector_load %arg6[%get3A, %get3A_120] {strides = array<i32>} : memref<250x80xi32, #tpu.memory_space<vmem>>, vector<1x16xi32>,
          %get3A_122 = vector.shape_cast %get3A_121 : vector<1x16xi32> to vector<16xi32>
          %add3A_123 = arith.constant 0 : i32
          %add3A_124 = vector.broadcast %add3A_123 : i32 to vector<16xi32>
          %add3A_125 = arith.addi %get3A_122, %add3A_124 : vector<16xi32>
          %swap3A = arith.index_cast %add3A_119 : i32 to index
          %swap3A_126 = tpu.vector_load %arg8[%swap3A] {strides = array<i32>} : memref<80xi32, #tpu.memory_space<vmem>>, vector<16xi32>,
          %swap3A_127 = vector.shape_cast %swap3A_126 : vector<16xi32> to vector<16xi32>
          %swap3A_128 = vector.shape_cast %add3A_125 : vector<16xi32> to vector<16xi32>
          tpu.vector_store %arg8[%swap3A], %swap3A_128 {strides = array<i32>} : memref<80xi32, #tpu.memory_space<vmem>>, vector<16xi32>,
        }
        %scan3A_83 = arith.constant 5 : i32
        %dma_start3A = arith.constant 0 : i32
        %dma_start3A_84 = arith.constant 0 : i32
        %dma_start3A_85 = tpu.memref_slice %arg2[%dma_start3A, %dma_start3A_84] : memref<20000x128xf32, #tpu.memory_space<hbm>> -> memref<20000x128xf32, #tpu.memory_space<hbm>>
        tpu.enqueue_indirect_dma source(%dma_start3A_85 : memref<20000x128xf32, #tpu.memory_space<hbm>>) target(%arg10 : memref<80x128xf32, #tpu.memory_space<vmem>>) offsets(%arg8 : memref<80xi32, #tpu.memory_space<vmem>>) semaphore(%arg13 : memref<!tpu.dma_semaphore, #tpu.memory_space<semaphore_mem>>)
        %dma_wait3A = arith.constant 0 : i32
        %dma_wait3A_86 = arith.constant 0 : i32
        %dma_wait3A_87 = tpu.memref_slice %arg2[%dma_wait3A, %dma_wait3A_86] : memref<20000x128xf32, #tpu.memory_space<hbm>> -> memref<20000x128xf32, #tpu.memory_space<hbm>>
        tpu.wait_indirect_dma semaphore(%arg13 : memref<!tpu.dma_semaphore, #tpu.memory_space<semaphore_mem>>) src(%dma_wait3A_87 : memref<20000x128xf32, #tpu.memory_space<hbm>>) dst(%arg10 : memref<80x128xf32, #tpu.memory_space<vmem>>)
        %dma_start3A_88 = arith.constant 0 : i32
        %dma_start3A_89 = tpu.memref_slice %arg7[%mul3A_78, %dma_start3A_88] : memref<250x80xi32, #tpu.memory_space<vmem>> -> memref<1x80xi32, #tpu.memory_space<vmem>>
        %dma_start3A_90 = tpu.memref_squeeze %dma_start3A_89 : memref<1x80xi32, #tpu.memory_space<vmem>> -> memref<80xi32, #tpu.memory_space<vmem>>
        %dma_start3A_91 = arith.constant 0 : i32
        %dma_start3A_92 = arith.constant 0 : i32
        %dma_start3A_93 = tpu.memref_slice %arg12[%dma_start3A_91, %dma_start3A_92] : memref<5128x128xf32, #tpu.memory_space<vmem_shared>> -> memref<5128x128xf32, #tpu.memory_space<vmem_shared>>
        tpu.enqueue_indirect_dma source(%arg10 : memref<80x128xf32, #tpu.memory_space<vmem>>) target(%dma_start3A_93 : memref<5128x128xf32, #tpu.memory_space<vmem_shared>>) offsets(%dma_start3A_90 : memref<80xi32, #tpu.memory_space<vmem>>) semaphore(%arg14 : memref<!tpu.dma_semaphore, #tpu.memory_space<semaphore_mem>>) {add = true}
        %add3A_94 = arith.constant 1 : i32
        %add3A_95 = arith.addi %mul3A_78, %add3A_94 : i32
        %scan3A_96 = arith.constant 0 : i32
        %scan3A_97 = arith.constant 5 : i32
        %scan3A_98 = arith.addi %scan3A_96, %scan3A_97 : i32
        %scan3A_99 = arith.constant 1 : i32
        scf.for %scan3A_115 = %scan3A_96 to %scan3A_98 step %scan3A_99  : i32 {
          %mul3A_116 = arith.constant 16 : i32
          %mul3A_117 = arith.muli %scan3A_115, %mul3A_116 : i32
          %add3A_118 = arith.constant 0 : i32
          %add3A_119 = arith.addi %add3A_118, %mul3A_117 : i32
          %get3A = arith.index_cast %add3A_95 : i32 to index
          %get3A_120 = arith.index_cast %add3A_119 : i32 to index
          %get3A_121 = tpu.vector_load %arg6[%get3A, %get3A_120] {strides = array<i32>} : memref<250x80xi32, #tpu.memory_space<vmem>>, vector<1x16xi32>,
          %get3A_122 = vector.shape_cast %get3A_121 : vector<1x16xi32> to vector<16xi32>
          %add3A_123 = arith.constant 0 : i32
          %add3A_124 = vector.broadcast %add3A_123 : i32 to vector<16xi32>
          %add3A_125 = arith.addi %get3A_122, %add3A_124 : vector<16xi32>
          %swap3A = arith.index_cast %add3A_119 : i32 to index
          %swap3A_126 = tpu.vector_load %arg9[%swap3A] {strides = array<i32>} : memref<80xi32, #tpu.memory_space<vmem>>, vector<16xi32>,
          %swap3A_127 = vector.shape_cast %swap3A_126 : vector<16xi32> to vector<16xi32>
          %swap3A_128 = vector.shape_cast %add3A_125 : vector<16xi32> to vector<16xi32>
          tpu.vector_store %arg9[%swap3A], %swap3A_128 {strides = array<i32>} : memref<80xi32, #tpu.memory_space<vmem>>, vector<16xi32>,
        }
        %scan3A_100 = arith.constant 5 : i32
        %dma_start3A_101 = arith.constant 0 : i32
        %dma_start3A_102 = arith.constant 0 : i32
        %dma_start3A_103 = tpu.memref_slice %arg2[%dma_start3A_101, %dma_start3A_102] : memref<20000x128xf32, #tpu.memory_space<hbm>> -> memref<20000x128xf32, #tpu.memory_space<hbm>>
        tpu.enqueue_indirect_dma source(%dma_start3A_103 : memref<20000x128xf32, #tpu.memory_space<hbm>>) target(%arg11 : memref<80x128xf32, #tpu.memory_space<vmem>>) offsets(%arg9 : memref<80xi32, #tpu.memory_space<vmem>>) semaphore(%arg13 : memref<!tpu.dma_semaphore, #tpu.memory_space<semaphore_mem>>)
        %dma_wait3A_104 = arith.constant 0 : i32
        %dma_wait3A_105 = arith.constant 0 : i32
        %dma_wait3A_106 = tpu.memref_slice %arg2[%dma_wait3A_104, %dma_wait3A_105] : memref<20000x128xf32, #tpu.memory_space<hbm>> -> memref<20000x128xf32, #tpu.memory_space<hbm>>
        tpu.wait_indirect_dma semaphore(%arg13 : memref<!tpu.dma_semaphore, #tpu.memory_space<semaphore_mem>>) src(%dma_wait3A_106 : memref<20000x128xf32, #tpu.memory_space<hbm>>) dst(%arg11 : memref<80x128xf32, #tpu.memory_space<vmem>>)
        %dma_wait3A_107 = arith.constant 0 : i32
        %dma_wait3A_108 = tpu.memref_slice %arg7[%mul3A_78, %dma_wait3A_107] : memref<250x80xi32, #tpu.memory_space<vmem>> -> memref<1x80xi32, #tpu.memory_space<vmem>>
        %dma_wait3A_109 = tpu.memref_squeeze %dma_wait3A_108 : memref<1x80xi32, #tpu.memory_space<vmem>> -> memref<80xi32, #tpu.memory_space<vmem>>
        %dma_wait3A_110 = arith.constant 0 : i32
        %dma_wait3A_111 = arith.constant 0 : i32
        %dma_wait3A_112 = tpu.memref_slice %arg12[%dma_wait3A_110, %dma_wait3A_111] : memref<5128x128xf32, #tpu.memory_space<vmem_shared>> -> memref<5128x128xf32, #tpu.memory_space<vmem_shared>>
        tpu.wait_indirect_dma semaphore(%arg14 : memref<!tpu.dma_semaphore, #tpu.memory_space<semaphore_mem>>) src(%arg10 : memref<80x128xf32, #tpu.memory_space<vmem>>) dst(%dma_wait3A_112 : memref<5128x128xf32, #tpu.memory_space<vmem_shared>>)
        %add3A_113 = arith.constant 1 : i32
        %add3A_114 = arith.addi %mul3A_78, %add3A_113 : i32
        "tpu.region"() ({
          %run_scoped3A = tpu.sem_alloc : memref<!tpu.dma_semaphore, #tpu.memory_space<semaphore_mem>>
          %dma_start3A_115 = arith.constant 0 : i32
          %dma_start3A_116 = tpu.memref_slice %arg7[%add3A_114, %dma_start3A_115] : memref<250x80xi32, #tpu.memory_space<vmem>> -> memref<1x80xi32, #tpu.memory_space<vmem>>
          %dma_start3A_117 = tpu.memref_squeeze %dma_start3A_116 : memref<1x80xi32, #tpu.memory_space<vmem>> -> memref<80xi32, #tpu.memory_space<vmem>>
          %dma_start3A_118 = arith.constant 0 : i32
          %dma_start3A_119 = arith.constant 0 : i32
          %dma_start3A_120 = tpu.memref_slice %arg12[%dma_start3A_118, %dma_start3A_119] : memref<5128x128xf32, #tpu.memory_space<vmem_shared>> -> memref<5128x128xf32, #tpu.memory_space<vmem_shared>>
          tpu.enqueue_indirect_dma source(%arg11 : memref<80x128xf32, #tpu.memory_space<vmem>>) target(%dma_start3A_120 : memref<5128x128xf32, #tpu.memory_space<vmem_shared>>) offsets(%dma_start3A_117 : memref<80xi32, #tpu.memory_space<vmem>>) semaphore(%run_scoped3A : memref<!tpu.dma_semaphore, #tpu.memory_space<semaphore_mem>>) {add = true}
          %dma_wait3A_121 = arith.constant 0 : i32
          %dma_wait3A_122 = tpu.memref_slice %arg7[%add3A_114, %dma_wait3A_121] : memref<250x80xi32, #tpu.memory_space<vmem>> -> memref<1x80xi32, #tpu.memory_space<vmem>>
          %dma_wait3A_123 = tpu.memref_squeeze %dma_wait3A_122 : memref<1x80xi32, #tpu.memory_space<vmem>> -> memref<80xi32, #tpu.memory_space<vmem>>
          %dma_wait3A_124 = arith.constant 0 : i32
          %dma_wait3A_125 = arith.constant 0 : i32
          %dma_wait3A_126 = tpu.memref_slice %arg12[%dma_wait3A_124, %dma_wait3A_125] : memref<5128x128xf32, #tpu.memory_space<vmem_shared>> -> memref<5128x128xf32, #tpu.memory_space<vmem_shared>>
          tpu.wait_indirect_dma semaphore(%run_scoped3A : memref<!tpu.dma_semaphore, #tpu.memory_space<semaphore_mem>>) src(%arg11 : memref<80x128xf32, #tpu.memory_space<vmem>>) dst(%dma_wait3A_126 : memref<5128x128xf32, #tpu.memory_space<vmem_shared>>)
          tpu.yield
        }) : () -> ()
      }
      %scan3A_71 = arith.constant 125 : i32
    } else {
    }
    %eq3A_51 = arith.constant 1 : i32
    %eq3A_52 = arith.cmpi eq, %arg0, %eq3A_51 : i32
    %convert_element_type3A_53 = arith.extui %eq3A_52 : i1 to i32
    %cond3A_54 = arith.constant 0 : i32
    %cond3A_55 = arith.cmpi ne, %convert_element_type3A_53, %cond3A_54 : i32
    scf.if %cond3A_55 {
      %scan3A_67 = arith.constant 0 : i32
      %scan3A_68 = arith.constant 125 : i32
      %scan3A_69 = arith.addi %scan3A_67, %scan3A_68 : i32
      %scan3A_70 = arith.constant 1 : i32
      scf.for %scan3A_72 = %scan3A_67 to %scan3A_69 step %scan3A_70  : i32 {
        %mul3A_73 = arith.constant 1 : i32
        %mul3A_74 = arith.muli %scan3A_72, %mul3A_73 : i32
        %add3A_75 = arith.constant 0 : i32
        %add3A_76 = arith.addi %add3A_75, %mul3A_74 : i32
        %mul3A_77 = arith.constant 2 : i32
        %mul3A_78 = arith.muli %add3A_76, %mul3A_77 : i32
        %scan3A_79 = arith.constant 0 : i32
        %scan3A_80 = arith.constant 5 : i32
        %scan3A_81 = arith.addi %scan3A_79, %scan3A_80 : i32
        %scan3A_82 = arith.constant 1 : i32
        scf.for %scan3A_115 = %scan3A_79 to %scan3A_81 step %scan3A_82  : i32 {
          %mul3A_116 = arith.constant 16 : i32
          %mul3A_117 = arith.muli %scan3A_115, %mul3A_116 : i32
          %add3A_118 = arith.constant 0 : i32
          %add3A_119 = arith.addi %add3A_118, %mul3A_117 : i32
          %get3A = arith.index_cast %mul3A_78 : i32 to index
          %get3A_120 = arith.index_cast %add3A_119 : i32 to index
          %get3A_121 = tpu.vector_load %arg6[%get3A, %get3A_120] {strides = array<i32>} : memref<250x80xi32, #tpu.memory_space<vmem>>, vector<1x16xi32>,
          %get3A_122 = vector.shape_cast %get3A_121 : vector<1x16xi32> to vector<16xi32>
          %add3A_123 = arith.constant 10000 : i32
          %add3A_124 = vector.broadcast %add3A_123 : i32 to vector<16xi32>
          %add3A_125 = arith.addi %get3A_122, %add3A_124 : vector<16xi32>
          %swap3A = arith.index_cast %add3A_119 : i32 to index
          %swap3A_126 = tpu.vector_load %arg8[%swap3A] {strides = array<i32>} : memref<80xi32, #tpu.memory_space<vmem>>, vector<16xi32>,
          %swap3A_127 = vector.shape_cast %swap3A_126 : vector<16xi32> to vector<16xi32>
          %swap3A_128 = vector.shape_cast %add3A_125 : vector<16xi32> to vector<16xi32>
          tpu.vector_store %arg8[%swap3A], %swap3A_128 {strides = array<i32>} : memref<80xi32, #tpu.memory_space<vmem>>, vector<16xi32>,
        }
        %scan3A_83 = arith.constant 5 : i32
        %dma_start3A = arith.constant 0 : i32
        %dma_start3A_84 = arith.constant 0 : i32
        %dma_start3A_85 = tpu.memref_slice %arg2[%dma_start3A, %dma_start3A_84] : memref<20000x128xf32, #tpu.memory_space<hbm>> -> memref<20000x128xf32, #tpu.memory_space<hbm>>
        tpu.enqueue_indirect_dma source(%dma_start3A_85 : memref<20000x128xf32, #tpu.memory_space<hbm>>) target(%arg10 : memref<80x128xf32, #tpu.memory_space<vmem>>) offsets(%arg8 : memref<80xi32, #tpu.memory_space<vmem>>) semaphore(%arg13 : memref<!tpu.dma_semaphore, #tpu.memory_space<semaphore_mem>>)
        %dma_wait3A = arith.constant 0 : i32
        %dma_wait3A_86 = arith.constant 0 : i32
        %dma_wait3A_87 = tpu.memref_slice %arg2[%dma_wait3A, %dma_wait3A_86] : memref<20000x128xf32, #tpu.memory_space<hbm>> -> memref<20000x128xf32, #tpu.memory_space<hbm>>
        tpu.wait_indirect_dma semaphore(%arg13 : memref<!tpu.dma_semaphore, #tpu.memory_space<semaphore_mem>>) src(%dma_wait3A_87 : memref<20000x128xf32, #tpu.memory_space<hbm>>) dst(%arg10 : memref<80x128xf32, #tpu.memory_space<vmem>>)
        %dma_start3A_88 = arith.constant 0 : i32
        %dma_start3A_89 = tpu.memref_slice %arg7[%mul3A_78, %dma_start3A_88] : memref<250x80xi32, #tpu.memory_space<vmem>> -> memref<1x80xi32, #tpu.memory_space<vmem>>
        %dma_start3A_90 = tpu.memref_squeeze %dma_start3A_89 : memref<1x80xi32, #tpu.memory_space<vmem>> -> memref<80xi32, #tpu.memory_space<vmem>>
        %dma_start3A_91 = arith.constant 0 : i32
        %dma_start3A_92 = arith.constant 0 : i32
        %dma_start3A_93 = tpu.memref_slice %arg12[%dma_start3A_91, %dma_start3A_92] : memref<5128x128xf32, #tpu.memory_space<vmem_shared>> -> memref<5128x128xf32, #tpu.memory_space<vmem_shared>>
        tpu.enqueue_indirect_dma source(%arg10 : memref<80x128xf32, #tpu.memory_space<vmem>>) target(%dma_start3A_93 : memref<5128x128xf32, #tpu.memory_space<vmem_shared>>) offsets(%dma_start3A_90 : memref<80xi32, #tpu.memory_space<vmem>>) semaphore(%arg14 : memref<!tpu.dma_semaphore, #tpu.memory_space<semaphore_mem>>) {add = true}
        %add3A_94 = arith.constant 1 : i32
        %add3A_95 = arith.addi %mul3A_78, %add3A_94 : i32
        %scan3A_96 = arith.constant 0 : i32
        %scan3A_97 = arith.constant 5 : i32
        %scan3A_98 = arith.addi %scan3A_96, %scan3A_97 : i32
        %scan3A_99 = arith.constant 1 : i32
        scf.for %scan3A_115 = %scan3A_96 to %scan3A_98 step %scan3A_99  : i32 {
          %mul3A_116 = arith.constant 16 : i32
          %mul3A_117 = arith.muli %scan3A_115, %mul3A_116 : i32
          %add3A_118 = arith.constant 0 : i32
          %add3A_119 = arith.addi %add3A_118, %mul3A_117 : i32
          %get3A = arith.index_cast %add3A_95 : i32 to index
          %get3A_120 = arith.index_cast %add3A_119 : i32 to index
          %get3A_121 = tpu.vector_load %arg6[%get3A, %get3A_120] {strides = array<i32>} : memref<250x80xi32, #tpu.memory_space<vmem>>, vector<1x16xi32>,
          %get3A_122 = vector.shape_cast %get3A_121 : vector<1x16xi32> to vector<16xi32>
          %add3A_123 = arith.constant 10000 : i32
          %add3A_124 = vector.broadcast %add3A_123 : i32 to vector<16xi32>
          %add3A_125 = arith.addi %get3A_122, %add3A_124 : vector<16xi32>
          %swap3A = arith.index_cast %add3A_119 : i32 to index
          %swap3A_126 = tpu.vector_load %arg9[%swap3A] {strides = array<i32>} : memref<80xi32, #tpu.memory_space<vmem>>, vector<16xi32>,
          %swap3A_127 = vector.shape_cast %swap3A_126 : vector<16xi32> to vector<16xi32>
          %swap3A_128 = vector.shape_cast %add3A_125 : vector<16xi32> to vector<16xi32>
          tpu.vector_store %arg9[%swap3A], %swap3A_128 {strides = array<i32>} : memref<80xi32, #tpu.memory_space<vmem>>, vector<16xi32>,
        }
        %scan3A_100 = arith.constant 5 : i32
        %dma_start3A_101 = arith.constant 0 : i32
        %dma_start3A_102 = arith.constant 0 : i32
        %dma_start3A_103 = tpu.memref_slice %arg2[%dma_start3A_101, %dma_start3A_102] : memref<20000x128xf32, #tpu.memory_space<hbm>> -> memref<20000x128xf32, #tpu.memory_space<hbm>>
        tpu.enqueue_indirect_dma source(%dma_start3A_103 : memref<20000x128xf32, #tpu.memory_space<hbm>>) target(%arg11 : memref<80x128xf32, #tpu.memory_space<vmem>>) offsets(%arg9 : memref<80xi32, #tpu.memory_space<vmem>>) semaphore(%arg13 : memref<!tpu.dma_semaphore, #tpu.memory_space<semaphore_mem>>)
        %dma_wait3A_104 = arith.constant 0 : i32
        %dma_wait3A_105 = arith.constant 0 : i32
        %dma_wait3A_106 = tpu.memref_slice %arg2[%dma_wait3A_104, %dma_wait3A_105] : memref<20000x128xf32, #tpu.memory_space<hbm>> -> memref<20000x128xf32, #tpu.memory_space<hbm>>
        tpu.wait_indirect_dma semaphore(%arg13 : memref<!tpu.dma_semaphore, #tpu.memory_space<semaphore_mem>>) src(%dma_wait3A_106 : memref<20000x128xf32, #tpu.memory_space<hbm>>) dst(%arg11 : memref<80x128xf32, #tpu.memory_space<vmem>>)
        %dma_wait3A_107 = arith.constant 0 : i32
        %dma_wait3A_108 = tpu.memref_slice %arg7[%mul3A_78, %dma_wait3A_107] : memref<250x80xi32, #tpu.memory_space<vmem>> -> memref<1x80xi32, #tpu.memory_space<vmem>>
        %dma_wait3A_109 = tpu.memref_squeeze %dma_wait3A_108 : memref<1x80xi32, #tpu.memory_space<vmem>> -> memref<80xi32, #tpu.memory_space<vmem>>
        %dma_wait3A_110 = arith.constant 0 : i32
        %dma_wait3A_111 = arith.constant 0 : i32
        %dma_wait3A_112 = tpu.memref_slice %arg12[%dma_wait3A_110, %dma_wait3A_111] : memref<5128x128xf32, #tpu.memory_space<vmem_shared>> -> memref<5128x128xf32, #tpu.memory_space<vmem_shared>>
        tpu.wait_indirect_dma semaphore(%arg14 : memref<!tpu.dma_semaphore, #tpu.memory_space<semaphore_mem>>) src(%arg10 : memref<80x128xf32, #tpu.memory_space<vmem>>) dst(%dma_wait3A_112 : memref<5128x128xf32, #tpu.memory_space<vmem_shared>>)
        %add3A_113 = arith.constant 1 : i32
        %add3A_114 = arith.addi %mul3A_78, %add3A_113 : i32
        "tpu.region"() ({
          %run_scoped3A = tpu.sem_alloc : memref<!tpu.dma_semaphore, #tpu.memory_space<semaphore_mem>>
          %dma_start3A_115 = arith.constant 0 : i32
          %dma_start3A_116 = tpu.memref_slice %arg7[%add3A_114, %dma_start3A_115] : memref<250x80xi32, #tpu.memory_space<vmem>> -> memref<1x80xi32, #tpu.memory_space<vmem>>
          %dma_start3A_117 = tpu.memref_squeeze %dma_start3A_116 : memref<1x80xi32, #tpu.memory_space<vmem>> -> memref<80xi32, #tpu.memory_space<vmem>>
          %dma_start3A_118 = arith.constant 0 : i32
          %dma_start3A_119 = arith.constant 0 : i32
          %dma_start3A_120 = tpu.memref_slice %arg12[%dma_start3A_118, %dma_start3A_119] : memref<5128x128xf32, #tpu.memory_space<vmem_shared>> -> memref<5128x128xf32, #tpu.memory_space<vmem_shared>>
          tpu.enqueue_indirect_dma source(%arg11 : memref<80x128xf32, #tpu.memory_space<vmem>>) target(%dma_start3A_120 : memref<5128x128xf32, #tpu.memory_space<vmem_shared>>) offsets(%dma_start3A_117 : memref<80xi32, #tpu.memory_space<vmem>>) semaphore(%run_scoped3A : memref<!tpu.dma_semaphore, #tpu.memory_space<semaphore_mem>>) {add = true}
          %dma_wait3A_121 = arith.constant 0 : i32
          %dma_wait3A_122 = tpu.memref_slice %arg7[%add3A_114, %dma_wait3A_121] : memref<250x80xi32, #tpu.memory_space<vmem>> -> memref<1x80xi32, #tpu.memory_space<vmem>>
          %dma_wait3A_123 = tpu.memref_squeeze %dma_wait3A_122 : memref<1x80xi32, #tpu.memory_space<vmem>> -> memref<80xi32, #tpu.memory_space<vmem>>
          %dma_wait3A_124 = arith.constant 0 : i32
          %dma_wait3A_125 = arith.constant 0 : i32
          %dma_wait3A_126 = tpu.memref_slice %arg12[%dma_wait3A_124, %dma_wait3A_125] : memref<5128x128xf32, #tpu.memory_space<vmem_shared>> -> memref<5128x128xf32, #tpu.memory_space<vmem_shared>>
          tpu.wait_indirect_dma semaphore(%run_scoped3A : memref<!tpu.dma_semaphore, #tpu.memory_space<semaphore_mem>>) src(%arg11 : memref<80x128xf32, #tpu.memory_space<vmem>>) dst(%dma_wait3A_126 : memref<5128x128xf32, #tpu.memory_space<vmem_shared>>)
          tpu.yield
        }) : () -> ()
      }
      %scan3A_71 = arith.constant 125 : i32
    } else {
    }
    %barrier3A_56 = arith.constant 0 : index
    tpu.barrier barrier_id(%barrier3A_56)
    %mul3A_57 = arith.constant 320 : i32
    %mul3A_58 = arith.muli %arg1, %mul3A_57 : i32
    %mul3A_59 = arith.constant 10240 : i32
    %mul3A_60 = arith.muli %arg0, %mul3A_59 : i32
    %add3A_61 = arith.constant 5120 : i32
    %add3A_62 = arith.addi %mul3A_60, %add3A_61 : i32
    %mul3A_63 = arith.constant 320 : i32
    %mul3A_64 = arith.muli %arg1, %mul3A_63 : i32
    %add3A_65 = arith.addi %add3A_62, %mul3A_64 : i32
    "tpu.region"() ({
      %run_scoped3A = tpu.sem_alloc : memref<!tpu.dma_semaphore, #tpu.memory_space<semaphore_mem>>
      %dma_start3A = arith.constant 0 : i32
      %dma_start3A_67 = tpu.memref_slice %arg5[%add3A_65, %dma_start3A] : memref<20480x128xf32, #tpu.memory_space<hbm>> -> memref<320x128xf32, #tpu.memory_space<hbm>>
      %dma_start3A_68 = arith.constant 0 : i32
      %dma_start3A_69 = tpu.memref_slice %arg12[%mul3A_58, %dma_start3A_68] : memref<5128x128xf32, #tpu.memory_space<vmem_shared>> -> memref<320x128xf32, #tpu.memory_space<vmem_shared>>
      tpu.enqueue_dma source(%dma_start3A_69 : memref<320x128xf32, #tpu.memory_space<vmem_shared>>) target(%dma_start3A_67 : memref<320x128xf32, #tpu.memory_space<hbm>>) target_semaphore(%run_scoped3A : memref<!tpu.dma_semaphore, #tpu.memory_space<semaphore_mem>>)
      %dma_wait3A = arith.constant 0 : i32
      %dma_wait3A_70 = tpu.memref_slice %arg5[%add3A_65, %dma_wait3A] : memref<20480x128xf32, #tpu.memory_space<hbm>> -> memref<320x128xf32, #tpu.memory_space<hbm>>
      %dma_wait3A_71 = arith.constant 0 : i32
      %dma_wait3A_72 = tpu.memref_slice %arg12[%mul3A_58, %dma_wait3A_71] : memref<5128x128xf32, #tpu.memory_space<vmem_shared>> -> memref<320x128xf32, #tpu.memory_space<vmem_shared>>
      tpu.wait_dma2 semaphore(%run_scoped3A : memref<!tpu.dma_semaphore, #tpu.memory_space<semaphore_mem>>) src(%dma_wait3A_72 : memref<320x128xf32, #tpu.memory_space<vmem_shared>>) dst(%dma_wait3A_70 : memref<320x128xf32, #tpu.memory_space<hbm>>)
      tpu.yield
    }) : () -> ()
    %barrier3A_66 = arith.constant 0 : index
    tpu.barrier barrier_id(%barrier3A_66)
    return
  }
}

#map = affine_map<(d0, d1) -> (0, 0, 0, 0)>
#map1 = affine_map<(d0, d1) -> (0, 0)>
module attributes {stable_mosaic.version = 14 : i64} {
  func.func @k(%arg0: i32, %arg1: i32, %arg2: memref<2x16x125x80xi32, #tpu.memory_space<hbm>>, %arg3: memref<20480x16xf32, #tpu.memory_space<hbm>>, %arg4: memref<125x80xi32, #tpu.memory_space<vmem>>, %arg5: memref<80x16xf32, #tpu.memory_space<vmem>>, %arg6: memref<80x16xf32, #tpu.memory_space<vmem>>, %arg7: memref<10240x16xf32, #tpu.memory_space<vmem_shared>>, %arg8: memref<!tpu.dma_semaphore, #tpu.memory_space<semaphore_mem>>) attributes {dimension_semantics = [#tpu.dimension_semantics<core_parallel>, #tpu.dimension_semantics<subcore_parallel>], iteration_bounds = array<i64: 2, 16>, scalar_prefetch = 0 : i64, scratch_operands = 5 : i64, tpu.core_type = #tpu.core_type<sc_vector_subcore>, window_params = [{transform_indices = #map}, {transform_indices = #map1}]} {
    %scan3A = arith.constant 0 : i32
    %scan3A_0 = arith.constant 80 : i32
    %scan3A_1 = arith.addi %scan3A, %scan3A_0 : i32
    %scan3A_2 = arith.constant 1 : i32
    scf.for %scan3A_20 = %scan3A to %scan3A_1 step %scan3A_2  : i32 {
      %mul3A_21 = arith.constant 1 : i32
      %mul3A_22 = arith.muli %scan3A_20, %mul3A_21 : i32
      %add3A_23 = arith.constant 0 : i32
      %add3A_24 = arith.addi %add3A_23, %mul3A_22 : i32
      %broadcast_in_dim3A = arith.constant 0.000000e+00 : f32
      %broadcast_in_dim3A_25 = vector.broadcast %broadcast_in_dim3A : f32 to vector<16xf32>
      %swap3A = arith.index_cast %add3A_24 : i32 to index
      %swap3A_26 = arith.constant 0 : index
      %swap3A_27 = tpu.vector_load %arg6[%swap3A, %swap3A_26] {strides = array<i32>} : memref<80x16xf32, #tpu.memory_space<vmem>>, vector<1x16xf32>,
      %swap3A_28 = vector.shape_cast %swap3A_27 : vector<1x16xf32> to vector<16xf32>
      %swap3A_29 = vector.shape_cast %broadcast_in_dim3A_25 : vector<16xf32> to vector<1x16xf32>
      tpu.vector_store %arg6[%swap3A, %swap3A_26], %swap3A_29 {strides = array<i32>} : memref<80x16xf32, #tpu.memory_space<vmem>>, vector<1x16xf32>,
      %broadcast_in_dim3A_30 = arith.constant 1.000000e+00 : f32
      %broadcast_in_dim3A_31 = vector.broadcast %broadcast_in_dim3A_30 : f32 to vector<16xf32>
      %swap3A_32 = arith.index_cast %add3A_24 : i32 to index
      %swap3A_33 = arith.constant 0 : index
      %swap3A_34 = tpu.vector_load %arg5[%swap3A_32, %swap3A_33] {strides = array<i32>} : memref<80x16xf32, #tpu.memory_space<vmem>>, vector<1x16xf32>,
      %swap3A_35 = vector.shape_cast %swap3A_34 : vector<1x16xf32> to vector<16xf32>
      %swap3A_36 = vector.shape_cast %broadcast_in_dim3A_31 : vector<16xf32> to vector<1x16xf32>
      tpu.vector_store %arg5[%swap3A_32, %swap3A_33], %swap3A_36 {strides = array<i32>} : memref<80x16xf32, #tpu.memory_space<vmem>>, vector<1x16xf32>,
    }
    %scan3A_3 = arith.constant 80 : i32
    "tpu.region"() ({
      %run_scoped3A = tpu.sem_alloc : memref<!tpu.dma_semaphore, #tpu.memory_space<semaphore_mem>>
      %dma_start3A = arith.constant 0 : i32
      %dma_start3A_20 = arith.constant 0 : i32
      %dma_start3A_21 = tpu.memref_slice %arg2[%arg0, %arg1, %dma_start3A, %dma_start3A_20] : memref<2x16x125x80xi32, #tpu.memory_space<hbm>> -> memref<1x1x125x80xi32, #tpu.memory_space<hbm>>
      %dma_start3A_22 = tpu.memref_squeeze %dma_start3A_21 : memref<1x1x125x80xi32, #tpu.memory_space<hbm>> -> memref<125x80xi32, #tpu.memory_space<hbm>>
      %dma_start3A_23 = arith.constant 0 : i32
      %dma_start3A_24 = arith.constant 0 : i32
      %dma_start3A_25 = tpu.memref_slice %arg2[%arg0, %arg1, %dma_start3A_23, %dma_start3A_24] : memref<2x16x125x80xi32, #tpu.memory_space<hbm>> -> memref<1x1x125x80xi32, #tpu.memory_space<hbm>>
      %dma_start3A_26 = tpu.memref_squeeze %dma_start3A_25 : memref<1x1x125x80xi32, #tpu.memory_space<hbm>> -> memref<125x80xi32, #tpu.memory_space<hbm>>
      tpu.enqueue_dma source(%dma_start3A_26 : memref<125x80xi32, #tpu.memory_space<hbm>>) target(%arg4 : memref<125x80xi32, #tpu.memory_space<vmem>>) target_semaphore(%run_scoped3A : memref<!tpu.dma_semaphore, #tpu.memory_space<semaphore_mem>>)
      %dma_wait3A = arith.constant 0 : i32
      %dma_wait3A_27 = arith.constant 0 : i32
      %dma_wait3A_28 = tpu.memref_slice %arg2[%arg0, %arg1, %dma_wait3A, %dma_wait3A_27] : memref<2x16x125x80xi32, #tpu.memory_space<hbm>> -> memref<1x1x125x80xi32, #tpu.memory_space<hbm>>
      %dma_wait3A_29 = tpu.memref_squeeze %dma_wait3A_28 : memref<1x1x125x80xi32, #tpu.memory_space<hbm>> -> memref<125x80xi32, #tpu.memory_space<hbm>>
      %dma_wait3A_30 = arith.constant 0 : i32
      %dma_wait3A_31 = arith.constant 0 : i32
      %dma_wait3A_32 = tpu.memref_slice %arg2[%arg0, %arg1, %dma_wait3A_30, %dma_wait3A_31] : memref<2x16x125x80xi32, #tpu.memory_space<hbm>> -> memref<1x1x125x80xi32, #tpu.memory_space<hbm>>
      %dma_wait3A_33 = tpu.memref_squeeze %dma_wait3A_32 : memref<1x1x125x80xi32, #tpu.memory_space<hbm>> -> memref<125x80xi32, #tpu.memory_space<hbm>>
      tpu.wait_dma2 semaphore(%run_scoped3A : memref<!tpu.dma_semaphore, #tpu.memory_space<semaphore_mem>>) src(%dma_wait3A_33 : memref<125x80xi32, #tpu.memory_space<hbm>>) dst(%arg4 : memref<125x80xi32, #tpu.memory_space<vmem>>)
      tpu.yield
    }) : () -> ()
    %scan3A_4 = arith.constant 0 : i32
    %scan3A_5 = arith.constant 8 : i32
    %scan3A_6 = arith.addi %scan3A_4, %scan3A_5 : i32
    %scan3A_7 = arith.constant 1 : i32
    scf.for %scan3A_20 = %scan3A_4 to %scan3A_6 step %scan3A_7  : i32 {
      %mul3A_21 = arith.constant 1 : i32
      %mul3A_22 = arith.muli %scan3A_20, %mul3A_21 : i32
      %add3A_23 = arith.constant 0 : i32
      %add3A_24 = arith.addi %add3A_23, %mul3A_22 : i32
      %mul3A_25 = arith.constant 640 : i32
      %mul3A_26 = arith.muli %arg1, %mul3A_25 : i32
      %mul3A_27 = arith.constant 80 : i32
      %mul3A_28 = arith.muli %add3A_24, %mul3A_27 : i32
      %add3A_29 = arith.addi %mul3A_26, %mul3A_28 : i32
      "tpu.region"() ({
        %run_scoped3A = tpu.sem_alloc : memref<!tpu.dma_semaphore, #tpu.memory_space<semaphore_mem>>
        %dma_start3A = arith.constant 0 : i32
        %dma_start3A_30 = tpu.memref_slice %arg7[%add3A_29, %dma_start3A] : memref<10240x16xf32, #tpu.memory_space<vmem_shared>> -> memref<80x16xf32, #tpu.memory_space<vmem_shared>>
        %dma_start3A_31 = arith.constant 0 : i32
        %dma_start3A_32 = tpu.memref_slice %arg7[%add3A_29, %dma_start3A_31] : memref<10240x16xf32, #tpu.memory_space<vmem_shared>> -> memref<80x16xf32, #tpu.memory_space<vmem_shared>>
        tpu.enqueue_dma source(%arg6 : memref<80x16xf32, #tpu.memory_space<vmem>>) target(%dma_start3A_32 : memref<80x16xf32, #tpu.memory_space<vmem_shared>>) target_semaphore(%run_scoped3A : memref<!tpu.dma_semaphore, #tpu.memory_space<semaphore_mem>>)
        %dma_wait3A = arith.constant 0 : i32
        %dma_wait3A_33 = tpu.memref_slice %arg7[%add3A_29, %dma_wait3A] : memref<10240x16xf32, #tpu.memory_space<vmem_shared>> -> memref<80x16xf32, #tpu.memory_space<vmem_shared>>
        %dma_wait3A_34 = arith.constant 0 : i32
        %dma_wait3A_35 = tpu.memref_slice %arg7[%add3A_29, %dma_wait3A_34] : memref<10240x16xf32, #tpu.memory_space<vmem_shared>> -> memref<80x16xf32, #tpu.memory_space<vmem_shared>>
        tpu.wait_dma2 semaphore(%run_scoped3A : memref<!tpu.dma_semaphore, #tpu.memory_space<semaphore_mem>>) src(%arg6 : memref<80x16xf32, #tpu.memory_space<vmem>>) dst(%dma_wait3A_35 : memref<80x16xf32, #tpu.memory_space<vmem_shared>>)
        tpu.yield
      }) : () -> ()
    }
    %scan3A_8 = arith.constant 8 : i32
    %barrier3A = arith.constant 0 : index
    tpu.barrier barrier_id(%barrier3A)
    %scan3A_9 = arith.constant 0 : i32
    %scan3A_10 = arith.constant 125 : i32
    %scan3A_11 = arith.addi %scan3A_9, %scan3A_10 : i32
    %scan3A_12 = arith.constant 1 : i32
    scf.for %scan3A_20 = %scan3A_9 to %scan3A_11 step %scan3A_12  : i32 {
      %mul3A_21 = arith.constant 1 : i32
      %mul3A_22 = arith.muli %scan3A_20, %mul3A_21 : i32
      %add3A_23 = arith.constant 0 : i32
      %add3A_24 = arith.addi %add3A_23, %mul3A_22 : i32
      "tpu.region"() ({
        %run_scoped3A = tpu.sem_alloc : memref<!tpu.dma_semaphore, #tpu.memory_space<semaphore_mem>>
        %dma_start3A = arith.constant 0 : i32
        %dma_start3A_25 = tpu.memref_slice %arg4[%add3A_24, %dma_start3A] : memref<125x80xi32, #tpu.memory_space<vmem>> -> memref<1x80xi32, #tpu.memory_space<vmem>>
        %dma_start3A_26 = tpu.memref_squeeze %dma_start3A_25 : memref<1x80xi32, #tpu.memory_space<vmem>> -> memref<80xi32, #tpu.memory_space<vmem>>
        %dma_start3A_27 = arith.constant 0 : i32
        %dma_start3A_28 = arith.constant 0 : i32
        %dma_start3A_29 = tpu.memref_slice %arg7[%dma_start3A_27, %dma_start3A_28] : memref<10240x16xf32, #tpu.memory_space<vmem_shared>> -> memref<10240x16xf32, #tpu.memory_space<vmem_shared>>
        tpu.enqueue_indirect_dma source(%arg5 : memref<80x16xf32, #tpu.memory_space<vmem>>) target(%dma_start3A_29 : memref<10240x16xf32, #tpu.memory_space<vmem_shared>>) offsets(%dma_start3A_26 : memref<80xi32, #tpu.memory_space<vmem>>) semaphore(%run_scoped3A : memref<!tpu.dma_semaphore, #tpu.memory_space<semaphore_mem>>) {add = true}
        %dma_wait3A = arith.constant 0 : i32
        %dma_wait3A_30 = tpu.memref_slice %arg4[%add3A_24, %dma_wait3A] : memref<125x80xi32, #tpu.memory_space<vmem>> -> memref<1x80xi32, #tpu.memory_space<vmem>>
        %dma_wait3A_31 = tpu.memref_squeeze %dma_wait3A_30 : memref<1x80xi32, #tpu.memory_space<vmem>> -> memref<80xi32, #tpu.memory_space<vmem>>
        %dma_wait3A_32 = arith.constant 0 : i32
        %dma_wait3A_33 = arith.constant 0 : i32
        %dma_wait3A_34 = tpu.memref_slice %arg7[%dma_wait3A_32, %dma_wait3A_33] : memref<10240x16xf32, #tpu.memory_space<vmem_shared>> -> memref<10240x16xf32, #tpu.memory_space<vmem_shared>>
        tpu.wait_indirect_dma semaphore(%run_scoped3A : memref<!tpu.dma_semaphore, #tpu.memory_space<semaphore_mem>>) src(%arg5 : memref<80x16xf32, #tpu.memory_space<vmem>>) dst(%dma_wait3A_34 : memref<10240x16xf32, #tpu.memory_space<vmem_shared>>)
        tpu.yield
      }) : () -> ()
    }
    %scan3A_13 = arith.constant 125 : i32
    %barrier3A_14 = arith.constant 0 : index
    tpu.barrier barrier_id(%barrier3A_14)
    %mul3A = arith.constant 640 : i32
    %mul3A_15 = arith.muli %arg1, %mul3A : i32
    %mul3A_16 = arith.constant 10240 : i32
    %mul3A_17 = arith.muli %arg0, %mul3A_16 : i32
    %mul3A_18 = arith.constant 640 : i32
    %mul3A_19 = arith.muli %arg1, %mul3A_18 : i32
    %add3A = arith.addi %mul3A_17, %mul3A_19 : i32
    "tpu.region"() ({
      %run_scoped3A = tpu.sem_alloc : memref<!tpu.dma_semaphore, #tpu.memory_space<semaphore_mem>>
      %dma_start3A = arith.constant 0 : i32
      %dma_start3A_20 = tpu.memref_slice %arg3[%add3A, %dma_start3A] : memref<20480x16xf32, #tpu.memory_space<hbm>> -> memref<640x16xf32, #tpu.memory_space<hbm>>
      %dma_start3A_21 = arith.constant 0 : i32
      %dma_start3A_22 = tpu.memref_slice %arg7[%mul3A_15, %dma_start3A_21] : memref<10240x16xf32, #tpu.memory_space<vmem_shared>> -> memref<640x16xf32, #tpu.memory_space<vmem_shared>>
      tpu.enqueue_dma source(%dma_start3A_22 : memref<640x16xf32, #tpu.memory_space<vmem_shared>>) target(%dma_start3A_20 : memref<640x16xf32, #tpu.memory_space<hbm>>) target_semaphore(%run_scoped3A : memref<!tpu.dma_semaphore, #tpu.memory_space<semaphore_mem>>)
      %dma_wait3A = arith.constant 0 : i32
      %dma_wait3A_23 = tpu.memref_slice %arg3[%add3A, %dma_wait3A] : memref<20480x16xf32, #tpu.memory_space<hbm>> -> memref<640x16xf32, #tpu.memory_space<hbm>>
      %dma_wait3A_24 = arith.constant 0 : i32
      %dma_wait3A_25 = tpu.memref_slice %arg7[%mul3A_15, %dma_wait3A_24] : memref<10240x16xf32, #tpu.memory_space<vmem_shared>> -> memref<640x16xf32, #tpu.memory_space<vmem_shared>>
      tpu.wait_dma2 semaphore(%run_scoped3A : memref<!tpu.dma_semaphore, #tpu.memory_space<semaphore_mem>>) src(%dma_wait3A_25 : memref<640x16xf32, #tpu.memory_space<vmem_shared>>) dst(%dma_wait3A_23 : memref<640x16xf32, #tpu.memory_space<hbm>>)
      tpu.yield
    }) : () -> ()
    return
  }
}

#map = affine_map<(d0, d1) -> (0, 0)>
#map1 = affine_map<(d0, d1) -> (0, 0, 0)>
module attributes {stable_mosaic.version = 14 : i64} {
  func.func @k(%arg0: i32, %arg1: i32, %arg2: memref<20000x128xf32, #tpu.memory_space<hbm>>, %arg3: memref<16x250x80xi32, #tpu.memory_space<hbm>>, %arg4: memref<16x250x80xi32, #tpu.memory_space<hbm>>, %arg5: memref<20480x128xf32, #tpu.memory_space<hbm>>, %arg6: memref<250x80xi32, #tpu.memory_space<vmem>>, %arg7: memref<250x80xi32, #tpu.memory_space<vmem>>, %arg8: memref<80xi32, #tpu.memory_space<vmem>>, %arg9: memref<80xi32, #tpu.memory_space<vmem>>, %arg10: memref<80x128xf32, #tpu.memory_space<vmem>>, %arg11: memref<80x128xf32, #tpu.memory_space<vmem>>, %arg12: memref<5128x128xf32, #tpu.memory_space<vmem_shared>>, %arg13: memref<!tpu.dma_semaphore, #tpu.memory_space<semaphore_mem>>, %arg14: memref<!tpu.dma_semaphore, #tpu.memory_space<semaphore_mem>>) attributes {dimension_semantics = [#tpu.dimension_semantics<core_parallel>, #tpu.dimension_semantics<subcore_parallel>], iteration_bounds = array<i64: 2, 16>, scalar_prefetch = 0 : i64, scratch_operands = 9 : i64, tpu.core_type = #tpu.core_type<sc_vector_subcore>, window_params = [{transform_indices = #map}, {transform_indices = #map1}, {transform_indices = #map1}, {transform_indices = #map}]} {
    "tpu.region"() ({
      %run_scoped3A = tpu.sem_alloc : memref<!tpu.dma_semaphore, #tpu.memory_space<semaphore_mem>>
      %dma_start3A = arith.constant 0 : i32
      %dma_start3A_67 = arith.constant 0 : i32
      %dma_start3A_68 = tpu.memref_slice %arg3[%arg1, %dma_start3A, %dma_start3A_67] : memref<16x250x80xi32, #tpu.memory_space<hbm>> -> memref<1x250x80xi32, #tpu.memory_space<hbm>>
      %dma_start3A_69 = tpu.memref_squeeze %dma_start3A_68 : memref<1x250x80xi32, #tpu.memory_space<hbm>> -> memref<250x80xi32, #tpu.memory_space<hbm>>
      %dma_start3A_70 = arith.constant 0 : i32
      %dma_start3A_71 = arith.constant 0 : i32
      %dma_start3A_72 = tpu.memref_slice %arg3[%arg1, %dma_start3A_70, %dma_start3A_71] : memref<16x250x80xi32, #tpu.memory_space<hbm>> -> memref<1x250x80xi32, #tpu.memory_space<hbm>>
      %dma_start3A_73 = tpu.memref_squeeze %dma_start3A_72 : memref<1x250x80xi32, #tpu.memory_space<hbm>> -> memref<250x80xi32, #tpu.memory_space<hbm>>
      tpu.enqueue_dma source(%dma_start3A_73 : memref<250x80xi32, #tpu.memory_space<hbm>>) target(%arg6 : memref<250x80xi32, #tpu.memory_space<vmem>>) target_semaphore(%run_scoped3A : memref<!tpu.dma_semaphore, #tpu.memory_space<semaphore_mem>>)
      %dma_wait3A = arith.constant 0 : i32
      %dma_wait3A_74 = arith.constant 0 : i32
      %dma_wait3A_75 = tpu.memref_slice %arg3[%arg1, %dma_wait3A, %dma_wait3A_74] : memref<16x250x80xi32, #tpu.memory_space<hbm>> -> memref<1x250x80xi32, #tpu.memory_space<hbm>>
      %dma_wait3A_76 = tpu.memref_squeeze %dma_wait3A_75 : memref<1x250x80xi32, #tpu.memory_space<hbm>> -> memref<250x80xi32, #tpu.memory_space<hbm>>
      %dma_wait3A_77 = arith.constant 0 : i32
      %dma_wait3A_78 = arith.constant 0 : i32
      %dma_wait3A_79 = tpu.memref_slice %arg3[%arg1, %dma_wait3A_77, %dma_wait3A_78] : memref<16x250x80xi32, #tpu.memory_space<hbm>> -> memref<1x250x80xi32, #tpu.memory_space<hbm>>
      %dma_wait3A_80 = tpu.memref_squeeze %dma_wait3A_79 : memref<1x250x80xi32, #tpu.memory_space<hbm>> -> memref<250x80xi32, #tpu.memory_space<hbm>>
      tpu.wait_dma2 semaphore(%run_scoped3A : memref<!tpu.dma_semaphore, #tpu.memory_space<semaphore_mem>>) src(%dma_wait3A_80 : memref<250x80xi32, #tpu.memory_space<hbm>>) dst(%arg6 : memref<250x80xi32, #tpu.memory_space<vmem>>)
      tpu.yield
    }) : () -> ()
    %scan3A = arith.constant 0 : i32
    %scan3A_0 = arith.constant 80 : i32
    %scan3A_1 = arith.addi %scan3A, %scan3A_0 : i32
    %scan3A_2 = arith.constant 1 : i32
    scf.for %scan3A_67 = %scan3A to %scan3A_1 step %scan3A_2  : i32 {
      %mul3A_68 = arith.constant 1 : i32
      %mul3A_69 = arith.muli %scan3A_67, %mul3A_68 : i32
      %add3A_70 = arith.constant 0 : i32
      %add3A_71 = arith.addi %add3A_70, %mul3A_69 : i32
      %scan3A_72 = arith.constant 0 : i32
      %scan3A_73 = arith.constant 8 : i32
      %scan3A_74 = arith.addi %scan3A_72, %scan3A_73 : i32
      %scan3A_75 = arith.constant 1 : i32
      scf.for %scan3A_77 = %scan3A_72 to %scan3A_74 step %scan3A_75  : i32 {
        %mul3A_78 = arith.constant 16 : i32
        %mul3A_79 = arith.muli %scan3A_77, %mul3A_78 : i32
        %add3A_80 = arith.constant 0 : i32
        %add3A_81 = arith.addi %add3A_80, %mul3A_79 : i32
        %broadcast_in_dim3A = arith.constant 0.000000e+00 : f32
        %broadcast_in_dim3A_82 = vector.broadcast %broadcast_in_dim3A : f32 to vector<16xf32>
        %swap3A = arith.index_cast %add3A_71 : i32 to index
        %swap3A_83 = arith.index_cast %add3A_81 : i32 to index
        %swap3A_84 = tpu.vector_load %arg10[%swap3A, %swap3A_83] {strides = array<i32>} : memref<80x128xf32, #tpu.memory_space<vmem>>, vector<1x16xf32>,
        %swap3A_85 = vector.shape_cast %swap3A_84 : vector<1x16xf32> to vector<16xf32>
        %swap3A_86 = vector.shape_cast %broadcast_in_dim3A_82 : vector<16xf32> to vector<1x16xf32>
        tpu.vector_store %arg10[%swap3A, %swap3A_83], %swap3A_86 {strides = array<i32>} : memref<80x128xf32, #tpu.memory_space<vmem>>, vector<1x16xf32>,
      }
      %scan3A_76 = arith.constant 8 : i32
    }
    %scan3A_3 = arith.constant 80 : i32
    "tpu.region"() ({
      %run_scoped3A = tpu.sem_alloc : memref<!tpu.dma_semaphore, #tpu.memory_space<semaphore_mem>>
      %dma_start3A = arith.constant 0 : i32
      %dma_start3A_67 = arith.constant 0 : i32
      %dma_start3A_68 = tpu.memref_slice %arg4[%arg1, %dma_start3A, %dma_start3A_67] : memref<16x250x80xi32, #tpu.memory_space<hbm>> -> memref<1x250x80xi32, #tpu.memory_space<hbm>>
      %dma_start3A_69 = tpu.memref_squeeze %dma_start3A_68 : memref<1x250x80xi32, #tpu.memory_space<hbm>> -> memref<250x80xi32, #tpu.memory_space<hbm>>
      %dma_start3A_70 = arith.constant 0 : i32
      %dma_start3A_71 = arith.constant 0 : i32
      %dma_start3A_72 = tpu.memref_slice %arg4[%arg1, %dma_start3A_70, %dma_start3A_71] : memref<16x250x80xi32, #tpu.memory_space<hbm>> -> memref<1x250x80xi32, #tpu.memory_space<hbm>>
      %dma_start3A_73 = tpu.memref_squeeze %dma_start3A_72 : memref<1x250x80xi32, #tpu.memory_space<hbm>> -> memref<250x80xi32, #tpu.memory_space<hbm>>
      tpu.enqueue_dma source(%dma_start3A_73 : memref<250x80xi32, #tpu.memory_space<hbm>>) target(%arg7 : memref<250x80xi32, #tpu.memory_space<vmem>>) target_semaphore(%run_scoped3A : memref<!tpu.dma_semaphore, #tpu.memory_space<semaphore_mem>>)
      %dma_wait3A = arith.constant 0 : i32
      %dma_wait3A_74 = arith.constant 0 : i32
      %dma_wait3A_75 = tpu.memref_slice %arg4[%arg1, %dma_wait3A, %dma_wait3A_74] : memref<16x250x80xi32, #tpu.memory_space<hbm>> -> memref<1x250x80xi32, #tpu.memory_space<hbm>>
      %dma_wait3A_76 = tpu.memref_squeeze %dma_wait3A_75 : memref<1x250x80xi32, #tpu.memory_space<hbm>> -> memref<250x80xi32, #tpu.memory_space<hbm>>
      %dma_wait3A_77 = arith.constant 0 : i32
      %dma_wait3A_78 = arith.constant 0 : i32
      %dma_wait3A_79 = tpu.memref_slice %arg4[%arg1, %dma_wait3A_77, %dma_wait3A_78] : memref<16x250x80xi32, #tpu.memory_space<hbm>> -> memref<1x250x80xi32, #tpu.memory_space<hbm>>
      %dma_wait3A_80 = tpu.memref_squeeze %dma_wait3A_79 : memref<1x250x80xi32, #tpu.memory_space<hbm>> -> memref<250x80xi32, #tpu.memory_space<hbm>>
      tpu.wait_dma2 semaphore(%run_scoped3A : memref<!tpu.dma_semaphore, #tpu.memory_space<semaphore_mem>>) src(%dma_wait3A_80 : memref<250x80xi32, #tpu.memory_space<hbm>>) dst(%arg7 : memref<250x80xi32, #tpu.memory_space<vmem>>)
      tpu.yield
    }) : () -> ()
    %scan3A_4 = arith.constant 0 : i32
    %scan3A_5 = arith.constant 250 : i32
    %scan3A_6 = arith.addi %scan3A_4, %scan3A_5 : i32
    %scan3A_7 = arith.constant 1 : i32
    scf.for %scan3A_67 = %scan3A_4 to %scan3A_6 step %scan3A_7  : i32 {
      %mul3A_68 = arith.constant 1 : i32
      %mul3A_69 = arith.muli %scan3A_67, %mul3A_68 : i32
      %add3A_70 = arith.constant 0 : i32
      %add3A_71 = arith.addi %add3A_70, %mul3A_69 : i32
      %scan3A_72 = arith.constant 0 : i32
      %scan3A_73 = arith.constant 5 : i32
      %scan3A_74 = arith.addi %scan3A_72, %scan3A_73 : i32
      %scan3A_75 = arith.constant 1 : i32
      scf.for %scan3A_77 = %scan3A_72 to %scan3A_74 step %scan3A_75  : i32 {
        %mul3A_78 = arith.constant 16 : i32
        %mul3A_79 = arith.muli %scan3A_77, %mul3A_78 : i32
        %add3A_80 = arith.constant 0 : i32
        %add3A_81 = arith.addi %add3A_80, %mul3A_79 : i32
        %get3A = arith.index_cast %add3A_71 : i32 to index
        %get3A_82 = arith.index_cast %add3A_81 : i32 to index
        %get3A_83 = tpu.vector_load %arg7[%get3A, %get3A_82] {strides = array<i32>} : memref<250x80xi32, #tpu.memory_space<vmem>>, vector<1x16xi32>,
        %get3A_84 = vector.shape_cast %get3A_83 : vector<1x16xi32> to vector<16xi32>
        %sub3A = arith.constant 0 : i32
        %sub3A_85 = vector.broadcast %sub3A : i32 to vector<16xi32>
        %sub3A_86 = arith.subi %get3A_84, %sub3A_85 : vector<16xi32>
        %ge3A = arith.constant 0 : i32
        %ge3A_87 = vector.broadcast %ge3A : i32 to vector<16xi32>
        %ge3A_88 = arith.cmpi sge, %sub3A_86, %ge3A_87 : vector<16xi32>
        %lt3A = arith.constant 5120 : i32
        %lt3A_89 = vector.broadcast %lt3A : i32 to vector<16xi32>
        %lt3A_90 = arith.cmpi slt, %sub3A_86, %lt3A_89 : vector<16xi32>
        %and3A = arith.andi %ge3A_88, %lt3A_90 : vector<16xi1>
        %jit3A = arith.constant 5120 : i32
        %broadcast_in_dim3A = vector.broadcast %jit3A : i32 to vector<16xi32>
        %select_n3A = arith.select %and3A, %sub3A_86, %broadcast_in_dim3A : vector<16xi1>, vector<16xi32>
        %swap3A = arith.index_cast %add3A_71 : i32 to index
        %swap3A_91 = arith.index_cast %add3A_81 : i32 to index
        %swap3A_92 = tpu.vector_load %arg7[%swap3A, %swap3A_91] {strides = array<i32>} : memref<250x80xi32, #tpu.memory_space<vmem>>, vector<1x16xi32>,
        %swap3A_93 = vector.shape_cast %swap3A_92 : vector<1x16xi32> to vector<16xi32>
        %swap3A_94 = vector.shape_cast %select_n3A : vector<16xi32> to vector<1x16xi32>
        tpu.vector_store %arg7[%swap3A, %swap3A_91], %swap3A_94 {strides = array<i32>} : memref<250x80xi32, #tpu.memory_space<vmem>>, vector<1x16xi32>,
      }
      %scan3A_76 = arith.constant 5 : i32
    }
    %scan3A_8 = arith.constant 250 : i32
    %scan3A_9 = arith.constant 0 : i32
    %scan3A_10 = arith.constant 4 : i32
    %scan3A_11 = arith.addi %scan3A_9, %scan3A_10 : i32
    %scan3A_12 = arith.constant 1 : i32
    scf.for %scan3A_67 = %scan3A_9 to %scan3A_11 step %scan3A_12  : i32 {
      %mul3A_68 = arith.constant 1 : i32
      %mul3A_69 = arith.muli %scan3A_67, %mul3A_68 : i32
      %add3A_70 = arith.constant 0 : i32
      %add3A_71 = arith.addi %add3A_70, %mul3A_69 : i32
      %mul3A_72 = arith.constant 320 : i32
      %mul3A_73 = arith.muli %arg1, %mul3A_72 : i32
      %mul3A_74 = arith.constant 80 : i32
      %mul3A_75 = arith.muli %add3A_71, %mul3A_74 : i32
      %add3A_76 = arith.addi %mul3A_73, %mul3A_75 : i32
      "tpu.region"() ({
        %run_scoped3A = tpu.sem_alloc : memref<!tpu.dma_semaphore, #tpu.memory_space<semaphore_mem>>
        %dma_start3A = arith.constant 0 : i32
        %dma_start3A_77 = tpu.memref_slice %arg12[%add3A_76, %dma_start3A] : memref<5128x128xf32, #tpu.memory_space<vmem_shared>> -> memref<80x128xf32, #tpu.memory_space<vmem_shared>>
        %dma_start3A_78 = arith.constant 0 : i32
        %dma_start3A_79 = tpu.memref_slice %arg12[%add3A_76, %dma_start3A_78] : memref<5128x128xf32, #tpu.memory_space<vmem_shared>> -> memref<80x128xf32, #tpu.memory_space<vmem_shared>>
        tpu.enqueue_dma source(%arg10 : memref<80x128xf32, #tpu.memory_space<vmem>>) target(%dma_start3A_79 : memref<80x128xf32, #tpu.memory_space<vmem_shared>>) target_semaphore(%run_scoped3A : memref<!tpu.dma_semaphore, #tpu.memory_space<semaphore_mem>>)
        %dma_wait3A = arith.constant 0 : i32
        %dma_wait3A_80 = tpu.memref_slice %arg12[%add3A_76, %dma_wait3A] : memref<5128x128xf32, #tpu.memory_space<vmem_shared>> -> memref<80x128xf32, #tpu.memory_space<vmem_shared>>
        %dma_wait3A_81 = arith.constant 0 : i32
        %dma_wait3A_82 = tpu.memref_slice %arg12[%add3A_76, %dma_wait3A_81] : memref<5128x128xf32, #tpu.memory_space<vmem_shared>> -> memref<80x128xf32, #tpu.memory_space<vmem_shared>>
        tpu.wait_dma2 semaphore(%run_scoped3A : memref<!tpu.dma_semaphore, #tpu.memory_space<semaphore_mem>>) src(%arg10 : memref<80x128xf32, #tpu.memory_space<vmem>>) dst(%dma_wait3A_82 : memref<80x128xf32, #tpu.memory_space<vmem_shared>>)
        tpu.yield
      }) : () -> ()
    }
    %scan3A_13 = arith.constant 4 : i32
    %barrier3A = arith.constant 0 : index
    tpu.barrier barrier_id(%barrier3A)
    %eq3A = arith.constant 0 : i32
    %eq3A_14 = arith.cmpi eq, %arg0, %eq3A : i32
    %convert_element_type3A = arith.extui %eq3A_14 : i1 to i32
    %cond3A = arith.constant 0 : i32
    %cond3A_15 = arith.cmpi ne, %convert_element_type3A, %cond3A : i32
    scf.if %cond3A_15 {
      %scan3A_67 = arith.constant 0 : i32
      %scan3A_68 = arith.constant 125 : i32
      %scan3A_69 = arith.addi %scan3A_67, %scan3A_68 : i32
      %scan3A_70 = arith.constant 1 : i32
      scf.for %scan3A_72 = %scan3A_67 to %scan3A_69 step %scan3A_70  : i32 {
        %mul3A_73 = arith.constant 1 : i32
        %mul3A_74 = arith.muli %scan3A_72, %mul3A_73 : i32
        %add3A_75 = arith.constant 0 : i32
        %add3A_76 = arith.addi %add3A_75, %mul3A_74 : i32
        %mul3A_77 = arith.constant 2 : i32
        %mul3A_78 = arith.muli %add3A_76, %mul3A_77 : i32
        %scan3A_79 = arith.constant 0 : i32
        %scan3A_80 = arith.constant 5 : i32
        %scan3A_81 = arith.addi %scan3A_79, %scan3A_80 : i32
        %scan3A_82 = arith.constant 1 : i32
        scf.for %scan3A_115 = %scan3A_79 to %scan3A_81 step %scan3A_82  : i32 {
          %mul3A_116 = arith.constant 16 : i32
          %mul3A_117 = arith.muli %scan3A_115, %mul3A_116 : i32
          %add3A_118 = arith.constant 0 : i32
          %add3A_119 = arith.addi %add3A_118, %mul3A_117 : i32
          %get3A = arith.index_cast %mul3A_78 : i32 to index
          %get3A_120 = arith.index_cast %add3A_119 : i32 to index
          %get3A_121 = tpu.vector_load %arg6[%get3A, %get3A_120] {strides = array<i32>} : memref<250x80xi32, #tpu.memory_space<vmem>>, vector<1x16xi32>,
          %get3A_122 = vector.shape_cast %get3A_121 : vector<1x16xi32> to vector<16xi32>
          %add3A_123 = arith.constant 0 : i32
          %add3A_124 = vector.broadcast %add3A_123 : i32 to vector<16xi32>
          %add3A_125 = arith.addi %get3A_122, %add3A_124 : vector<16xi32>
          %swap3A = arith.index_cast %add3A_119 : i32 to index
          %swap3A_126 = tpu.vector_load %arg8[%swap3A] {strides = array<i32>} : memref<80xi32, #tpu.memory_space<vmem>>, vector<16xi32>,
          %swap3A_127 = vector.shape_cast %swap3A_126 : vector<16xi32> to vector<16xi32>
          %swap3A_128 = vector.shape_cast %add3A_125 : vector<16xi32> to vector<16xi32>
          tpu.vector_store %arg8[%swap3A], %swap3A_128 {strides = array<i32>} : memref<80xi32, #tpu.memory_space<vmem>>, vector<16xi32>,
        }
        %scan3A_83 = arith.constant 5 : i32
        %dma_start3A = arith.constant 0 : i32
        %dma_start3A_84 = arith.constant 0 : i32
        %dma_start3A_85 = tpu.memref_slice %arg2[%dma_start3A, %dma_start3A_84] : memref<20000x128xf32, #tpu.memory_space<hbm>> -> memref<20000x128xf32, #tpu.memory_space<hbm>>
        tpu.enqueue_indirect_dma source(%dma_start3A_85 : memref<20000x128xf32, #tpu.memory_space<hbm>>) target(%arg10 : memref<80x128xf32, #tpu.memory_space<vmem>>) offsets(%arg8 : memref<80xi32, #tpu.memory_space<vmem>>) semaphore(%arg13 : memref<!tpu.dma_semaphore, #tpu.memory_space<semaphore_mem>>)
        %dma_wait3A = arith.constant 0 : i32
        %dma_wait3A_86 = arith.constant 0 : i32
        %dma_wait3A_87 = tpu.memref_slice %arg2[%dma_wait3A, %dma_wait3A_86] : memref<20000x128xf32, #tpu.memory_space<hbm>> -> memref<20000x128xf32, #tpu.memory_space<hbm>>
        tpu.wait_indirect_dma semaphore(%arg13 : memref<!tpu.dma_semaphore, #tpu.memory_space<semaphore_mem>>) src(%dma_wait3A_87 : memref<20000x128xf32, #tpu.memory_space<hbm>>) dst(%arg10 : memref<80x128xf32, #tpu.memory_space<vmem>>)
        %dma_start3A_88 = arith.constant 0 : i32
        %dma_start3A_89 = tpu.memref_slice %arg7[%mul3A_78, %dma_start3A_88] : memref<250x80xi32, #tpu.memory_space<vmem>> -> memref<1x80xi32, #tpu.memory_space<vmem>>
        %dma_start3A_90 = tpu.memref_squeeze %dma_start3A_89 : memref<1x80xi32, #tpu.memory_space<vmem>> -> memref<80xi32, #tpu.memory_space<vmem>>
        %dma_start3A_91 = arith.constant 0 : i32
        %dma_start3A_92 = arith.constant 0 : i32
        %dma_start3A_93 = tpu.memref_slice %arg12[%dma_start3A_91, %dma_start3A_92] : memref<5128x128xf32, #tpu.memory_space<vmem_shared>> -> memref<5128x128xf32, #tpu.memory_space<vmem_shared>>
        tpu.enqueue_indirect_dma source(%arg10 : memref<80x128xf32, #tpu.memory_space<vmem>>) target(%dma_start3A_93 : memref<5128x128xf32, #tpu.memory_space<vmem_shared>>) offsets(%dma_start3A_90 : memref<80xi32, #tpu.memory_space<vmem>>) semaphore(%arg14 : memref<!tpu.dma_semaphore, #tpu.memory_space<semaphore_mem>>) {add = true}
        %add3A_94 = arith.constant 1 : i32
        %add3A_95 = arith.addi %mul3A_78, %add3A_94 : i32
        %scan3A_96 = arith.constant 0 : i32
        %scan3A_97 = arith.constant 5 : i32
        %scan3A_98 = arith.addi %scan3A_96, %scan3A_97 : i32
        %scan3A_99 = arith.constant 1 : i32
        scf.for %scan3A_115 = %scan3A_96 to %scan3A_98 step %scan3A_99  : i32 {
          %mul3A_116 = arith.constant 16 : i32
          %mul3A_117 = arith.muli %scan3A_115, %mul3A_116 : i32
          %add3A_118 = arith.constant 0 : i32
          %add3A_119 = arith.addi %add3A_118, %mul3A_117 : i32
          %get3A = arith.index_cast %add3A_95 : i32 to index
          %get3A_120 = arith.index_cast %add3A_119 : i32 to index
          %get3A_121 = tpu.vector_load %arg6[%get3A, %get3A_120] {strides = array<i32>} : memref<250x80xi32, #tpu.memory_space<vmem>>, vector<1x16xi32>,
          %get3A_122 = vector.shape_cast %get3A_121 : vector<1x16xi32> to vector<16xi32>
          %add3A_123 = arith.constant 0 : i32
          %add3A_124 = vector.broadcast %add3A_123 : i32 to vector<16xi32>
          %add3A_125 = arith.addi %get3A_122, %add3A_124 : vector<16xi32>
          %swap3A = arith.index_cast %add3A_119 : i32 to index
          %swap3A_126 = tpu.vector_load %arg9[%swap3A] {strides = array<i32>} : memref<80xi32, #tpu.memory_space<vmem>>, vector<16xi32>,
          %swap3A_127 = vector.shape_cast %swap3A_126 : vector<16xi32> to vector<16xi32>
          %swap3A_128 = vector.shape_cast %add3A_125 : vector<16xi32> to vector<16xi32>
          tpu.vector_store %arg9[%swap3A], %swap3A_128 {strides = array<i32>} : memref<80xi32, #tpu.memory_space<vmem>>, vector<16xi32>,
        }
        %scan3A_100 = arith.constant 5 : i32
        %dma_start3A_101 = arith.constant 0 : i32
        %dma_start3A_102 = arith.constant 0 : i32
        %dma_start3A_103 = tpu.memref_slice %arg2[%dma_start3A_101, %dma_start3A_102] : memref<20000x128xf32, #tpu.memory_space<hbm>> -> memref<20000x128xf32, #tpu.memory_space<hbm>>
        tpu.enqueue_indirect_dma source(%dma_start3A_103 : memref<20000x128xf32, #tpu.memory_space<hbm>>) target(%arg11 : memref<80x128xf32, #tpu.memory_space<vmem>>) offsets(%arg9 : memref<80xi32, #tpu.memory_space<vmem>>) semaphore(%arg13 : memref<!tpu.dma_semaphore, #tpu.memory_space<semaphore_mem>>)
        %dma_wait3A_104 = arith.constant 0 : i32
        %dma_wait3A_105 = arith.constant 0 : i32
        %dma_wait3A_106 = tpu.memref_slice %arg2[%dma_wait3A_104, %dma_wait3A_105] : memref<20000x128xf32, #tpu.memory_space<hbm>> -> memref<20000x128xf32, #tpu.memory_space<hbm>>
        tpu.wait_indirect_dma semaphore(%arg13 : memref<!tpu.dma_semaphore, #tpu.memory_space<semaphore_mem>>) src(%dma_wait3A_106 : memref<20000x128xf32, #tpu.memory_space<hbm>>) dst(%arg11 : memref<80x128xf32, #tpu.memory_space<vmem>>)
        %dma_wait3A_107 = arith.constant 0 : i32
        %dma_wait3A_108 = tpu.memref_slice %arg7[%mul3A_78, %dma_wait3A_107] : memref<250x80xi32, #tpu.memory_space<vmem>> -> memref<1x80xi32, #tpu.memory_space<vmem>>
        %dma_wait3A_109 = tpu.memref_squeeze %dma_wait3A_108 : memref<1x80xi32, #tpu.memory_space<vmem>> -> memref<80xi32, #tpu.memory_space<vmem>>
        %dma_wait3A_110 = arith.constant 0 : i32
        %dma_wait3A_111 = arith.constant 0 : i32
        %dma_wait3A_112 = tpu.memref_slice %arg12[%dma_wait3A_110, %dma_wait3A_111] : memref<5128x128xf32, #tpu.memory_space<vmem_shared>> -> memref<5128x128xf32, #tpu.memory_space<vmem_shared>>
        tpu.wait_indirect_dma semaphore(%arg14 : memref<!tpu.dma_semaphore, #tpu.memory_space<semaphore_mem>>) src(%arg10 : memref<80x128xf32, #tpu.memory_space<vmem>>) dst(%dma_wait3A_112 : memref<5128x128xf32, #tpu.memory_space<vmem_shared>>)
        %add3A_113 = arith.constant 1 : i32
        %add3A_114 = arith.addi %mul3A_78, %add3A_113 : i32
        "tpu.region"() ({
          %run_scoped3A = tpu.sem_alloc : memref<!tpu.dma_semaphore, #tpu.memory_space<semaphore_mem>>
          %dma_start3A_115 = arith.constant 0 : i32
          %dma_start3A_116 = tpu.memref_slice %arg7[%add3A_114, %dma_start3A_115] : memref<250x80xi32, #tpu.memory_space<vmem>> -> memref<1x80xi32, #tpu.memory_space<vmem>>
          %dma_start3A_117 = tpu.memref_squeeze %dma_start3A_116 : memref<1x80xi32, #tpu.memory_space<vmem>> -> memref<80xi32, #tpu.memory_space<vmem>>
          %dma_start3A_118 = arith.constant 0 : i32
          %dma_start3A_119 = arith.constant 0 : i32
          %dma_start3A_120 = tpu.memref_slice %arg12[%dma_start3A_118, %dma_start3A_119] : memref<5128x128xf32, #tpu.memory_space<vmem_shared>> -> memref<5128x128xf32, #tpu.memory_space<vmem_shared>>
          tpu.enqueue_indirect_dma source(%arg11 : memref<80x128xf32, #tpu.memory_space<vmem>>) target(%dma_start3A_120 : memref<5128x128xf32, #tpu.memory_space<vmem_shared>>) offsets(%dma_start3A_117 : memref<80xi32, #tpu.memory_space<vmem>>) semaphore(%run_scoped3A : memref<!tpu.dma_semaphore, #tpu.memory_space<semaphore_mem>>) {add = true}
          %dma_wait3A_121 = arith.constant 0 : i32
          %dma_wait3A_122 = tpu.memref_slice %arg7[%add3A_114, %dma_wait3A_121] : memref<250x80xi32, #tpu.memory_space<vmem>> -> memref<1x80xi32, #tpu.memory_space<vmem>>
          %dma_wait3A_123 = tpu.memref_squeeze %dma_wait3A_122 : memref<1x80xi32, #tpu.memory_space<vmem>> -> memref<80xi32, #tpu.memory_space<vmem>>
          %dma_wait3A_124 = arith.constant 0 : i32
          %dma_wait3A_125 = arith.constant 0 : i32
          %dma_wait3A_126 = tpu.memref_slice %arg12[%dma_wait3A_124, %dma_wait3A_125] : memref<5128x128xf32, #tpu.memory_space<vmem_shared>> -> memref<5128x128xf32, #tpu.memory_space<vmem_shared>>
          tpu.wait_indirect_dma semaphore(%run_scoped3A : memref<!tpu.dma_semaphore, #tpu.memory_space<semaphore_mem>>) src(%arg11 : memref<80x128xf32, #tpu.memory_space<vmem>>) dst(%dma_wait3A_126 : memref<5128x128xf32, #tpu.memory_space<vmem_shared>>)
          tpu.yield
        }) : () -> ()
      }
      %scan3A_71 = arith.constant 125 : i32
    } else {
    }
    %eq3A_16 = arith.constant 1 : i32
    %eq3A_17 = arith.cmpi eq, %arg0, %eq3A_16 : i32
    %convert_element_type3A_18 = arith.extui %eq3A_17 : i1 to i32
    %cond3A_19 = arith.constant 0 : i32
    %cond3A_20 = arith.cmpi ne, %convert_element_type3A_18, %cond3A_19 : i32
    scf.if %cond3A_20 {
      %scan3A_67 = arith.constant 0 : i32
      %scan3A_68 = arith.constant 125 : i32
      %scan3A_69 = arith.addi %scan3A_67, %scan3A_68 : i32
      %scan3A_70 = arith.constant 1 : i32
      scf.for %scan3A_72 = %scan3A_67 to %scan3A_69 step %scan3A_70  : i32 {
        %mul3A_73 = arith.constant 1 : i32
        %mul3A_74 = arith.muli %scan3A_72, %mul3A_73 : i32
        %add3A_75 = arith.constant 0 : i32
        %add3A_76 = arith.addi %add3A_75, %mul3A_74 : i32
        %mul3A_77 = arith.constant 2 : i32
        %mul3A_78 = arith.muli %add3A_76, %mul3A_77 : i32
        %scan3A_79 = arith.constant 0 : i32
        %scan3A_80 = arith.constant 5 : i32
        %scan3A_81 = arith.addi %scan3A_79, %scan3A_80 : i32
        %scan3A_82 = arith.constant 1 : i32
        scf.for %scan3A_115 = %scan3A_79 to %scan3A_81 step %scan3A_82  : i32 {
          %mul3A_116 = arith.constant 16 : i32
          %mul3A_117 = arith.muli %scan3A_115, %mul3A_116 : i32
          %add3A_118 = arith.constant 0 : i32
          %add3A_119 = arith.addi %add3A_118, %mul3A_117 : i32
          %get3A = arith.index_cast %mul3A_78 : i32 to index
          %get3A_120 = arith.index_cast %add3A_119 : i32 to index
          %get3A_121 = tpu.vector_load %arg6[%get3A, %get3A_120] {strides = array<i32>} : memref<250x80xi32, #tpu.memory_space<vmem>>, vector<1x16xi32>,
          %get3A_122 = vector.shape_cast %get3A_121 : vector<1x16xi32> to vector<16xi32>
          %add3A_123 = arith.constant 10000 : i32
          %add3A_124 = vector.broadcast %add3A_123 : i32 to vector<16xi32>
          %add3A_125 = arith.addi %get3A_122, %add3A_124 : vector<16xi32>
          %swap3A = arith.index_cast %add3A_119 : i32 to index
          %swap3A_126 = tpu.vector_load %arg8[%swap3A] {strides = array<i32>} : memref<80xi32, #tpu.memory_space<vmem>>, vector<16xi32>,
          %swap3A_127 = vector.shape_cast %swap3A_126 : vector<16xi32> to vector<16xi32>
          %swap3A_128 = vector.shape_cast %add3A_125 : vector<16xi32> to vector<16xi32>
          tpu.vector_store %arg8[%swap3A], %swap3A_128 {strides = array<i32>} : memref<80xi32, #tpu.memory_space<vmem>>, vector<16xi32>,
        }
        %scan3A_83 = arith.constant 5 : i32
        %dma_start3A = arith.constant 0 : i32
        %dma_start3A_84 = arith.constant 0 : i32
        %dma_start3A_85 = tpu.memref_slice %arg2[%dma_start3A, %dma_start3A_84] : memref<20000x128xf32, #tpu.memory_space<hbm>> -> memref<20000x128xf32, #tpu.memory_space<hbm>>
        tpu.enqueue_indirect_dma source(%dma_start3A_85 : memref<20000x128xf32, #tpu.memory_space<hbm>>) target(%arg10 : memref<80x128xf32, #tpu.memory_space<vmem>>) offsets(%arg8 : memref<80xi32, #tpu.memory_space<vmem>>) semaphore(%arg13 : memref<!tpu.dma_semaphore, #tpu.memory_space<semaphore_mem>>)
        %dma_wait3A = arith.constant 0 : i32
        %dma_wait3A_86 = arith.constant 0 : i32
        %dma_wait3A_87 = tpu.memref_slice %arg2[%dma_wait3A, %dma_wait3A_86] : memref<20000x128xf32, #tpu.memory_space<hbm>> -> memref<20000x128xf32, #tpu.memory_space<hbm>>
        tpu.wait_indirect_dma semaphore(%arg13 : memref<!tpu.dma_semaphore, #tpu.memory_space<semaphore_mem>>) src(%dma_wait3A_87 : memref<20000x128xf32, #tpu.memory_space<hbm>>) dst(%arg10 : memref<80x128xf32, #tpu.memory_space<vmem>>)
        %dma_start3A_88 = arith.constant 0 : i32
        %dma_start3A_89 = tpu.memref_slice %arg7[%mul3A_78, %dma_start3A_88] : memref<250x80xi32, #tpu.memory_space<vmem>> -> memref<1x80xi32, #tpu.memory_space<vmem>>
        %dma_start3A_90 = tpu.memref_squeeze %dma_start3A_89 : memref<1x80xi32, #tpu.memory_space<vmem>> -> memref<80xi32, #tpu.memory_space<vmem>>
        %dma_start3A_91 = arith.constant 0 : i32
        %dma_start3A_92 = arith.constant 0 : i32
        %dma_start3A_93 = tpu.memref_slice %arg12[%dma_start3A_91, %dma_start3A_92] : memref<5128x128xf32, #tpu.memory_space<vmem_shared>> -> memref<5128x128xf32, #tpu.memory_space<vmem_shared>>
        tpu.enqueue_indirect_dma source(%arg10 : memref<80x128xf32, #tpu.memory_space<vmem>>) target(%dma_start3A_93 : memref<5128x128xf32, #tpu.memory_space<vmem_shared>>) offsets(%dma_start3A_90 : memref<80xi32, #tpu.memory_space<vmem>>) semaphore(%arg14 : memref<!tpu.dma_semaphore, #tpu.memory_space<semaphore_mem>>) {add = true}
        %add3A_94 = arith.constant 1 : i32
        %add3A_95 = arith.addi %mul3A_78, %add3A_94 : i32
        %scan3A_96 = arith.constant 0 : i32
        %scan3A_97 = arith.constant 5 : i32
        %scan3A_98 = arith.addi %scan3A_96, %scan3A_97 : i32
        %scan3A_99 = arith.constant 1 : i32
        scf.for %scan3A_115 = %scan3A_96 to %scan3A_98 step %scan3A_99  : i32 {
          %mul3A_116 = arith.constant 16 : i32
          %mul3A_117 = arith.muli %scan3A_115, %mul3A_116 : i32
          %add3A_118 = arith.constant 0 : i32
          %add3A_119 = arith.addi %add3A_118, %mul3A_117 : i32
          %get3A = arith.index_cast %add3A_95 : i32 to index
          %get3A_120 = arith.index_cast %add3A_119 : i32 to index
          %get3A_121 = tpu.vector_load %arg6[%get3A, %get3A_120] {strides = array<i32>} : memref<250x80xi32, #tpu.memory_space<vmem>>, vector<1x16xi32>,
          %get3A_122 = vector.shape_cast %get3A_121 : vector<1x16xi32> to vector<16xi32>
          %add3A_123 = arith.constant 10000 : i32
          %add3A_124 = vector.broadcast %add3A_123 : i32 to vector<16xi32>
          %add3A_125 = arith.addi %get3A_122, %add3A_124 : vector<16xi32>
          %swap3A = arith.index_cast %add3A_119 : i32 to index
          %swap3A_126 = tpu.vector_load %arg9[%swap3A] {strides = array<i32>} : memref<80xi32, #tpu.memory_space<vmem>>, vector<16xi32>,
          %swap3A_127 = vector.shape_cast %swap3A_126 : vector<16xi32> to vector<16xi32>
          %swap3A_128 = vector.shape_cast %add3A_125 : vector<16xi32> to vector<16xi32>
          tpu.vector_store %arg9[%swap3A], %swap3A_128 {strides = array<i32>} : memref<80xi32, #tpu.memory_space<vmem>>, vector<16xi32>,
        }
        %scan3A_100 = arith.constant 5 : i32
        %dma_start3A_101 = arith.constant 0 : i32
        %dma_start3A_102 = arith.constant 0 : i32
        %dma_start3A_103 = tpu.memref_slice %arg2[%dma_start3A_101, %dma_start3A_102] : memref<20000x128xf32, #tpu.memory_space<hbm>> -> memref<20000x128xf32, #tpu.memory_space<hbm>>
        tpu.enqueue_indirect_dma source(%dma_start3A_103 : memref<20000x128xf32, #tpu.memory_space<hbm>>) target(%arg11 : memref<80x128xf32, #tpu.memory_space<vmem>>) offsets(%arg9 : memref<80xi32, #tpu.memory_space<vmem>>) semaphore(%arg13 : memref<!tpu.dma_semaphore, #tpu.memory_space<semaphore_mem>>)
        %dma_wait3A_104 = arith.constant 0 : i32
        %dma_wait3A_105 = arith.constant 0 : i32
        %dma_wait3A_106 = tpu.memref_slice %arg2[%dma_wait3A_104, %dma_wait3A_105] : memref<20000x128xf32, #tpu.memory_space<hbm>> -> memref<20000x128xf32, #tpu.memory_space<hbm>>
        tpu.wait_indirect_dma semaphore(%arg13 : memref<!tpu.dma_semaphore, #tpu.memory_space<semaphore_mem>>) src(%dma_wait3A_106 : memref<20000x128xf32, #tpu.memory_space<hbm>>) dst(%arg11 : memref<80x128xf32, #tpu.memory_space<vmem>>)
        %dma_wait3A_107 = arith.constant 0 : i32
        %dma_wait3A_108 = tpu.memref_slice %arg7[%mul3A_78, %dma_wait3A_107] : memref<250x80xi32, #tpu.memory_space<vmem>> -> memref<1x80xi32, #tpu.memory_space<vmem>>
        %dma_wait3A_109 = tpu.memref_squeeze %dma_wait3A_108 : memref<1x80xi32, #tpu.memory_space<vmem>> -> memref<80xi32, #tpu.memory_space<vmem>>
        %dma_wait3A_110 = arith.constant 0 : i32
        %dma_wait3A_111 = arith.constant 0 : i32
        %dma_wait3A_112 = tpu.memref_slice %arg12[%dma_wait3A_110, %dma_wait3A_111] : memref<5128x128xf32, #tpu.memory_space<vmem_shared>> -> memref<5128x128xf32, #tpu.memory_space<vmem_shared>>
        tpu.wait_indirect_dma semaphore(%arg14 : memref<!tpu.dma_semaphore, #tpu.memory_space<semaphore_mem>>) src(%arg10 : memref<80x128xf32, #tpu.memory_space<vmem>>) dst(%dma_wait3A_112 : memref<5128x128xf32, #tpu.memory_space<vmem_shared>>)
        %add3A_113 = arith.constant 1 : i32
        %add3A_114 = arith.addi %mul3A_78, %add3A_113 : i32
        "tpu.region"() ({
          %run_scoped3A = tpu.sem_alloc : memref<!tpu.dma_semaphore, #tpu.memory_space<semaphore_mem>>
          %dma_start3A_115 = arith.constant 0 : i32
          %dma_start3A_116 = tpu.memref_slice %arg7[%add3A_114, %dma_start3A_115] : memref<250x80xi32, #tpu.memory_space<vmem>> -> memref<1x80xi32, #tpu.memory_space<vmem>>
          %dma_start3A_117 = tpu.memref_squeeze %dma_start3A_116 : memref<1x80xi32, #tpu.memory_space<vmem>> -> memref<80xi32, #tpu.memory_space<vmem>>
          %dma_start3A_118 = arith.constant 0 : i32
          %dma_start3A_119 = arith.constant 0 : i32
          %dma_start3A_120 = tpu.memref_slice %arg12[%dma_start3A_118, %dma_start3A_119] : memref<5128x128xf32, #tpu.memory_space<vmem_shared>> -> memref<5128x128xf32, #tpu.memory_space<vmem_shared>>
          tpu.enqueue_indirect_dma source(%arg11 : memref<80x128xf32, #tpu.memory_space<vmem>>) target(%dma_start3A_120 : memref<5128x128xf32, #tpu.memory_space<vmem_shared>>) offsets(%dma_start3A_117 : memref<80xi32, #tpu.memory_space<vmem>>) semaphore(%run_scoped3A : memref<!tpu.dma_semaphore, #tpu.memory_space<semaphore_mem>>) {add = true}
          %dma_wait3A_121 = arith.constant 0 : i32
          %dma_wait3A_122 = tpu.memref_slice %arg7[%add3A_114, %dma_wait3A_121] : memref<250x80xi32, #tpu.memory_space<vmem>> -> memref<1x80xi32, #tpu.memory_space<vmem>>
          %dma_wait3A_123 = tpu.memref_squeeze %dma_wait3A_122 : memref<1x80xi32, #tpu.memory_space<vmem>> -> memref<80xi32, #tpu.memory_space<vmem>>
          %dma_wait3A_124 = arith.constant 0 : i32
          %dma_wait3A_125 = arith.constant 0 : i32
          %dma_wait3A_126 = tpu.memref_slice %arg12[%dma_wait3A_124, %dma_wait3A_125] : memref<5128x128xf32, #tpu.memory_space<vmem_shared>> -> memref<5128x128xf32, #tpu.memory_space<vmem_shared>>
          tpu.wait_indirect_dma semaphore(%run_scoped3A : memref<!tpu.dma_semaphore, #tpu.memory_space<semaphore_mem>>) src(%arg11 : memref<80x128xf32, #tpu.memory_space<vmem>>) dst(%dma_wait3A_126 : memref<5128x128xf32, #tpu.memory_space<vmem_shared>>)
          tpu.yield
        }) : () -> ()
      }
      %scan3A_71 = arith.constant 125 : i32
    } else {
    }
    %barrier3A_21 = arith.constant 0 : index
    tpu.barrier barrier_id(%barrier3A_21)
    %mul3A = arith.constant 320 : i32
    %mul3A_22 = arith.muli %arg1, %mul3A : i32
    %mul3A_23 = arith.constant 10240 : i32
    %mul3A_24 = arith.muli %arg0, %mul3A_23 : i32
    %add3A = arith.constant 0 : i32
    %add3A_25 = arith.addi %mul3A_24, %add3A : i32
    %mul3A_26 = arith.constant 320 : i32
    %mul3A_27 = arith.muli %arg1, %mul3A_26 : i32
    %add3A_28 = arith.addi %add3A_25, %mul3A_27 : i32
    "tpu.region"() ({
      %run_scoped3A = tpu.sem_alloc : memref<!tpu.dma_semaphore, #tpu.memory_space<semaphore_mem>>
      %dma_start3A = arith.constant 0 : i32
      %dma_start3A_67 = tpu.memref_slice %arg5[%add3A_28, %dma_start3A] : memref<20480x128xf32, #tpu.memory_space<hbm>> -> memref<320x128xf32, #tpu.memory_space<hbm>>
      %dma_start3A_68 = arith.constant 0 : i32
      %dma_start3A_69 = tpu.memref_slice %arg12[%mul3A_22, %dma_start3A_68] : memref<5128x128xf32, #tpu.memory_space<vmem_shared>> -> memref<320x128xf32, #tpu.memory_space<vmem_shared>>
      tpu.enqueue_dma source(%dma_start3A_69 : memref<320x128xf32, #tpu.memory_space<vmem_shared>>) target(%dma_start3A_67 : memref<320x128xf32, #tpu.memory_space<hbm>>) target_semaphore(%run_scoped3A : memref<!tpu.dma_semaphore, #tpu.memory_space<semaphore_mem>>)
      %dma_wait3A = arith.constant 0 : i32
      %dma_wait3A_70 = tpu.memref_slice %arg5[%add3A_28, %dma_wait3A] : memref<20480x128xf32, #tpu.memory_space<hbm>> -> memref<320x128xf32, #tpu.memory_space<hbm>>
      %dma_wait3A_71 = arith.constant 0 : i32
      %dma_wait3A_72 = tpu.memref_slice %arg12[%mul3A_22, %dma_wait3A_71] : memref<5128x128xf32, #tpu.memory_space<vmem_shared>> -> memref<320x128xf32, #tpu.memory_space<vmem_shared>>
      tpu.wait_dma2 semaphore(%run_scoped3A : memref<!tpu.dma_semaphore, #tpu.memory_space<semaphore_mem>>) src(%dma_wait3A_72 : memref<320x128xf32, #tpu.memory_space<vmem_shared>>) dst(%dma_wait3A_70 : memref<320x128xf32, #tpu.memory_space<hbm>>)
      tpu.yield
    }) : () -> ()
    %barrier3A_29 = arith.constant 0 : index
    tpu.barrier barrier_id(%barrier3A_29)
    %scan3A_30 = arith.constant 0 : i32
    %scan3A_31 = arith.constant 80 : i32
    %scan3A_32 = arith.addi %scan3A_30, %scan3A_31 : i32
    %scan3A_33 = arith.constant 1 : i32
    scf.for %scan3A_67 = %scan3A_30 to %scan3A_32 step %scan3A_33  : i32 {
      %mul3A_68 = arith.constant 1 : i32
      %mul3A_69 = arith.muli %scan3A_67, %mul3A_68 : i32
      %add3A_70 = arith.constant 0 : i32
      %add3A_71 = arith.addi %add3A_70, %mul3A_69 : i32
      %scan3A_72 = arith.constant 0 : i32
      %scan3A_73 = arith.constant 8 : i32
      %scan3A_74 = arith.addi %scan3A_72, %scan3A_73 : i32
      %scan3A_75 = arith.constant 1 : i32
      scf.for %scan3A_77 = %scan3A_72 to %scan3A_74 step %scan3A_75  : i32 {
        %mul3A_78 = arith.constant 16 : i32
        %mul3A_79 = arith.muli %scan3A_77, %mul3A_78 : i32
        %add3A_80 = arith.constant 0 : i32
        %add3A_81 = arith.addi %add3A_80, %mul3A_79 : i32
        %broadcast_in_dim3A = arith.constant 0.000000e+00 : f32
        %broadcast_in_dim3A_82 = vector.broadcast %broadcast_in_dim3A : f32 to vector<16xf32>
        %swap3A = arith.index_cast %add3A_71 : i32 to index
        %swap3A_83 = arith.index_cast %add3A_81 : i32 to index
        %swap3A_84 = tpu.vector_load %arg10[%swap3A, %swap3A_83] {strides = array<i32>} : memref<80x128xf32, #tpu.memory_space<vmem>>, vector<1x16xf32>,
        %swap3A_85 = vector.shape_cast %swap3A_84 : vector<1x16xf32> to vector<16xf32>
        %swap3A_86 = vector.shape_cast %broadcast_in_dim3A_82 : vector<16xf32> to vector<1x16xf32>
        tpu.vector_store %arg10[%swap3A, %swap3A_83], %swap3A_86 {strides = array<i32>} : memref<80x128xf32, #tpu.memory_space<vmem>>, vector<1x16xf32>,
      }
      %scan3A_76 = arith.constant 8 : i32
    }
    %scan3A_34 = arith.constant 80 : i32
    "tpu.region"() ({
      %run_scoped3A = tpu.sem_alloc : memref<!tpu.dma_semaphore, #tpu.memory_space<semaphore_mem>>
      %dma_start3A = arith.constant 0 : i32
      %dma_start3A_67 = arith.constant 0 : i32
      %dma_start3A_68 = tpu.memref_slice %arg4[%arg1, %dma_start3A, %dma_start3A_67] : memref<16x250x80xi32, #tpu.memory_space<hbm>> -> memref<1x250x80xi32, #tpu.memory_space<hbm>>
      %dma_start3A_69 = tpu.memref_squeeze %dma_start3A_68 : memref<1x250x80xi32, #tpu.memory_space<hbm>> -> memref<250x80xi32, #tpu.memory_space<hbm>>
      %dma_start3A_70 = arith.constant 0 : i32
      %dma_start3A_71 = arith.constant 0 : i32
      %dma_start3A_72 = tpu.memref_slice %arg4[%arg1, %dma_start3A_70, %dma_start3A_71] : memref<16x250x80xi32, #tpu.memory_space<hbm>> -> memref<1x250x80xi32, #tpu.memory_space<hbm>>
      %dma_start3A_73 = tpu.memref_squeeze %dma_start3A_72 : memref<1x250x80xi32, #tpu.memory_space<hbm>> -> memref<250x80xi32, #tpu.memory_space<hbm>>
      tpu.enqueue_dma source(%dma_start3A_73 : memref<250x80xi32, #tpu.memory_space<hbm>>) target(%arg7 : memref<250x80xi32, #tpu.memory_space<vmem>>) target_semaphore(%run_scoped3A : memref<!tpu.dma_semaphore, #tpu.memory_space<semaphore_mem>>)
      %dma_wait3A = arith.constant 0 : i32
      %dma_wait3A_74 = arith.constant 0 : i32
      %dma_wait3A_75 = tpu.memref_slice %arg4[%arg1, %dma_wait3A, %dma_wait3A_74] : memref<16x250x80xi32, #tpu.memory_space<hbm>> -> memref<1x250x80xi32, #tpu.memory_space<hbm>>
      %dma_wait3A_76 = tpu.memref_squeeze %dma_wait3A_75 : memref<1x250x80xi32, #tpu.memory_space<hbm>> -> memref<250x80xi32, #tpu.memory_space<hbm>>
      %dma_wait3A_77 = arith.constant 0 : i32
      %dma_wait3A_78 = arith.constant 0 : i32
      %dma_wait3A_79 = tpu.memref_slice %arg4[%arg1, %dma_wait3A_77, %dma_wait3A_78] : memref<16x250x80xi32, #tpu.memory_space<hbm>> -> memref<1x250x80xi32, #tpu.memory_space<hbm>>
      %dma_wait3A_80 = tpu.memref_squeeze %dma_wait3A_79 : memref<1x250x80xi32, #tpu.memory_space<hbm>> -> memref<250x80xi32, #tpu.memory_space<hbm>>
      tpu.wait_dma2 semaphore(%run_scoped3A : memref<!tpu.dma_semaphore, #tpu.memory_space<semaphore_mem>>) src(%dma_wait3A_80 : memref<250x80xi32, #tpu.memory_space<hbm>>) dst(%arg7 : memref<250x80xi32, #tpu.memory_space<vmem>>)
      tpu.yield
    }) : () -> ()
    %scan3A_35 = arith.constant 0 : i32
    %scan3A_36 = arith.constant 250 : i32
    %scan3A_37 = arith.addi %scan3A_35, %scan3A_36 : i32
    %scan3A_38 = arith.constant 1 : i32
    scf.for %scan3A_67 = %scan3A_35 to %scan3A_37 step %scan3A_38  : i32 {
      %mul3A_68 = arith.constant 1 : i32
      %mul3A_69 = arith.muli %scan3A_67, %mul3A_68 : i32
      %add3A_70 = arith.constant 0 : i32
      %add3A_71 = arith.addi %add3A_70, %mul3A_69 : i32
      %scan3A_72 = arith.constant 0 : i32
      %scan3A_73 = arith.constant 5 : i32
      %scan3A_74 = arith.addi %scan3A_72, %scan3A_73 : i32
      %scan3A_75 = arith.constant 1 : i32
      scf.for %scan3A_77 = %scan3A_72 to %scan3A_74 step %scan3A_75  : i32 {
        %mul3A_78 = arith.constant 16 : i32
        %mul3A_79 = arith.muli %scan3A_77, %mul3A_78 : i32
        %add3A_80 = arith.constant 0 : i32
        %add3A_81 = arith.addi %add3A_80, %mul3A_79 : i32
        %get3A = arith.index_cast %add3A_71 : i32 to index
        %get3A_82 = arith.index_cast %add3A_81 : i32 to index
        %get3A_83 = tpu.vector_load %arg7[%get3A, %get3A_82] {strides = array<i32>} : memref<250x80xi32, #tpu.memory_space<vmem>>, vector<1x16xi32>,
        %get3A_84 = vector.shape_cast %get3A_83 : vector<1x16xi32> to vector<16xi32>
        %sub3A = arith.constant 5120 : i32
        %sub3A_85 = vector.broadcast %sub3A : i32 to vector<16xi32>
        %sub3A_86 = arith.subi %get3A_84, %sub3A_85 : vector<16xi32>
        %ge3A = arith.constant 0 : i32
        %ge3A_87 = vector.broadcast %ge3A : i32 to vector<16xi32>
        %ge3A_88 = arith.cmpi sge, %sub3A_86, %ge3A_87 : vector<16xi32>
        %lt3A = arith.constant 5120 : i32
        %lt3A_89 = vector.broadcast %lt3A : i32 to vector<16xi32>
        %lt3A_90 = arith.cmpi slt, %sub3A_86, %lt3A_89 : vector<16xi32>
        %and3A = arith.andi %ge3A_88, %lt3A_90 : vector<16xi1>
        %jit3A = arith.constant 5120 : i32
        %broadcast_in_dim3A = vector.broadcast %jit3A : i32 to vector<16xi32>
        %select_n3A = arith.select %and3A, %sub3A_86, %broadcast_in_dim3A : vector<16xi1>, vector<16xi32>
        %swap3A = arith.index_cast %add3A_71 : i32 to index
        %swap3A_91 = arith.index_cast %add3A_81 : i32 to index
        %swap3A_92 = tpu.vector_load %arg7[%swap3A, %swap3A_91] {strides = array<i32>} : memref<250x80xi32, #tpu.memory_space<vmem>>, vector<1x16xi32>,
        %swap3A_93 = vector.shape_cast %swap3A_92 : vector<1x16xi32> to vector<16xi32>
        %swap3A_94 = vector.shape_cast %select_n3A : vector<16xi32> to vector<1x16xi32>
        tpu.vector_store %arg7[%swap3A, %swap3A_91], %swap3A_94 {strides = array<i32>} : memref<250x80xi32, #tpu.memory_space<vmem>>, vector<1x16xi32>,
      }
      %scan3A_76 = arith.constant 5 : i32
    }
    %scan3A_39 = arith.constant 250 : i32
    %scan3A_40 = arith.constant 0 : i32
    %scan3A_41 = arith.constant 4 : i32
    %scan3A_42 = arith.addi %scan3A_40, %scan3A_41 : i32
    %scan3A_43 = arith.constant 1 : i32
    scf.for %scan3A_67 = %scan3A_40 to %scan3A_42 step %scan3A_43  : i32 {
      %mul3A_68 = arith.constant 1 : i32
      %mul3A_69 = arith.muli %scan3A_67, %mul3A_68 : i32
      %add3A_70 = arith.constant 0 : i32
      %add3A_71 = arith.addi %add3A_70, %mul3A_69 : i32
      %mul3A_72 = arith.constant 320 : i32
      %mul3A_73 = arith.muli %arg1, %mul3A_72 : i32
      %mul3A_74 = arith.constant 80 : i32
      %mul3A_75 = arith.muli %add3A_71, %mul3A_74 : i32
      %add3A_76 = arith.addi %mul3A_73, %mul3A_75 : i32
      "tpu.region"() ({
        %run_scoped3A = tpu.sem_alloc : memref<!tpu.dma_semaphore, #tpu.memory_space<semaphore_mem>>
        %dma_start3A = arith.constant 0 : i32
        %dma_start3A_77 = tpu.memref_slice %arg12[%add3A_76, %dma_start3A] : memref<5128x128xf32, #tpu.memory_space<vmem_shared>> -> memref<80x128xf32, #tpu.memory_space<vmem_shared>>
        %dma_start3A_78 = arith.constant 0 : i32
        %dma_start3A_79 = tpu.memref_slice %arg12[%add3A_76, %dma_start3A_78] : memref<5128x128xf32, #tpu.memory_space<vmem_shared>> -> memref<80x128xf32, #tpu.memory_space<vmem_shared>>
        tpu.enqueue_dma source(%arg10 : memref<80x128xf32, #tpu.memory_space<vmem>>) target(%dma_start3A_79 : memref<80x128xf32, #tpu.memory_space<vmem_shared>>) target_semaphore(%run_scoped3A : memref<!tpu.dma_semaphore, #tpu.memory_space<semaphore_mem>>)
        %dma_wait3A = arith.constant 0 : i32
        %dma_wait3A_80 = tpu.memref_slice %arg12[%add3A_76, %dma_wait3A] : memref<5128x128xf32, #tpu.memory_space<vmem_shared>> -> memref<80x128xf32, #tpu.memory_space<vmem_shared>>
        %dma_wait3A_81 = arith.constant 0 : i32
        %dma_wait3A_82 = tpu.memref_slice %arg12[%add3A_76, %dma_wait3A_81] : memref<5128x128xf32, #tpu.memory_space<vmem_shared>> -> memref<80x128xf32, #tpu.memory_space<vmem_shared>>
        tpu.wait_dma2 semaphore(%run_scoped3A : memref<!tpu.dma_semaphore, #tpu.memory_space<semaphore_mem>>) src(%arg10 : memref<80x128xf32, #tpu.memory_space<vmem>>) dst(%dma_wait3A_82 : memref<80x128xf32, #tpu.memory_space<vmem_shared>>)
        tpu.yield
      }) : () -> ()
    }
    %scan3A_44 = arith.constant 4 : i32
    %barrier3A_45 = arith.constant 0 : index
    tpu.barrier barrier_id(%barrier3A_45)
    %eq3A_46 = arith.constant 0 : i32
    %eq3A_47 = arith.cmpi eq, %arg0, %eq3A_46 : i32
    %convert_element_type3A_48 = arith.extui %eq3A_47 : i1 to i32
    %cond3A_49 = arith.constant 0 : i32
    %cond3A_50 = arith.cmpi ne, %convert_element_type3A_48, %cond3A_49 : i32
    scf.if %cond3A_50 {
      %scan3A_67 = arith.constant 0 : i32
      %scan3A_68 = arith.constant 125 : i32
      %scan3A_69 = arith.addi %scan3A_67, %scan3A_68 : i32
      %scan3A_70 = arith.constant 1 : i32
      scf.for %scan3A_72 = %scan3A_67 to %scan3A_69 step %scan3A_70  : i32 {
        %mul3A_73 = arith.constant 1 : i32
        %mul3A_74 = arith.muli %scan3A_72, %mul3A_73 : i32
        %add3A_75 = arith.constant 0 : i32
        %add3A_76 = arith.addi %add3A_75, %mul3A_74 : i32
        %mul3A_77 = arith.constant 2 : i32
        %mul3A_78 = arith.muli %add3A_76, %mul3A_77 : i32
        %scan3A_79 = arith.constant 0 : i32
        %scan3A_80 = arith.constant 5 : i32
        %scan3A_81 = arith.addi %scan3A_79, %scan3A_80 : i32
        %scan3A_82 = arith.constant 1 : i32
        scf.for %scan3A_115 = %scan3A_79 to %scan3A_81 step %scan3A_82  : i32 {
          %mul3A_116 = arith.constant 16 : i32
          %mul3A_117 = arith.muli %scan3A_115, %mul3A_116 : i32
          %add3A_118 = arith.constant 0 : i32
          %add3A_119 = arith.addi %add3A_118, %mul3A_117 : i32
          %get3A = arith.index_cast %mul3A_78 : i32 to index
          %get3A_120 = arith.index_cast %add3A_119 : i32 to index
          %get3A_121 = tpu.vector_load %arg6[%get3A, %get3A_120] {strides = array<i32>} : memref<250x80xi32, #tpu.memory_space<vmem>>, vector<1x16xi32>,
          %get3A_122 = vector.shape_cast %get3A_121 : vector<1x16xi32> to vector<16xi32>
          %add3A_123 = arith.constant 0 : i32
          %add3A_124 = vector.broadcast %add3A_123 : i32 to vector<16xi32>
          %add3A_125 = arith.addi %get3A_122, %add3A_124 : vector<16xi32>
          %swap3A = arith.index_cast %add3A_119 : i32 to index
          %swap3A_126 = tpu.vector_load %arg8[%swap3A] {strides = array<i32>} : memref<80xi32, #tpu.memory_space<vmem>>, vector<16xi32>,
          %swap3A_127 = vector.shape_cast %swap3A_126 : vector<16xi32> to vector<16xi32>
          %swap3A_128 = vector.shape_cast %add3A_125 : vector<16xi32> to vector<16xi32>
          tpu.vector_store %arg8[%swap3A], %swap3A_128 {strides = array<i32>} : memref<80xi32, #tpu.memory_space<vmem>>, vector<16xi32>,
        }
        %scan3A_83 = arith.constant 5 : i32
        %dma_start3A = arith.constant 0 : i32
        %dma_start3A_84 = arith.constant 0 : i32
        %dma_start3A_85 = tpu.memref_slice %arg2[%dma_start3A, %dma_start3A_84] : memref<20000x128xf32, #tpu.memory_space<hbm>> -> memref<20000x128xf32, #tpu.memory_space<hbm>>
        tpu.enqueue_indirect_dma source(%dma_start3A_85 : memref<20000x128xf32, #tpu.memory_space<hbm>>) target(%arg10 : memref<80x128xf32, #tpu.memory_space<vmem>>) offsets(%arg8 : memref<80xi32, #tpu.memory_space<vmem>>) semaphore(%arg13 : memref<!tpu.dma_semaphore, #tpu.memory_space<semaphore_mem>>)
        %dma_wait3A = arith.constant 0 : i32
        %dma_wait3A_86 = arith.constant 0 : i32
        %dma_wait3A_87 = tpu.memref_slice %arg2[%dma_wait3A, %dma_wait3A_86] : memref<20000x128xf32, #tpu.memory_space<hbm>> -> memref<20000x128xf32, #tpu.memory_space<hbm>>
        tpu.wait_indirect_dma semaphore(%arg13 : memref<!tpu.dma_semaphore, #tpu.memory_space<semaphore_mem>>) src(%dma_wait3A_87 : memref<20000x128xf32, #tpu.memory_space<hbm>>) dst(%arg10 : memref<80x128xf32, #tpu.memory_space<vmem>>)
        %dma_start3A_88 = arith.constant 0 : i32
        %dma_start3A_89 = tpu.memref_slice %arg7[%mul3A_78, %dma_start3A_88] : memref<250x80xi32, #tpu.memory_space<vmem>> -> memref<1x80xi32, #tpu.memory_space<vmem>>
        %dma_start3A_90 = tpu.memref_squeeze %dma_start3A_89 : memref<1x80xi32, #tpu.memory_space<vmem>> -> memref<80xi32, #tpu.memory_space<vmem>>
        %dma_start3A_91 = arith.constant 0 : i32
        %dma_start3A_92 = arith.constant 0 : i32
        %dma_start3A_93 = tpu.memref_slice %arg12[%dma_start3A_91, %dma_start3A_92] : memref<5128x128xf32, #tpu.memory_space<vmem_shared>> -> memref<5128x128xf32, #tpu.memory_space<vmem_shared>>
        tpu.enqueue_indirect_dma source(%arg10 : memref<80x128xf32, #tpu.memory_space<vmem>>) target(%dma_start3A_93 : memref<5128x128xf32, #tpu.memory_space<vmem_shared>>) offsets(%dma_start3A_90 : memref<80xi32, #tpu.memory_space<vmem>>) semaphore(%arg14 : memref<!tpu.dma_semaphore, #tpu.memory_space<semaphore_mem>>) {add = true}
        %add3A_94 = arith.constant 1 : i32
        %add3A_95 = arith.addi %mul3A_78, %add3A_94 : i32
        %scan3A_96 = arith.constant 0 : i32
        %scan3A_97 = arith.constant 5 : i32
        %scan3A_98 = arith.addi %scan3A_96, %scan3A_97 : i32
        %scan3A_99 = arith.constant 1 : i32
        scf.for %scan3A_115 = %scan3A_96 to %scan3A_98 step %scan3A_99  : i32 {
          %mul3A_116 = arith.constant 16 : i32
          %mul3A_117 = arith.muli %scan3A_115, %mul3A_116 : i32
          %add3A_118 = arith.constant 0 : i32
          %add3A_119 = arith.addi %add3A_118, %mul3A_117 : i32
          %get3A = arith.index_cast %add3A_95 : i32 to index
          %get3A_120 = arith.index_cast %add3A_119 : i32 to index
          %get3A_121 = tpu.vector_load %arg6[%get3A, %get3A_120] {strides = array<i32>} : memref<250x80xi32, #tpu.memory_space<vmem>>, vector<1x16xi32>,
          %get3A_122 = vector.shape_cast %get3A_121 : vector<1x16xi32> to vector<16xi32>
          %add3A_123 = arith.constant 0 : i32
          %add3A_124 = vector.broadcast %add3A_123 : i32 to vector<16xi32>
          %add3A_125 = arith.addi %get3A_122, %add3A_124 : vector<16xi32>
          %swap3A = arith.index_cast %add3A_119 : i32 to index
          %swap3A_126 = tpu.vector_load %arg9[%swap3A] {strides = array<i32>} : memref<80xi32, #tpu.memory_space<vmem>>, vector<16xi32>,
          %swap3A_127 = vector.shape_cast %swap3A_126 : vector<16xi32> to vector<16xi32>
          %swap3A_128 = vector.shape_cast %add3A_125 : vector<16xi32> to vector<16xi32>
          tpu.vector_store %arg9[%swap3A], %swap3A_128 {strides = array<i32>} : memref<80xi32, #tpu.memory_space<vmem>>, vector<16xi32>,
        }
        %scan3A_100 = arith.constant 5 : i32
        %dma_start3A_101 = arith.constant 0 : i32
        %dma_start3A_102 = arith.constant 0 : i32
        %dma_start3A_103 = tpu.memref_slice %arg2[%dma_start3A_101, %dma_start3A_102] : memref<20000x128xf32, #tpu.memory_space<hbm>> -> memref<20000x128xf32, #tpu.memory_space<hbm>>
        tpu.enqueue_indirect_dma source(%dma_start3A_103 : memref<20000x128xf32, #tpu.memory_space<hbm>>) target(%arg11 : memref<80x128xf32, #tpu.memory_space<vmem>>) offsets(%arg9 : memref<80xi32, #tpu.memory_space<vmem>>) semaphore(%arg13 : memref<!tpu.dma_semaphore, #tpu.memory_space<semaphore_mem>>)
        %dma_wait3A_104 = arith.constant 0 : i32
        %dma_wait3A_105 = arith.constant 0 : i32
        %dma_wait3A_106 = tpu.memref_slice %arg2[%dma_wait3A_104, %dma_wait3A_105] : memref<20000x128xf32, #tpu.memory_space<hbm>> -> memref<20000x128xf32, #tpu.memory_space<hbm>>
        tpu.wait_indirect_dma semaphore(%arg13 : memref<!tpu.dma_semaphore, #tpu.memory_space<semaphore_mem>>) src(%dma_wait3A_106 : memref<20000x128xf32, #tpu.memory_space<hbm>>) dst(%arg11 : memref<80x128xf32, #tpu.memory_space<vmem>>)
        %dma_wait3A_107 = arith.constant 0 : i32
        %dma_wait3A_108 = tpu.memref_slice %arg7[%mul3A_78, %dma_wait3A_107] : memref<250x80xi32, #tpu.memory_space<vmem>> -> memref<1x80xi32, #tpu.memory_space<vmem>>
        %dma_wait3A_109 = tpu.memref_squeeze %dma_wait3A_108 : memref<1x80xi32, #tpu.memory_space<vmem>> -> memref<80xi32, #tpu.memory_space<vmem>>
        %dma_wait3A_110 = arith.constant 0 : i32
        %dma_wait3A_111 = arith.constant 0 : i32
        %dma_wait3A_112 = tpu.memref_slice %arg12[%dma_wait3A_110, %dma_wait3A_111] : memref<5128x128xf32, #tpu.memory_space<vmem_shared>> -> memref<5128x128xf32, #tpu.memory_space<vmem_shared>>
        tpu.wait_indirect_dma semaphore(%arg14 : memref<!tpu.dma_semaphore, #tpu.memory_space<semaphore_mem>>) src(%arg10 : memref<80x128xf32, #tpu.memory_space<vmem>>) dst(%dma_wait3A_112 : memref<5128x128xf32, #tpu.memory_space<vmem_shared>>)
        %add3A_113 = arith.constant 1 : i32
        %add3A_114 = arith.addi %mul3A_78, %add3A_113 : i32
        "tpu.region"() ({
          %run_scoped3A = tpu.sem_alloc : memref<!tpu.dma_semaphore, #tpu.memory_space<semaphore_mem>>
          %dma_start3A_115 = arith.constant 0 : i32
          %dma_start3A_116 = tpu.memref_slice %arg7[%add3A_114, %dma_start3A_115] : memref<250x80xi32, #tpu.memory_space<vmem>> -> memref<1x80xi32, #tpu.memory_space<vmem>>
          %dma_start3A_117 = tpu.memref_squeeze %dma_start3A_116 : memref<1x80xi32, #tpu.memory_space<vmem>> -> memref<80xi32, #tpu.memory_space<vmem>>
          %dma_start3A_118 = arith.constant 0 : i32
          %dma_start3A_119 = arith.constant 0 : i32
          %dma_start3A_120 = tpu.memref_slice %arg12[%dma_start3A_118, %dma_start3A_119] : memref<5128x128xf32, #tpu.memory_space<vmem_shared>> -> memref<5128x128xf32, #tpu.memory_space<vmem_shared>>
          tpu.enqueue_indirect_dma source(%arg11 : memref<80x128xf32, #tpu.memory_space<vmem>>) target(%dma_start3A_120 : memref<5128x128xf32, #tpu.memory_space<vmem_shared>>) offsets(%dma_start3A_117 : memref<80xi32, #tpu.memory_space<vmem>>) semaphore(%run_scoped3A : memref<!tpu.dma_semaphore, #tpu.memory_space<semaphore_mem>>) {add = true}
          %dma_wait3A_121 = arith.constant 0 : i32
          %dma_wait3A_122 = tpu.memref_slice %arg7[%add3A_114, %dma_wait3A_121] : memref<250x80xi32, #tpu.memory_space<vmem>> -> memref<1x80xi32, #tpu.memory_space<vmem>>
          %dma_wait3A_123 = tpu.memref_squeeze %dma_wait3A_122 : memref<1x80xi32, #tpu.memory_space<vmem>> -> memref<80xi32, #tpu.memory_space<vmem>>
          %dma_wait3A_124 = arith.constant 0 : i32
          %dma_wait3A_125 = arith.constant 0 : i32
          %dma_wait3A_126 = tpu.memref_slice %arg12[%dma_wait3A_124, %dma_wait3A_125] : memref<5128x128xf32, #tpu.memory_space<vmem_shared>> -> memref<5128x128xf32, #tpu.memory_space<vmem_shared>>
          tpu.wait_indirect_dma semaphore(%run_scoped3A : memref<!tpu.dma_semaphore, #tpu.memory_space<semaphore_mem>>) src(%arg11 : memref<80x128xf32, #tpu.memory_space<vmem>>) dst(%dma_wait3A_126 : memref<5128x128xf32, #tpu.memory_space<vmem_shared>>)
          tpu.yield
        }) : () -> ()
      }
      %scan3A_71 = arith.constant 125 : i32
    } else {
    }
    %eq3A_51 = arith.constant 1 : i32
    %eq3A_52 = arith.cmpi eq, %arg0, %eq3A_51 : i32
    %convert_element_type3A_53 = arith.extui %eq3A_52 : i1 to i32
    %cond3A_54 = arith.constant 0 : i32
    %cond3A_55 = arith.cmpi ne, %convert_element_type3A_53, %cond3A_54 : i32
    scf.if %cond3A_55 {
      %scan3A_67 = arith.constant 0 : i32
      %scan3A_68 = arith.constant 125 : i32
      %scan3A_69 = arith.addi %scan3A_67, %scan3A_68 : i32
      %scan3A_70 = arith.constant 1 : i32
      scf.for %scan3A_72 = %scan3A_67 to %scan3A_69 step %scan3A_70  : i32 {
        %mul3A_73 = arith.constant 1 : i32
        %mul3A_74 = arith.muli %scan3A_72, %mul3A_73 : i32
        %add3A_75 = arith.constant 0 : i32
        %add3A_76 = arith.addi %add3A_75, %mul3A_74 : i32
        %mul3A_77 = arith.constant 2 : i32
        %mul3A_78 = arith.muli %add3A_76, %mul3A_77 : i32
        %scan3A_79 = arith.constant 0 : i32
        %scan3A_80 = arith.constant 5 : i32
        %scan3A_81 = arith.addi %scan3A_79, %scan3A_80 : i32
        %scan3A_82 = arith.constant 1 : i32
        scf.for %scan3A_115 = %scan3A_79 to %scan3A_81 step %scan3A_82  : i32 {
          %mul3A_116 = arith.constant 16 : i32
          %mul3A_117 = arith.muli %scan3A_115, %mul3A_116 : i32
          %add3A_118 = arith.constant 0 : i32
          %add3A_119 = arith.addi %add3A_118, %mul3A_117 : i32
          %get3A = arith.index_cast %mul3A_78 : i32 to index
          %get3A_120 = arith.index_cast %add3A_119 : i32 to index
          %get3A_121 = tpu.vector_load %arg6[%get3A, %get3A_120] {strides = array<i32>} : memref<250x80xi32, #tpu.memory_space<vmem>>, vector<1x16xi32>,
          %get3A_122 = vector.shape_cast %get3A_121 : vector<1x16xi32> to vector<16xi32>
          %add3A_123 = arith.constant 10000 : i32
          %add3A_124 = vector.broadcast %add3A_123 : i32 to vector<16xi32>
          %add3A_125 = arith.addi %get3A_122, %add3A_124 : vector<16xi32>
          %swap3A = arith.index_cast %add3A_119 : i32 to index
          %swap3A_126 = tpu.vector_load %arg8[%swap3A] {strides = array<i32>} : memref<80xi32, #tpu.memory_space<vmem>>, vector<16xi32>,
          %swap3A_127 = vector.shape_cast %swap3A_126 : vector<16xi32> to vector<16xi32>
          %swap3A_128 = vector.shape_cast %add3A_125 : vector<16xi32> to vector<16xi32>
          tpu.vector_store %arg8[%swap3A], %swap3A_128 {strides = array<i32>} : memref<80xi32, #tpu.memory_space<vmem>>, vector<16xi32>,
        }
        %scan3A_83 = arith.constant 5 : i32
        %dma_start3A = arith.constant 0 : i32
        %dma_start3A_84 = arith.constant 0 : i32
        %dma_start3A_85 = tpu.memref_slice %arg2[%dma_start3A, %dma_start3A_84] : memref<20000x128xf32, #tpu.memory_space<hbm>> -> memref<20000x128xf32, #tpu.memory_space<hbm>>
        tpu.enqueue_indirect_dma source(%dma_start3A_85 : memref<20000x128xf32, #tpu.memory_space<hbm>>) target(%arg10 : memref<80x128xf32, #tpu.memory_space<vmem>>) offsets(%arg8 : memref<80xi32, #tpu.memory_space<vmem>>) semaphore(%arg13 : memref<!tpu.dma_semaphore, #tpu.memory_space<semaphore_mem>>)
        %dma_wait3A = arith.constant 0 : i32
        %dma_wait3A_86 = arith.constant 0 : i32
        %dma_wait3A_87 = tpu.memref_slice %arg2[%dma_wait3A, %dma_wait3A_86] : memref<20000x128xf32, #tpu.memory_space<hbm>> -> memref<20000x128xf32, #tpu.memory_space<hbm>>
        tpu.wait_indirect_dma semaphore(%arg13 : memref<!tpu.dma_semaphore, #tpu.memory_space<semaphore_mem>>) src(%dma_wait3A_87 : memref<20000x128xf32, #tpu.memory_space<hbm>>) dst(%arg10 : memref<80x128xf32, #tpu.memory_space<vmem>>)
        %dma_start3A_88 = arith.constant 0 : i32
        %dma_start3A_89 = tpu.memref_slice %arg7[%mul3A_78, %dma_start3A_88] : memref<250x80xi32, #tpu.memory_space<vmem>> -> memref<1x80xi32, #tpu.memory_space<vmem>>
        %dma_start3A_90 = tpu.memref_squeeze %dma_start3A_89 : memref<1x80xi32, #tpu.memory_space<vmem>> -> memref<80xi32, #tpu.memory_space<vmem>>
        %dma_start3A_91 = arith.constant 0 : i32
        %dma_start3A_92 = arith.constant 0 : i32
        %dma_start3A_93 = tpu.memref_slice %arg12[%dma_start3A_91, %dma_start3A_92] : memref<5128x128xf32, #tpu.memory_space<vmem_shared>> -> memref<5128x128xf32, #tpu.memory_space<vmem_shared>>
        tpu.enqueue_indirect_dma source(%arg10 : memref<80x128xf32, #tpu.memory_space<vmem>>) target(%dma_start3A_93 : memref<5128x128xf32, #tpu.memory_space<vmem_shared>>) offsets(%dma_start3A_90 : memref<80xi32, #tpu.memory_space<vmem>>) semaphore(%arg14 : memref<!tpu.dma_semaphore, #tpu.memory_space<semaphore_mem>>) {add = true}
        %add3A_94 = arith.constant 1 : i32
        %add3A_95 = arith.addi %mul3A_78, %add3A_94 : i32
        %scan3A_96 = arith.constant 0 : i32
        %scan3A_97 = arith.constant 5 : i32
        %scan3A_98 = arith.addi %scan3A_96, %scan3A_97 : i32
        %scan3A_99 = arith.constant 1 : i32
        scf.for %scan3A_115 = %scan3A_96 to %scan3A_98 step %scan3A_99  : i32 {
          %mul3A_116 = arith.constant 16 : i32
          %mul3A_117 = arith.muli %scan3A_115, %mul3A_116 : i32
          %add3A_118 = arith.constant 0 : i32
          %add3A_119 = arith.addi %add3A_118, %mul3A_117 : i32
          %get3A = arith.index_cast %add3A_95 : i32 to index
          %get3A_120 = arith.index_cast %add3A_119 : i32 to index
          %get3A_121 = tpu.vector_load %arg6[%get3A, %get3A_120] {strides = array<i32>} : memref<250x80xi32, #tpu.memory_space<vmem>>, vector<1x16xi32>,
          %get3A_122 = vector.shape_cast %get3A_121 : vector<1x16xi32> to vector<16xi32>
          %add3A_123 = arith.constant 10000 : i32
          %add3A_124 = vector.broadcast %add3A_123 : i32 to vector<16xi32>
          %add3A_125 = arith.addi %get3A_122, %add3A_124 : vector<16xi32>
          %swap3A = arith.index_cast %add3A_119 : i32 to index
          %swap3A_126 = tpu.vector_load %arg9[%swap3A] {strides = array<i32>} : memref<80xi32, #tpu.memory_space<vmem>>, vector<16xi32>,
          %swap3A_127 = vector.shape_cast %swap3A_126 : vector<16xi32> to vector<16xi32>
          %swap3A_128 = vector.shape_cast %add3A_125 : vector<16xi32> to vector<16xi32>
          tpu.vector_store %arg9[%swap3A], %swap3A_128 {strides = array<i32>} : memref<80xi32, #tpu.memory_space<vmem>>, vector<16xi32>,
        }
        %scan3A_100 = arith.constant 5 : i32
        %dma_start3A_101 = arith.constant 0 : i32
        %dma_start3A_102 = arith.constant 0 : i32
        %dma_start3A_103 = tpu.memref_slice %arg2[%dma_start3A_101, %dma_start3A_102] : memref<20000x128xf32, #tpu.memory_space<hbm>> -> memref<20000x128xf32, #tpu.memory_space<hbm>>
        tpu.enqueue_indirect_dma source(%dma_start3A_103 : memref<20000x128xf32, #tpu.memory_space<hbm>>) target(%arg11 : memref<80x128xf32, #tpu.memory_space<vmem>>) offsets(%arg9 : memref<80xi32, #tpu.memory_space<vmem>>) semaphore(%arg13 : memref<!tpu.dma_semaphore, #tpu.memory_space<semaphore_mem>>)
        %dma_wait3A_104 = arith.constant 0 : i32
        %dma_wait3A_105 = arith.constant 0 : i32
        %dma_wait3A_106 = tpu.memref_slice %arg2[%dma_wait3A_104, %dma_wait3A_105] : memref<20000x128xf32, #tpu.memory_space<hbm>> -> memref<20000x128xf32, #tpu.memory_space<hbm>>
        tpu.wait_indirect_dma semaphore(%arg13 : memref<!tpu.dma_semaphore, #tpu.memory_space<semaphore_mem>>) src(%dma_wait3A_106 : memref<20000x128xf32, #tpu.memory_space<hbm>>) dst(%arg11 : memref<80x128xf32, #tpu.memory_space<vmem>>)
        %dma_wait3A_107 = arith.constant 0 : i32
        %dma_wait3A_108 = tpu.memref_slice %arg7[%mul3A_78, %dma_wait3A_107] : memref<250x80xi32, #tpu.memory_space<vmem>> -> memref<1x80xi32, #tpu.memory_space<vmem>>
        %dma_wait3A_109 = tpu.memref_squeeze %dma_wait3A_108 : memref<1x80xi32, #tpu.memory_space<vmem>> -> memref<80xi32, #tpu.memory_space<vmem>>
        %dma_wait3A_110 = arith.constant 0 : i32
        %dma_wait3A_111 = arith.constant 0 : i32
        %dma_wait3A_112 = tpu.memref_slice %arg12[%dma_wait3A_110, %dma_wait3A_111] : memref<5128x128xf32, #tpu.memory_space<vmem_shared>> -> memref<5128x128xf32, #tpu.memory_space<vmem_shared>>
        tpu.wait_indirect_dma semaphore(%arg14 : memref<!tpu.dma_semaphore, #tpu.memory_space<semaphore_mem>>) src(%arg10 : memref<80x128xf32, #tpu.memory_space<vmem>>) dst(%dma_wait3A_112 : memref<5128x128xf32, #tpu.memory_space<vmem_shared>>)
        %add3A_113 = arith.constant 1 : i32
        %add3A_114 = arith.addi %mul3A_78, %add3A_113 : i32
        "tpu.region"() ({
          %run_scoped3A = tpu.sem_alloc : memref<!tpu.dma_semaphore, #tpu.memory_space<semaphore_mem>>
          %dma_start3A_115 = arith.constant 0 : i32
          %dma_start3A_116 = tpu.memref_slice %arg7[%add3A_114, %dma_start3A_115] : memref<250x80xi32, #tpu.memory_space<vmem>> -> memref<1x80xi32, #tpu.memory_space<vmem>>
          %dma_start3A_117 = tpu.memref_squeeze %dma_start3A_116 : memref<1x80xi32, #tpu.memory_space<vmem>> -> memref<80xi32, #tpu.memory_space<vmem>>
          %dma_start3A_118 = arith.constant 0 : i32
          %dma_start3A_119 = arith.constant 0 : i32
          %dma_start3A_120 = tpu.memref_slice %arg12[%dma_start3A_118, %dma_start3A_119] : memref<5128x128xf32, #tpu.memory_space<vmem_shared>> -> memref<5128x128xf32, #tpu.memory_space<vmem_shared>>
          tpu.enqueue_indirect_dma source(%arg11 : memref<80x128xf32, #tpu.memory_space<vmem>>) target(%dma_start3A_120 : memref<5128x128xf32, #tpu.memory_space<vmem_shared>>) offsets(%dma_start3A_117 : memref<80xi32, #tpu.memory_space<vmem>>) semaphore(%run_scoped3A : memref<!tpu.dma_semaphore, #tpu.memory_space<semaphore_mem>>) {add = true}
          %dma_wait3A_121 = arith.constant 0 : i32
          %dma_wait3A_122 = tpu.memref_slice %arg7[%add3A_114, %dma_wait3A_121] : memref<250x80xi32, #tpu.memory_space<vmem>> -> memref<1x80xi32, #tpu.memory_space<vmem>>
          %dma_wait3A_123 = tpu.memref_squeeze %dma_wait3A_122 : memref<1x80xi32, #tpu.memory_space<vmem>> -> memref<80xi32, #tpu.memory_space<vmem>>
          %dma_wait3A_124 = arith.constant 0 : i32
          %dma_wait3A_125 = arith.constant 0 : i32
          %dma_wait3A_126 = tpu.memref_slice %arg12[%dma_wait3A_124, %dma_wait3A_125] : memref<5128x128xf32, #tpu.memory_space<vmem_shared>> -> memref<5128x128xf32, #tpu.memory_space<vmem_shared>>
          tpu.wait_indirect_dma semaphore(%run_scoped3A : memref<!tpu.dma_semaphore, #tpu.memory_space<semaphore_mem>>) src(%arg11 : memref<80x128xf32, #tpu.memory_space<vmem>>) dst(%dma_wait3A_126 : memref<5128x128xf32, #tpu.memory_space<vmem_shared>>)
          tpu.yield
        }) : () -> ()
      }
      %scan3A_71 = arith.constant 125 : i32
    } else {
    }
    %barrier3A_56 = arith.constant 0 : index
    tpu.barrier barrier_id(%barrier3A_56)
    %mul3A_57 = arith.constant 320 : i32
    %mul3A_58 = arith.muli %arg1, %mul3A_57 : i32
    %mul3A_59 = arith.constant 10240 : i32
    %mul3A_60 = arith.muli %arg0, %mul3A_59 : i32
    %add3A_61 = arith.constant 5120 : i32
    %add3A_62 = arith.addi %mul3A_60, %add3A_61 : i32
    %mul3A_63 = arith.constant 320 : i32
    %mul3A_64 = arith.muli %arg1, %mul3A_63 : i32
    %add3A_65 = arith.addi %add3A_62, %mul3A_64 : i32
    "tpu.region"() ({
      %run_scoped3A = tpu.sem_alloc : memref<!tpu.dma_semaphore, #tpu.memory_space<semaphore_mem>>
      %dma_start3A = arith.constant 0 : i32
      %dma_start3A_67 = tpu.memref_slice %arg5[%add3A_65, %dma_start3A] : memref<20480x128xf32, #tpu.memory_space<hbm>> -> memref<320x128xf32, #tpu.memory_space<hbm>>
      %dma_start3A_68 = arith.constant 0 : i32
      %dma_start3A_69 = tpu.memref_slice %arg12[%mul3A_58, %dma_start3A_68] : memref<5128x128xf32, #tpu.memory_space<vmem_shared>> -> memref<320x128xf32, #tpu.memory_space<vmem_shared>>
      tpu.enqueue_dma source(%dma_start3A_69 : memref<320x128xf32, #tpu.memory_space<vmem_shared>>) target(%dma_start3A_67 : memref<320x128xf32, #tpu.memory_space<hbm>>) target_semaphore(%run_scoped3A : memref<!tpu.dma_semaphore, #tpu.memory_space<semaphore_mem>>)
      %dma_wait3A = arith.constant 0 : i32
      %dma_wait3A_70 = tpu.memref_slice %arg5[%add3A_65, %dma_wait3A] : memref<20480x128xf32, #tpu.memory_space<hbm>> -> memref<320x128xf32, #tpu.memory_space<hbm>>
      %dma_wait3A_71 = arith.constant 0 : i32
      %dma_wait3A_72 = tpu.memref_slice %arg12[%mul3A_58, %dma_wait3A_71] : memref<5128x128xf32, #tpu.memory_space<vmem_shared>> -> memref<320x128xf32, #tpu.memory_space<vmem_shared>>
      tpu.wait_dma2 semaphore(%run_scoped3A : memref<!tpu.dma_semaphore, #tpu.memory_space<semaphore_mem>>) src(%dma_wait3A_72 : memref<320x128xf32, #tpu.memory_space<vmem_shared>>) dst(%dma_wait3A_70 : memref<320x128xf32, #tpu.memory_space<hbm>>)
      tpu.yield
    }) : () -> ()
    %barrier3A_66 = arith.constant 0 : index
    tpu.barrier barrier_id(%barrier3A_66)
    return
  }
}

module attributes {stable_mosaic.version = 14 : i64} {
  func.func @_tc1_body(%arg0: i32, %arg1: memref<1000x128xf32, #tpu.memory_space<vmem>>, %arg2: memref<128x256xf32, #tpu.memory_space<vmem>>, %arg3: memref<2x1000x16xf32, #tpu.memory_space<vmem>>, %arg4: memref<2x1000x128xf32, #tpu.memory_space<vmem>>, %arg5: memref<1000x1xf32, #tpu.memory_space<vmem>>) attributes {dimension_semantics = [#tpu.dimension_semantics<arbitrary>], iteration_bounds = array<i64: 10>, scalar_prefetch = 0 : i64, scratch_operands = 0 : i64, tpu.core_type = #tpu.core_type<tc>, window_params = [{transform_indices = @transform_0, window_bounds = array<i64: 1000, 128>}, {pipeline_mode = #tpu.pipeline_mode<synchronous>, transform_indices = @transform_1, window_bounds = array<i64: 128, 256>}, {transform_indices = @transform_2, window_bounds = array<i64: 2, 1000, 16>}, {transform_indices = @transform_3, window_bounds = array<i64: 2, 1000, 128>}, {transform_indices = @transform_4, window_bounds = array<i64: 1000, 1>}]} {
    %get3A = arith.constant 0 : index
    %get3A_0 = arith.constant 0 : index
    %get3A_1 = arith.constant 0 : index
    %get3A_2 = vector.load %arg3[%get3A, %get3A_0, %get3A_1] : memref<2x1000x16xf32, #tpu.memory_space<vmem>>, vector<2x1000x16xf32>
    %slice3A = vector.extract_strided_slice %get3A_2 {offsets = [0, 0, 0], sizes = [1, 1000, 1], strides = [1, 1, 1]} : vector<2x1000x16xf32> to vector<1x1000x1xf32>
    %squeeze3A = vector.shape_cast %slice3A : vector<1x1000x1xf32> to vector<1000x1xf32>
    %slice3A_3 = vector.extract_strided_slice %get3A_2 {offsets = [1, 0, 0], sizes = [1, 1000, 1], strides = [1, 1, 1]} : vector<2x1000x16xf32> to vector<1x1000x1xf32>
    %squeeze3A_4 = vector.shape_cast %slice3A_3 : vector<1x1000x1xf32> to vector<1000x1xf32>
    %add3A = arith.addf %squeeze3A, %squeeze3A_4 : vector<1000x1xf32>
    %add3A_5 = arith.constant 1.000000e+00 : f32
    %add3A_6 = vector.broadcast %add3A_5 : f32 to vector<1000x1xf32>
    %add3A_7 = arith.addf %add3A, %add3A_6 : vector<1000x1xf32>
    %rsqrt3A = math.rsqrt %add3A_7 : vector<1000x1xf32>
    %get3A_8 = arith.constant 0 : index
    %get3A_9 = arith.constant 0 : index
    %get3A_10 = vector.load %arg1[%get3A_8, %get3A_9] : memref<1000x128xf32, #tpu.memory_space<vmem>>, vector<1000x128xf32>
    %get3A_11 = arith.constant 0 : index
    %get3A_12 = arith.constant 0 : index
    %get3A_13 = vector.load %arg2[%get3A_11, %get3A_12] : memref<128x256xf32, #tpu.memory_space<vmem>>, vector<128x256xf32>
    %dot_general3A = arith.constant dense<0.000000e+00> : vector<1000x256xf32>
    %dot_general3A_14 = tpu.matmul %get3A_10, %get3A_13, %dot_general3A {dimension_numbers = #tpu.dot_dimension_numbers<[1], [0], [0], [1], [0, 0, 1, 1], [], []>, transpose_lhs_hint = false} : vector<1000x128xf32>, vector<128x256xf32>, vector<1000x256xf32> -> vector<1000x256xf32>
    %mul3A = vector.broadcast %rsqrt3A : vector<1000x1xf32> to vector<1000x256xf32>
    %mul3A_15 = arith.mulf %dot_general3A_14, %mul3A : vector<1000x256xf32>
    %slice3A_16 = vector.extract_strided_slice %mul3A_15 {offsets = [0, 0], sizes = [1000, 128], strides = [1, 1]} : vector<1000x256xf32> to vector<1000x128xf32>
    %swap3A = arith.constant 0 : index
    %swap3A_17 = arith.constant 0 : index
    %swap3A_18 = arith.constant 0 : index
    %swap3A_19 = vector.load %arg4[%swap3A, %swap3A_17, %swap3A_18] : memref<2x1000x128xf32, #tpu.memory_space<vmem>>, vector<1x1000x128xf32>
    %swap3A_20 = vector.shape_cast %swap3A_19 : vector<1x1000x128xf32> to vector<1000x128xf32>
    %swap3A_21 = vector.shape_cast %slice3A_16 : vector<1000x128xf32> to vector<1x1000x128xf32>
    tpu.vector_store %arg4[%swap3A, %swap3A_17, %swap3A_18], %swap3A_21 {strides = array<i32>} : memref<2x1000x128xf32, #tpu.memory_space<vmem>>, vector<1x1000x128xf32>,
    %slice3A_22 = vector.extract_strided_slice %mul3A_15 {offsets = [0, 128], sizes = [1000, 128], strides = [1, 1]} : vector<1000x256xf32> to vector<1000x128xf32>
    %swap3A_23 = arith.constant 1 : index
    %swap3A_24 = arith.constant 0 : index
    %swap3A_25 = arith.constant 0 : index
    %swap3A_26 = vector.load %arg4[%swap3A_23, %swap3A_24, %swap3A_25] : memref<2x1000x128xf32, #tpu.memory_space<vmem>>, vector<1x1000x128xf32>
    %swap3A_27 = vector.shape_cast %swap3A_26 : vector<1x1000x128xf32> to vector<1000x128xf32>
    %swap3A_28 = vector.shape_cast %slice3A_22 : vector<1000x128xf32> to vector<1x1000x128xf32>
    tpu.vector_store %arg4[%swap3A_23, %swap3A_24, %swap3A_25], %swap3A_28 {strides = array<i32>} : memref<2x1000x128xf32, #tpu.memory_space<vmem>>, vector<1x1000x128xf32>,
    %swap3A_29 = arith.constant 0 : index
    %swap3A_30 = arith.constant 0 : index
    %swap3A_31 = vector.load %arg5[%swap3A_29, %swap3A_30] : memref<1000x1xf32, #tpu.memory_space<vmem>>, vector<1000x1xf32>
    tpu.vector_store %arg5[%swap3A_29, %swap3A_30], %rsqrt3A {strides = array<i32>} : memref<1000x1xf32, #tpu.memory_space<vmem>>, vector<1000x1xf32>,
    return
  }
  func.func @transform_0(%arg0: i32) -> (i32, i32) {
    %c0_i32 = arith.constant 0 : i32
    %c0_i32_0 = arith.constant 0 : i32
    return %arg0, %c0_i32 : i32, i32
  }
  func.func @transform_1(%arg0: i32) -> (i32, i32) {
    %c0_i32 = arith.constant 0 : i32
    %c0_i32_0 = arith.constant 0 : i32
    %c0_i32_1 = arith.constant 0 : i32
    return %c0_i32, %c0_i32_0 : i32, i32
  }
  func.func @transform_2(%arg0: i32) -> (i32, i32, i32) {
    %c0_i32 = arith.constant 0 : i32
    %c0_i32_0 = arith.constant 0 : i32
    %c0_i32_1 = arith.constant 0 : i32
    return %c0_i32, %arg0, %c0_i32_0 : i32, i32, i32
  }
  func.func @transform_3(%arg0: i32) -> (i32, i32, i32) {
    %c0_i32 = arith.constant 0 : i32
    %c0_i32_0 = arith.constant 0 : i32
    %c0_i32_1 = arith.constant 0 : i32
    return %c0_i32, %arg0, %c0_i32_0 : i32, i32, i32
  }
  func.func @transform_4(%arg0: i32) -> (i32, i32) {
    %c0_i32 = arith.constant 0 : i32
    %c0_i32_0 = arith.constant 0 : i32
    return %arg0, %c0_i32 : i32, i32
  }
}

module attributes {stable_mosaic.version = 14 : i64} {
  func.func @_tc2_body(%arg0: i32, %arg1: memref<2x1000x128xf32, #tpu.memory_space<vmem>>, %arg2: memref<2x1000x128xf32, #tpu.memory_space<vmem>>, %arg3: memref<1000x1xf32, #tpu.memory_space<vmem>>, %arg4: memref<1x256xf32, #tpu.memory_space<vmem>>, %arg5: memref<256x256xf32, #tpu.memory_space<vmem>>, %arg6: memref<2x1000x128xf32, #tpu.memory_space<vmem>>) attributes {dimension_semantics = [#tpu.dimension_semantics<arbitrary>], iteration_bounds = array<i64: 10>, scalar_prefetch = 0 : i64, scratch_operands = 0 : i64, tpu.core_type = #tpu.core_type<tc>, window_params = [{transform_indices = @transform_0, window_bounds = array<i64: 2, 1000, 128>}, {transform_indices = @transform_1, window_bounds = array<i64: 2, 1000, 128>}, {transform_indices = @transform_2, window_bounds = array<i64: 1000, 1>}, {pipeline_mode = #tpu.pipeline_mode<synchronous>, transform_indices = @transform_3, window_bounds = array<i64: 1, 256>}, {pipeline_mode = #tpu.pipeline_mode<synchronous>, transform_indices = @transform_4, window_bounds = array<i64: 256, 256>}, {transform_indices = @transform_5, window_bounds = array<i64: 2, 1000, 128>}]} {
    %get3A = arith.constant 0 : index
    %get3A_0 = arith.constant 0 : index
    %get3A_1 = arith.constant 0 : index
    %get3A_2 = vector.load %arg1[%get3A, %get3A_0, %get3A_1] : memref<2x1000x128xf32, #tpu.memory_space<vmem>>, vector<2x1000x128xf32>
    %get3A_3 = arith.constant 0 : index
    %get3A_4 = arith.constant 0 : index
    %get3A_5 = arith.constant 0 : index
    %get3A_6 = vector.load %arg2[%get3A_3, %get3A_4, %get3A_5] : memref<2x1000x128xf32, #tpu.memory_space<vmem>>, vector<2x1000x128xf32>
    %slice3A = vector.extract_strided_slice %get3A_2 {offsets = [0, 0, 0], sizes = [1, 1000, 128], strides = [1, 1, 1]} : vector<2x1000x128xf32> to vector<1x1000x128xf32>
    %squeeze3A = vector.shape_cast %slice3A : vector<1x1000x128xf32> to vector<1000x128xf32>
    %slice3A_7 = vector.extract_strided_slice %get3A_6 {offsets = [0, 0, 0], sizes = [1, 1000, 128], strides = [1, 1, 1]} : vector<2x1000x128xf32> to vector<1x1000x128xf32>
    %squeeze3A_8 = vector.shape_cast %slice3A_7 : vector<1x1000x128xf32> to vector<1000x128xf32>
    %add3A = arith.addf %squeeze3A, %squeeze3A_8 : vector<1000x128xf32>
    %slice3A_9 = vector.extract_strided_slice %get3A_2 {offsets = [1, 0, 0], sizes = [1, 1000, 128], strides = [1, 1, 1]} : vector<2x1000x128xf32> to vector<1x1000x128xf32>
    %squeeze3A_10 = vector.shape_cast %slice3A_9 : vector<1x1000x128xf32> to vector<1000x128xf32>
    %slice3A_11 = vector.extract_strided_slice %get3A_6 {offsets = [1, 0, 0], sizes = [1, 1000, 128], strides = [1, 1, 1]} : vector<2x1000x128xf32> to vector<1x1000x128xf32>
    %squeeze3A_12 = vector.shape_cast %slice3A_11 : vector<1x1000x128xf32> to vector<1000x128xf32>
    %add3A_13 = arith.addf %squeeze3A_10, %squeeze3A_12 : vector<1000x128xf32>
    %concatenate3A = tpu.concatenate %add3A, %add3A_13 in 1 : vector<1000x128xf32>, vector<1000x128xf32> -> vector<1000x256xf32>
    %get3A_14 = arith.constant 0 : index
    %get3A_15 = arith.constant 0 : index
    %get3A_16 = vector.load %arg3[%get3A_14, %get3A_15] : memref<1000x1xf32, #tpu.memory_space<vmem>>, vector<1000x1xf32>
    %mul3A = vector.broadcast %get3A_16 : vector<1000x1xf32> to vector<1000x256xf32>
    %mul3A_17 = arith.mulf %mul3A, %concatenate3A : vector<1000x256xf32>
    %get3A_18 = arith.constant 0 : index
    %get3A_19 = arith.constant 0 : index
    %get3A_20 = vector.load %arg4[%get3A_18, %get3A_19] : memref<1x256xf32, #tpu.memory_space<vmem>>, vector<1x256xf32>
    %add3A_21 = vector.broadcast %get3A_20 : vector<1x256xf32> to vector<1000x256xf32>
    %add3A_22 = arith.addf %mul3A_17, %add3A_21 : vector<1000x256xf32>
    %max3A = arith.constant 0.000000e+00 : f32
    %max3A_23 = vector.broadcast %max3A : f32 to vector<1000x256xf32>
    %max3A_24 = arith.maximumf %add3A_22, %max3A_23 : vector<1000x256xf32>
    %get3A_25 = arith.constant 0 : index
    %get3A_26 = arith.constant 0 : index
    %get3A_27 = vector.load %arg5[%get3A_25, %get3A_26] : memref<256x256xf32, #tpu.memory_space<vmem>>, vector<256x256xf32>
    %dot_general3A = arith.constant dense<0.000000e+00> : vector<1000x256xf32>
    %dot_general3A_28 = tpu.matmul %max3A_24, %get3A_27, %dot_general3A {dimension_numbers = #tpu.dot_dimension_numbers<[1], [0], [0], [1], [0, 0, 1, 1], [], []>, transpose_lhs_hint = false} : vector<1000x256xf32>, vector<256x256xf32>, vector<1000x256xf32> -> vector<1000x256xf32>
    %mul3A_29 = vector.broadcast %get3A_16 : vector<1000x1xf32> to vector<1000x256xf32>
    %mul3A_30 = arith.mulf %dot_general3A_28, %mul3A_29 : vector<1000x256xf32>
    %slice3A_31 = vector.extract_strided_slice %mul3A_30 {offsets = [0, 0], sizes = [1000, 128], strides = [1, 1]} : vector<1000x256xf32> to vector<1000x128xf32>
    %swap3A = arith.constant 0 : index
    %swap3A_32 = arith.constant 0 : index
    %swap3A_33 = arith.constant 0 : index
    %swap3A_34 = vector.load %arg6[%swap3A, %swap3A_32, %swap3A_33] : memref<2x1000x128xf32, #tpu.memory_space<vmem>>, vector<1x1000x128xf32>
    %swap3A_35 = vector.shape_cast %swap3A_34 : vector<1x1000x128xf32> to vector<1000x128xf32>
    %swap3A_36 = vector.shape_cast %slice3A_31 : vector<1000x128xf32> to vector<1x1000x128xf32>
    tpu.vector_store %arg6[%swap3A, %swap3A_32, %swap3A_33], %swap3A_36 {strides = array<i32>} : memref<2x1000x128xf32, #tpu.memory_space<vmem>>, vector<1x1000x128xf32>,
    %slice3A_37 = vector.extract_strided_slice %mul3A_30 {offsets = [0, 128], sizes = [1000, 128], strides = [1, 1]} : vector<1000x256xf32> to vector<1000x128xf32>
    %swap3A_38 = arith.constant 1 : index
    %swap3A_39 = arith.constant 0 : index
    %swap3A_40 = arith.constant 0 : index
    %swap3A_41 = vector.load %arg6[%swap3A_38, %swap3A_39, %swap3A_40] : memref<2x1000x128xf32, #tpu.memory_space<vmem>>, vector<1x1000x128xf32>
    %swap3A_42 = vector.shape_cast %swap3A_41 : vector<1x1000x128xf32> to vector<1000x128xf32>
    %swap3A_43 = vector.shape_cast %slice3A_37 : vector<1000x128xf32> to vector<1x1000x128xf32>
    tpu.vector_store %arg6[%swap3A_38, %swap3A_39, %swap3A_40], %swap3A_43 {strides = array<i32>} : memref<2x1000x128xf32, #tpu.memory_space<vmem>>, vector<1x1000x128xf32>,
    return
  }
  func.func @transform_0(%arg0: i32) -> (i32, i32, i32) {
    %c0_i32 = arith.constant 0 : i32
    %c0_i32_0 = arith.constant 0 : i32
    %c0_i32_1 = arith.constant 0 : i32
    return %c0_i32, %arg0, %c0_i32_0 : i32, i32, i32
  }
  func.func @transform_1(%arg0: i32) -> (i32, i32, i32) {
    %c0_i32 = arith.constant 0 : i32
    %c0_i32_0 = arith.constant 0 : i32
    %c0_i32_1 = arith.constant 0 : i32
    return %c0_i32, %arg0, %c0_i32_0 : i32, i32, i32
  }
  func.func @transform_2(%arg0: i32) -> (i32, i32) {
    %c0_i32 = arith.constant 0 : i32
    %c0_i32_0 = arith.constant 0 : i32
    return %arg0, %c0_i32 : i32, i32
  }
  func.func @transform_3(%arg0: i32) -> (i32, i32) {
    %c0_i32 = arith.constant 0 : i32
    %c0_i32_0 = arith.constant 0 : i32
    %c0_i32_1 = arith.constant 0 : i32
    return %c0_i32, %c0_i32_0 : i32, i32
  }
  func.func @transform_4(%arg0: i32) -> (i32, i32) {
    %c0_i32 = arith.constant 0 : i32
    %c0_i32_0 = arith.constant 0 : i32
    %c0_i32_1 = arith.constant 0 : i32
    return %c0_i32, %c0_i32_0 : i32, i32
  }
  func.func @transform_5(%arg0: i32) -> (i32, i32, i32) {
    %c0_i32 = arith.constant 0 : i32
    %c0_i32_0 = arith.constant 0 : i32
    %c0_i32_1 = arith.constant 0 : i32
    return %c0_i32, %arg0, %c0_i32_0 : i32, i32, i32
  }
}

module attributes {stable_mosaic.version = 14 : i64} {
  func.func @_tc3_body(%arg0: i32, %arg1: memref<2x1000x128xf32, #tpu.memory_space<vmem>>, %arg2: memref<2x1000x128xf32, #tpu.memory_space<vmem>>, %arg3: memref<1000x1xf32, #tpu.memory_space<vmem>>, %arg4: memref<1x256xf32, #tpu.memory_space<vmem>>, %arg5: memref<1x1x1000xi32, #tpu.memory_space<vmem>>, %arg6: memref<256x128xf32, #tpu.memory_space<vmem>>, %arg7: memref<1x128xf32, #tpu.memory_space<vmem>>, %arg8: memref<128x16xf32, #tpu.memory_space<vmem>>, %arg9: memref<1x16xf32, #tpu.memory_space<vmem>>, %arg10: memref<64x16xf32, #tpu.memory_space<vmem>>, %arg11: memref<64x16xf32, #tpu.memory_space<vmem>>, %arg12: memref<64x256xf32, #tpu.memory_space<vmem>>, %arg13: memref<64x1xf32, #tpu.memory_space<vmem>>) attributes {dimension_semantics = [#tpu.dimension_semantics<arbitrary>], iteration_bounds = array<i64: 10>, scalar_prefetch = 0 : i64, scratch_operands = 2 : i64, tpu.core_type = #tpu.core_type<tc>, window_params = [{transform_indices = @transform_0, window_bounds = array<i64: 2, 1000, 128>}, {transform_indices = @transform_1, window_bounds = array<i64: 2, 1000, 128>}, {transform_indices = @transform_2, window_bounds = array<i64: 1000, 1>}, {pipeline_mode = #tpu.pipeline_mode<synchronous>, transform_indices = @transform_3, window_bounds = array<i64: 1, 256>}, {transform_indices = @transform_4, window_bounds = array<i64: 1, 1, 1000>}, {pipeline_mode = #tpu.pipeline_mode<synchronous>, transform_indices = @transform_5, window_bounds = array<i64: 256, 128>}, {pipeline_mode = #tpu.pipeline_mode<synchronous>, transform_indices = @transform_6, window_bounds = array<i64: 1, 128>}, {pipeline_mode = #tpu.pipeline_mode<synchronous>, transform_indices = @transform_7, window_bounds = array<i64: 128, 16>}, {pipeline_mode = #tpu.pipeline_mode<synchronous>, transform_indices = @transform_8, window_bounds = array<i64: 1, 16>}, {pipeline_mode = #tpu.pipeline_mode<synchronous>, transform_indices = @transform_9, window_bounds = array<i64: 64, 16>}, {pipeline_mode = #tpu.pipeline_mode<synchronous>, transform_indices = @transform_10, window_bounds = array<i64: 64, 16>}]} {
    %eq3A = arith.constant 0 : i32
    %eq3A_0 = arith.cmpi eq, %arg0, %eq3A : i32
    %convert_element_type3A = arith.extui %eq3A_0 : i1 to i32
    %cond3A = arith.constant 0 : i32
    %cond3A_1 = arith.cmpi ne, %convert_element_type3A, %cond3A : i32
    scf.if %cond3A_1 {
      %broadcast_in_dim3A_56 = arith.constant 0.000000e+00 : f32
      %broadcast_in_dim3A_57 = vector.broadcast %broadcast_in_dim3A_56 : f32 to vector<64x256xf32>
      %swap3A_58 = arith.constant 0 : index
      %swap3A_59 = arith.constant 0 : index
      %swap3A_60 = vector.load %arg12[%swap3A_58, %swap3A_59] : memref<64x256xf32, #tpu.memory_space<vmem>>, vector<64x256xf32>
      tpu.vector_store %arg12[%swap3A_58, %swap3A_59], %broadcast_in_dim3A_57 {strides = array<i32>} : memref<64x256xf32, #tpu.memory_space<vmem>>, vector<64x256xf32>,
      %broadcast_in_dim3A_61 = arith.constant 0.000000e+00 : f32
      %broadcast_in_dim3A_62 = vector.broadcast %broadcast_in_dim3A_61 : f32 to vector<64x1xf32>
      %swap3A_63 = arith.constant 0 : index
      %swap3A_64 = arith.constant 0 : index
      %swap3A_65 = vector.load %arg13[%swap3A_63, %swap3A_64] : memref<64x1xf32, #tpu.memory_space<vmem>>, vector<64x1xf32>
      tpu.vector_store %arg13[%swap3A_63, %swap3A_64], %broadcast_in_dim3A_62 {strides = array<i32>} : memref<64x1xf32, #tpu.memory_space<vmem>>, vector<64x1xf32>,
    } else {
    }
    %get3A = arith.constant 0 : index
    %get3A_2 = arith.constant 0 : index
    %get3A_3 = arith.constant 0 : index
    %get3A_4 = vector.load %arg1[%get3A, %get3A_2, %get3A_3] : memref<2x1000x128xf32, #tpu.memory_space<vmem>>, vector<2x1000x128xf32>
    %get3A_5 = arith.constant 0 : index
    %get3A_6 = arith.constant 0 : index
    %get3A_7 = arith.constant 0 : index
    %get3A_8 = vector.load %arg2[%get3A_5, %get3A_6, %get3A_7] : memref<2x1000x128xf32, #tpu.memory_space<vmem>>, vector<2x1000x128xf32>
    %slice3A = vector.extract_strided_slice %get3A_4 {offsets = [0, 0, 0], sizes = [1, 1000, 128], strides = [1, 1, 1]} : vector<2x1000x128xf32> to vector<1x1000x128xf32>
    %squeeze3A = vector.shape_cast %slice3A : vector<1x1000x128xf32> to vector<1000x128xf32>
    %slice3A_9 = vector.extract_strided_slice %get3A_8 {offsets = [0, 0, 0], sizes = [1, 1000, 128], strides = [1, 1, 1]} : vector<2x1000x128xf32> to vector<1x1000x128xf32>
    %squeeze3A_10 = vector.shape_cast %slice3A_9 : vector<1x1000x128xf32> to vector<1000x128xf32>
    %add3A = arith.addf %squeeze3A, %squeeze3A_10 : vector<1000x128xf32>
    %slice3A_11 = vector.extract_strided_slice %get3A_4 {offsets = [1, 0, 0], sizes = [1, 1000, 128], strides = [1, 1, 1]} : vector<2x1000x128xf32> to vector<1x1000x128xf32>
    %squeeze3A_12 = vector.shape_cast %slice3A_11 : vector<1x1000x128xf32> to vector<1000x128xf32>
    %slice3A_13 = vector.extract_strided_slice %get3A_8 {offsets = [1, 0, 0], sizes = [1, 1000, 128], strides = [1, 1, 1]} : vector<2x1000x128xf32> to vector<1x1000x128xf32>
    %squeeze3A_14 = vector.shape_cast %slice3A_13 : vector<1x1000x128xf32> to vector<1000x128xf32>
    %add3A_15 = arith.addf %squeeze3A_12, %squeeze3A_14 : vector<1000x128xf32>
    %concatenate3A = tpu.concatenate %add3A, %add3A_15 in 1 : vector<1000x128xf32>, vector<1000x128xf32> -> vector<1000x256xf32>
    %get3A_16 = arith.constant 0 : index
    %get3A_17 = arith.constant 0 : index
    %get3A_18 = vector.load %arg3[%get3A_16, %get3A_17] : memref<1000x1xf32, #tpu.memory_space<vmem>>, vector<1000x1xf32>
    %mul3A = vector.broadcast %get3A_18 : vector<1000x1xf32> to vector<1000x256xf32>
    %mul3A_19 = arith.mulf %mul3A, %concatenate3A : vector<1000x256xf32>
    %get3A_20 = arith.constant 0 : index
    %get3A_21 = arith.constant 0 : index
    %get3A_22 = vector.load %arg4[%get3A_20, %get3A_21] : memref<1x256xf32, #tpu.memory_space<vmem>>, vector<1x256xf32>
    %add3A_23 = vector.broadcast %get3A_22 : vector<1x256xf32> to vector<1000x256xf32>
    %add3A_24 = arith.addf %mul3A_19, %add3A_23 : vector<1000x256xf32>
    %max3A = arith.constant 0.000000e+00 : f32
    %max3A_25 = vector.broadcast %max3A : f32 to vector<1000x256xf32>
    %max3A_26 = arith.maximumf %add3A_24, %max3A_25 : vector<1000x256xf32>
    %get3A_27 = arith.constant 0 : index
    %get3A_28 = arith.constant 0 : index
    %get3A_29 = arith.constant 0 : index
    %get3A_30 = vector.load %arg5[%get3A_27, %get3A_28, %get3A_29] : memref<1x1x1000xi32, #tpu.memory_space<vmem>>, vector<1x1x1000xi32>
    %squeeze3A_31 = vector.shape_cast %get3A_30 : vector<1x1x1000xi32> to vector<1x1000xi32>
    %iota3A = tpu.iota {dimensions = array<i32: 0>} : vector<64x1000xi32>
    %eq3A_32 = vector.broadcast %squeeze3A_31 : vector<1x1000xi32> to vector<64x1000xi32>
    %eq3A_33 = arith.cmpi eq, %iota3A, %eq3A_32 : vector<64x1000xi32>
    %convert_element_type3A_34 = arith.extui %eq3A_33 : vector<64x1000xi1> to vector<64x1000xi32>
    %convert_element_type3A_35 = arith.sitofp %convert_element_type3A_34 : vector<64x1000xi32> to vector<64x1000xf32>
    %get3A_36 = arith.constant 0 : index
    %get3A_37 = arith.constant 0 : index
    %get3A_38 = vector.load %arg12[%get3A_36, %get3A_37] : memref<64x256xf32, #tpu.memory_space<vmem>>, vector<64x256xf32>
    %dot_general3A = arith.constant dense<0.000000e+00> : vector<64x256xf32>
    %dot_general3A_39 = tpu.matmul %convert_element_type3A_35, %max3A_26, %dot_general3A {dimension_numbers = #tpu.dot_dimension_numbers<[1], [0], [0], [1], [0, 0, 1, 1], [], []>, transpose_lhs_hint = false} : vector<64x1000xf32>, vector<1000x256xf32>, vector<64x256xf32> -> vector<64x256xf32>
    %add3A_40 = arith.addf %get3A_38, %dot_general3A_39 : vector<64x256xf32>
    %swap3A = arith.constant 0 : index
    %swap3A_41 = arith.constant 0 : index
    %swap3A_42 = vector.load %arg12[%swap3A, %swap3A_41] : memref<64x256xf32, #tpu.memory_space<vmem>>, vector<64x256xf32>
    tpu.vector_store %arg12[%swap3A, %swap3A_41], %add3A_40 {strides = array<i32>} : memref<64x256xf32, #tpu.memory_space<vmem>>, vector<64x256xf32>,
    %get3A_43 = arith.constant 0 : index
    %get3A_44 = arith.constant 0 : index
    %get3A_45 = vector.load %arg13[%get3A_43, %get3A_44] : memref<64x1xf32, #tpu.memory_space<vmem>>, vector<64x1xf32>
    %reduce_sum3A = arith.constant dense<0.000000e+00> : vector<64xf32>
    %reduce_sum3A_46 = vector.multi_reduction <add>, %convert_element_type3A_35, %reduce_sum3A [1] : vector<64x1000xf32> to vector<64xf32>
    %broadcast_in_dim3A = vector.shape_cast %reduce_sum3A_46 : vector<64xf32> to vector<64x1xf32>
    %add3A_47 = arith.addf %get3A_45, %broadcast_in_dim3A : vector<64x1xf32>
    %swap3A_48 = arith.constant 0 : index
    %swap3A_49 = arith.constant 0 : index
    %swap3A_50 = vector.load %arg13[%swap3A_48, %swap3A_49] : memref<64x1xf32, #tpu.memory_space<vmem>>, vector<64x1xf32>
    tpu.vector_store %arg13[%swap3A_48, %swap3A_49], %add3A_47 {strides = array<i32>} : memref<64x1xf32, #tpu.memory_space<vmem>>, vector<64x1xf32>,
    %eq3A_51 = arith.constant 9 : i32
    %eq3A_52 = arith.cmpi eq, %arg0, %eq3A_51 : i32
    %convert_element_type3A_53 = arith.extui %eq3A_52 : i1 to i32
    %cond3A_54 = arith.constant 0 : i32
    %cond3A_55 = arith.cmpi ne, %convert_element_type3A_53, %cond3A_54 : i32
    scf.if %cond3A_55 {
      %get3A_56 = arith.constant 0 : index
      %get3A_57 = arith.constant 0 : index
      %get3A_58 = vector.load %arg12[%get3A_56, %get3A_57] : memref<64x256xf32, #tpu.memory_space<vmem>>, vector<64x256xf32>
      %get3A_59 = arith.constant 0 : index
      %get3A_60 = arith.constant 0 : index
      %get3A_61 = vector.load %arg13[%get3A_59, %get3A_60] : memref<64x1xf32, #tpu.memory_space<vmem>>, vector<64x1xf32>
      %max3A_62 = arith.constant 1.000000e+00 : f32
      %max3A_63 = vector.broadcast %max3A_62 : f32 to vector<64x1xf32>
      %max3A_64 = arith.maximumf %get3A_61, %max3A_63 : vector<64x1xf32>
      %div3A = vector.broadcast %max3A_64 : vector<64x1xf32> to vector<64x256xf32>
      %div3A_65 = arith.divf %get3A_58, %div3A : vector<64x256xf32>
      %get3A_66 = arith.constant 0 : index
      %get3A_67 = arith.constant 0 : index
      %get3A_68 = vector.load %arg6[%get3A_66, %get3A_67] : memref<256x128xf32, #tpu.memory_space<vmem>>, vector<256x128xf32>
      %dot_general3A_69 = arith.constant dense<0.000000e+00> : vector<64x128xf32>
      %dot_general3A_70 = tpu.matmul %div3A_65, %get3A_68, %dot_general3A_69 {dimension_numbers = #tpu.dot_dimension_numbers<[1], [0], [0], [1], [0, 0, 1, 1], [], []>, transpose_lhs_hint = false} : vector<64x256xf32>, vector<256x128xf32>, vector<64x128xf32> -> vector<64x128xf32>
      %get3A_71 = arith.constant 0 : index
      %get3A_72 = arith.constant 0 : index
      %get3A_73 = vector.load %arg7[%get3A_71, %get3A_72] : memref<1x128xf32, #tpu.memory_space<vmem>>, vector<1x128xf32>
      %add3A_74 = vector.broadcast %get3A_73 : vector<1x128xf32> to vector<64x128xf32>
      %add3A_75 = arith.addf %dot_general3A_70, %add3A_74 : vector<64x128xf32>
      %max3A_76 = arith.constant 0.000000e+00 : f32
      %max3A_77 = vector.broadcast %max3A_76 : f32 to vector<64x128xf32>
      %max3A_78 = arith.maximumf %add3A_75, %max3A_77 : vector<64x128xf32>
      %get3A_79 = arith.constant 0 : index
      %get3A_80 = arith.constant 0 : index
      %get3A_81 = vector.load %arg8[%get3A_79, %get3A_80] : memref<128x16xf32, #tpu.memory_space<vmem>>, vector<128x16xf32>
      %dot_general3A_82 = arith.constant dense<0.000000e+00> : vector<64x16xf32>
      %dot_general3A_83 = tpu.matmul %max3A_78, %get3A_81, %dot_general3A_82 {dimension_numbers = #tpu.dot_dimension_numbers<[1], [0], [0], [1], [0, 0, 1, 1], [], []>, transpose_lhs_hint = false} : vector<64x128xf32>, vector<128x16xf32>, vector<64x16xf32> -> vector<64x16xf32>
      %get3A_84 = arith.constant 0 : index
      %get3A_85 = arith.constant 0 : index
      %get3A_86 = vector.load %arg9[%get3A_84, %get3A_85] : memref<1x16xf32, #tpu.memory_space<vmem>>, vector<1x16xf32>
      %add3A_87 = vector.broadcast %get3A_86 : vector<1x16xf32> to vector<64x16xf32>
      %add3A_88 = arith.addf %dot_general3A_83, %add3A_87 : vector<64x16xf32>
      %slice3A_89 = vector.extract_strided_slice %add3A_88 {offsets = [0, 0], sizes = [64, 1], strides = [1, 1]} : vector<64x16xf32> to vector<64x1xf32>
      %max3A_90 = arith.constant 0.000000e+00 : f32
      %max3A_91 = vector.broadcast %max3A_90 : f32 to vector<64x1xf32>
      %max3A_92 = arith.maximumf %slice3A_89, %max3A_91 : vector<64x1xf32>
      %abs3A = math.absf %slice3A_89 : vector<64x1xf32>
      %neg3A = arith.constant 0.000000e+00 : f32
      %neg3A_93 = vector.broadcast %neg3A : f32 to vector<64x1xf32>
      %neg3A_94 = arith.subf %neg3A_93, %abs3A : vector<64x1xf32>
      %exp3A = math.exp %neg3A_94 : vector<64x1xf32>
      %log1p3A = math.log1p %exp3A : vector<64x1xf32>
      %add3A_95 = arith.addf %max3A_92, %log1p3A : vector<64x1xf32>
      %slice3A_96 = vector.extract_strided_slice %add3A_88 {offsets = [0, 1], sizes = [64, 1], strides = [1, 1]} : vector<64x16xf32> to vector<64x1xf32>
      %max3A_97 = arith.constant 0.000000e+00 : f32
      %max3A_98 = vector.broadcast %max3A_97 : f32 to vector<64x1xf32>
      %max3A_99 = arith.maximumf %slice3A_96, %max3A_98 : vector<64x1xf32>
      %abs3A_100 = math.absf %slice3A_96 : vector<64x1xf32>
      %neg3A_101 = arith.constant 0.000000e+00 : f32
      %neg3A_102 = vector.broadcast %neg3A_101 : f32 to vector<64x1xf32>
      %neg3A_103 = arith.subf %neg3A_102, %abs3A_100 : vector<64x1xf32>
      %exp3A_104 = math.exp %neg3A_103 : vector<64x1xf32>
      %log1p3A_105 = math.log1p %exp3A_104 : vector<64x1xf32>
      %add3A_106 = arith.addf %max3A_99, %log1p3A_105 : vector<64x1xf32>
      %slice3A_107 = vector.extract_strided_slice %add3A_88 {offsets = [0, 2], sizes = [64, 1], strides = [1, 1]} : vector<64x16xf32> to vector<64x1xf32>
      %max3A_108 = arith.constant 0.000000e+00 : f32
      %max3A_109 = vector.broadcast %max3A_108 : f32 to vector<64x1xf32>
      %max3A_110 = arith.maximumf %slice3A_107, %max3A_109 : vector<64x1xf32>
      %abs3A_111 = math.absf %slice3A_107 : vector<64x1xf32>
      %neg3A_112 = arith.constant 0.000000e+00 : f32
      %neg3A_113 = vector.broadcast %neg3A_112 : f32 to vector<64x1xf32>
      %neg3A_114 = arith.subf %neg3A_113, %abs3A_111 : vector<64x1xf32>
      %exp3A_115 = math.exp %neg3A_114 : vector<64x1xf32>
      %log1p3A_116 = math.log1p %exp3A_115 : vector<64x1xf32>
      %add3A_117 = arith.addf %max3A_110, %log1p3A_116 : vector<64x1xf32>
      %slice3A_118 = vector.extract_strided_slice %add3A_88 {offsets = [0, 3], sizes = [64, 1], strides = [1, 1]} : vector<64x16xf32> to vector<64x1xf32>
      %max3A_119 = arith.constant 0.000000e+00 : f32
      %max3A_120 = vector.broadcast %max3A_119 : f32 to vector<64x1xf32>
      %max3A_121 = arith.maximumf %slice3A_118, %max3A_120 : vector<64x1xf32>
      %abs3A_122 = math.absf %slice3A_118 : vector<64x1xf32>
      %neg3A_123 = arith.constant 0.000000e+00 : f32
      %neg3A_124 = vector.broadcast %neg3A_123 : f32 to vector<64x1xf32>
      %neg3A_125 = arith.subf %neg3A_124, %abs3A_122 : vector<64x1xf32>
      %exp3A_126 = math.exp %neg3A_125 : vector<64x1xf32>
      %log1p3A_127 = math.log1p %exp3A_126 : vector<64x1xf32>
      %add3A_128 = arith.addf %max3A_121, %log1p3A_127 : vector<64x1xf32>
      %slice3A_129 = vector.extract_strided_slice %add3A_88 {offsets = [0, 4], sizes = [64, 1], strides = [1, 1]} : vector<64x16xf32> to vector<64x1xf32>
      %slice3A_130 = vector.extract_strided_slice %add3A_88 {offsets = [0, 5], sizes = [64, 1], strides = [1, 1]} : vector<64x16xf32> to vector<64x1xf32>
      %slice3A_131 = vector.extract_strided_slice %add3A_88 {offsets = [0, 6], sizes = [64, 1], strides = [1, 1]} : vector<64x16xf32> to vector<64x1xf32>
      %slice3A_132 = vector.extract_strided_slice %add3A_88 {offsets = [0, 7], sizes = [64, 1], strides = [1, 1]} : vector<64x16xf32> to vector<64x1xf32>
      %slice3A_133 = vector.extract_strided_slice %add3A_88 {offsets = [0, 8], sizes = [64, 1], strides = [1, 1]} : vector<64x16xf32> to vector<64x1xf32>
      %slice3A_134 = vector.extract_strided_slice %add3A_88 {offsets = [0, 9], sizes = [64, 1], strides = [1, 1]} : vector<64x16xf32> to vector<64x1xf32>
      %slice3A_135 = vector.extract_strided_slice %add3A_88 {offsets = [0, 10], sizes = [64, 1], strides = [1, 1]} : vector<64x16xf32> to vector<64x1xf32>
      %slice3A_136 = vector.extract_strided_slice %add3A_88 {offsets = [0, 11], sizes = [64, 1], strides = [1, 1]} : vector<64x16xf32> to vector<64x1xf32>
      %slice3A_137 = vector.extract_strided_slice %add3A_88 {offsets = [0, 12], sizes = [64, 1], strides = [1, 1]} : vector<64x16xf32> to vector<64x1xf32>
      %slice3A_138 = vector.extract_strided_slice %add3A_88 {offsets = [0, 13], sizes = [64, 1], strides = [1, 1]} : vector<64x16xf32> to vector<64x1xf32>
      %slice3A_139 = vector.extract_strided_slice %add3A_88 {offsets = [0, 14], sizes = [64, 1], strides = [1, 1]} : vector<64x16xf32> to vector<64x1xf32>
      %slice3A_140 = vector.extract_strided_slice %add3A_88 {offsets = [0, 15], sizes = [64, 1], strides = [1, 1]} : vector<64x16xf32> to vector<64x1xf32>
      %mul3A_141 = arith.mulf %add3A_95, %add3A_95 : vector<64x1xf32>
      %mul3A_142 = arith.mulf %slice3A_129, %add3A_95 : vector<64x1xf32>
      %mul3A_143 = arith.mulf %slice3A_130, %add3A_95 : vector<64x1xf32>
      %mul3A_144 = arith.mulf %slice3A_129, %slice3A_129 : vector<64x1xf32>
      %mul3A_145 = arith.mulf %slice3A_130, %slice3A_130 : vector<64x1xf32>
      %add3A_146 = arith.addf %mul3A_144, %mul3A_145 : vector<64x1xf32>
      %mul3A_147 = arith.mulf %add3A_106, %add3A_106 : vector<64x1xf32>
      %add3A_148 = arith.addf %add3A_146, %mul3A_147 : vector<64x1xf32>
      %mul3A_149 = arith.mulf %slice3A_131, %add3A_95 : vector<64x1xf32>
      %mul3A_150 = arith.mulf %slice3A_132, %add3A_95 : vector<64x1xf32>
      %mul3A_151 = arith.mulf %slice3A_131, %slice3A_129 : vector<64x1xf32>
      %mul3A_152 = arith.mulf %slice3A_132, %slice3A_130 : vector<64x1xf32>
      %add3A_153 = arith.addf %mul3A_151, %mul3A_152 : vector<64x1xf32>
      %mul3A_154 = arith.mulf %slice3A_133, %add3A_106 : vector<64x1xf32>
      %add3A_155 = arith.addf %add3A_153, %mul3A_154 : vector<64x1xf32>
      %mul3A_156 = arith.mulf %slice3A_132, %slice3A_129 : vector<64x1xf32>
      %mul3A_157 = arith.mulf %slice3A_131, %slice3A_130 : vector<64x1xf32>
      %sub3A = arith.subf %mul3A_156, %mul3A_157 : vector<64x1xf32>
      %mul3A_158 = arith.mulf %slice3A_134, %add3A_106 : vector<64x1xf32>
      %add3A_159 = arith.addf %sub3A, %mul3A_158 : vector<64x1xf32>
      %mul3A_160 = arith.mulf %slice3A_131, %slice3A_131 : vector<64x1xf32>
      %mul3A_161 = arith.mulf %slice3A_132, %slice3A_132 : vector<64x1xf32>
      %add3A_162 = arith.addf %mul3A_160, %mul3A_161 : vector<64x1xf32>
      %mul3A_163 = arith.mulf %slice3A_133, %slice3A_133 : vector<64x1xf32>
      %add3A_164 = arith.addf %add3A_162, %mul3A_163 : vector<64x1xf32>
      %mul3A_165 = arith.mulf %slice3A_134, %slice3A_134 : vector<64x1xf32>
      %add3A_166 = arith.addf %add3A_164, %mul3A_165 : vector<64x1xf32>
      %mul3A_167 = arith.mulf %add3A_117, %add3A_117 : vector<64x1xf32>
      %add3A_168 = arith.addf %add3A_166, %mul3A_167 : vector<64x1xf32>
      %mul3A_169 = arith.mulf %slice3A_135, %add3A_95 : vector<64x1xf32>
      %mul3A_170 = arith.mulf %slice3A_136, %add3A_95 : vector<64x1xf32>
      %mul3A_171 = arith.mulf %slice3A_135, %slice3A_129 : vector<64x1xf32>
      %mul3A_172 = arith.mulf %slice3A_136, %slice3A_130 : vector<64x1xf32>
      %add3A_173 = arith.addf %mul3A_171, %mul3A_172 : vector<64x1xf32>
      %mul3A_174 = arith.mulf %slice3A_137, %add3A_106 : vector<64x1xf32>
      %add3A_175 = arith.addf %add3A_173, %mul3A_174 : vector<64x1xf32>
      %mul3A_176 = arith.mulf %slice3A_136, %slice3A_129 : vector<64x1xf32>
      %mul3A_177 = arith.mulf %slice3A_135, %slice3A_130 : vector<64x1xf32>
      %sub3A_178 = arith.subf %mul3A_176, %mul3A_177 : vector<64x1xf32>
      %mul3A_179 = arith.mulf %slice3A_138, %add3A_106 : vector<64x1xf32>
      %add3A_180 = arith.addf %sub3A_178, %mul3A_179 : vector<64x1xf32>
      %mul3A_181 = arith.mulf %slice3A_135, %slice3A_131 : vector<64x1xf32>
      %mul3A_182 = arith.mulf %slice3A_136, %slice3A_132 : vector<64x1xf32>
      %add3A_183 = arith.addf %mul3A_181, %mul3A_182 : vector<64x1xf32>
      %mul3A_184 = arith.mulf %slice3A_137, %slice3A_133 : vector<64x1xf32>
      %add3A_185 = arith.addf %add3A_183, %mul3A_184 : vector<64x1xf32>
      %mul3A_186 = arith.mulf %slice3A_138, %slice3A_134 : vector<64x1xf32>
      %add3A_187 = arith.addf %add3A_185, %mul3A_186 : vector<64x1xf32>
      %mul3A_188 = arith.mulf %slice3A_139, %add3A_117 : vector<64x1xf32>
      %add3A_189 = arith.addf %add3A_187, %mul3A_188 : vector<64x1xf32>
      %mul3A_190 = arith.mulf %slice3A_136, %slice3A_131 : vector<64x1xf32>
      %mul3A_191 = arith.mulf %slice3A_135, %slice3A_132 : vector<64x1xf32>
      %sub3A_192 = arith.subf %mul3A_190, %mul3A_191 : vector<64x1xf32>
      %mul3A_193 = arith.mulf %slice3A_138, %slice3A_133 : vector<64x1xf32>
      %add3A_194 = arith.addf %sub3A_192, %mul3A_193 : vector<64x1xf32>
      %mul3A_195 = arith.mulf %slice3A_137, %slice3A_134 : vector<64x1xf32>
      %sub3A_196 = arith.subf %add3A_194, %mul3A_195 : vector<64x1xf32>
      %mul3A_197 = arith.mulf %slice3A_140, %add3A_117 : vector<64x1xf32>
      %add3A_198 = arith.addf %sub3A_196, %mul3A_197 : vector<64x1xf32>
      %mul3A_199 = arith.mulf %slice3A_135, %slice3A_135 : vector<64x1xf32>
      %mul3A_200 = arith.mulf %slice3A_136, %slice3A_136 : vector<64x1xf32>
      %add3A_201 = arith.addf %mul3A_199, %mul3A_200 : vector<64x1xf32>
      %mul3A_202 = arith.mulf %slice3A_137, %slice3A_137 : vector<64x1xf32>
      %add3A_203 = arith.addf %add3A_201, %mul3A_202 : vector<64x1xf32>
      %mul3A_204 = arith.mulf %slice3A_138, %slice3A_138 : vector<64x1xf32>
      %add3A_205 = arith.addf %add3A_203, %mul3A_204 : vector<64x1xf32>
      %mul3A_206 = arith.mulf %slice3A_139, %slice3A_139 : vector<64x1xf32>
      %add3A_207 = arith.addf %add3A_205, %mul3A_206 : vector<64x1xf32>
      %mul3A_208 = arith.mulf %slice3A_140, %slice3A_140 : vector<64x1xf32>
      %add3A_209 = arith.addf %add3A_207, %mul3A_208 : vector<64x1xf32>
      %mul3A_210 = arith.mulf %add3A_128, %add3A_128 : vector<64x1xf32>
      %add3A_211 = arith.addf %add3A_209, %mul3A_210 : vector<64x1xf32>
      %add3A_212 = arith.addf %mul3A_141, %add3A_148 : vector<64x1xf32>
      %add3A_213 = arith.addf %add3A_212, %add3A_168 : vector<64x1xf32>
      %add3A_214 = arith.addf %add3A_213, %add3A_211 : vector<64x1xf32>
      %broadcast_in_dim3A_215 = arith.constant 0.000000e+00 : f32
      %broadcast_in_dim3A_216 = vector.broadcast %broadcast_in_dim3A_215 : f32 to vector<64x1xf32>
      %concatenate3A_217 = tpu.concatenate %mul3A_141, %mul3A_142, %mul3A_149, %mul3A_169, %mul3A_142, %add3A_148, %add3A_155, %add3A_175, %mul3A_149, %add3A_155, %add3A_168, %add3A_189, %mul3A_169, %add3A_175, %add3A_189, %add3A_211 in 1 : vector<64x1xf32>, vector<64x1xf32>, vector<64x1xf32>, vector<64x1xf32>, vector<64x1xf32>, vector<64x1xf32>, vector<64x1xf32>, vector<64x1xf32>, vector<64x1xf32>, vector<64x1xf32>, vector<64x1xf32>, vector<64x1xf32>, vector<64x1xf32>, vector<64x1xf32>, vector<64x1xf32>, vector<64x1xf32> -> vector<64x16xf32>
      %div3A_218 = vector.broadcast %add3A_214 : vector<64x1xf32> to vector<64x16xf32>
      %div3A_219 = arith.divf %concatenate3A_217, %div3A_218 : vector<64x16xf32>
      %neg3A_220 = arith.constant 0.000000e+00 : f32
      %neg3A_221 = vector.broadcast %neg3A_220 : f32 to vector<64x1xf32>
      %neg3A_222 = arith.subf %neg3A_221, %mul3A_143 : vector<64x1xf32>
      %neg3A_223 = arith.constant 0.000000e+00 : f32
      %neg3A_224 = vector.broadcast %neg3A_223 : f32 to vector<64x1xf32>
      %neg3A_225 = arith.subf %neg3A_224, %mul3A_150 : vector<64x1xf32>
      %neg3A_226 = arith.constant 0.000000e+00 : f32
      %neg3A_227 = vector.broadcast %neg3A_226 : f32 to vector<64x1xf32>
      %neg3A_228 = arith.subf %neg3A_227, %mul3A_170 : vector<64x1xf32>
      %neg3A_229 = arith.constant 0.000000e+00 : f32
      %neg3A_230 = vector.broadcast %neg3A_229 : f32 to vector<64x1xf32>
      %neg3A_231 = arith.subf %neg3A_230, %add3A_159 : vector<64x1xf32>
      %neg3A_232 = arith.constant 0.000000e+00 : f32
      %neg3A_233 = vector.broadcast %neg3A_232 : f32 to vector<64x1xf32>
      %neg3A_234 = arith.subf %neg3A_233, %add3A_180 : vector<64x1xf32>
      %neg3A_235 = arith.constant 0.000000e+00 : f32
      %neg3A_236 = vector.broadcast %neg3A_235 : f32 to vector<64x1xf32>
      %neg3A_237 = arith.subf %neg3A_236, %add3A_198 : vector<64x1xf32>
      %concatenate3A_238 = tpu.concatenate %broadcast_in_dim3A_216, %neg3A_222, %neg3A_225, %neg3A_228, %mul3A_143, %broadcast_in_dim3A_216, %neg3A_231, %neg3A_234, %mul3A_150, %add3A_159, %broadcast_in_dim3A_216, %neg3A_237, %mul3A_170, %add3A_180, %add3A_198, %broadcast_in_dim3A_216 in 1 : vector<64x1xf32>, vector<64x1xf32>, vector<64x1xf32>, vector<64x1xf32>, vector<64x1xf32>, vector<64x1xf32>, vector<64x1xf32>, vector<64x1xf32>, vector<64x1xf32>, vector<64x1xf32>, vector<64x1xf32>, vector<64x1xf32>, vector<64x1xf32>, vector<64x1xf32>, vector<64x1xf32>, vector<64x1xf32> -> vector<64x16xf32>
      %div3A_239 = vector.broadcast %add3A_214 : vector<64x1xf32> to vector<64x16xf32>
      %div3A_240 = arith.divf %concatenate3A_238, %div3A_239 : vector<64x16xf32>
      %swap3A_241 = arith.constant 0 : index
      %swap3A_242 = arith.constant 0 : index
      %swap3A_243 = vector.load %arg10[%swap3A_241, %swap3A_242] : memref<64x16xf32, #tpu.memory_space<vmem>>, vector<64x16xf32>
      tpu.vector_store %arg10[%swap3A_241, %swap3A_242], %div3A_219 {strides = array<i32>} : memref<64x16xf32, #tpu.memory_space<vmem>>, vector<64x16xf32>,
      %swap3A_244 = arith.constant 0 : index
      %swap3A_245 = arith.constant 0 : index
      %swap3A_246 = vector.load %arg11[%swap3A_244, %swap3A_245] : memref<64x16xf32, #tpu.memory_space<vmem>>, vector<64x16xf32>
      tpu.vector_store %arg11[%swap3A_244, %swap3A_245], %div3A_240 {strides = array<i32>} : memref<64x16xf32, #tpu.memory_space<vmem>>, vector<64x16xf32>,
    } else {
    }
    return
  }
  func.func @transform_0(%arg0: i32) -> (i32, i32, i32) {
    %c0_i32 = arith.constant 0 : i32
    %c0_i32_0 = arith.constant 0 : i32
    %c0_i32_1 = arith.constant 0 : i32
    return %c0_i32, %arg0, %c0_i32_0 : i32, i32, i32
  }
  func.func @transform_1(%arg0: i32) -> (i32, i32, i32) {
    %c0_i32 = arith.constant 0 : i32
    %c0_i32_0 = arith.constant 0 : i32
    %c0_i32_1 = arith.constant 0 : i32
    return %c0_i32, %arg0, %c0_i32_0 : i32, i32, i32
  }
  func.func @transform_2(%arg0: i32) -> (i32, i32) {
    %c0_i32 = arith.constant 0 : i32
    %c0_i32_0 = arith.constant 0 : i32
    return %arg0, %c0_i32 : i32, i32
  }
  func.func @transform_3(%arg0: i32) -> (i32, i32) {
    %c0_i32 = arith.constant 0 : i32
    %c0_i32_0 = arith.constant 0 : i32
    %c0_i32_1 = arith.constant 0 : i32
    return %c0_i32, %c0_i32_0 : i32, i32
  }
  func.func @transform_4(%arg0: i32) -> (i32, i32, i32) {
    %c0_i32 = arith.constant 0 : i32
    %c0_i32_0 = arith.constant 0 : i32
    %c0_i32_1 = arith.constant 0 : i32
    return %arg0, %c0_i32, %c0_i32_0 : i32, i32, i32
  }
  func.func @transform_5(%arg0: i32) -> (i32, i32) {
    %c0_i32 = arith.constant 0 : i32
    %c0_i32_0 = arith.constant 0 : i32
    %c0_i32_1 = arith.constant 0 : i32
    return %c0_i32, %c0_i32_0 : i32, i32
  }
  func.func @transform_6(%arg0: i32) -> (i32, i32) {
    %c0_i32 = arith.constant 0 : i32
    %c0_i32_0 = arith.constant 0 : i32
    %c0_i32_1 = arith.constant 0 : i32
    return %c0_i32, %c0_i32_0 : i32, i32
  }
  func.func @transform_7(%arg0: i32) -> (i32, i32) {
    %c0_i32 = arith.constant 0 : i32
    %c0_i32_0 = arith.constant 0 : i32
    %c0_i32_1 = arith.constant 0 : i32
    return %c0_i32, %c0_i32_0 : i32, i32
  }
  func.func @transform_8(%arg0: i32) -> (i32, i32) {
    %c0_i32 = arith.constant 0 : i32
    %c0_i32_0 = arith.constant 0 : i32
    %c0_i32_1 = arith.constant 0 : i32
    return %c0_i32, %c0_i32_0 : i32, i32
  }
  func.func @transform_9(%arg0: i32) -> (i32, i32) {
    %c0_i32 = arith.constant 0 : i32
    %c0_i32_0 = arith.constant 0 : i32
    %c0_i32_1 = arith.constant 0 : i32
    return %c0_i32, %c0_i32_0 : i32, i32
  }
  func.func @transform_10(%arg0: i32) -> (i32, i32) {
    %c0_i32 = arith.constant 0 : i32
    %c0_i32_0 = arith.constant 0 : i32
    %c0_i32_1 = arith.constant 0 : i32
    return %c0_i32, %c0_i32_0 : i32, i32
  }
}

</mosaic_0001>

<sc_bundles>
// kernel: kernel.11.cloned.1.call-start
scs
__scs_entry_jumppad:
0x0: {  	(pc) =	sbr.rel $0x88, $3  }
0x1: {  	(tag) =	ssettag $0x0;
	lr =	simm.s32 $0x1  }
0x2: {  	[smem:$0x3F96] =	sst lr;
	_ =	strace $0xD0000000  }
0x3: {  	_ = 	snop  }
0x4: {  	_ = 	snop  }
0x5: {  	_ = 	snop  }
0x6: {  	_ = 	snop  }
0x7: {  	_ = 	snop  }
__scs_overlays_trampoline_lowered:
0x8: {  	[smem:$0x3FA5] =	sst s0  }
0x9: {  	[smem:$0x3FA6] =	sst s1  }
0xa: {  	[smem:$0x3FA7] =	sst s2  }
0xb: {  	[smem:$0x3FA8] =	sst s3  }
0xc: {  	[smem:$0x3FA9] =	sst s4  }
0xd: {  	[smem:$0x3FAA] =	sst s5  }
0xe: {  	[smem:$0x3FAB] =	sst s6  }
0xf: {  	[smem:$0x3FAC] =	sst s7  }
0x10: {  	[smem:$0x3FAD] =	sst s8  }
0x11: {  	[smem:$0x3FAE] =	sst s9;
	s0 =	simm.s32 @!p0 $0x0  }
0x12: {  	s1 =	sld [smem:$0x3F94];
	s0 =	simm.s32 @p0 $0x1  }
0x13: {  	[smem:$0x3FAF] =	sst s0;
	s0 =	simm.s32 @!p1 $0x0  }
0x14: {  	s2 =	sld [smem:$0x3F93];
	s0 =	simm.s32 @p1 $0x1  }
0x15: {  	[smem:$0x3FB0] =	sst s0;
	s0 =	simm.s32 @!p2 $0x0  }
0x16: {  	s3 =	sld [smem:$0x3FDB];
	s0 =	simm.s32 @p2 $0x1  }
0x17: {  	s4 =	simm.s32 $0x1BF5;
	[smem:$0x3FB2] =	sst s0  }
0x18: {  	s0 =	sld [smem:$0x3F95];
	_ =	swait.ge [sflag:s4], $0x0  }
0x19: {  	s7 =	sld [smem:$0x3F96]  }
0x1a: {  	s8 =	sadd.s32 $0xFFFFE003, lr  }
0x1b: {  	s9 =	sadd.s32 $0xFFFFFEF7, lr;
	s5 =	simm.s32 $0xFFFFFFFF;
	p2 =	slt.u32 s8, $0xFFFFF086  }
0x1c: {  	p1 =	slt.u32 s9, $0xF7A;
	s5 =	simm.s32 @!p2 $0x0  }
0x1d: {  	s5 =	simm.s32 @p1 $0x1;
	p0 =	seq.s32 s7, s2  }
0x1e: {  	s7 =	smul.u32 @!p0 $0xF7A, s2;
	p2 =	seq.s32 @!p0 s5, $0x0  }
0x1f: {  	s9 =	smul.u32 $0xF7A, s1;
	s8 =	simm.s32 @!p0 $0x1BF5;
	p2 =	por !p2, p0  }
0x20: {  	[sflag:s8] =	ssyncset.s32 @!p0 $0xFFFFF086;
	s6 =	sadd.s32 @!p0 s3, s7;
	s7 =	simm.s32 @!p0 $0x108  }
0x21: {  	s3 =	sadd.s32 s3, s9;
	s6 =	sadd.s32 @!p0 $0x88, s6;
	s7 =	simm.s32 @p2 $0x1082  }
0x22: {  	[simem:s7], [sflag:s8] =	dma.local @!p0 [hbm:s6], $0xF7A  }
0x23: {  	s9 =	sor.u32 $0xD0000000, s2;
	s6 =	simm.s32 $0x108;
	_ =	swait.ge @!p0 [sflag:s8], $0x0  }
0x24: {  	s3 =	sadd.s32 $0x88, s3;
	s6 =	simm.s32 @!p1 $0x1082;
	[sflag:s4] =	ssyncset.s32 $0xFFFFF086  }
0x25: {  	[simem:s6], [sflag:s4] =	dma.local [hbm:s3], $0xF7A  }
0x26: {  	[smem:$0x3F96] =	sst s1;
	(tag) =	ssettag s2;
	_ =	strace s9  }
0x27: {  	s1 =	sld [smem:$0x3FA6]  }
0x28: {  	s2 =	sld [smem:$0x3FA7]  }
0x29: {  	s4 =	sld [smem:$0x3FA9]  }
0x2a: {  	p0 =	seq.s32 s5, $0x0;
	s5 =	sld [smem:$0x3FAA]  }
0x2b: {  	s6 =	sld [smem:$0x3FAB]  }
0x2c: {  	s7 =	sld [smem:$0x3FAC]  }
0x2d: {  	s3 =	simm.s32 $0x108;
	s8 =	sld [smem:$0x3FAD]  }
0x2e: {  	s3 =	simm.s32 @!p0 $0x1082;
	s9 =	sld [smem:$0x3FAE]  }
0x2f: {  	lr =	sadd.s32 s0, s3;
	s0 =	sld [smem:$0x3FA5]  }
0x30: {  	s3 =	sld [smem:$0x3FA8]  }
0x31: {  	[smem:$0x3FB1] =	sst s10  }
0x32: {  	s10 =	sld [smem:$0x3FAF];
	_ =	sdelay $0x3  }
0x33: {  	p0 =	seq.s32 s10, $0x1;
	s10 =	sld [smem:$0x3FB1];
	_ =	sdelay $0x3  }
0x34: {  	[smem:$0x3FB1] =	sst s10  }
0x35: {  	s10 =	sld [smem:$0x3FB0];
	_ =	sdelay $0x3  }
0x36: {  	p1 =	seq.s32 s10, $0x1;
	s10 =	sld [smem:$0x3FB1];
	_ =	sdelay $0x3  }
0x37: {  	[smem:$0x3FB1] =	sst s10  }
0x38: {  	s10 =	sld [smem:$0x3FB2]  }
0x39: {  	_ = 	snop;
	(pc) =	sbr.ind lr, $3  }
0x3a: {  	_ = 	snop  }
0x3b: {  	_ = 	snop  }
0x3c: {  	p2 =	seq.s32 s10, $0x1;
	s10 =	sld [smem:$0x3FB1]  }
0x3d: {  	_ =	shalt  }
0x3e: {  	_ =	shalt  }
0x3f: {  	_ =	shalt  }
0x40: {  	_ =	shalt  }
0x41: {  	_ =	shalt  }
0x42: {  	_ =	shalt  }
0x43: {  	_ =	shalt  }
0x44: {  	_ =	shalt  }
0x45: {  	_ =	shalt  }
0x46: {  	_ =	shalt  }
0x47: {  	_ =	shalt  }
0x48: {  	_ =	shalt  }
0x49: {  	_ =	shalt  }
0x4a: {  	_ =	shalt  }
0x4b: {  	_ =	shalt  }
0x4c: {  	_ =	shalt  }
0x4d: {  	_ =	shalt  }
0x4e: {  	_ =	shalt  }
0x4f: {  	_ =	shalt  }
0x50: {  	_ =	shalt  }
0x51: {  	_ =	shalt  }
0x52: {  	_ =	shalt  }
0x53: {  	_ =	shalt  }
0x54: {  	_ =	shalt  }
0x55: {  	_ =	shalt  }
0x56: {  	_ =	shalt  }
0x57: {  	_ =	shalt  }
0x58: {  	_ =	shalt  }
0x59: {  	_ =	shalt  }
0x5a: {  	_ =	shalt  }
0x5b: {  	_ =	shalt  }
0x5c: {  	_ =	shalt  }
0x5d: {  	_ =	shalt  }
0x5e: {  	_ =	shalt  }
0x5f: {  	_ =	shalt  }
0x60: {  	_ =	shalt  }
0x61: {  	_ =	shalt  }
0x62: {  	_ =	shalt  }
0x63: {  	_ =	shalt  }
0x64: {  	_ =	shalt  }
0x65: {  	_ =	shalt  }
0x66: {  	_ =	shalt  }
0x67: {  	_ =	shalt  }
0x68: {  	_ =	shalt  }
0x69: {  	_ =	shalt  }
0x6a: {  	_ =	shalt  }
0x6b: {  	_ =	shalt  }
0x6c: {  	_ =	shalt  }
0x6d: {  	_ =	shalt  }
0x6e: {  	_ =	shalt  }
0x6f: {  	_ =	shalt  }
0x70: {  	_ =	shalt  }
0x71: {  	_ =	shalt  }
0x72: {  	_ =	shalt  }
0x73: {  	_ =	shalt  }
0x74: {  	_ =	shalt  }
0x75: {  	_ =	shalt  }
0x76: {  	_ =	shalt  }
0x77: {  	_ =	shalt  }
0x78: {  	_ =	shalt  }
0x79: {  	_ =	shalt  }
0x7a: {  	_ =	shalt  }
0x7b: {  	_ =	shalt  }
0x7c: {  	_ =	shalt  }
0x7d: {  	_ =	shalt  }
0x7e: {  	_ =	shalt  }
0x7f: {  	_ =	shalt  }
0x80: {  	_ =	shalt  }
0x81: {  	_ =	shalt  }
0x82: {  	_ =	shalt  }
0x83: {  	_ =	shalt  }
0x84: {  	_ =	shalt  }
0x85: {  	_ =	shalt  }
0x86: {  	_ =	shalt  }
0x87: {  	_ =	shalt  }
.Lfunc_end0:
.L_simem_size_0:
called_computation.1_lowered:
.L_overlay_start_0:
0x88: {  	s2 =	sld [smem:$0x3FD9]  }
0x89: {  	s3 =	sld [smem:$0x3FFE];
	_ =	sdelay $0x1  }
0x8a: {  	s1 =	srdreg.scid  }
0x8b: {  	s0 =	sand.u32 $0x1, s1  }
0x8c: {  	s16 =	sshll.u32 s0, $0xA;
	s2 =	sadd.s32 s3, s2  }
0x8d: {  	s2 =	sadd.s32 s2, s16  }
0x8e: {  	[smem:$0x3FBD] =	sst s2  }
0x8f: {  	_ = 	snop  }
0x90: {  	(tm) =	ssettm $0x1  }
0x91: {  	s17 =	sld [smem:$0x3FFB];
	_ =	sdelay $0x3  }
0x92: {  	_ =	strace s17  }
0x93: {  	s2 =	sld [smem:$0x3FFC];
	_ =	sdelay $0x3  }
0x94: {  	_ =	strace s2  }
0x95: {  	s2 =	sld [smem:$0x3FFD];
	_ =	sdelay $0x3  }
0x96: {  	_ =	strace s2  }
0x97: {  	_ =	strace $0x8FFFFFFF  }
0x98: {  	s18 =	sld [smem:$0x3FDB];
	_ =	sdelay $0x1  }
0x99: {  	s19 =	simm.s32 $_scs_section_size  }
0x9a: {  	s4 =	simm.s32 $_size__tile_overlayer_lowered;
	s5 =	simm.s32 $_tile_overlayer_lowered  }
0x9b: {  	s22 =	simm.s32 $0x1BFF;
	s21 =	sshll.u32 s5, $0x1;
	s2 =	sadd.s32 s19, s18  }
0x9c: {  	s6 =	simm.s32 $0x0;
	s20 =	sshll.u32 s4, $0x1;
	s4 =	sadd.s32 s21, s2  }
0x9d: {  	[timem:s6], [sflag:s22] =	dma.local [hbm:s4], s20  }
0x9e: {  	_ =	swait.ge [sflag:s22], s20  }
0x9f: {  	s3 =	ssub.s32 $0x0, s20;
	[sflag:s22] =	ssyncset.done $0x0  }
0xa0: {  	[sflag:s22] =	ssyncadd.s32 s3;
	_ =	sdelay $0x1  }
0xa1: {  	s23 =	simm.s32 $0x1B8B  }
0xa2: {  	_ =	swait.ge [sflag:s23], $0x1  }
0xa3: {  	[sflag:s23] =	ssyncset.done $0x0  }
0xa4: {  	s25 =	simm.s32 $0x1B8E;
	s24 =	sld [smem:$0x3FFE];
	[sflag:s23] =	ssyncadd.s32 $0xFFFFFFFF  }
0xa5: {  	s26 =	simm.s32 $execute0_lowered;
	[smem:$0x3FD2] =	sst s25  }
0xa6: {  	s4 =	sshll.u32 s26, $0x1;
	_ =	strace $0x80000049;
	[dreg:$0x1] =	wrdreg $0xFFFFFFFF  }
0xa7: {  	s28 =	simm.s32 $_size_execute0_lowered;
	s2 =	sadd.s32 s2, s4;
	[dreg:$0x0] =	wrdreg $0x0  }
0xa8: {  	s4 =	sshll.u32 s28, $0x1;
	[dreg:$0x2] =	wrdreg s2  }
0xa9: {  	[dreg:$0x3] =	wrdreg s4  }
0xaa: {  	[dreg:$0x4] =	wrdreg $0xC0  }
0xab: {  	_ =	task [dreg:s6], $0x5FFFF  }
0xac: {  	[dreg:$0x1] =	wrdreg $0xFFFFFFFF  }
0xad: {  	[dreg:$0x0] =	wrdreg $0x60  }
0xae: {  	[dreg:$0x2] =	wrdreg s24  }
0xaf: {  	[dreg:$0x3] =	wrdreg $0x151000  }
0xb0: {  	[dreg:$0x4] =	wrdreg $0x9  }
0xb1: {  	_ =	task.clear_ibuf [dreg:s6], $0x5FFFF;
	_ =	strace $0x90000049  }
0xb2: {  	s29 =	simm.s32 $0x9;
	_ =	strace $0x8000004B  }
0xb3: {  	_ =	swait.ge [sflag:s29], $0x1  }
0xb4: {  	[sflag:s29] =	ssyncadd.s32 $0xFFFFFFFF  }
0xb5: {  	_ =	strace $0x9000004B  }
0xb6: {  	_ =	sfence  }
0xb7: {  	s30 =	sld [smem:$0x0];
	_ =	sdelay $0x2  }
0xb8: {  	s31 =	sshll.u32 s1, $0xD;
	s1 =	sshrl.u32 s1, $0x2  }
0xb9: {  	s3 =	sand.u32 $0x4000, s31;
	s1 =	sadd.s32 s1, s30  }
0xba: {  	s0 =	sor.u32 s3, s0;
	s1 =	sshll.u32 s1, $0x11  }
0xbb: {  	s0 =	sor.u32 s1, s0  }
0xbc: {  	s0 =	sadd.s32 $0x8F2B, s0  }
0xbd: {  	[sflag:s0] =	ssyncadd.remote.s32 $0x1  }
0xbe: {  	_ =	sfence.sel $0xFFFF  }
0xbf: {  	[dreg:$0x0] =	wrdreg $0xFFFFFFFF;
	(pc) =	sbr.abs _section_cstart, $3  }
0xc0: {  	[dreg:$0x1] =	wrdreg $0xFFFFFFFF  }
0xc1: {  	_ =	task.clear_ibuf [dreg:s6], $0x2FFFF;
	_ =	strace $0x9FFFFFFF  }
0xc2: {  	(tm) =	ssettm $0x7FFFFFFF  }
0xc3: {  	_ =	shalt  }
tec
execute0_lowered:
.L_overlay_start_1:
0x0: {  	(tag) =	ssettag $0x1  }
0x1: {  	s5 =	rddreg [dreg:$0x0]  }
0x2: {  	s2 =	rddreg [dreg:$0x1]  }
0x3: {  	s0 =	rddreg [dreg:$0x2];
	s1 =	stileid.u32  }
0x4: {  	s4 =	srdreg.scid;
	s3 =	simm.s32 $0x0;
	s14 =	simm.s32 $0x3  }
0x5: {  	s15 =	simm.s32 $0x8000;
	s17 =	simm.s32 $0x50;
	s18 =	simm.s32 $0x10000  }
0x6: {  	s19 =	simm.s32 $0x1;
	s20 =	simm.s32 $0x10080;
	s21 =	simm.s32 $0x12900  }
0x7: {  	s22 =	simm.s32 $0x2;
	s23 =	simm.s32 $0x0;
	s6 =	smul.u32 $0x140, s1  }
0x8: {  	s16 =	sand.u32 $0x1, s4;
	[smem:$0x7FF] =	sst s3;
	s10 =	smul.u32 $0x28000, s1  }
0x9: {  	s4 =	sadd.s32 $0x3200, s5;
	s8 =	sshll.u32 s1, $0xC;
	s7 =	smul.u32 $0x2800, s16  }
0xa: {  	_ =	strace $0x8000004A;
	s30 =	ssub.s32 $0x2, s16;
	s8 =	sadd.s32 s8, s5  }
0xb: {  	p0 =	sne.s32 s16, $0x0;
	s16 =	simm.s32 $0x10100;
	s9 =	sshrl.u32 s30, $0x1  }
.Ltmp0:
0xc: {  	s31 =	sshrl.u32 s10, $0x2;
	s6 =	sadd.s32 s6, s7;
	(pc) =	sbr.rel .LBB2_1-.Ltmp0, $4  }
0xd: {  	s12 =	ssub.s32 s30, s9;
	s7 =	sadd.s32 s31, s2;
	s6 =	sshll.u32 s6, $0x4  }
0xe: {  	s10 =	smax.u32 s12, $0x1;
	s12 =	sadd.s32 $0x5000, s7;
	s13 =	sadd.s32 $0x7800, s7  }
0xf: {  	s11 =	sadd.s32 s6, s5;
	s5 =	sadd.s32 $0x73200, s8;
	s6 =	sadd.s32 $0x63200, s8  }
0x10: {  	v0 =	vimm.f32 $0.0e+00;
	s8 =	sadd.s32 $0x83200, s11;
	s9 =	sadd.s32 $0x97200, s11;
	s11 =	sadd.s32 $0x2800, s7  }
.LBB2_22:
0x11: {  	s26 =	sshra.s32 s26, $0x2;
	[sflag:s14] =	ssyncadd.s32 $0xFFFFD800  }
0x12: {  	v1 =	vld [tilespmem:s26+$0x0];
	_ =	sdelay $0x4  }
0x13: {  	v1 =	vadd.s32 $0x2710, v1  }
0x14: {  	[tilespmem:$0x10000] =	vst v1  }
0x15: {  	v1 =	vld [tilespmem:s26+$0x10];
	_ =	sdelay $0x4  }
0x16: {  	v1 =	vadd.s32 $0x2710, v1  }
0x17: {  	[tilespmem:$0x10010] =	vst v1  }
0x18: {  	v1 =	vld [tilespmem:s26+$0x20];
	_ =	sdelay $0x4  }
0x19: {  	v1 =	vadd.s32 $0x2710, v1  }
0x1a: {  	[tilespmem:$0x10020] =	vst v1  }
0x1b: {  	v1 =	vld [tilespmem:s26+$0x30];
	_ =	sdelay $0x4  }
0x1c: {  	v1 =	vadd.s32 $0x2710, v1  }
0x1d: {  	[tilespmem:$0x10030] =	vst v1  }
0x1e: {  	v1 =	vld [tilespmem:s26+$0x40];
	_ =	sdelay $0x4  }
0x1f: {  	v1 =	vadd.s32 $0x2710, v1  }
0x20: {  	[tilespmem:$0x10040] =	vst v1  }
0x21: {  	[tilespmem:s16], [sflag:$0x1] =	stream.indirect.gather [hbm4b:s4+s17], $0x80, s18, s17, $0xb8;
	[tilespmem:$0x1F140] =	vst v63  }
0x22: {  	_ =	swait.ge [sflag:s19], $0x2800  }
0x23: {  	[sflag:s19] =	ssyncset.done $0x0  }
0x24: {  	s28 =	sadd.s32 $0x8000, s26;
	[sflag:s19] =	ssyncadd.s32 $0xFFFFD800  }
0x25: {  	[spmem:s2] =	stream.indirect.scatter.add.f32 [tilespmem:s16], [sflag:$0x2], $0x80, s28, s17, $0xb8;
	[tilespmem:$0x1F140] =	vst v63  }
0x26: {  	v1 =	vld [tilespmem:s26+$0x80];
	_ =	sdelay $0x4  }
0x27: {  	v1 =	vadd.s32 $0x2710, v1  }
0x28: {  	[tilespmem:$0x10080] =	vst v1  }
0x29: {  	v1 =	vld [tilespmem:s26+$0x90];
	_ =	sdelay $0x4  }
0x2a: {  	v1 =	vadd.s32 $0x2710, v1  }
0x2b: {  	[tilespmem:$0x10090] =	vst v1  }
0x2c: {  	v1 =	vld [tilespmem:s26+$0xA0];
	_ =	sdelay $0x4  }
0x2d: {  	v1 =	vadd.s32 $0x2710, v1  }
0x2e: {  	[tilespmem:$0x100A0] =	vst v1  }
0x2f: {  	v1 =	vld [tilespmem:s26+$0xB0];
	_ =	sdelay $0x4  }
0x30: {  	v1 =	vadd.s32 $0x2710, v1  }
0x31: {  	[tilespmem:$0x100B0] =	vst v1  }
0x32: {  	v1 =	vld [tilespmem:s26+$0xC0];
	_ =	sdelay $0x4  }
0x33: {  	v1 =	vadd.s32 $0x2710, v1  }
0x34: {  	[tilespmem:$0x100C0] =	vst v1  }
0x35: {  	[tilespmem:s21], [sflag:$0x1] =	stream.indirect.gather [hbm4b:s4+s17], $0x80, s20, s17, $0xb8;
	[tilespmem:$0x1F140] =	vst v63  }
0x36: {  	_ =	swait.ge [sflag:s19], $0x2800  }
0x37: {  	[sflag:s19] =	ssyncset.done $0x0  }
0x38: {  	[sflag:s19] =	ssyncadd.s32 $0xFFFFD800  }
0x39: {  	_ =	swait.ge [sflag:s22], $0x2800  }
0x3a: {  	[sflag:s22] =	ssyncset.done $0x0  }
0x3b: {  	s26 =	sadd.s32 $0x8080, s26;
	[sflag:s22] =	ssyncadd.s32 $0xFFFFD800  }
0x3c: {  	[spmem:s2] =	stream.indirect.scatter.add.f32 [tilespmem:s21], [sflag:$0x3], $0x80, s26, s17, $0xb8;
	[tilespmem:$0x1F140] =	vst v63  }
0x3d: {  	_ =	swait.ge [sflag:s14], $0x2800  }
0x3e: {  	[sflag:s14] =	ssyncset.done $0x0  }
0x3f: {  	[sflag:s14] =	ssyncadd.s32 $0xFFFFD800  }
.LBB2_23:
0x40: {  	[bflag:$0x0] =	sbarrier.arrive $0xFFFF;
	s23 =	sadd.s32 $0x1, s23  }
0x41: {  	[hbm:s9], [sflag:s24] =	dma.local [spmem:s25], $0x1400  }
0x42: {  	p1 =	sne.s32 s23, s10  }
.Ltmp1:
0x43: {  	_ =	swait.ge [sflag:s14], $0x1400;
	(pc) =	sbr.rel @!p1 .LBB2_24-.Ltmp1, $3  }
0x44: {  	[sflag:s14] =	ssyncset.done $0x0  }
0x45: {  	[sflag:s14] =	ssyncadd.s32 $0xFFFFEC00  }
0x46: {  	[bflag:$0x0] =	sbarrier.arrive $0xFFFF;
	_ =	sdelay $0x1  }
.LBB2_1:
0x47: {  	[tilespmem:s3], [sflag:$0x3] =	stream.linear.gather [hbm4b:s5+s3], $0x7D00, $0x38;
	[tilespmem:$0x1F140] =	vst v63  }
0x48: {  	_ =	swait.ge [sflag:s14], $0x7D00  }
0x49: {  	[sflag:s14] =	ssyncset.done $0x0  }
0x4a: {  	s24 =	simm.s32 $0x70;
	s25 =	simm.s32 $0x3C0;
	[sflag:s14] =	ssyncadd.s32 $0xFFFF8300  }
.LBB2_2:
0x4b: {  	p1 =	sne.s32 s25, $0x9FC0;
	[tilespmem:s24+$0x10100] =	vst v0  }
0x4c: {  	[tilespmem:s24+$0x10090] =	vst v0  }
0x4d: {  	[tilespmem:s24+$0x100A0] =	vst v0  }
.Ltmp2:
0x4e: {  	[tilespmem:s24+$0x100B0] =	vst v0;
	(pc) =	sbr.rel @p1 .LBB2_2-.Ltmp2, $4  }
0x4f: {  	[tilespmem:s24+$0x100C0] =	vst v0  }
0x50: {  	[tilespmem:s24+$0x100D0] =	vst v0  }
0x51: {  	[tilespmem:s24+$0x100E0] =	vst v0  }
0x52: {  	[tilespmem:s24+$0x100F0] =	vst v0;
	s24 =	sshra.s32 s25, $0x2;
	s25 =	sadd.s32 $0x200, s25  }
0x53: {  	[tilespmem:s24+$0x10100] =	vst v0  }
0x54: {  	[tilespmem:s24+$0x10090] =	vst v0  }
0x55: {  	[tilespmem:s24+$0x100A0] =	vst v0  }
0x56: {  	[tilespmem:s24+$0x100B0] =	vst v0  }
0x57: {  	[tilespmem:s24+$0x100C0] =	vst v0  }
0x58: {  	[tilespmem:s24+$0x100D0] =	vst v0  }
0x59: {  	[tilespmem:s24+$0x100E0] =	vst v0  }
0x5a: {  	[tilespmem:s24+$0x100F0] =	vst v0  }
0x5b: {  	[tilespmem:s15], [sflag:$0x3] =	stream.linear.gather [hbm4b:s6+s3], $0x7D00, $0x38;
	[tilespmem:$0x1F140] =	vst v63  }
0x5c: {  	_ =	swait.ge [sflag:s14], $0x7D00  }
0x5d: {  	[sflag:s14] =	ssyncset.done $0x0  }
0x5e: {  	s24 =	simm.s32 $0x40;
	[sflag:s14] =	ssyncadd.s32 $0xFFFF8300  }
0x5f: {  	v4 =	vld [tilespmem:s24+$0x7FC0]  }
0x60: {  	v3 =	vld [tilespmem:s24+$0x7FD0]  }
0x61: {  	v2 =	vld [tilespmem:s24+$0x7FE0]  }
0x62: {  	s25 =	simm.s32 $0x300;
	v1 =	vld [tilespmem:s24+$0x7FF0]  }
.LBB2_4:
0x63: {  	p1 =	sne.s32 s25, $0x1F300;
	v5 =	vld [tilespmem:s24+$0x8000]  }
0x64: {  	v4 =	vmin.u32 v4, $0x1400  }
.Ltmp3:
0x65: {  	s26 =	sshra.s32 s25, $0x2;
	[tilespmem:s24+$0x7FC0] =	vst v4;
	v3 =	vmin.u32 v3, $0x1400;
	(pc) =	sbr.rel @p1 .LBB2_4-.Ltmp3, $4  }
0x66: {  	v4 =	vld [tilespmem:s26+$0x7FC0];
	[tilespmem:s24+$0x7FD0] =	vst v3;
	v2 =	vmin.u32 v2, $0x1400  }
0x67: {  	v3 =	vld [tilespmem:s26+$0x7FD0];
	[tilespmem:s24+$0x7FE0] =	vst v2;
	v1 =	vmin.u32 v1, $0x1400  }
0x68: {  	v2 =	vld [tilespmem:s26+$0x7FE0];
	[tilespmem:s24+$0x7FF0] =	vst v1;
	v5 =	vmin.u32 v5, $0x1400  }
0x69: {  	s25 =	sadd.s32 $0x200, s25;
	v1 =	vld [tilespmem:s26+$0x7FF0];
	[tilespmem:s24+$0x8000] =	vst v5;
	s24 =	smov.u32 s26  }
0x6a: {  	v5 =	vld [tilespmem:s24+$0x8000]  }
0x6b: {  	v4 =	vmin.u32 v4, $0x1400  }
0x6c: {  	[tilespmem:s24+$0x7FC0] =	vst v4;
	v3 =	vmin.u32 v3, $0x1400  }
0x6d: {  	[tilespmem:s24+$0x7FD0] =	vst v3;
	v2 =	vmin.u32 v2, $0x1400  }
0x6e: {  	[tilespmem:s24+$0x7FE0] =	vst v2;
	v1 =	vmin.u32 v1, $0x1400  }
0x6f: {  	[tilespmem:s24+$0x7FF0] =	vst v1;
	v1 =	vmin.u32 v5, $0x1400  }
0x70: {  	[tilespmem:s24+$0x8000] =	vst v1  }
0x71: {  	[spmem:s7] =	stream.linear.scatter [tilespmem:s16], [sflag:$0x3], $0x2800, $0x38;
	[tilespmem:$0x1F140] =	vst v63  }
0x72: {  	_ =	swait.ge [sflag:s14], $0x2800  }
0x73: {  	[sflag:s14] =	ssyncset.done $0x0  }
0x74: {  	[sflag:s14] =	ssyncadd.s32 $0xFFFFD800  }
0x75: {  	[spmem:s11] =	stream.linear.scatter [tilespmem:s16], [sflag:$0x3], $0x2800, $0x38;
	[tilespmem:$0x1F140] =	vst v63  }
0x76: {  	_ =	swait.ge [sflag:s14], $0x2800  }
0x77: {  	[sflag:s14] =	ssyncset.done $0x0  }
0x78: {  	[sflag:s14] =	ssyncadd.s32 $0xFFFFD800  }
0x79: {  	[spmem:s12] =	stream.linear.scatter [tilespmem:s16], [sflag:$0x3], $0x2800, $0x38;
	[tilespmem:$0x1F140] =	vst v63  }
0x7a: {  	_ =	swait.ge [sflag:s14], $0x2800  }
0x7b: {  	[sflag:s14] =	ssyncset.done $0x0  }
0x7c: {  	[sflag:s14] =	ssyncadd.s32 $0xFFFFD800  }
0x7d: {  	[spmem:s13] =	stream.linear.scatter [tilespmem:s16], [sflag:$0x3], $0x2800, $0x38;
	[tilespmem:$0x1F140] =	vst v63  }
.Ltmp4:
0x7e: {  	_ =	swait.ge [sflag:s14], $0x2800;
	(pc) =	sbr.rel @p0 .LBB2_9-.Ltmp4, $4  }
0x7f: {  	[sflag:s14] =	ssyncset.done $0x0  }
0x80: {  	[sflag:s14] =	ssyncadd.s32 $0xFFFFD800  }
0x81: {  	[bflag:$0x0] =	sbarrier.arrive $0xFFFF  }
0x82: {  	s24 =	simm.s32 $0x0  }
0x83: {  	v1 =	vld [tilespmem:s24+$0x0];
	_ =	sdelay $0x4  }
0x84: {  	[tilespmem:$0x10000] =	vst v1  }
0x85: {  	v1 =	vld [tilespmem:s24+$0x10];
	_ =	sdelay $0x4  }
0x86: {  	[tilespmem:$0x10010] =	vst v1  }
0x87: {  	v1 =	vld [tilespmem:s24+$0x20];
	_ =	sdelay $0x4  }
0x88: {  	[tilespmem:$0x10020] =	vst v1  }
0x89: {  	v1 =	vld [tilespmem:s24+$0x30];
	_ =	sdelay $0x4  }
0x8a: {  	[tilespmem:$0x10030] =	vst v1  }
0x8b: {  	v1 =	vld [tilespmem:s24+$0x40];
	_ =	sdelay $0x4  }
0x8c: {  	[tilespmem:$0x10040] =	vst v1  }
0x8d: {  	[tilespmem:s16], [sflag:$0x1] =	stream.indirect.gather [hbm4b:s4+s17], $0x80, s18, s17, $0xb8;
	[tilespmem:$0x1F140] =	vst v63  }
0x8e: {  	_ =	swait.ge [sflag:s19], $0x2800  }
0x8f: {  	[sflag:s19] =	ssyncset.done $0x0  }
0x90: {  	s25 =	simm.s32 $0x8000;
	[sflag:s19] =	ssyncadd.s32 $0xFFFFD800  }
0x91: {  	[spmem:s2] =	stream.indirect.scatter.add.f32 [tilespmem:s16], [sflag:$0x2], $0x80, s25, s17, $0xb8;
	[tilespmem:$0x1F140] =	vst v63  }
0x92: {  	v1 =	vld [tilespmem:s24+$0x80];
	_ =	sdelay $0x4  }
0x93: {  	[tilespmem:$0x10080] =	vst v1  }
0x94: {  	v1 =	vld [tilespmem:s24+$0x90];
	_ =	sdelay $0x4  }
0x95: {  	[tilespmem:$0x10090] =	vst v1  }
0x96: {  	v1 =	vld [tilespmem:s24+$0xA0];
	_ =	sdelay $0x4  }
0x97: {  	[tilespmem:$0x100A0] =	vst v1  }
0x98: {  	v1 =	vld [tilespmem:s24+$0xB0];
	_ =	sdelay $0x4  }
0x99: {  	[tilespmem:$0x100B0] =	vst v1  }
0x9a: {  	v1 =	vld [tilespmem:s24+$0xC0];
	_ =	sdelay $0x4  }
0x9b: {  	[tilespmem:$0x100C0] =	vst v1  }
0x9c: {  	[tilespmem:s21], [sflag:$0x1] =	stream.indirect.gather [hbm4b:s4+s17], $0x80, s20, s17, $0xb8;
	[tilespmem:$0x1F140] =	vst v63  }
0x9d: {  	_ =	swait.ge [sflag:s19], $0x2800  }
0x9e: {  	[sflag:s19] =	ssyncset.done $0x0  }
0x9f: {  	[sflag:s19] =	ssyncadd.s32 $0xFFFFD800  }
0xa0: {  	_ =	swait.ge [sflag:s22], $0x2800  }
0xa1: {  	[sflag:s22] =	ssyncset.done $0x0  }
0xa2: {  	s31 =	simm.s32 $0x8080;
	[sflag:s22] =	ssyncadd.s32 $0xFFFFD800  }
0xa3: {  	[spmem:s2] =	stream.indirect.scatter.add.f32 [tilespmem:s21], [sflag:$0x3], $0x80, s31, s17, $0xb8;
	[tilespmem:$0x1F140] =	vst v63  }
0xa4: {  	_ =	swait.ge [sflag:s14], $0x2800  }
0xa5: {  	s28 =	simm.s32 $0x800;
	s24 =	simm.s32 $0x400;
	[sflag:s14] =	ssyncset.done $0x0  }
.LBB2_7:
0xa6: {  	s26 =	sshra.s32 s24, $0x2  }
0xa7: {  	[sflag:s14] =	ssyncadd.s32 $0xFFFFD800;
	s24 =	smov.u32 s28;
	s25 =	sadd.s32 $0x400, s28  }
0xa8: {  	p1 =	seq.s32 s28, $0x1F000;
	v1 =	vld [tilespmem:s26+$0x0];
	_ =	sdelay $0x4  }
0xa9: {  	[tilespmem:$0x10000] =	vst v1  }
0xaa: {  	v1 =	vld [tilespmem:s26+$0x10];
	_ =	sdelay $0x4  }
0xab: {  	[tilespmem:$0x10010] =	vst v1  }
0xac: {  	v1 =	vld [tilespmem:s26+$0x20];
	_ =	sdelay $0x4  }
0xad: {  	[tilespmem:$0x10020] =	vst v1  }
0xae: {  	v1 =	vld [tilespmem:s26+$0x30];
	_ =	sdelay $0x4  }
0xaf: {  	[tilespmem:$0x10030] =	vst v1  }
0xb0: {  	v1 =	vld [tilespmem:s26+$0x40];
	_ =	sdelay $0x4  }
0xb1: {  	[tilespmem:$0x10040] =	vst v1  }
0xb2: {  	[tilespmem:s16], [sflag:$0x1] =	stream.indirect.gather [hbm4b:s4+s17], $0x80, s18, s17, $0xb8;
	[tilespmem:$0x1F140] =	vst v63  }
0xb3: {  	_ =	swait.ge [sflag:s19], $0x2800  }
0xb4: {  	[sflag:s19] =	ssyncset.done $0x0  }
0xb5: {  	s28 =	sadd.s32 $0x8000, s26;
	[sflag:s19] =	ssyncadd.s32 $0xFFFFD800  }
0xb6: {  	[spmem:s2] =	stream.indirect.scatter.add.f32 [tilespmem:s16], [sflag:$0x2], $0x80, s28, s17, $0xb8;
	[tilespmem:$0x1F140] =	vst v63  }
0xb7: {  	v1 =	vld [tilespmem:s26+$0x80];
	_ =	sdelay $0x4  }
0xb8: {  	[tilespmem:$0x10080] =	vst v1  }
0xb9: {  	v1 =	vld [tilespmem:s26+$0x90];
	_ =	sdelay $0x4  }
0xba: {  	[tilespmem:$0x10090] =	vst v1  }
0xbb: {  	v1 =	vld [tilespmem:s26+$0xA0];
	_ =	sdelay $0x4  }
0xbc: {  	[tilespmem:$0x100A0] =	vst v1  }
0xbd: {  	v1 =	vld [tilespmem:s26+$0xB0];
	_ =	sdelay $0x4  }
0xbe: {  	[tilespmem:$0x100B0] =	vst v1  }
0xbf: {  	v1 =	vld [tilespmem:s26+$0xC0];
	_ =	sdelay $0x4  }
0xc0: {  	[tilespmem:$0x100C0] =	vst v1  }
0xc1: {  	[tilespmem:s21], [sflag:$0x1] =	stream.indirect.gather [hbm4b:s4+s17], $0x80, s20, s17, $0xb8;
	[tilespmem:$0x1F140] =	vst v63  }
0xc2: {  	_ =	swait.ge [sflag:s19], $0x2800  }
0xc3: {  	[sflag:s19] =	ssyncset.done $0x0  }
0xc4: {  	[sflag:s19] =	ssyncadd.s32 $0xFFFFD800  }
0xc5: {  	_ =	swait.ge [sflag:s22], $0x2800  }
.Ltmp5:
0xc6: {  	[sflag:s22] =	ssyncset.done $0x0;
	(pc) =	sbr.rel @!p1 .LBB2_7-.Ltmp5, $4  }
0xc7: {  	s26 =	sadd.s32 $0x8080, s26;
	[sflag:s22] =	ssyncadd.s32 $0xFFFFD800  }
0xc8: {  	[spmem:s2] =	stream.indirect.scatter.add.f32 [tilespmem:s21], [sflag:$0x3], $0x80, s26, s17, $0xb8;
	[tilespmem:$0x1F140] =	vst v63  }
0xc9: {  	_ =	swait.ge [sflag:s14], $0x2800  }
0xca: {  	s28 =	smov.u32 s25;
	[sflag:s14] =	ssyncset.done $0x0  }
0xcb: {  	s24 =	sshra.s32 s24, $0x2;
	[sflag:s14] =	ssyncadd.s32 $0xFFFFD800  }
0xcc: {  	v1 =	vld [tilespmem:s24+$0x0];
	_ =	sdelay $0x4  }
0xcd: {  	[tilespmem:$0x10000] =	vst v1  }
0xce: {  	v1 =	vld [tilespmem:s24+$0x10];
	_ =	sdelay $0x4  }
0xcf: {  	[tilespmem:$0x10010] =	vst v1  }
0xd0: {  	v1 =	vld [tilespmem:s24+$0x20];
	_ =	sdelay $0x4  }
0xd1: {  	[tilespmem:$0x10020] =	vst v1  }
0xd2: {  	v1 =	vld [tilespmem:s24+$0x30];
	_ =	sdelay $0x4  }
0xd3: {  	[tilespmem:$0x10030] =	vst v1  }
0xd4: {  	v1 =	vld [tilespmem:s24+$0x40];
	_ =	sdelay $0x4  }
0xd5: {  	[tilespmem:$0x10040] =	vst v1  }
0xd6: {  	[tilespmem:s16], [sflag:$0x1] =	stream.indirect.gather [hbm4b:s4+s17], $0x80, s18, s17, $0xb8;
	[tilespmem:$0x1F140] =	vst v63  }
0xd7: {  	_ =	swait.ge [sflag:s19], $0x2800  }
0xd8: {  	[sflag:s19] =	ssyncset.done $0x0  }
0xd9: {  	s25 =	sadd.s32 $0x8000, s24;
	[sflag:s19] =	ssyncadd.s32 $0xFFFFD800  }
0xda: {  	[spmem:s2] =	stream.indirect.scatter.add.f32 [tilespmem:s16], [sflag:$0x2], $0x80, s25, s17, $0xb8;
	[tilespmem:$0x1F140] =	vst v63  }
0xdb: {  	v1 =	vld [tilespmem:s24+$0x80];
	_ =	sdelay $0x4  }
0xdc: {  	[tilespmem:$0x10080] =	vst v1  }
0xdd: {  	v1 =	vld [tilespmem:s24+$0x90];
	_ =	sdelay $0x4  }
0xde: {  	[tilespmem:$0x10090] =	vst v1  }
0xdf: {  	v1 =	vld [tilespmem:s24+$0xA0];
	_ =	sdelay $0x4  }
0xe0: {  	[tilespmem:$0x100A0] =	vst v1  }
0xe1: {  	v1 =	vld [tilespmem:s24+$0xB0];
	_ =	sdelay $0x4  }
0xe2: {  	[tilespmem:$0x100B0] =	vst v1  }
0xe3: {  	v1 =	vld [tilespmem:s24+$0xC0];
	_ =	sdelay $0x4  }
0xe4: {  	[tilespmem:$0x100C0] =	vst v1  }
0xe5: {  	[tilespmem:s21], [sflag:$0x1] =	stream.indirect.gather [hbm4b:s4+s17], $0x80, s20, s17, $0xb8;
	[tilespmem:$0x1F140] =	vst v63  }
0xe6: {  	_ =	swait.ge [sflag:s19], $0x2800  }
0xe7: {  	[sflag:s19] =	ssyncset.done $0x0  }
0xe8: {  	[sflag:s19] =	ssyncadd.s32 $0xFFFFD800  }
0xe9: {  	_ =	swait.ge [sflag:s22], $0x2800  }
0xea: {  	[sflag:s22] =	ssyncset.done $0x0  }
.Ltmp6:
0xeb: {  	s24 =	sadd.s32 $0x8080, s24;
	[sflag:s22] =	ssyncadd.s32 $0xFFFFD800;
	(pc) =	sbr.rel .LBB2_12-.Ltmp6, $4  }
0xec: {  	[spmem:s2] =	stream.indirect.scatter.add.f32 [tilespmem:s21], [sflag:$0x3], $0x80, s24, s17, $0xb8;
	[tilespmem:$0x1F140] =	vst v63  }
0xed: {  	_ =	swait.ge [sflag:s14], $0x2800  }
0xee: {  	[sflag:s14] =	ssyncset.done $0x0  }
0xef: {  	[sflag:s14] =	ssyncadd.s32 $0xFFFFD800  }
.LBB2_9:
0xf0: {  	v1 =	vld [tilespmem:s24+$0x0];
	_ =	sdelay $0x4  }
0xf1: {  	v1 =	vadd.s32 $0x2710, v1  }
0xf2: {  	[tilespmem:$0x10000] =	vst v1  }
0xf3: {  	v1 =	vld [tilespmem:s24+$0x10];
	_ =	sdelay $0x4  }
0xf4: {  	v1 =	vadd.s32 $0x2710, v1  }
0xf5: {  	[tilespmem:$0x10010] =	vst v1  }
0xf6: {  	v1 =	vld [tilespmem:s24+$0x20];
	_ =	sdelay $0x4  }
0xf7: {  	v1 =	vadd.s32 $0x2710, v1  }
0xf8: {  	[tilespmem:$0x10020] =	vst v1  }
0xf9: {  	v1 =	vld [tilespmem:s24+$0x30];
	_ =	sdelay $0x4  }
0xfa: {  	v1 =	vadd.s32 $0x2710, v1  }
0xfb: {  	[tilespmem:$0x10030] =	vst v1  }
0xfc: {  	v1 =	vld [tilespmem:s24+$0x40];
	_ =	sdelay $0x4  }
0xfd: {  	v1 =	vadd.s32 $0x2710, v1  }
0xfe: {  	[tilespmem:$0x10040] =	vst v1  }
0xff: {  	[tilespmem:s16], [sflag:$0x1] =	stream.indirect.gather [hbm4b:s4+s17], $0x80, s18, s17, $0xb8;
	[tilespmem:$0x1F140] =	vst v63  }
0x100: {  	_ =	swait.ge [sflag:s19], $0x2800  }
0x101: {  	[sflag:s19] =	ssyncset.done $0x0  }
0x102: {  	s25 =	simm.s32 $0x8000;
	[sflag:s19] =	ssyncadd.s32 $0xFFFFD800  }
0x103: {  	[spmem:s2] =	stream.indirect.scatter.add.f32 [tilespmem:s16], [sflag:$0x2], $0x80, s25, s17, $0xb8;
	[tilespmem:$0x1F140] =	vst v63  }
0x104: {  	v1 =	vld [tilespmem:s24+$0x80];
	_ =	sdelay $0x4  }
0x105: {  	v1 =	vadd.s32 $0x2710, v1  }
0x106: {  	[tilespmem:$0x10080] =	vst v1  }
0x107: {  	v1 =	vld [tilespmem:s24+$0x90];
	_ =	sdelay $0x4  }
0x108: {  	v1 =	vadd.s32 $0x2710, v1  }
0x109: {  	[tilespmem:$0x10090] =	vst v1  }
0x10a: {  	v1 =	vld [tilespmem:s24+$0xA0];
	_ =	sdelay $0x4  }
0x10b: {  	v1 =	vadd.s32 $0x2710, v1  }
0x10c: {  	[tilespmem:$0x100A0] =	vst v1  }
0x10d: {  	v1 =	vld [tilespmem:s24+$0xB0];
	_ =	sdelay $0x4  }
0x10e: {  	v1 =	vadd.s32 $0x2710, v1  }
0x10f: {  	[tilespmem:$0x100B0] =	vst v1  }
0x110: {  	v1 =	vld [tilespmem:s24+$0xC0];
	_ =	sdelay $0x4  }
0x111: {  	v1 =	vadd.s32 $0x2710, v1  }
0x112: {  	[tilespmem:$0x100C0] =	vst v1  }
0x113: {  	[tilespmem:s21], [sflag:$0x1] =	stream.indirect.gather [hbm4b:s4+s17], $0x80, s20, s17, $0xb8;
	[tilespmem:$0x1F140] =	vst v63  }
0x114: {  	_ =	swait.ge [sflag:s19], $0x2800  }
0x115: {  	[sflag:s19] =	ssyncset.done $0x0  }
0x116: {  	[sflag:s19] =	ssyncadd.s32 $0xFFFFD800  }
0x117: {  	_ =	swait.ge [sflag:s22], $0x2800  }
0x118: {  	[sflag:s22] =	ssyncset.done $0x0  }
0x119: {  	s31 =	simm.s32 $0x8080;
	[sflag:s22] =	ssyncadd.s32 $0xFFFFD800  }
0x11a: {  	[spmem:s2] =	stream.indirect.scatter.add.f32 [tilespmem:s21], [sflag:$0x3], $0x80, s31, s17, $0xb8;
	[tilespmem:$0x1F140] =	vst v63  }
0x11b: {  	_ =	swait.ge [sflag:s14], $0x2800  }
0x11c: {  	s28 =	simm.s32 $0x800;
	s24 =	simm.s32 $0x400;
	[sflag:s14] =	ssyncset.done $0x0  }
.LBB2_10:
0x11d: {  	s26 =	sshra.s32 s24, $0x2  }
0x11e: {  	[sflag:s14] =	ssyncadd.s32 $0xFFFFD800;
	s24 =	smov.u32 s28;
	s25 =	sadd.s32 $0x400, s28  }
0x11f: {  	p1 =	sne.s32 s28, $0x1F000;
	v1 =	vld [tilespmem:s26+$0x0];
	_ =	sdelay $0x4  }
0x120: {  	v1 =	vadd.s32 $0x2710, v1  }
0x121: {  	[tilespmem:$0x10000] =	vst v1  }
0x122: {  	v1 =	vld [tilespmem:s26+$0x10];
	_ =	sdelay $0x4  }
0x123: {  	v1 =	vadd.s32 $0x2710, v1  }
0x124: {  	[tilespmem:$0x10010] =	vst v1  }
0x125: {  	v1 =	vld [tilespmem:s26+$0x20];
	_ =	sdelay $0x4  }
0x126: {  	v1 =	vadd.s32 $0x2710, v1  }
0x127: {  	[tilespmem:$0x10020] =	vst v1  }
0x128: {  	v1 =	vld [tilespmem:s26+$0x30];
	_ =	sdelay $0x4  }
0x129: {  	v1 =	vadd.s32 $0x2710, v1  }
0x12a: {  	[tilespmem:$0x10030] =	vst v1  }
0x12b: {  	v1 =	vld [tilespmem:s26+$0x40];
	_ =	sdelay $0x4  }
0x12c: {  	v1 =	vadd.s32 $0x2710, v1  }
0x12d: {  	[tilespmem:$0x10040] =	vst v1  }
0x12e: {  	[tilespmem:s16], [sflag:$0x1] =	stream.indirect.gather [hbm4b:s4+s17], $0x80, s18, s17, $0xb8;
	[tilespmem:$0x1F140] =	vst v63  }
0x12f: {  	_ =	swait.ge [sflag:s19], $0x2800  }
0x130: {  	[sflag:s19] =	ssyncset.done $0x0  }
0x131: {  	s28 =	sadd.s32 $0x8000, s26;
	[sflag:s19] =	ssyncadd.s32 $0xFFFFD800  }
0x132: {  	[spmem:s2] =	stream.indirect.scatter.add.f32 [tilespmem:s16], [sflag:$0x2], $0x80, s28, s17, $0xb8;
	[tilespmem:$0x1F140] =	vst v63  }
0x133: {  	v1 =	vld [tilespmem:s26+$0x80];
	_ =	sdelay $0x4  }
0x134: {  	v1 =	vadd.s32 $0x2710, v1  }
0x135: {  	[tilespmem:$0x10080] =	vst v1  }
0x136: {  	v1 =	vld [tilespmem:s26+$0x90];
	_ =	sdelay $0x4  }
0x137: {  	v1 =	vadd.s32 $0x2710, v1  }
0x138: {  	[tilespmem:$0x10090] =	vst v1  }
0x139: {  	v1 =	vld [tilespmem:s26+$0xA0];
	_ =	sdelay $0x4  }
0x13a: {  	v1 =	vadd.s32 $0x2710, v1  }
0x13b: {  	[tilespmem:$0x100A0] =	vst v1  }
0x13c: {  	v1 =	vld [tilespmem:s26+$0xB0];
	_ =	sdelay $0x4  }
0x13d: {  	v1 =	vadd.s32 $0x2710, v1  }
0x13e: {  	[tilespmem:$0x100B0] =	vst v1  }
0x13f: {  	v1 =	vld [tilespmem:s26+$0xC0];
	_ =	sdelay $0x4  }
0x140: {  	v1 =	vadd.s32 $0x2710, v1  }
0x141: {  	[tilespmem:$0x100C0] =	vst v1  }
0x142: {  	[tilespmem:s21], [sflag:$0x1] =	stream.indirect.gather [hbm4b:s4+s17], $0x80, s20, s17, $0xb8;
	[tilespmem:$0x1F140] =	vst v63  }
0x143: {  	_ =	swait.ge [sflag:s19], $0x2800  }
0x144: {  	[sflag:s19] =	ssyncset.done $0x0  }
0x145: {  	[sflag:s19] =	ssyncadd.s32 $0xFFFFD800  }
0x146: {  	_ =	swait.ge [sflag:s22], $0x2800  }
.Ltmp7:
0x147: {  	[sflag:s22] =	ssyncset.done $0x0;
	(pc) =	sbr.rel @p1 .LBB2_10-.Ltmp7, $4  }
0x148: {  	s26 =	sadd.s32 $0x8080, s26;
	[sflag:s22] =	ssyncadd.s32 $0xFFFFD800  }
0x149: {  	[spmem:s2] =	stream.indirect.scatter.add.f32 [tilespmem:s21], [sflag:$0x3], $0x80, s26, s17, $0xb8;
	[tilespmem:$0x1F140] =	vst v63  }
0x14a: {  	_ =	swait.ge [sflag:s14], $0x2800  }
0x14b: {  	s28 =	smov.u32 s25;
	[sflag:s14] =	ssyncset.done $0x0  }
0x14c: {  	s24 =	sshra.s32 s24, $0x2;
	[sflag:s14] =	ssyncadd.s32 $0xFFFFD800  }
0x14d: {  	v1 =	vld [tilespmem:s24+$0x0];
	_ =	sdelay $0x4  }
0x14e: {  	v1 =	vadd.s32 $0x2710, v1  }
0x14f: {  	[tilespmem:$0x10000] =	vst v1  }
0x150: {  	v1 =	vld [tilespmem:s24+$0x10];
	_ =	sdelay $0x4  }
0x151: {  	v1 =	vadd.s32 $0x2710, v1  }
0x152: {  	[tilespmem:$0x10010] =	vst v1  }
0x153: {  	v1 =	vld [tilespmem:s24+$0x20];
	_ =	sdelay $0x4  }
0x154: {  	v1 =	vadd.s32 $0x2710, v1  }
0x155: {  	[tilespmem:$0x10020] =	vst v1  }
0x156: {  	v1 =	vld [tilespmem:s24+$0x30];
	_ =	sdelay $0x4  }
0x157: {  	v1 =	vadd.s32 $0x2710, v1  }
0x158: {  	[tilespmem:$0x10030] =	vst v1  }
0x159: {  	v1 =	vld [tilespmem:s24+$0x40];
	_ =	sdelay $0x4  }
0x15a: {  	v1 =	vadd.s32 $0x2710, v1  }
0x15b: {  	[tilespmem:$0x10040] =	vst v1  }
0x15c: {  	[tilespmem:s16], [sflag:$0x1] =	stream.indirect.gather [hbm4b:s4+s17], $0x80, s18, s17, $0xb8;
	[tilespmem:$0x1F140] =	vst v63  }
0x15d: {  	_ =	swait.ge [sflag:s19], $0x2800  }
0x15e: {  	[sflag:s19] =	ssyncset.done $0x0  }
0x15f: {  	s25 =	sadd.s32 $0x8000, s24;
	[sflag:s19] =	ssyncadd.s32 $0xFFFFD800  }
0x160: {  	[spmem:s2] =	stream.indirect.scatter.add.f32 [tilespmem:s16], [sflag:$0x2], $0x80, s25, s17, $0xb8;
	[tilespmem:$0x1F140] =	vst v63  }
0x161: {  	v1 =	vld [tilespmem:s24+$0x80];
	_ =	sdelay $0x4  }
0x162: {  	v1 =	vadd.s32 $0x2710, v1  }
0x163: {  	[tilespmem:$0x10080] =	vst v1  }
0x164: {  	v1 =	vld [tilespmem:s24+$0x90];
	_ =	sdelay $0x4  }
0x165: {  	v1 =	vadd.s32 $0x2710, v1  }
0x166: {  	[tilespmem:$0x10090] =	vst v1  }
0x167: {  	v1 =	vld [tilespmem:s24+$0xA0];
	_ =	sdelay $0x4  }
0x168: {  	v1 =	vadd.s32 $0x2710, v1  }
0x169: {  	[tilespmem:$0x100A0] =	vst v1  }
0x16a: {  	v1 =	vld [tilespmem:s24+$0xB0];
	_ =	sdelay $0x4  }
0x16b: {  	v1 =	vadd.s32 $0x2710, v1  }
0x16c: {  	[tilespmem:$0x100B0] =	vst v1  }
0x16d: {  	v1 =	vld [tilespmem:s24+$0xC0];
	_ =	sdelay $0x4  }
0x16e: {  	v1 =	vadd.s32 $0x2710, v1  }
0x16f: {  	[tilespmem:$0x100C0] =	vst v1  }
0x170: {  	[tilespmem:s21], [sflag:$0x1] =	stream.indirect.gather [hbm4b:s4+s17], $0x80, s20, s17, $0xb8;
	[tilespmem:$0x1F140] =	vst v63  }
0x171: {  	_ =	swait.ge [sflag:s19], $0x2800  }
0x172: {  	[sflag:s19] =	ssyncset.done $0x0  }
0x173: {  	[sflag:s19] =	ssyncadd.s32 $0xFFFFD800  }
0x174: {  	_ =	swait.ge [sflag:s22], $0x2800  }
0x175: {  	[sflag:s22] =	ssyncset.done $0x0  }
0x176: {  	s24 =	sadd.s32 $0x8080, s24;
	[sflag:s22] =	ssyncadd.s32 $0xFFFFD800  }
0x177: {  	[spmem:s2] =	stream.indirect.scatter.add.f32 [tilespmem:s21], [sflag:$0x3], $0x80, s24, s17, $0xb8;
	[tilespmem:$0x1F140] =	vst v63  }
0x178: {  	_ =	swait.ge [sflag:s14], $0x2800  }
0x179: {  	[sflag:s14] =	ssyncset.done $0x0  }
0x17a: {  	[sflag:s14] =	ssyncadd.s32 $0xFFFFD800  }
.LBB2_12:
0x17b: {  	s24 =	sshll.u32 s1, $0x6  }
0x17c: {  	[bflag:$0x0] =	sbarrier.arrive $0xFFFF;
	s25 =	sshrl.u32 s7, $0x3;
	s24 =	sor.u32 $0x1C03, s24  }
0x17d: {  	[hbm:s8], [sflag:s24] =	dma.local [spmem:s25], $0x1400  }
0x17e: {  	_ =	swait.ge [sflag:s14], $0x1400  }
0x17f: {  	[sflag:s14] =	ssyncset.done $0x0  }
0x180: {  	[sflag:s14] =	ssyncadd.s32 $0xFFFFEC00  }
0x181: {  	s26 =	simm.s32 $0x70;
	s28 =	simm.s32 $0x3C0;
	[bflag:$0x0] =	sbarrier.arrive $0xFFFF  }
.LBB2_13:
0x182: {  	p1 =	sne.s32 s28, $0x9FC0;
	[tilespmem:s26+$0x10100] =	vst v0  }
0x183: {  	[tilespmem:s26+$0x10090] =	vst v0  }
0x184: {  	[tilespmem:s26+$0x100A0] =	vst v0  }
.Ltmp8:
0x185: {  	[tilespmem:s26+$0x100B0] =	vst v0;
	(pc) =	sbr.rel @p1 .LBB2_13-.Ltmp8, $4  }
0x186: {  	[tilespmem:s26+$0x100C0] =	vst v0  }
0x187: {  	[tilespmem:s26+$0x100D0] =	vst v0  }
0x188: {  	[tilespmem:s26+$0x100E0] =	vst v0  }
0x189: {  	[tilespmem:s26+$0x100F0] =	vst v0;
	s26 =	sshra.s32 s28, $0x2;
	s28 =	sadd.s32 $0x200, s28  }
0x18a: {  	[tilespmem:s26+$0x10100] =	vst v0  }
0x18b: {  	[tilespmem:s26+$0x10090] =	vst v0  }
0x18c: {  	[tilespmem:s26+$0x100A0] =	vst v0  }
0x18d: {  	[tilespmem:s26+$0x100B0] =	vst v0  }
0x18e: {  	[tilespmem:s26+$0x100C0] =	vst v0  }
0x18f: {  	[tilespmem:s26+$0x100D0] =	vst v0  }
0x190: {  	[tilespmem:s26+$0x100E0] =	vst v0  }
0x191: {  	[tilespmem:s26+$0x100F0] =	vst v0  }
0x192: {  	[tilespmem:s15], [sflag:$0x3] =	stream.linear.gather [hbm4b:s6+s3], $0x7D00, $0x38;
	[tilespmem:$0x1F140] =	vst v63  }
0x193: {  	_ =	swait.ge [sflag:s14], $0x7D00  }
0x194: {  	[sflag:s14] =	ssyncset.done $0x0  }
0x195: {  	s26 =	simm.s32 $0x40;
	[sflag:s14] =	ssyncadd.s32 $0xFFFF8300  }
0x196: {  	v3 =	vld [tilespmem:s26+$0x7FC0]  }
0x197: {  	v4 =	vld [tilespmem:s26+$0x7FD0]  }
0x198: {  	v2 =	vld [tilespmem:s26+$0x7FE0]  }
0x199: {  	s28 =	simm.s32 $0x300;
	v1 =	vld [tilespmem:s26+$0x7FF0]  }
.LBB2_15:
0x19a: {  	p1 =	sne.s32 s28, $0x1F300;
	v5 =	vld [tilespmem:s26+$0x8000]  }
0x19b: {  	v3 =	vadd.s32 $0xFFFFEC00, v3  }
0x19c: {  	v3 =	vmin.u32 v3, $0x1400;
	v4 =	vadd.s32 $0xFFFFEC00, v4  }
.Ltmp9:
0x19d: {  	s29 =	sshra.s32 s28, $0x2;
	[tilespmem:s26+$0x7FC0] =	vst v3;
	v4 =	vmin.u32 v4, $0x1400;
	v2 =	vadd.s32 $0xFFFFEC00, v2;
	(pc) =	sbr.rel @p1 .LBB2_15-.Ltmp9, $4  }
0x19e: {  	v3 =	vld [tilespmem:s29+$0x7FC0];
	[tilespmem:s26+$0x7FD0] =	vst v4;
	v2 =	vmin.u32 v2, $0x1400;
	v1 =	vadd.s32 $0xFFFFEC00, v1  }
0x19f: {  	v4 =	vld [tilespmem:s29+$0x7FD0];
	[tilespmem:s26+$0x7FE0] =	vst v2;
	v1 =	vmin.u32 v1, $0x1400;
	v5 =	vadd.s32 $0xFFFFEC00, v5  }
0x1a0: {  	v2 =	vld [tilespmem:s29+$0x7FE0];
	[tilespmem:s26+$0x7FF0] =	vst v1;
	v5 =	vmin.u32 v5, $0x1400  }
0x1a1: {  	s28 =	sadd.s32 $0x200, s28;
	v1 =	vld [tilespmem:s29+$0x7FF0];
	[tilespmem:s26+$0x8000] =	vst v5;
	s26 =	smov.u32 s29  }
0x1a2: {  	v5 =	vld [tilespmem:s26+$0x8000]  }
0x1a3: {  	v3 =	vadd.s32 $0xFFFFEC00, v3  }
0x1a4: {  	v3 =	vmin.u32 v3, $0x1400;
	v4 =	vadd.s32 $0xFFFFEC00, v4  }
0x1a5: {  	[tilespmem:s26+$0x7FC0] =	vst v3;
	v3 =	vmin.u32 v4, $0x1400;
	v2 =	vadd.s32 $0xFFFFEC00, v2  }
0x1a6: {  	[tilespmem:s26+$0x7FD0] =	vst v3;
	v2 =	vmin.u32 v2, $0x1400;
	v1 =	vadd.s32 $0xFFFFEC00, v1  }
0x1a7: {  	[tilespmem:s26+$0x7FE0] =	vst v2;
	v1 =	vmin.u32 v1, $0x1400;
	v2 =	vadd.s32 $0xFFFFEC00, v5  }
0x1a8: {  	[tilespmem:s26+$0x7FF0] =	vst v1;
	v1 =	vmin.u32 v2, $0x1400  }
0x1a9: {  	[tilespmem:s26+$0x8000] =	vst v1  }
0x1aa: {  	[spmem:s7] =	stream.linear.scatter [tilespmem:s16], [sflag:$0x3], $0x2800, $0x38;
	[tilespmem:$0x1F140] =	vst v63  }
0x1ab: {  	_ =	swait.ge [sflag:s14], $0x2800  }
0x1ac: {  	[sflag:s14] =	ssyncset.done $0x0  }
0x1ad: {  	[sflag:s14] =	ssyncadd.s32 $0xFFFFD800  }
0x1ae: {  	[spmem:s11] =	stream.linear.scatter [tilespmem:s16], [sflag:$0x3], $0x2800, $0x38;
	[tilespmem:$0x1F140] =	vst v63  }
0x1af: {  	_ =	swait.ge [sflag:s14], $0x2800  }
0x1b0: {  	[sflag:s14] =	ssyncset.done $0x0  }
0x1b1: {  	[sflag:s14] =	ssyncadd.s32 $0xFFFFD800  }
0x1b2: {  	[spmem:s12] =	stream.linear.scatter [tilespmem:s16], [sflag:$0x3], $0x2800, $0x38;
	[tilespmem:$0x1F140] =	vst v63  }
0x1b3: {  	_ =	swait.ge [sflag:s14], $0x2800  }
0x1b4: {  	[sflag:s14] =	ssyncset.done $0x0  }
0x1b5: {  	[sflag:s14] =	ssyncadd.s32 $0xFFFFD800  }
0x1b6: {  	[spmem:s13] =	stream.linear.scatter [tilespmem:s16], [sflag:$0x3], $0x2800, $0x38;
	[tilespmem:$0x1F140] =	vst v63  }
.Ltmp10:
0x1b7: {  	_ =	swait.ge [sflag:s14], $0x2800;
	(pc) =	sbr.rel @p0 .LBB2_20-.Ltmp10, $4  }
0x1b8: {  	[sflag:s14] =	ssyncset.done $0x0  }
0x1b9: {  	[sflag:s14] =	ssyncadd.s32 $0xFFFFD800  }
0x1ba: {  	[bflag:$0x0] =	sbarrier.arrive $0xFFFF  }
0x1bb: {  	s26 =	simm.s32 $0x0  }
0x1bc: {  	v1 =	vld [tilespmem:s26+$0x0];
	_ =	sdelay $0x4  }
0x1bd: {  	[tilespmem:$0x10000] =	vst v1  }
0x1be: {  	v1 =	vld [tilespmem:s26+$0x10];
	_ =	sdelay $0x4  }
0x1bf: {  	[tilespmem:$0x10010] =	vst v1  }
0x1c0: {  	v1 =	vld [tilespmem:s26+$0x20];
	_ =	sdelay $0x4  }
0x1c1: {  	[tilespmem:$0x10020] =	vst v1  }
0x1c2: {  	v1 =	vld [tilespmem:s26+$0x30];
	_ =	sdelay $0x4  }
0x1c3: {  	[tilespmem:$0x10030] =	vst v1  }
0x1c4: {  	v1 =	vld [tilespmem:s26+$0x40];
	_ =	sdelay $0x4  }
0x1c5: {  	[tilespmem:$0x10040] =	vst v1  }
0x1c6: {  	[tilespmem:s16], [sflag:$0x1] =	stream.indirect.gather [hbm4b:s4+s17], $0x80, s18, s17, $0xb8;
	[tilespmem:$0x1F140] =	vst v63  }
0x1c7: {  	_ =	swait.ge [sflag:s19], $0x2800  }
0x1c8: {  	[sflag:s19] =	ssyncset.done $0x0  }
0x1c9: {  	s28 =	simm.s32 $0x8000;
	[sflag:s19] =	ssyncadd.s32 $0xFFFFD800  }
0x1ca: {  	[spmem:s2] =	stream.indirect.scatter.add.f32 [tilespmem:s16], [sflag:$0x2], $0x80, s28, s17, $0xb8;
	[tilespmem:$0x1F140] =	vst v63  }
0x1cb: {  	v1 =	vld [tilespmem:s26+$0x80];
	_ =	sdelay $0x4  }
0x1cc: {  	[tilespmem:$0x10080] =	vst v1  }
0x1cd: {  	v1 =	vld [tilespmem:s26+$0x90];
	_ =	sdelay $0x4  }
0x1ce: {  	[tilespmem:$0x10090] =	vst v1  }
0x1cf: {  	v1 =	vld [tilespmem:s26+$0xA0];
	_ =	sdelay $0x4  }
0x1d0: {  	[tilespmem:$0x100A0] =	vst v1  }
0x1d1: {  	v1 =	vld [tilespmem:s26+$0xB0];
	_ =	sdelay $0x4  }
0x1d2: {  	[tilespmem:$0x100B0] =	vst v1  }
0x1d3: {  	v1 =	vld [tilespmem:s26+$0xC0];
	_ =	sdelay $0x4  }
0x1d4: {  	[tilespmem:$0x100C0] =	vst v1  }
0x1d5: {  	[tilespmem:s21], [sflag:$0x1] =	stream.indirect.gather [hbm4b:s4+s17], $0x80, s20, s17, $0xb8;
	[tilespmem:$0x1F140] =	vst v63  }
0x1d6: {  	_ =	swait.ge [sflag:s19], $0x2800  }
0x1d7: {  	[sflag:s19] =	ssyncset.done $0x0  }
0x1d8: {  	[sflag:s19] =	ssyncadd.s32 $0xFFFFD800  }
0x1d9: {  	_ =	swait.ge [sflag:s22], $0x2800  }
0x1da: {  	[sflag:s22] =	ssyncset.done $0x0  }
0x1db: {  	s31 =	simm.s32 $0x8080;
	[sflag:s22] =	ssyncadd.s32 $0xFFFFD800  }
0x1dc: {  	[spmem:s2] =	stream.indirect.scatter.add.f32 [tilespmem:s21], [sflag:$0x3], $0x80, s31, s17, $0xb8;
	[tilespmem:$0x1F140] =	vst v63  }
0x1dd: {  	_ =	swait.ge [sflag:s14], $0x2800  }
0x1de: {  	s30 =	simm.s32 $0x800;
	s26 =	simm.s32 $0x400;
	[sflag:s14] =	ssyncset.done $0x0  }
.LBB2_18:
0x1df: {  	s29 =	sshra.s32 s26, $0x2  }
0x1e0: {  	[sflag:s14] =	ssyncadd.s32 $0xFFFFD800;
	s26 =	smov.u32 s30;
	s28 =	sadd.s32 $0x400, s30  }
0x1e1: {  	p1 =	seq.s32 s30, $0x1F000;
	v1 =	vld [tilespmem:s29+$0x0];
	_ =	sdelay $0x4  }
0x1e2: {  	[tilespmem:$0x10000] =	vst v1  }
0x1e3: {  	v1 =	vld [tilespmem:s29+$0x10];
	_ =	sdelay $0x4  }
0x1e4: {  	[tilespmem:$0x10010] =	vst v1  }
0x1e5: {  	v1 =	vld [tilespmem:s29+$0x20];
	_ =	sdelay $0x4  }
0x1e6: {  	[tilespmem:$0x10020] =	vst v1  }
0x1e7: {  	v1 =	vld [tilespmem:s29+$0x30];
	_ =	sdelay $0x4  }
0x1e8: {  	[tilespmem:$0x10030] =	vst v1  }
0x1e9: {  	v1 =	vld [tilespmem:s29+$0x40];
	_ =	sdelay $0x4  }
0x1ea: {  	[tilespmem:$0x10040] =	vst v1  }
0x1eb: {  	[tilespmem:s16], [sflag:$0x1] =	stream.indirect.gather [hbm4b:s4+s17], $0x80, s18, s17, $0xb8;
	[tilespmem:$0x1F140] =	vst v63  }
0x1ec: {  	_ =	swait.ge [sflag:s19], $0x2800  }
0x1ed: {  	[sflag:s19] =	ssyncset.done $0x0  }
0x1ee: {  	s30 =	sadd.s32 $0x8000, s29;
	[sflag:s19] =	ssyncadd.s32 $0xFFFFD800  }
0x1ef: {  	[spmem:s2] =	stream.indirect.scatter.add.f32 [tilespmem:s16], [sflag:$0x2], $0x80, s30, s17, $0xb8;
	[tilespmem:$0x1F140] =	vst v63  }
0x1f0: {  	v1 =	vld [tilespmem:s29+$0x80];
	_ =	sdelay $0x4  }
0x1f1: {  	[tilespmem:$0x10080] =	vst v1  }
0x1f2: {  	v1 =	vld [tilespmem:s29+$0x90];
	_ =	sdelay $0x4  }
0x1f3: {  	[tilespmem:$0x10090] =	vst v1  }
0x1f4: {  	v1 =	vld [tilespmem:s29+$0xA0];
	_ =	sdelay $0x4  }
0x1f5: {  	[tilespmem:$0x100A0] =	vst v1  }
0x1f6: {  	v1 =	vld [tilespmem:s29+$0xB0];
	_ =	sdelay $0x4  }
0x1f7: {  	[tilespmem:$0x100B0] =	vst v1  }
0x1f8: {  	v1 =	vld [tilespmem:s29+$0xC0];
	_ =	sdelay $0x4  }
0x1f9: {  	[tilespmem:$0x100C0] =	vst v1  }
0x1fa: {  	[tilespmem:s21], [sflag:$0x1] =	stream.indirect.gather [hbm4b:s4+s17], $0x80, s20, s17, $0xb8;
	[tilespmem:$0x1F140] =	vst v63  }
0x1fb: {  	_ =	swait.ge [sflag:s19], $0x2800  }
0x1fc: {  	[sflag:s19] =	ssyncset.done $0x0  }
0x1fd: {  	[sflag:s19] =	ssyncadd.s32 $0xFFFFD800  }
0x1fe: {  	_ =	swait.ge [sflag:s22], $0x2800  }
.Ltmp11:
0x1ff: {  	[sflag:s22] =	ssyncset.done $0x0;
	(pc) =	sbr.rel @!p1 .LBB2_18-.Ltmp11, $4  }
0x200: {  	s29 =	sadd.s32 $0x8080, s29;
	[sflag:s22] =	ssyncadd.s32 $0xFFFFD800  }
0x201: {  	[spmem:s2] =	stream.indirect.scatter.add.f32 [tilespmem:s21], [sflag:$0x3], $0x80, s29, s17, $0xb8;
	[tilespmem:$0x1F140] =	vst v63  }
0x202: {  	_ =	swait.ge [sflag:s14], $0x2800  }
0x203: {  	s30 =	smov.u32 s28;
	[sflag:s14] =	ssyncset.done $0x0  }
0x204: {  	s26 =	sshra.s32 s26, $0x2;
	[sflag:s14] =	ssyncadd.s32 $0xFFFFD800  }
0x205: {  	v1 =	vld [tilespmem:s26+$0x0];
	_ =	sdelay $0x4  }
0x206: {  	[tilespmem:$0x10000] =	vst v1  }
0x207: {  	v1 =	vld [tilespmem:s26+$0x10];
	_ =	sdelay $0x4  }
0x208: {  	[tilespmem:$0x10010] =	vst v1  }
0x209: {  	v1 =	vld [tilespmem:s26+$0x20];
	_ =	sdelay $0x4  }
0x20a: {  	[tilespmem:$0x10020] =	vst v1  }
0x20b: {  	v1 =	vld [tilespmem:s26+$0x30];
	_ =	sdelay $0x4  }
0x20c: {  	[tilespmem:$0x10030] =	vst v1  }
0x20d: {  	v1 =	vld [tilespmem:s26+$0x40];
	_ =	sdelay $0x4  }
0x20e: {  	[tilespmem:$0x10040] =	vst v1  }
0x20f: {  	[tilespmem:s16], [sflag:$0x1] =	stream.indirect.gather [hbm4b:s4+s17], $0x80, s18, s17, $0xb8;
	[tilespmem:$0x1F140] =	vst v63  }
0x210: {  	_ =	swait.ge [sflag:s19], $0x2800  }
0x211: {  	[sflag:s19] =	ssyncset.done $0x0  }
0x212: {  	s28 =	sadd.s32 $0x8000, s26;
	[sflag:s19] =	ssyncadd.s32 $0xFFFFD800  }
0x213: {  	[spmem:s2] =	stream.indirect.scatter.add.f32 [tilespmem:s16], [sflag:$0x2], $0x80, s28, s17, $0xb8;
	[tilespmem:$0x1F140] =	vst v63  }
0x214: {  	v1 =	vld [tilespmem:s26+$0x80];
	_ =	sdelay $0x4  }
0x215: {  	[tilespmem:$0x10080] =	vst v1  }
0x216: {  	v1 =	vld [tilespmem:s26+$0x90];
	_ =	sdelay $0x4  }
0x217: {  	[tilespmem:$0x10090] =	vst v1  }
0x218: {  	v1 =	vld [tilespmem:s26+$0xA0];
	_ =	sdelay $0x4  }
0x219: {  	[tilespmem:$0x100A0] =	vst v1  }
0x21a: {  	v1 =	vld [tilespmem:s26+$0xB0];
	_ =	sdelay $0x4  }
0x21b: {  	[tilespmem:$0x100B0] =	vst v1  }
0x21c: {  	v1 =	vld [tilespmem:s26+$0xC0];
	_ =	sdelay $0x4  }
0x21d: {  	[tilespmem:$0x100C0] =	vst v1  }
0x21e: {  	[tilespmem:s21], [sflag:$0x1] =	stream.indirect.gather [hbm4b:s4+s17], $0x80, s20, s17, $0xb8;
	[tilespmem:$0x1F140] =	vst v63  }
0x21f: {  	_ =	swait.ge [sflag:s19], $0x2800  }
0x220: {  	[sflag:s19] =	ssyncset.done $0x0  }
0x221: {  	[sflag:s19] =	ssyncadd.s32 $0xFFFFD800  }
0x222: {  	_ =	swait.ge [sflag:s22], $0x2800  }
0x223: {  	[sflag:s22] =	ssyncset.done $0x0  }
.Ltmp12:
0x224: {  	s26 =	sadd.s32 $0x8080, s26;
	[sflag:s22] =	ssyncadd.s32 $0xFFFFD800;
	(pc) =	sbr.rel .LBB2_23-.Ltmp12, $4  }
0x225: {  	[spmem:s2] =	stream.indirect.scatter.add.f32 [tilespmem:s21], [sflag:$0x3], $0x80, s26, s17, $0xb8;
	[tilespmem:$0x1F140] =	vst v63  }
0x226: {  	_ =	swait.ge [sflag:s14], $0x2800  }
0x227: {  	[sflag:s14] =	ssyncset.done $0x0  }
0x228: {  	[sflag:s14] =	ssyncadd.s32 $0xFFFFD800  }
.LBB2_20:
0x229: {  	v1 =	vld [tilespmem:s26+$0x0];
	_ =	sdelay $0x4  }
0x22a: {  	v1 =	vadd.s32 $0x2710, v1  }
0x22b: {  	[tilespmem:$0x10000] =	vst v1  }
0x22c: {  	v1 =	vld [tilespmem:s26+$0x10];
	_ =	sdelay $0x4  }
0x22d: {  	v1 =	vadd.s32 $0x2710, v1  }
0x22e: {  	[tilespmem:$0x10010] =	vst v1  }
0x22f: {  	v1 =	vld [tilespmem:s26+$0x20];
	_ =	sdelay $0x4  }
0x230: {  	v1 =	vadd.s32 $0x2710, v1  }
0x231: {  	[tilespmem:$0x10020] =	vst v1  }
0x232: {  	v1 =	vld [tilespmem:s26+$0x30];
	_ =	sdelay $0x4  }
0x233: {  	v1 =	vadd.s32 $0x2710, v1  }
0x234: {  	[tilespmem:$0x10030] =	vst v1  }
0x235: {  	v1 =	vld [tilespmem:s26+$0x40];
	_ =	sdelay $0x4  }
0x236: {  	v1 =	vadd.s32 $0x2710, v1  }
0x237: {  	[tilespmem:$0x10040] =	vst v1  }
0x238: {  	[tilespmem:s16], [sflag:$0x1] =	stream.indirect.gather [hbm4b:s4+s17], $0x80, s18, s17, $0xb8;
	[tilespmem:$0x1F140] =	vst v63  }
0x239: {  	_ =	swait.ge [sflag:s19], $0x2800  }
0x23a: {  	[sflag:s19] =	ssyncset.done $0x0  }
0x23b: {  	s28 =	simm.s32 $0x8000;
	[sflag:s19] =	ssyncadd.s32 $0xFFFFD800  }
0x23c: {  	[spmem:s2] =	stream.indirect.scatter.add.f32 [tilespmem:s16], [sflag:$0x2], $0x80, s28, s17, $0xb8;
	[tilespmem:$0x1F140] =	vst v63  }
0x23d: {  	v1 =	vld [tilespmem:s26+$0x80];
	_ =	sdelay $0x4  }
0x23e: {  	v1 =	vadd.s32 $0x2710, v1  }
0x23f: {  	[tilespmem:$0x10080] =	vst v1  }
0x240: {  	v1 =	vld [tilespmem:s26+$0x90];
	_ =	sdelay $0x4  }
0x241: {  	v1 =	vadd.s32 $0x2710, v1  }
0x242: {  	[tilespmem:$0x10090] =	vst v1  }
0x243: {  	v1 =	vld [tilespmem:s26+$0xA0];
	_ =	sdelay $0x4  }
0x244: {  	v1 =	vadd.s32 $0x2710, v1  }
0x245: {  	[tilespmem:$0x100A0] =	vst v1  }
0x246: {  	v1 =	vld [tilespmem:s26+$0xB0];
	_ =	sdelay $0x4  }
0x247: {  	v1 =	vadd.s32 $0x2710, v1  }
0x248: {  	[tilespmem:$0x100B0] =	vst v1  }
0x249: {  	v1 =	vld [tilespmem:s26+$0xC0];
	_ =	sdelay $0x4  }
0x24a: {  	v1 =	vadd.s32 $0x2710, v1  }
0x24b: {  	[tilespmem:$0x100C0] =	vst v1  }
0x24c: {  	[tilespmem:s21], [sflag:$0x1] =	stream.indirect.gather [hbm4b:s4+s17], $0x80, s20, s17, $0xb8;
	[tilespmem:$0x1F140] =	vst v63  }
0x24d: {  	_ =	swait.ge [sflag:s19], $0x2800  }
0x24e: {  	[sflag:s19] =	ssyncset.done $0x0  }
0x24f: {  	[sflag:s19] =	ssyncadd.s32 $0xFFFFD800  }
0x250: {  	_ =	swait.ge [sflag:s22], $0x2800  }
0x251: {  	[sflag:s22] =	ssyncset.done $0x0  }
0x252: {  	s31 =	simm.s32 $0x8080;
	[sflag:s22] =	ssyncadd.s32 $0xFFFFD800  }
0x253: {  	[spmem:s2] =	stream.indirect.scatter.add.f32 [tilespmem:s21], [sflag:$0x3], $0x80, s31, s17, $0xb8;
	[tilespmem:$0x1F140] =	vst v63  }
0x254: {  	_ =	swait.ge [sflag:s14], $0x2800  }
0x255: {  	s30 =	simm.s32 $0x800;
	s26 =	simm.s32 $0x400;
	[sflag:s14] =	ssyncset.done $0x0  }
.LBB2_21:
0x256: {  	s29 =	sshra.s32 s26, $0x2  }
0x257: {  	[sflag:s14] =	ssyncadd.s32 $0xFFFFD800;
	s26 =	smov.u32 s30;
	s28 =	sadd.s32 $0x400, s30  }
0x258: {  	p1 =	sne.s32 s30, $0x1F000;
	v1 =	vld [tilespmem:s29+$0x0];
	_ =	sdelay $0x4  }
0x259: {  	v1 =	vadd.s32 $0x2710, v1  }
0x25a: {  	[tilespmem:$0x10000] =	vst v1  }
0x25b: {  	v1 =	vld [tilespmem:s29+$0x10];
	_ =	sdelay $0x4  }
0x25c: {  	v1 =	vadd.s32 $0x2710, v1  }
0x25d: {  	[tilespmem:$0x10010] =	vst v1  }
0x25e: {  	v1 =	vld [tilespmem:s29+$0x20];
	_ =	sdelay $0x4  }
0x25f: {  	v1 =	vadd.s32 $0x2710, v1  }
0x260: {  	[tilespmem:$0x10020] =	vst v1  }
0x261: {  	v1 =	vld [tilespmem:s29+$0x30];
	_ =	sdelay $0x4  }
0x262: {  	v1 =	vadd.s32 $0x2710, v1  }
0x263: {  	[tilespmem:$0x10030] =	vst v1  }
0x264: {  	v1 =	vld [tilespmem:s29+$0x40];
	_ =	sdelay $0x4  }
0x265: {  	v1 =	vadd.s32 $0x2710, v1  }
0x266: {  	[tilespmem:$0x10040] =	vst v1  }
0x267: {  	[tilespmem:s16], [sflag:$0x1] =	stream.indirect.gather [hbm4b:s4+s17], $0x80, s18, s17, $0xb8;
	[tilespmem:$0x1F140] =	vst v63  }
0x268: {  	_ =	swait.ge [sflag:s19], $0x2800  }
0x269: {  	[sflag:s19] =	ssyncset.done $0x0  }
0x26a: {  	s30 =	sadd.s32 $0x8000, s29;
	[sflag:s19] =	ssyncadd.s32 $0xFFFFD800  }
0x26b: {  	[spmem:s2] =	stream.indirect.scatter.add.f32 [tilespmem:s16], [sflag:$0x2], $0x80, s30, s17, $0xb8;
	[tilespmem:$0x1F140] =	vst v63  }
0x26c: {  	v1 =	vld [tilespmem:s29+$0x80];
	_ =	sdelay $0x4  }
0x26d: {  	v1 =	vadd.s32 $0x2710, v1  }
0x26e: {  	[tilespmem:$0x10080] =	vst v1  }
0x26f: {  	v1 =	vld [tilespmem:s29+$0x90];
	_ =	sdelay $0x4  }
0x270: {  	v1 =	vadd.s32 $0x2710, v1  }
0x271: {  	[tilespmem:$0x10090] =	vst v1  }
0x272: {  	v1 =	vld [tilespmem:s29+$0xA0];
	_ =	sdelay $0x4  }
0x273: {  	v1 =	vadd.s32 $0x2710, v1  }
0x274: {  	[tilespmem:$0x100A0] =	vst v1  }
0x275: {  	v1 =	vld [tilespmem:s29+$0xB0];
	_ =	sdelay $0x4  }
0x276: {  	v1 =	vadd.s32 $0x2710, v1  }
0x277: {  	[tilespmem:$0x100B0] =	vst v1  }
0x278: {  	v1 =	vld [tilespmem:s29+$0xC0];
	_ =	sdelay $0x4  }
0x279: {  	v1 =	vadd.s32 $0x2710, v1  }
0x27a: {  	[tilespmem:$0x100C0] =	vst v1  }
0x27b: {  	[tilespmem:s21], [sflag:$0x1] =	stream.indirect.gather [hbm4b:s4+s17], $0x80, s20, s17, $0xb8;
	[tilespmem:$0x1F140] =	vst v63  }
0x27c: {  	_ =	swait.ge [sflag:s19], $0x2800  }
0x27d: {  	[sflag:s19] =	ssyncset.done $0x0  }
0x27e: {  	[sflag:s19] =	ssyncadd.s32 $0xFFFFD800  }
0x27f: {  	_ =	swait.ge [sflag:s22], $0x2800  }
.Ltmp13:
0x280: {  	[sflag:s22] =	ssyncset.done $0x0;
	(pc) =	sbr.rel @p1 .LBB2_21-.Ltmp13, $4  }
0x281: {  	s29 =	sadd.s32 $0x8080, s29;
	[sflag:s22] =	ssyncadd.s32 $0xFFFFD800  }
0x282: {  	[spmem:s2] =	stream.indirect.scatter.add.f32 [tilespmem:s21], [sflag:$0x3], $0x80, s29, s17, $0xb8;
	[tilespmem:$0x1F140] =	vst v63  }
0x283: {  	_ =	swait.ge [sflag:s14], $0x2800  }
0x284: {  	s30 =	smov.u32 s28;
	[sflag:s14] =	ssyncset.done $0x0  }
.Ltmp14:
0x285: {  	_ = 	snop;
	(pc) =	sbr.rel .LBB2_22-.Ltmp14, $1  }
0x286: {  	_ =	sdelay $0x3  }
.LBB2_24:
0x287: {  	_ =	sfence.sel $0x180000  }
0x288: {  	[bflag:$0x0] =	sbarrier.arrive $0xFFFF  }
0x289: {  	p0 =	sne.s32 s1, $0x0;
	_ =	strace $0x9000004A  }
0x28a: {  	s0 =	sadd.s32 @!p0 $0x100000, s0;
	[bflag:$0x2] =	sbarrier.arrive $0xFFFF  }
0x28b: {  	[sflag:s0] =	ssyncadd.tile.s32 @!p0 $0x1;
	_ =	shalt  }
.Lfunc_end2:
_tile_overlayer_lowered:
.L_overlay_start_2:
0x28c: {  	(tag) =	ssettag $0x2  }
0x28d: {  	s0 =	rddreg [dreg:$0x0];
	s2 =	stileid.u32  }
0x28e: {  	s1 =	rddreg [dreg:$0x1];
	p0 =	sne.s32 s2, $0x0  }
0x28f: {  	s3 =	rddreg [dreg:$0x2];
	[bflag:$0x3] =	sbarrier.arrive $0xFFFF;
	s2 =	simm.s32 @!p0 $0x1C03  }
0x290: {  	[timem:s3], [sflag:s2] =	dma.local @!p0 [hbm:s0], s1  }
0x291: {  	s0 =	simm.s32 @!p0 $0x3  }
0x292: {  	_ =	swait.ge @!p0 [sflag:s0], s1  }
0x293: {  	s1 =	ssub.s32 @!p0 $0x0, s1;
	[sflag:s0] =	ssyncset.done @!p0 $0x0  }
0x294: {  	[sflag:s0] =	ssyncadd.s32 @!p0 s1  }
0x295: {  	[bflag:$0x3] =	sbarrier.arrive $0xFFFF  }
0x296: {  	_ =	shalt  }

// kernel: kernel.14.cloned.1.call-start
scs
__scs_entry_jumppad:
0x0: {  	(pc) =	sbr.rel $0x88, $3  }
0x1: {  	(tag) =	ssettag $0x0;
	lr =	simm.s32 $0x1  }
0x2: {  	[smem:$0x3F96] =	sst lr;
	_ =	strace $0xD0000000  }
0x3: {  	_ = 	snop  }
0x4: {  	_ = 	snop  }
0x5: {  	_ = 	snop  }
0x6: {  	_ = 	snop  }
0x7: {  	_ = 	snop  }
__scs_overlays_trampoline_lowered:
0x8: {  	[smem:$0x3FA5] =	sst s0  }
0x9: {  	[smem:$0x3FA6] =	sst s1  }
0xa: {  	[smem:$0x3FA7] =	sst s2  }
0xb: {  	[smem:$0x3FA8] =	sst s3  }
0xc: {  	[smem:$0x3FA9] =	sst s4  }
0xd: {  	[smem:$0x3FAA] =	sst s5  }
0xe: {  	[smem:$0x3FAB] =	sst s6  }
0xf: {  	[smem:$0x3FAC] =	sst s7  }
0x10: {  	[smem:$0x3FAD] =	sst s8  }
0x11: {  	[smem:$0x3FAE] =	sst s9;
	s0 =	simm.s32 @!p0 $0x0  }
0x12: {  	s1 =	sld [smem:$0x3F94];
	s0 =	simm.s32 @p0 $0x1  }
0x13: {  	[smem:$0x3FAF] =	sst s0;
	s0 =	simm.s32 @!p1 $0x0  }
0x14: {  	s2 =	sld [smem:$0x3F93];
	s0 =	simm.s32 @p1 $0x1  }
0x15: {  	[smem:$0x3FB0] =	sst s0;
	s0 =	simm.s32 @!p2 $0x0  }
0x16: {  	s3 =	sld [smem:$0x3FDB];
	s0 =	simm.s32 @p2 $0x1  }
0x17: {  	s4 =	simm.s32 $0x1BF5;
	[smem:$0x3FB2] =	sst s0  }
0x18: {  	s0 =	sld [smem:$0x3F95];
	_ =	swait.ge [sflag:s4], $0x0  }
0x19: {  	s7 =	sld [smem:$0x3F96]  }
0x1a: {  	s8 =	sadd.s32 $0xFFFFE003, lr  }
0x1b: {  	s9 =	sadd.s32 $0xFFFFFEF7, lr;
	s5 =	simm.s32 $0xFFFFFFFF;
	p2 =	slt.u32 s8, $0xFFFFF086  }
0x1c: {  	p1 =	slt.u32 s9, $0xF7A;
	s5 =	simm.s32 @!p2 $0x0  }
0x1d: {  	s5 =	simm.s32 @p1 $0x1;
	p0 =	seq.s32 s7, s2  }
0x1e: {  	s7 =	smul.u32 @!p0 $0xF7A, s2;
	p2 =	seq.s32 @!p0 s5, $0x0  }
0x1f: {  	s9 =	smul.u32 $0xF7A, s1;
	s8 =	simm.s32 @!p0 $0x1BF5;
	p2 =	por !p2, p0  }
0x20: {  	[sflag:s8] =	ssyncset.s32 @!p0 $0xFFFFF086;
	s6 =	sadd.s32 @!p0 s3, s7;
	s7 =	simm.s32 @!p0 $0x108  }
0x21: {  	s3 =	sadd.s32 s3, s9;
	s6 =	sadd.s32 @!p0 $0x88, s6;
	s7 =	simm.s32 @p2 $0x1082  }
0x22: {  	[simem:s7], [sflag:s8] =	dma.local @!p0 [hbm:s6], $0xF7A  }
0x23: {  	s9 =	sor.u32 $0xD0000000, s2;
	s6 =	simm.s32 $0x108;
	_ =	swait.ge @!p0 [sflag:s8], $0x0  }
0x24: {  	s3 =	sadd.s32 $0x88, s3;
	s6 =	simm.s32 @!p1 $0x1082;
	[sflag:s4] =	ssyncset.s32 $0xFFFFF086  }
0x25: {  	[simem:s6], [sflag:s4] =	dma.local [hbm:s3], $0xF7A  }
0x26: {  	[smem:$0x3F96] =	sst s1;
	(tag) =	ssettag s2;
	_ =	strace s9  }
0x27: {  	s1 =	sld [smem:$0x3FA6]  }
0x28: {  	s2 =	sld [smem:$0x3FA7]  }
0x29: {  	s4 =	sld [smem:$0x3FA9]  }
0x2a: {  	p0 =	seq.s32 s5, $0x0;
	s5 =	sld [smem:$0x3FAA]  }
0x2b: {  	s6 =	sld [smem:$0x3FAB]  }
0x2c: {  	s7 =	sld [smem:$0x3FAC]  }
0x2d: {  	s3 =	simm.s32 $0x108;
	s8 =	sld [smem:$0x3FAD]  }
0x2e: {  	s3 =	simm.s32 @!p0 $0x1082;
	s9 =	sld [smem:$0x3FAE]  }
0x2f: {  	lr =	sadd.s32 s0, s3;
	s0 =	sld [smem:$0x3FA5]  }
0x30: {  	s3 =	sld [smem:$0x3FA8]  }
0x31: {  	[smem:$0x3FB1] =	sst s10  }
0x32: {  	s10 =	sld [smem:$0x3FAF];
	_ =	sdelay $0x3  }
0x33: {  	p0 =	seq.s32 s10, $0x1;
	s10 =	sld [smem:$0x3FB1];
	_ =	sdelay $0x3  }
0x34: {  	[smem:$0x3FB1] =	sst s10  }
0x35: {  	s10 =	sld [smem:$0x3FB0];
	_ =	sdelay $0x3  }
0x36: {  	p1 =	seq.s32 s10, $0x1;
	s10 =	sld [smem:$0x3FB1];
	_ =	sdelay $0x3  }
0x37: {  	[smem:$0x3FB1] =	sst s10  }
0x38: {  	s10 =	sld [smem:$0x3FB2]  }
0x39: {  	_ = 	snop;
	(pc) =	sbr.ind lr, $3  }
0x3a: {  	_ = 	snop  }
0x3b: {  	_ = 	snop  }
0x3c: {  	p2 =	seq.s32 s10, $0x1;
	s10 =	sld [smem:$0x3FB1]  }
0x3d: {  	_ =	shalt  }
0x3e: {  	_ =	shalt  }
0x3f: {  	_ =	shalt  }
0x40: {  	_ =	shalt  }
0x41: {  	_ =	shalt  }
0x42: {  	_ =	shalt  }
0x43: {  	_ =	shalt  }
0x44: {  	_ =	shalt  }
0x45: {  	_ =	shalt  }
0x46: {  	_ =	shalt  }
0x47: {  	_ =	shalt  }
0x48: {  	_ =	shalt  }
0x49: {  	_ =	shalt  }
0x4a: {  	_ =	shalt  }
0x4b: {  	_ =	shalt  }
0x4c: {  	_ =	shalt  }
0x4d: {  	_ =	shalt  }
0x4e: {  	_ =	shalt  }
0x4f: {  	_ =	shalt  }
0x50: {  	_ =	shalt  }
0x51: {  	_ =	shalt  }
0x52: {  	_ =	shalt  }
0x53: {  	_ =	shalt  }
0x54: {  	_ =	shalt  }
0x55: {  	_ =	shalt  }
0x56: {  	_ =	shalt  }
0x57: {  	_ =	shalt  }
0x58: {  	_ =	shalt  }
0x59: {  	_ =	shalt  }
0x5a: {  	_ =	shalt  }
0x5b: {  	_ =	shalt  }
0x5c: {  	_ =	shalt  }
0x5d: {  	_ =	shalt  }
0x5e: {  	_ =	shalt  }
0x5f: {  	_ =	shalt  }
0x60: {  	_ =	shalt  }
0x61: {  	_ =	shalt  }
0x62: {  	_ =	shalt  }
0x63: {  	_ =	shalt  }
0x64: {  	_ =	shalt  }
0x65: {  	_ =	shalt  }
0x66: {  	_ =	shalt  }
0x67: {  	_ =	shalt  }
0x68: {  	_ =	shalt  }
0x69: {  	_ =	shalt  }
0x6a: {  	_ =	shalt  }
0x6b: {  	_ =	shalt  }
0x6c: {  	_ =	shalt  }
0x6d: {  	_ =	shalt  }
0x6e: {  	_ =	shalt  }
0x6f: {  	_ =	shalt  }
0x70: {  	_ =	shalt  }
0x71: {  	_ =	shalt  }
0x72: {  	_ =	shalt  }
0x73: {  	_ =	shalt  }
0x74: {  	_ =	shalt  }
0x75: {  	_ =	shalt  }
0x76: {  	_ =	shalt  }
0x77: {  	_ =	shalt  }
0x78: {  	_ =	shalt  }
0x79: {  	_ =	shalt  }
0x7a: {  	_ =	shalt  }
0x7b: {  	_ =	shalt  }
0x7c: {  	_ =	shalt  }
0x7d: {  	_ =	shalt  }
0x7e: {  	_ =	shalt  }
0x7f: {  	_ =	shalt  }
0x80: {  	_ =	shalt  }
0x81: {  	_ =	shalt  }
0x82: {  	_ =	shalt  }
0x83: {  	_ =	shalt  }
0x84: {  	_ =	shalt  }
0x85: {  	_ =	shalt  }
0x86: {  	_ =	shalt  }
0x87: {  	_ =	shalt  }
.Lfunc_end0:
.L_simem_size_0:
called_computation.2_lowered:
.L_overlay_start_0:
0x88: {  	s2 =	sld [smem:$0x3FD9]  }
0x89: {  	s3 =	sld [smem:$0x3FFE];
	_ =	sdelay $0x1  }
0x8a: {  	s1 =	srdreg.scid  }
0x8b: {  	s0 =	sand.u32 $0x1, s1  }
0x8c: {  	s16 =	sshll.u32 s0, $0xA;
	s2 =	sadd.s32 s3, s2  }
0x8d: {  	s2 =	sadd.s32 s2, s16  }
0x8e: {  	[smem:$0x3FBD] =	sst s2  }
0x8f: {  	_ = 	snop  }
0x90: {  	(tm) =	ssettm $0x1  }
0x91: {  	s17 =	sld [smem:$0x3FFB];
	_ =	sdelay $0x3  }
0x92: {  	_ =	strace s17  }
0x93: {  	s2 =	sld [smem:$0x3FFC];
	_ =	sdelay $0x3  }
0x94: {  	_ =	strace s2  }
0x95: {  	s2 =	sld [smem:$0x3FFD];
	_ =	sdelay $0x3  }
0x96: {  	_ =	strace s2  }
0x97: {  	_ =	strace $0x8FFFFFFF  }
0x98: {  	s18 =	sld [smem:$0x3FDB];
	_ =	sdelay $0x1  }
0x99: {  	s19 =	simm.s32 $_scs_section_size  }
0x9a: {  	s4 =	simm.s32 $_size__tile_overlayer_lowered;
	s5 =	simm.s32 $_tile_overlayer_lowered  }
0x9b: {  	s22 =	simm.s32 $0x1BFF;
	s21 =	sshll.u32 s5, $0x1;
	s2 =	sadd.s32 s19, s18  }
0x9c: {  	s6 =	simm.s32 $0x0;
	s20 =	sshll.u32 s4, $0x1;
	s4 =	sadd.s32 s21, s2  }
0x9d: {  	[timem:s6], [sflag:s22] =	dma.local [hbm:s4], s20  }
0x9e: {  	_ =	swait.ge [sflag:s22], s20  }
0x9f: {  	s3 =	ssub.s32 $0x0, s20;
	[sflag:s22] =	ssyncset.done $0x0  }
0xa0: {  	[sflag:s22] =	ssyncadd.s32 s3;
	_ =	sdelay $0x1  }
0xa1: {  	s23 =	simm.s32 $0x1B8B  }
0xa2: {  	_ =	swait.ge [sflag:s23], $0x1  }
0xa3: {  	[sflag:s23] =	ssyncset.done $0x0  }
0xa4: {  	s25 =	simm.s32 $0x1B8E;
	s24 =	sld [smem:$0x3FFE];
	[sflag:s23] =	ssyncadd.s32 $0xFFFFFFFF  }
0xa5: {  	s26 =	simm.s32 $execute0_lowered;
	[smem:$0x3FD2] =	sst s25  }
0xa6: {  	s4 =	sshll.u32 s26, $0x1;
	_ =	strace $0x8000004C;
	[dreg:$0x1] =	wrdreg $0xFFFFFFFF  }
0xa7: {  	s28 =	simm.s32 $_size_execute0_lowered;
	s2 =	sadd.s32 s2, s4;
	[dreg:$0x0] =	wrdreg $0x0  }
0xa8: {  	s4 =	sshll.u32 s28, $0x1;
	[dreg:$0x2] =	wrdreg s2  }
0xa9: {  	[dreg:$0x3] =	wrdreg s4  }
0xaa: {  	[dreg:$0x4] =	wrdreg $0xC0  }
0xab: {  	_ =	task [dreg:s6], $0x5FFFF  }
0xac: {  	[dreg:$0x1] =	wrdreg $0xFFFFFFFF  }
0xad: {  	[dreg:$0x0] =	wrdreg $0x60  }
0xae: {  	[dreg:$0x2] =	wrdreg s24  }
0xaf: {  	[dreg:$0x3] =	wrdreg $0x151000  }
0xb0: {  	[dreg:$0x4] =	wrdreg $0x9  }
0xb1: {  	_ =	task.clear_ibuf [dreg:s6], $0x5FFFF;
	_ =	strace $0x9000004C  }
0xb2: {  	s29 =	simm.s32 $0x9;
	_ =	strace $0x8000004E  }
0xb3: {  	_ =	swait.ge [sflag:s29], $0x1  }
0xb4: {  	[sflag:s29] =	ssyncadd.s32 $0xFFFFFFFF  }
0xb5: {  	_ =	strace $0x9000004E  }
0xb6: {  	_ =	sfence  }
0xb7: {  	s30 =	sld [smem:$0x0];
	_ =	sdelay $0x2  }
0xb8: {  	s31 =	sshll.u32 s1, $0xD;
	s1 =	sshrl.u32 s1, $0x2  }
0xb9: {  	s3 =	sand.u32 $0x4000, s31;
	s1 =	sadd.s32 s1, s30  }
0xba: {  	s0 =	sor.u32 s3, s0;
	s1 =	sshll.u32 s1, $0x11  }
0xbb: {  	s0 =	sor.u32 s1, s0  }
0xbc: {  	s0 =	sadd.s32 $0x8F2B, s0  }
0xbd: {  	[sflag:s0] =	ssyncadd.remote.s32 $0x1  }
0xbe: {  	_ =	sfence.sel $0xFFFF  }
0xbf: {  	[dreg:$0x0] =	wrdreg $0xFFFFFFFF;
	(pc) =	sbr.abs _section_cstart, $3  }
0xc0: {  	[dreg:$0x1] =	wrdreg $0xFFFFFFFF  }
0xc1: {  	_ =	task.clear_ibuf [dreg:s6], $0x2FFFF;
	_ =	strace $0x9FFFFFFF  }
0xc2: {  	(tm) =	ssettm $0x7FFFFFFF  }
0xc3: {  	_ =	shalt  }
tec
execute0_lowered:
.L_overlay_start_1:
0x0: {  	(tag) =	ssettag $0x1  }
0x1: {  	s5 =	rddreg [dreg:$0x0]  }
0x2: {  	s2 =	rddreg [dreg:$0x1]  }
0x3: {  	s0 =	rddreg [dreg:$0x2];
	s1 =	stileid.u32  }
0x4: {  	s4 =	srdreg.scid;
	s3 =	simm.s32 $0x0;
	s14 =	simm.s32 $0x3  }
0x5: {  	s15 =	simm.s32 $0x8000;
	s17 =	simm.s32 $0x50;
	s18 =	simm.s32 $0x10000  }
0x6: {  	s19 =	simm.s32 $0x1;
	s20 =	simm.s32 $0x10080;
	s21 =	simm.s32 $0x12900  }
0x7: {  	s22 =	simm.s32 $0x2;
	s23 =	simm.s32 $0x0;
	s6 =	smul.u32 $0x140, s1  }
0x8: {  	s16 =	sand.u32 $0x1, s4;
	[smem:$0x7FF] =	sst s3;
	s10 =	smul.u32 $0x28000, s1  }
0x9: {  	s4 =	sadd.s32 $0x3200, s5;
	s8 =	sshll.u32 s1, $0xC;
	s7 =	smul.u32 $0x2800, s16  }
0xa: {  	_ =	strace $0x8000004D;
	s30 =	ssub.s32 $0x2, s16;
	s8 =	sadd.s32 s8, s5  }
0xb: {  	p0 =	sne.s32 s16, $0x0;
	s16 =	simm.s32 $0x10100;
	s9 =	sshrl.u32 s30, $0x1  }
.Ltmp0:
0xc: {  	s31 =	sshrl.u32 s10, $0x2;
	s6 =	sadd.s32 s6, s7;
	(pc) =	sbr.rel .LBB2_1-.Ltmp0, $4  }
0xd: {  	s12 =	ssub.s32 s30, s9;
	s7 =	sadd.s32 s31, s2;
	s6 =	sshll.u32 s6, $0x4  }
0xe: {  	s10 =	smax.u32 s12, $0x1;
	s12 =	sadd.s32 $0x5000, s7;
	s13 =	sadd.s32 $0x7800, s7  }
0xf: {  	s11 =	sadd.s32 s6, s5;
	s5 =	sadd.s32 $0x73200, s8;
	s6 =	sadd.s32 $0x63200, s8  }
0x10: {  	v0 =	vimm.f32 $0.0e+00;
	s8 =	sadd.s32 $0x83200, s11;
	s9 =	sadd.s32 $0x97200, s11;
	s11 =	sadd.s32 $0x2800, s7  }
.LBB2_22:
0x11: {  	s26 =	sshra.s32 s26, $0x2;
	[sflag:s14] =	ssyncadd.s32 $0xFFFFD800  }
0x12: {  	v1 =	vld [tilespmem:s26+$0x0];
	_ =	sdelay $0x4  }
0x13: {  	v1 =	vadd.s32 $0x2710, v1  }
0x14: {  	[tilespmem:$0x10000] =	vst v1  }
0x15: {  	v1 =	vld [tilespmem:s26+$0x10];
	_ =	sdelay $0x4  }
0x16: {  	v1 =	vadd.s32 $0x2710, v1  }
0x17: {  	[tilespmem:$0x10010] =	vst v1  }
0x18: {  	v1 =	vld [tilespmem:s26+$0x20];
	_ =	sdelay $0x4  }
0x19: {  	v1 =	vadd.s32 $0x2710, v1  }
0x1a: {  	[tilespmem:$0x10020] =	vst v1  }
0x1b: {  	v1 =	vld [tilespmem:s26+$0x30];
	_ =	sdelay $0x4  }
0x1c: {  	v1 =	vadd.s32 $0x2710, v1  }
0x1d: {  	[tilespmem:$0x10030] =	vst v1  }
0x1e: {  	v1 =	vld [tilespmem:s26+$0x40];
	_ =	sdelay $0x4  }
0x1f: {  	v1 =	vadd.s32 $0x2710, v1  }
0x20: {  	[tilespmem:$0x10040] =	vst v1  }
0x21: {  	[tilespmem:s16], [sflag:$0x1] =	stream.indirect.gather [hbm4b:s4+s17], $0x80, s18, s17, $0xb8;
	[tilespmem:$0x1F140] =	vst v63  }
0x22: {  	_ =	swait.ge [sflag:s19], $0x2800  }
0x23: {  	[sflag:s19] =	ssyncset.done $0x0  }
0x24: {  	s28 =	sadd.s32 $0x8000, s26;
	[sflag:s19] =	ssyncadd.s32 $0xFFFFD800  }
0x25: {  	[spmem:s2] =	stream.indirect.scatter.add.f32 [tilespmem:s16], [sflag:$0x2], $0x80, s28, s17, $0xb8;
	[tilespmem:$0x1F140] =	vst v63  }
0x26: {  	v1 =	vld [tilespmem:s26+$0x80];
	_ =	sdelay $0x4  }
0x27: {  	v1 =	vadd.s32 $0x2710, v1  }
0x28: {  	[tilespmem:$0x10080] =	vst v1  }
0x29: {  	v1 =	vld [tilespmem:s26+$0x90];
	_ =	sdelay $0x4  }
0x2a: {  	v1 =	vadd.s32 $0x2710, v1  }
0x2b: {  	[tilespmem:$0x10090] =	vst v1  }
0x2c: {  	v1 =	vld [tilespmem:s26+$0xA0];
	_ =	sdelay $0x4  }
0x2d: {  	v1 =	vadd.s32 $0x2710, v1  }
0x2e: {  	[tilespmem:$0x100A0] =	vst v1  }
0x2f: {  	v1 =	vld [tilespmem:s26+$0xB0];
	_ =	sdelay $0x4  }
0x30: {  	v1 =	vadd.s32 $0x2710, v1  }
0x31: {  	[tilespmem:$0x100B0] =	vst v1  }
0x32: {  	v1 =	vld [tilespmem:s26+$0xC0];
	_ =	sdelay $0x4  }
0x33: {  	v1 =	vadd.s32 $0x2710, v1  }
0x34: {  	[tilespmem:$0x100C0] =	vst v1  }
0x35: {  	[tilespmem:s21], [sflag:$0x1] =	stream.indirect.gather [hbm4b:s4+s17], $0x80, s20, s17, $0xb8;
	[tilespmem:$0x1F140] =	vst v63  }
0x36: {  	_ =	swait.ge [sflag:s19], $0x2800  }
0x37: {  	[sflag:s19] =	ssyncset.done $0x0  }
0x38: {  	[sflag:s19] =	ssyncadd.s32 $0xFFFFD800  }
0x39: {  	_ =	swait.ge [sflag:s22], $0x2800  }
0x3a: {  	[sflag:s22] =	ssyncset.done $0x0  }
0x3b: {  	s26 =	sadd.s32 $0x8080, s26;
	[sflag:s22] =	ssyncadd.s32 $0xFFFFD800  }
0x3c: {  	[spmem:s2] =	stream.indirect.scatter.add.f32 [tilespmem:s21], [sflag:$0x3], $0x80, s26, s17, $0xb8;
	[tilespmem:$0x1F140] =	vst v63  }
0x3d: {  	_ =	swait.ge [sflag:s14], $0x2800  }
0x3e: {  	[sflag:s14] =	ssyncset.done $0x0  }
0x3f: {  	[sflag:s14] =	ssyncadd.s32 $0xFFFFD800  }
.LBB2_23:
0x40: {  	[bflag:$0x0] =	sbarrier.arrive $0xFFFF;
	s23 =	sadd.s32 $0x1, s23  }
0x41: {  	[hbm:s9], [sflag:s24] =	dma.local [spmem:s25], $0x1400  }
0x42: {  	p1 =	sne.s32 s23, s10  }
.Ltmp1:
0x43: {  	_ =	swait.ge [sflag:s14], $0x1400;
	(pc) =	sbr.rel @!p1 .LBB2_24-.Ltmp1, $3  }
0x44: {  	[sflag:s14] =	ssyncset.done $0x0  }
0x45: {  	[sflag:s14] =	ssyncadd.s32 $0xFFFFEC00  }
0x46: {  	[bflag:$0x0] =	sbarrier.arrive $0xFFFF;
	_ =	sdelay $0x1  }
.LBB2_1:
0x47: {  	[tilespmem:s3], [sflag:$0x3] =	stream.linear.gather [hbm4b:s5+s3], $0x7D00, $0x38;
	[tilespmem:$0x1F140] =	vst v63  }
0x48: {  	_ =	swait.ge [sflag:s14], $0x7D00  }
0x49: {  	[sflag:s14] =	ssyncset.done $0x0  }
0x4a: {  	s24 =	simm.s32 $0x70;
	s25 =	simm.s32 $0x3C0;
	[sflag:s14] =	ssyncadd.s32 $0xFFFF8300  }
.LBB2_2:
0x4b: {  	p1 =	sne.s32 s25, $0x9FC0;
	[tilespmem:s24+$0x10100] =	vst v0  }
0x4c: {  	[tilespmem:s24+$0x10090] =	vst v0  }
0x4d: {  	[tilespmem:s24+$0x100A0] =	vst v0  }
.Ltmp2:
0x4e: {  	[tilespmem:s24+$0x100B0] =	vst v0;
	(pc) =	sbr.rel @p1 .LBB2_2-.Ltmp2, $4  }
0x4f: {  	[tilespmem:s24+$0x100C0] =	vst v0  }
0x50: {  	[tilespmem:s24+$0x100D0] =	vst v0  }
0x51: {  	[tilespmem:s24+$0x100E0] =	vst v0  }
0x52: {  	[tilespmem:s24+$0x100F0] =	vst v0;
	s24 =	sshra.s32 s25, $0x2;
	s25 =	sadd.s32 $0x200, s25  }
0x53: {  	[tilespmem:s24+$0x10100] =	vst v0  }
0x54: {  	[tilespmem:s24+$0x10090] =	vst v0  }
0x55: {  	[tilespmem:s24+$0x100A0] =	vst v0  }
0x56: {  	[tilespmem:s24+$0x100B0] =	vst v0  }
0x57: {  	[tilespmem:s24+$0x100C0] =	vst v0  }
0x58: {  	[tilespmem:s24+$0x100D0] =	vst v0  }
0x59: {  	[tilespmem:s24+$0x100E0] =	vst v0  }
0x5a: {  	[tilespmem:s24+$0x100F0] =	vst v0  }
0x5b: {  	[tilespmem:s15], [sflag:$0x3] =	stream.linear.gather [hbm4b:s6+s3], $0x7D00, $0x38;
	[tilespmem:$0x1F140] =	vst v63  }
0x5c: {  	_ =	swait.ge [sflag:s14], $0x7D00  }
0x5d: {  	[sflag:s14] =	ssyncset.done $0x0  }
0x5e: {  	s24 =	simm.s32 $0x40;
	[sflag:s14] =	ssyncadd.s32 $0xFFFF8300  }
0x5f: {  	v4 =	vld [tilespmem:s24+$0x7FC0]  }
0x60: {  	v3 =	vld [tilespmem:s24+$0x7FD0]  }
0x61: {  	v2 =	vld [tilespmem:s24+$0x7FE0]  }
0x62: {  	s25 =	simm.s32 $0x300;
	v1 =	vld [tilespmem:s24+$0x7FF0]  }
.LBB2_4:
0x63: {  	p1 =	sne.s32 s25, $0x1F300;
	v5 =	vld [tilespmem:s24+$0x8000]  }
0x64: {  	v4 =	vmin.u32 v4, $0x1400  }
.Ltmp3:
0x65: {  	s26 =	sshra.s32 s25, $0x2;
	[tilespmem:s24+$0x7FC0] =	vst v4;
	v3 =	vmin.u32 v3, $0x1400;
	(pc) =	sbr.rel @p1 .LBB2_4-.Ltmp3, $4  }
0x66: {  	v4 =	vld [tilespmem:s26+$0x7FC0];
	[tilespmem:s24+$0x7FD0] =	vst v3;
	v2 =	vmin.u32 v2, $0x1400  }
0x67: {  	v3 =	vld [tilespmem:s26+$0x7FD0];
	[tilespmem:s24+$0x7FE0] =	vst v2;
	v1 =	vmin.u32 v1, $0x1400  }
0x68: {  	v2 =	vld [tilespmem:s26+$0x7FE0];
	[tilespmem:s24+$0x7FF0] =	vst v1;
	v5 =	vmin.u32 v5, $0x1400  }
0x69: {  	s25 =	sadd.s32 $0x200, s25;
	v1 =	vld [tilespmem:s26+$0x7FF0];
	[tilespmem:s24+$0x8000] =	vst v5;
	s24 =	smov.u32 s26  }
0x6a: {  	v5 =	vld [tilespmem:s24+$0x8000]  }
0x6b: {  	v4 =	vmin.u32 v4, $0x1400  }
0x6c: {  	[tilespmem:s24+$0x7FC0] =	vst v4;
	v3 =	vmin.u32 v3, $0x1400  }
0x6d: {  	[tilespmem:s24+$0x7FD0] =	vst v3;
	v2 =	vmin.u32 v2, $0x1400  }
0x6e: {  	[tilespmem:s24+$0x7FE0] =	vst v2;
	v1 =	vmin.u32 v1, $0x1400  }
0x6f: {  	[tilespmem:s24+$0x7FF0] =	vst v1;
	v1 =	vmin.u32 v5, $0x1400  }
0x70: {  	[tilespmem:s24+$0x8000] =	vst v1  }
0x71: {  	[spmem:s7] =	stream.linear.scatter [tilespmem:s16], [sflag:$0x3], $0x2800, $0x38;
	[tilespmem:$0x1F140] =	vst v63  }
0x72: {  	_ =	swait.ge [sflag:s14], $0x2800  }
0x73: {  	[sflag:s14] =	ssyncset.done $0x0  }
0x74: {  	[sflag:s14] =	ssyncadd.s32 $0xFFFFD800  }
0x75: {  	[spmem:s11] =	stream.linear.scatter [tilespmem:s16], [sflag:$0x3], $0x2800, $0x38;
	[tilespmem:$0x1F140] =	vst v63  }
0x76: {  	_ =	swait.ge [sflag:s14], $0x2800  }
0x77: {  	[sflag:s14] =	ssyncset.done $0x0  }
0x78: {  	[sflag:s14] =	ssyncadd.s32 $0xFFFFD800  }
0x79: {  	[spmem:s12] =	stream.linear.scatter [tilespmem:s16], [sflag:$0x3], $0x2800, $0x38;
	[tilespmem:$0x1F140] =	vst v63  }
0x7a: {  	_ =	swait.ge [sflag:s14], $0x2800  }
0x7b: {  	[sflag:s14] =	ssyncset.done $0x0  }
0x7c: {  	[sflag:s14] =	ssyncadd.s32 $0xFFFFD800  }
0x7d: {  	[spmem:s13] =	stream.linear.scatter [tilespmem:s16], [sflag:$0x3], $0x2800, $0x38;
	[tilespmem:$0x1F140] =	vst v63  }
.Ltmp4:
0x7e: {  	_ =	swait.ge [sflag:s14], $0x2800;
	(pc) =	sbr.rel @p0 .LBB2_9-.Ltmp4, $4  }
0x7f: {  	[sflag:s14] =	ssyncset.done $0x0  }
0x80: {  	[sflag:s14] =	ssyncadd.s32 $0xFFFFD800  }
0x81: {  	[bflag:$0x0] =	sbarrier.arrive $0xFFFF  }
0x82: {  	s24 =	simm.s32 $0x0  }
0x83: {  	v1 =	vld [tilespmem:s24+$0x0];
	_ =	sdelay $0x4  }
0x84: {  	[tilespmem:$0x10000] =	vst v1  }
0x85: {  	v1 =	vld [tilespmem:s24+$0x10];
	_ =	sdelay $0x4  }
0x86: {  	[tilespmem:$0x10010] =	vst v1  }
0x87: {  	v1 =	vld [tilespmem:s24+$0x20];
	_ =	sdelay $0x4  }
0x88: {  	[tilespmem:$0x10020] =	vst v1  }
0x89: {  	v1 =	vld [tilespmem:s24+$0x30];
	_ =	sdelay $0x4  }
0x8a: {  	[tilespmem:$0x10030] =	vst v1  }
0x8b: {  	v1 =	vld [tilespmem:s24+$0x40];
	_ =	sdelay $0x4  }
0x8c: {  	[tilespmem:$0x10040] =	vst v1  }
0x8d: {  	[tilespmem:s16], [sflag:$0x1] =	stream.indirect.gather [hbm4b:s4+s17], $0x80, s18, s17, $0xb8;
	[tilespmem:$0x1F140] =	vst v63  }
0x8e: {  	_ =	swait.ge [sflag:s19], $0x2800  }
0x8f: {  	[sflag:s19] =	ssyncset.done $0x0  }
0x90: {  	s25 =	simm.s32 $0x8000;
	[sflag:s19] =	ssyncadd.s32 $0xFFFFD800  }
0x91: {  	[spmem:s2] =	stream.indirect.scatter.add.f32 [tilespmem:s16], [sflag:$0x2], $0x80, s25, s17, $0xb8;
	[tilespmem:$0x1F140] =	vst v63  }
0x92: {  	v1 =	vld [tilespmem:s24+$0x80];
	_ =	sdelay $0x4  }
0x93: {  	[tilespmem:$0x10080] =	vst v1  }
0x94: {  	v1 =	vld [tilespmem:s24+$0x90];
	_ =	sdelay $0x4  }
0x95: {  	[tilespmem:$0x10090] =	vst v1  }
0x96: {  	v1 =	vld [tilespmem:s24+$0xA0];
	_ =	sdelay $0x4  }
0x97: {  	[tilespmem:$0x100A0] =	vst v1  }
0x98: {  	v1 =	vld [tilespmem:s24+$0xB0];
	_ =	sdelay $0x4  }
0x99: {  	[tilespmem:$0x100B0] =	vst v1  }
0x9a: {  	v1 =	vld [tilespmem:s24+$0xC0];
	_ =	sdelay $0x4  }
0x9b: {  	[tilespmem:$0x100C0] =	vst v1  }
0x9c: {  	[tilespmem:s21], [sflag:$0x1] =	stream.indirect.gather [hbm4b:s4+s17], $0x80, s20, s17, $0xb8;
	[tilespmem:$0x1F140] =	vst v63  }
0x9d: {  	_ =	swait.ge [sflag:s19], $0x2800  }
0x9e: {  	[sflag:s19] =	ssyncset.done $0x0  }
0x9f: {  	[sflag:s19] =	ssyncadd.s32 $0xFFFFD800  }
0xa0: {  	_ =	swait.ge [sflag:s22], $0x2800  }
0xa1: {  	[sflag:s22] =	ssyncset.done $0x0  }
0xa2: {  	s31 =	simm.s32 $0x8080;
	[sflag:s22] =	ssyncadd.s32 $0xFFFFD800  }
0xa3: {  	[spmem:s2] =	stream.indirect.scatter.add.f32 [tilespmem:s21], [sflag:$0x3], $0x80, s31, s17, $0xb8;
	[tilespmem:$0x1F140] =	vst v63  }
0xa4: {  	_ =	swait.ge [sflag:s14], $0x2800  }
0xa5: {  	s28 =	simm.s32 $0x800;
	s24 =	simm.s32 $0x400;
	[sflag:s14] =	ssyncset.done $0x0  }
.LBB2_7:
0xa6: {  	s26 =	sshra.s32 s24, $0x2  }
0xa7: {  	[sflag:s14] =	ssyncadd.s32 $0xFFFFD800;
	s24 =	smov.u32 s28;
	s25 =	sadd.s32 $0x400, s28  }
0xa8: {  	p1 =	seq.s32 s28, $0x1F000;
	v1 =	vld [tilespmem:s26+$0x0];
	_ =	sdelay $0x4  }
0xa9: {  	[tilespmem:$0x10000] =	vst v1  }
0xaa: {  	v1 =	vld [tilespmem:s26+$0x10];
	_ =	sdelay $0x4  }
0xab: {  	[tilespmem:$0x10010] =	vst v1  }
0xac: {  	v1 =	vld [tilespmem:s26+$0x20];
	_ =	sdelay $0x4  }
0xad: {  	[tilespmem:$0x10020] =	vst v1  }
0xae: {  	v1 =	vld [tilespmem:s26+$0x30];
	_ =	sdelay $0x4  }
0xaf: {  	[tilespmem:$0x10030] =	vst v1  }
0xb0: {  	v1 =	vld [tilespmem:s26+$0x40];
	_ =	sdelay $0x4  }
0xb1: {  	[tilespmem:$0x10040] =	vst v1  }
0xb2: {  	[tilespmem:s16], [sflag:$0x1] =	stream.indirect.gather [hbm4b:s4+s17], $0x80, s18, s17, $0xb8;
	[tilespmem:$0x1F140] =	vst v63  }
0xb3: {  	_ =	swait.ge [sflag:s19], $0x2800  }
0xb4: {  	[sflag:s19] =	ssyncset.done $0x0  }
0xb5: {  	s28 =	sadd.s32 $0x8000, s26;
	[sflag:s19] =	ssyncadd.s32 $0xFFFFD800  }
0xb6: {  	[spmem:s2] =	stream.indirect.scatter.add.f32 [tilespmem:s16], [sflag:$0x2], $0x80, s28, s17, $0xb8;
	[tilespmem:$0x1F140] =	vst v63  }
0xb7: {  	v1 =	vld [tilespmem:s26+$0x80];
	_ =	sdelay $0x4  }
0xb8: {  	[tilespmem:$0x10080] =	vst v1  }
0xb9: {  	v1 =	vld [tilespmem:s26+$0x90];
	_ =	sdelay $0x4  }
0xba: {  	[tilespmem:$0x10090] =	vst v1  }
0xbb: {  	v1 =	vld [tilespmem:s26+$0xA0];
	_ =	sdelay $0x4  }
0xbc: {  	[tilespmem:$0x100A0] =	vst v1  }
0xbd: {  	v1 =	vld [tilespmem:s26+$0xB0];
	_ =	sdelay $0x4  }
0xbe: {  	[tilespmem:$0x100B0] =	vst v1  }
0xbf: {  	v1 =	vld [tilespmem:s26+$0xC0];
	_ =	sdelay $0x4  }
0xc0: {  	[tilespmem:$0x100C0] =	vst v1  }
0xc1: {  	[tilespmem:s21], [sflag:$0x1] =	stream.indirect.gather [hbm4b:s4+s17], $0x80, s20, s17, $0xb8;
	[tilespmem:$0x1F140] =	vst v63  }
0xc2: {  	_ =	swait.ge [sflag:s19], $0x2800  }
0xc3: {  	[sflag:s19] =	ssyncset.done $0x0  }
0xc4: {  	[sflag:s19] =	ssyncadd.s32 $0xFFFFD800  }
0xc5: {  	_ =	swait.ge [sflag:s22], $0x2800  }
.Ltmp5:
0xc6: {  	[sflag:s22] =	ssyncset.done $0x0;
	(pc) =	sbr.rel @!p1 .LBB2_7-.Ltmp5, $4  }
0xc7: {  	s26 =	sadd.s32 $0x8080, s26;
	[sflag:s22] =	ssyncadd.s32 $0xFFFFD800  }
0xc8: {  	[spmem:s2] =	stream.indirect.scatter.add.f32 [tilespmem:s21], [sflag:$0x3], $0x80, s26, s17, $0xb8;
	[tilespmem:$0x1F140] =	vst v63  }
0xc9: {  	_ =	swait.ge [sflag:s14], $0x2800  }
0xca: {  	s28 =	smov.u32 s25;
	[sflag:s14] =	ssyncset.done $0x0  }
0xcb: {  	s24 =	sshra.s32 s24, $0x2;
	[sflag:s14] =	ssyncadd.s32 $0xFFFFD800  }
0xcc: {  	v1 =	vld [tilespmem:s24+$0x0];
	_ =	sdelay $0x4  }
0xcd: {  	[tilespmem:$0x10000] =	vst v1  }
0xce: {  	v1 =	vld [tilespmem:s24+$0x10];
	_ =	sdelay $0x4  }
0xcf: {  	[tilespmem:$0x10010] =	vst v1  }
0xd0: {  	v1 =	vld [tilespmem:s24+$0x20];
	_ =	sdelay $0x4  }
0xd1: {  	[tilespmem:$0x10020] =	vst v1  }
0xd2: {  	v1 =	vld [tilespmem:s24+$0x30];
	_ =	sdelay $0x4  }
0xd3: {  	[tilespmem:$0x10030] =	vst v1  }
0xd4: {  	v1 =	vld [tilespmem:s24+$0x40];
	_ =	sdelay $0x4  }
0xd5: {  	[tilespmem:$0x10040] =	vst v1  }
0xd6: {  	[tilespmem:s16], [sflag:$0x1] =	stream.indirect.gather [hbm4b:s4+s17], $0x80, s18, s17, $0xb8;
	[tilespmem:$0x1F140] =	vst v63  }
0xd7: {  	_ =	swait.ge [sflag:s19], $0x2800  }
0xd8: {  	[sflag:s19] =	ssyncset.done $0x0  }
0xd9: {  	s25 =	sadd.s32 $0x8000, s24;
	[sflag:s19] =	ssyncadd.s32 $0xFFFFD800  }
0xda: {  	[spmem:s2] =	stream.indirect.scatter.add.f32 [tilespmem:s16], [sflag:$0x2], $0x80, s25, s17, $0xb8;
	[tilespmem:$0x1F140] =	vst v63  }
0xdb: {  	v1 =	vld [tilespmem:s24+$0x80];
	_ =	sdelay $0x4  }
0xdc: {  	[tilespmem:$0x10080] =	vst v1  }
0xdd: {  	v1 =	vld [tilespmem:s24+$0x90];
	_ =	sdelay $0x4  }
0xde: {  	[tilespmem:$0x10090] =	vst v1  }
0xdf: {  	v1 =	vld [tilespmem:s24+$0xA0];
	_ =	sdelay $0x4  }
0xe0: {  	[tilespmem:$0x100A0] =	vst v1  }
0xe1: {  	v1 =	vld [tilespmem:s24+$0xB0];
	_ =	sdelay $0x4  }
0xe2: {  	[tilespmem:$0x100B0] =	vst v1  }
0xe3: {  	v1 =	vld [tilespmem:s24+$0xC0];
	_ =	sdelay $0x4  }
0xe4: {  	[tilespmem:$0x100C0] =	vst v1  }
0xe5: {  	[tilespmem:s21], [sflag:$0x1] =	stream.indirect.gather [hbm4b:s4+s17], $0x80, s20, s17, $0xb8;
	[tilespmem:$0x1F140] =	vst v63  }
0xe6: {  	_ =	swait.ge [sflag:s19], $0x2800  }
0xe7: {  	[sflag:s19] =	ssyncset.done $0x0  }
0xe8: {  	[sflag:s19] =	ssyncadd.s32 $0xFFFFD800  }
0xe9: {  	_ =	swait.ge [sflag:s22], $0x2800  }
0xea: {  	[sflag:s22] =	ssyncset.done $0x0  }
.Ltmp6:
0xeb: {  	s24 =	sadd.s32 $0x8080, s24;
	[sflag:s22] =	ssyncadd.s32 $0xFFFFD800;
	(pc) =	sbr.rel .LBB2_12-.Ltmp6, $4  }
0xec: {  	[spmem:s2] =	stream.indirect.scatter.add.f32 [tilespmem:s21], [sflag:$0x3], $0x80, s24, s17, $0xb8;
	[tilespmem:$0x1F140] =	vst v63  }
0xed: {  	_ =	swait.ge [sflag:s14], $0x2800  }
0xee: {  	[sflag:s14] =	ssyncset.done $0x0  }
0xef: {  	[sflag:s14] =	ssyncadd.s32 $0xFFFFD800  }
.LBB2_9:
0xf0: {  	v1 =	vld [tilespmem:s24+$0x0];
	_ =	sdelay $0x4  }
0xf1: {  	v1 =	vadd.s32 $0x2710, v1  }
0xf2: {  	[tilespmem:$0x10000] =	vst v1  }
0xf3: {  	v1 =	vld [tilespmem:s24+$0x10];
	_ =	sdelay $0x4  }
0xf4: {  	v1 =	vadd.s32 $0x2710, v1  }
0xf5: {  	[tilespmem:$0x10010] =	vst v1  }
0xf6: {  	v1 =	vld [tilespmem:s24+$0x20];
	_ =	sdelay $0x4  }
0xf7: {  	v1 =	vadd.s32 $0x2710, v1  }
0xf8: {  	[tilespmem:$0x10020] =	vst v1  }
0xf9: {  	v1 =	vld [tilespmem:s24+$0x30];
	_ =	sdelay $0x4  }
0xfa: {  	v1 =	vadd.s32 $0x2710, v1  }
0xfb: {  	[tilespmem:$0x10030] =	vst v1  }
0xfc: {  	v1 =	vld [tilespmem:s24+$0x40];
	_ =	sdelay $0x4  }
0xfd: {  	v1 =	vadd.s32 $0x2710, v1  }
0xfe: {  	[tilespmem:$0x10040] =	vst v1  }
0xff: {  	[tilespmem:s16], [sflag:$0x1] =	stream.indirect.gather [hbm4b:s4+s17], $0x80, s18, s17, $0xb8;
	[tilespmem:$0x1F140] =	vst v63  }
0x100: {  	_ =	swait.ge [sflag:s19], $0x2800  }
0x101: {  	[sflag:s19] =	ssyncset.done $0x0  }
0x102: {  	s25 =	simm.s32 $0x8000;
	[sflag:s19] =	ssyncadd.s32 $0xFFFFD800  }
0x103: {  	[spmem:s2] =	stream.indirect.scatter.add.f32 [tilespmem:s16], [sflag:$0x2], $0x80, s25, s17, $0xb8;
	[tilespmem:$0x1F140] =	vst v63  }
0x104: {  	v1 =	vld [tilespmem:s24+$0x80];
	_ =	sdelay $0x4  }
0x105: {  	v1 =	vadd.s32 $0x2710, v1  }
0x106: {  	[tilespmem:$0x10080] =	vst v1  }
0x107: {  	v1 =	vld [tilespmem:s24+$0x90];
	_ =	sdelay $0x4  }
0x108: {  	v1 =	vadd.s32 $0x2710, v1  }
0x109: {  	[tilespmem:$0x10090] =	vst v1  }
0x10a: {  	v1 =	vld [tilespmem:s24+$0xA0];
	_ =	sdelay $0x4  }
0x10b: {  	v1 =	vadd.s32 $0x2710, v1  }
0x10c: {  	[tilespmem:$0x100A0] =	vst v1  }
0x10d: {  	v1 =	vld [tilespmem:s24+$0xB0];
	_ =	sdelay $0x4  }
0x10e: {  	v1 =	vadd.s32 $0x2710, v1  }
0x10f: {  	[tilespmem:$0x100B0] =	vst v1  }
0x110: {  	v1 =	vld [tilespmem:s24+$0xC0];
	_ =	sdelay $0x4  }
0x111: {  	v1 =	vadd.s32 $0x2710, v1  }
0x112: {  	[tilespmem:$0x100C0] =	vst v1  }
0x113: {  	[tilespmem:s21], [sflag:$0x1] =	stream.indirect.gather [hbm4b:s4+s17], $0x80, s20, s17, $0xb8;
	[tilespmem:$0x1F140] =	vst v63  }
0x114: {  	_ =	swait.ge [sflag:s19], $0x2800  }
0x115: {  	[sflag:s19] =	ssyncset.done $0x0  }
0x116: {  	[sflag:s19] =	ssyncadd.s32 $0xFFFFD800  }
0x117: {  	_ =	swait.ge [sflag:s22], $0x2800  }
0x118: {  	[sflag:s22] =	ssyncset.done $0x0  }
0x119: {  	s31 =	simm.s32 $0x8080;
	[sflag:s22] =	ssyncadd.s32 $0xFFFFD800  }
0x11a: {  	[spmem:s2] =	stream.indirect.scatter.add.f32 [tilespmem:s21], [sflag:$0x3], $0x80, s31, s17, $0xb8;
	[tilespmem:$0x1F140] =	vst v63  }
0x11b: {  	_ =	swait.ge [sflag:s14], $0x2800  }
0x11c: {  	s28 =	simm.s32 $0x800;
	s24 =	simm.s32 $0x400;
	[sflag:s14] =	ssyncset.done $0x0  }
.LBB2_10:
0x11d: {  	s26 =	sshra.s32 s24, $0x2  }
0x11e: {  	[sflag:s14] =	ssyncadd.s32 $0xFFFFD800;
	s24 =	smov.u32 s28;
	s25 =	sadd.s32 $0x400, s28  }
0x11f: {  	p1 =	sne.s32 s28, $0x1F000;
	v1 =	vld [tilespmem:s26+$0x0];
	_ =	sdelay $0x4  }
0x120: {  	v1 =	vadd.s32 $0x2710, v1  }
0x121: {  	[tilespmem:$0x10000] =	vst v1  }
0x122: {  	v1 =	vld [tilespmem:s26+$0x10];
	_ =	sdelay $0x4  }
0x123: {  	v1 =	vadd.s32 $0x2710, v1  }
0x124: {  	[tilespmem:$0x10010] =	vst v1  }
0x125: {  	v1 =	vld [tilespmem:s26+$0x20];
	_ =	sdelay $0x4  }
0x126: {  	v1 =	vadd.s32 $0x2710, v1  }
0x127: {  	[tilespmem:$0x10020] =	vst v1  }
0x128: {  	v1 =	vld [tilespmem:s26+$0x30];
	_ =	sdelay $0x4  }
0x129: {  	v1 =	vadd.s32 $0x2710, v1  }
0x12a: {  	[tilespmem:$0x10030] =	vst v1  }
0x12b: {  	v1 =	vld [tilespmem:s26+$0x40];
	_ =	sdelay $0x4  }
0x12c: {  	v1 =	vadd.s32 $0x2710, v1  }
0x12d: {  	[tilespmem:$0x10040] =	vst v1  }
0x12e: {  	[tilespmem:s16], [sflag:$0x1] =	stream.indirect.gather [hbm4b:s4+s17], $0x80, s18, s17, $0xb8;
	[tilespmem:$0x1F140] =	vst v63  }
0x12f: {  	_ =	swait.ge [sflag:s19], $0x2800  }
0x130: {  	[sflag:s19] =	ssyncset.done $0x0  }
0x131: {  	s28 =	sadd.s32 $0x8000, s26;
	[sflag:s19] =	ssyncadd.s32 $0xFFFFD800  }
0x132: {  	[spmem:s2] =	stream.indirect.scatter.add.f32 [tilespmem:s16], [sflag:$0x2], $0x80, s28, s17, $0xb8;
	[tilespmem:$0x1F140] =	vst v63  }
0x133: {  	v1 =	vld [tilespmem:s26+$0x80];
	_ =	sdelay $0x4  }
0x134: {  	v1 =	vadd.s32 $0x2710, v1  }
0x135: {  	[tilespmem:$0x10080] =	vst v1  }
0x136: {  	v1 =	vld [tilespmem:s26+$0x90];
	_ =	sdelay $0x4  }
0x137: {  	v1 =	vadd.s32 $0x2710, v1  }
0x138: {  	[tilespmem:$0x10090] =	vst v1  }
0x139: {  	v1 =	vld [tilespmem:s26+$0xA0];
	_ =	sdelay $0x4  }
0x13a: {  	v1 =	vadd.s32 $0x2710, v1  }
0x13b: {  	[tilespmem:$0x100A0] =	vst v1  }
0x13c: {  	v1 =	vld [tilespmem:s26+$0xB0];
	_ =	sdelay $0x4  }
0x13d: {  	v1 =	vadd.s32 $0x2710, v1  }
0x13e: {  	[tilespmem:$0x100B0] =	vst v1  }
0x13f: {  	v1 =	vld [tilespmem:s26+$0xC0];
	_ =	sdelay $0x4  }
0x140: {  	v1 =	vadd.s32 $0x2710, v1  }
0x141: {  	[tilespmem:$0x100C0] =	vst v1  }
0x142: {  	[tilespmem:s21], [sflag:$0x1] =	stream.indirect.gather [hbm4b:s4+s17], $0x80, s20, s17, $0xb8;
	[tilespmem:$0x1F140] =	vst v63  }
0x143: {  	_ =	swait.ge [sflag:s19], $0x2800  }
0x144: {  	[sflag:s19] =	ssyncset.done $0x0  }
0x145: {  	[sflag:s19] =	ssyncadd.s32 $0xFFFFD800  }
0x146: {  	_ =	swait.ge [sflag:s22], $0x2800  }
.Ltmp7:
0x147: {  	[sflag:s22] =	ssyncset.done $0x0;
	(pc) =	sbr.rel @p1 .LBB2_10-.Ltmp7, $4  }
0x148: {  	s26 =	sadd.s32 $0x8080, s26;
	[sflag:s22] =	ssyncadd.s32 $0xFFFFD800  }
0x149: {  	[spmem:s2] =	stream.indirect.scatter.add.f32 [tilespmem:s21], [sflag:$0x3], $0x80, s26, s17, $0xb8;
	[tilespmem:$0x1F140] =	vst v63  }
0x14a: {  	_ =	swait.ge [sflag:s14], $0x2800  }
0x14b: {  	s28 =	smov.u32 s25;
	[sflag:s14] =	ssyncset.done $0x0  }
0x14c: {  	s24 =	sshra.s32 s24, $0x2;
	[sflag:s14] =	ssyncadd.s32 $0xFFFFD800  }
0x14d: {  	v1 =	vld [tilespmem:s24+$0x0];
	_ =	sdelay $0x4  }
0x14e: {  	v1 =	vadd.s32 $0x2710, v1  }
0x14f: {  	[tilespmem:$0x10000] =	vst v1  }
0x150: {  	v1 =	vld [tilespmem:s24+$0x10];
	_ =	sdelay $0x4  }
0x151: {  	v1 =	vadd.s32 $0x2710, v1  }
0x152: {  	[tilespmem:$0x10010] =	vst v1  }
0x153: {  	v1 =	vld [tilespmem:s24+$0x20];
	_ =	sdelay $0x4  }
0x154: {  	v1 =	vadd.s32 $0x2710, v1  }
0x155: {  	[tilespmem:$0x10020] =	vst v1  }
0x156: {  	v1 =	vld [tilespmem:s24+$0x30];
	_ =	sdelay $0x4  }
0x157: {  	v1 =	vadd.s32 $0x2710, v1  }
0x158: {  	[tilespmem:$0x10030] =	vst v1  }
0x159: {  	v1 =	vld [tilespmem:s24+$0x40];
	_ =	sdelay $0x4  }
0x15a: {  	v1 =	vadd.s32 $0x2710, v1  }
0x15b: {  	[tilespmem:$0x10040] =	vst v1  }
0x15c: {  	[tilespmem:s16], [sflag:$0x1] =	stream.indirect.gather [hbm4b:s4+s17], $0x80, s18, s17, $0xb8;
	[tilespmem:$0x1F140] =	vst v63  }
0x15d: {  	_ =	swait.ge [sflag:s19], $0x2800  }
0x15e: {  	[sflag:s19] =	ssyncset.done $0x0  }
0x15f: {  	s25 =	sadd.s32 $0x8000, s24;
	[sflag:s19] =	ssyncadd.s32 $0xFFFFD800  }
0x160: {  	[spmem:s2] =	stream.indirect.scatter.add.f32 [tilespmem:s16], [sflag:$0x2], $0x80, s25, s17, $0xb8;
	[tilespmem:$0x1F140] =	vst v63  }
0x161: {  	v1 =	vld [tilespmem:s24+$0x80];
	_ =	sdelay $0x4  }
0x162: {  	v1 =	vadd.s32 $0x2710, v1  }
0x163: {  	[tilespmem:$0x10080] =	vst v1  }
0x164: {  	v1 =	vld [tilespmem:s24+$0x90];
	_ =	sdelay $0x4  }
0x165: {  	v1 =	vadd.s32 $0x2710, v1  }
0x166: {  	[tilespmem:$0x10090] =	vst v1  }
0x167: {  	v1 =	vld [tilespmem:s24+$0xA0];
	_ =	sdelay $0x4  }
0x168: {  	v1 =	vadd.s32 $0x2710, v1  }
0x169: {  	[tilespmem:$0x100A0] =	vst v1  }
0x16a: {  	v1 =	vld [tilespmem:s24+$0xB0];
	_ =	sdelay $0x4  }
0x16b: {  	v1 =	vadd.s32 $0x2710, v1  }
0x16c: {  	[tilespmem:$0x100B0] =	vst v1  }
0x16d: {  	v1 =	vld [tilespmem:s24+$0xC0];
	_ =	sdelay $0x4  }
0x16e: {  	v1 =	vadd.s32 $0x2710, v1  }
0x16f: {  	[tilespmem:$0x100C0] =	vst v1  }
0x170: {  	[tilespmem:s21], [sflag:$0x1] =	stream.indirect.gather [hbm4b:s4+s17], $0x80, s20, s17, $0xb8;
	[tilespmem:$0x1F140] =	vst v63  }
0x171: {  	_ =	swait.ge [sflag:s19], $0x2800  }
0x172: {  	[sflag:s19] =	ssyncset.done $0x0  }
0x173: {  	[sflag:s19] =	ssyncadd.s32 $0xFFFFD800  }
0x174: {  	_ =	swait.ge [sflag:s22], $0x2800  }
0x175: {  	[sflag:s22] =	ssyncset.done $0x0  }
0x176: {  	s24 =	sadd.s32 $0x8080, s24;
	[sflag:s22] =	ssyncadd.s32 $0xFFFFD800  }
0x177: {  	[spmem:s2] =	stream.indirect.scatter.add.f32 [tilespmem:s21], [sflag:$0x3], $0x80, s24, s17, $0xb8;
	[tilespmem:$0x1F140] =	vst v63  }
0x178: {  	_ =	swait.ge [sflag:s14], $0x2800  }
0x179: {  	[sflag:s14] =	ssyncset.done $0x0  }
0x17a: {  	[sflag:s14] =	ssyncadd.s32 $0xFFFFD800  }
.LBB2_12:
0x17b: {  	s24 =	sshll.u32 s1, $0x6  }
0x17c: {  	[bflag:$0x0] =	sbarrier.arrive $0xFFFF;
	s25 =	sshrl.u32 s7, $0x3;
	s24 =	sor.u32 $0x1C03, s24  }
0x17d: {  	[hbm:s8], [sflag:s24] =	dma.local [spmem:s25], $0x1400  }
0x17e: {  	_ =	swait.ge [sflag:s14], $0x1400  }
0x17f: {  	[sflag:s14] =	ssyncset.done $0x0  }
0x180: {  	[sflag:s14] =	ssyncadd.s32 $0xFFFFEC00  }
0x181: {  	s26 =	simm.s32 $0x70;
	s28 =	simm.s32 $0x3C0;
	[bflag:$0x0] =	sbarrier.arrive $0xFFFF  }
.LBB2_13:
0x182: {  	p1 =	sne.s32 s28, $0x9FC0;
	[tilespmem:s26+$0x10100] =	vst v0  }
0x183: {  	[tilespmem:s26+$0x10090] =	vst v0  }
0x184: {  	[tilespmem:s26+$0x100A0] =	vst v0  }
.Ltmp8:
0x185: {  	[tilespmem:s26+$0x100B0] =	vst v0;
	(pc) =	sbr.rel @p1 .LBB2_13-.Ltmp8, $4  }
0x186: {  	[tilespmem:s26+$0x100C0] =	vst v0  }
0x187: {  	[tilespmem:s26+$0x100D0] =	vst v0  }
0x188: {  	[tilespmem:s26+$0x100E0] =	vst v0  }
0x189: {  	[tilespmem:s26+$0x100F0] =	vst v0;
	s26 =	sshra.s32 s28, $0x2;
	s28 =	sadd.s32 $0x200, s28  }
0x18a: {  	[tilespmem:s26+$0x10100] =	vst v0  }
0x18b: {  	[tilespmem:s26+$0x10090] =	vst v0  }
0x18c: {  	[tilespmem:s26+$0x100A0] =	vst v0  }
0x18d: {  	[tilespmem:s26+$0x100B0] =	vst v0  }
0x18e: {  	[tilespmem:s26+$0x100C0] =	vst v0  }
0x18f: {  	[tilespmem:s26+$0x100D0] =	vst v0  }
0x190: {  	[tilespmem:s26+$0x100E0] =	vst v0  }
0x191: {  	[tilespmem:s26+$0x100F0] =	vst v0  }
0x192: {  	[tilespmem:s15], [sflag:$0x3] =	stream.linear.gather [hbm4b:s6+s3], $0x7D00, $0x38;
	[tilespmem:$0x1F140] =	vst v63  }
0x193: {  	_ =	swait.ge [sflag:s14], $0x7D00  }
0x194: {  	[sflag:s14] =	ssyncset.done $0x0  }
0x195: {  	s26 =	simm.s32 $0x40;
	[sflag:s14] =	ssyncadd.s32 $0xFFFF8300  }
0x196: {  	v3 =	vld [tilespmem:s26+$0x7FC0]  }
0x197: {  	v4 =	vld [tilespmem:s26+$0x7FD0]  }
0x198: {  	v2 =	vld [tilespmem:s26+$0x7FE0]  }
0x199: {  	s28 =	simm.s32 $0x300;
	v1 =	vld [tilespmem:s26+$0x7FF0]  }
.LBB2_15:
0x19a: {  	p1 =	sne.s32 s28, $0x1F300;
	v5 =	vld [tilespmem:s26+$0x8000]  }
0x19b: {  	v3 =	vadd.s32 $0xFFFFEC00, v3  }
0x19c: {  	v3 =	vmin.u32 v3, $0x1400;
	v4 =	vadd.s32 $0xFFFFEC00, v4  }
.Ltmp9:
0x19d: {  	s29 =	sshra.s32 s28, $0x2;
	[tilespmem:s26+$0x7FC0] =	vst v3;
	v4 =	vmin.u32 v4, $0x1400;
	v2 =	vadd.s32 $0xFFFFEC00, v2;
	(pc) =	sbr.rel @p1 .LBB2_15-.Ltmp9, $4  }
0x19e: {  	v3 =	vld [tilespmem:s29+$0x7FC0];
	[tilespmem:s26+$0x7FD0] =	vst v4;
	v2 =	vmin.u32 v2, $0x1400;
	v1 =	vadd.s32 $0xFFFFEC00, v1  }
0x19f: {  	v4 =	vld [tilespmem:s29+$0x7FD0];
	[tilespmem:s26+$0x7FE0] =	vst v2;
	v1 =	vmin.u32 v1, $0x1400;
	v5 =	vadd.s32 $0xFFFFEC00, v5  }
0x1a0: {  	v2 =	vld [tilespmem:s29+$0x7FE0];
	[tilespmem:s26+$0x7FF0] =	vst v1;
	v5 =	vmin.u32 v5, $0x1400  }
0x1a1: {  	s28 =	sadd.s32 $0x200, s28;
	v1 =	vld [tilespmem:s29+$0x7FF0];
	[tilespmem:s26+$0x8000] =	vst v5;
	s26 =	smov.u32 s29  }
0x1a2: {  	v5 =	vld [tilespmem:s26+$0x8000]  }
0x1a3: {  	v3 =	vadd.s32 $0xFFFFEC00, v3  }
0x1a4: {  	v3 =	vmin.u32 v3, $0x1400;
	v4 =	vadd.s32 $0xFFFFEC00, v4  }
0x1a5: {  	[tilespmem:s26+$0x7FC0] =	vst v3;
	v3 =	vmin.u32 v4, $0x1400;
	v2 =	vadd.s32 $0xFFFFEC00, v2  }
0x1a6: {  	[tilespmem:s26+$0x7FD0] =	vst v3;
	v2 =	vmin.u32 v2, $0x1400;
	v1 =	vadd.s32 $0xFFFFEC00, v1  }
0x1a7: {  	[tilespmem:s26+$0x7FE0] =	vst v2;
	v1 =	vmin.u32 v1, $0x1400;
	v2 =	vadd.s32 $0xFFFFEC00, v5  }
0x1a8: {  	[tilespmem:s26+$0x7FF0] =	vst v1;
	v1 =	vmin.u32 v2, $0x1400  }
0x1a9: {  	[tilespmem:s26+$0x8000] =	vst v1  }
0x1aa: {  	[spmem:s7] =	stream.linear.scatter [tilespmem:s16], [sflag:$0x3], $0x2800, $0x38;
	[tilespmem:$0x1F140] =	vst v63  }
0x1ab: {  	_ =	swait.ge [sflag:s14], $0x2800  }
0x1ac: {  	[sflag:s14] =	ssyncset.done $0x0  }
0x1ad: {  	[sflag:s14] =	ssyncadd.s32 $0xFFFFD800  }
0x1ae: {  	[spmem:s11] =	stream.linear.scatter [tilespmem:s16], [sflag:$0x3], $0x2800, $0x38;
	[tilespmem:$0x1F140] =	vst v63  }
0x1af: {  	_ =	swait.ge [sflag:s14], $0x2800  }
0x1b0: {  	[sflag:s14] =	ssyncset.done $0x0  }
0x1b1: {  	[sflag:s14] =	ssyncadd.s32 $0xFFFFD800  }
0x1b2: {  	[spmem:s12] =	stream.linear.scatter [tilespmem:s16], [sflag:$0x3], $0x2800, $0x38;
	[tilespmem:$0x1F140] =	vst v63  }
0x1b3: {  	_ =	swait.ge [sflag:s14], $0x2800  }
0x1b4: {  	[sflag:s14] =	ssyncset.done $0x0  }
0x1b5: {  	[sflag:s14] =	ssyncadd.s32 $0xFFFFD800  }
0x1b6: {  	[spmem:s13] =	stream.linear.scatter [tilespmem:s16], [sflag:$0x3], $0x2800, $0x38;
	[tilespmem:$0x1F140] =	vst v63  }
.Ltmp10:
0x1b7: {  	_ =	swait.ge [sflag:s14], $0x2800;
	(pc) =	sbr.rel @p0 .LBB2_20-.Ltmp10, $4  }
0x1b8: {  	[sflag:s14] =	ssyncset.done $0x0  }
0x1b9: {  	[sflag:s14] =	ssyncadd.s32 $0xFFFFD800  }
0x1ba: {  	[bflag:$0x0] =	sbarrier.arrive $0xFFFF  }
0x1bb: {  	s26 =	simm.s32 $0x0  }
0x1bc: {  	v1 =	vld [tilespmem:s26+$0x0];
	_ =	sdelay $0x4  }
0x1bd: {  	[tilespmem:$0x10000] =	vst v1  }
0x1be: {  	v1 =	vld [tilespmem:s26+$0x10];
	_ =	sdelay $0x4  }
0x1bf: {  	[tilespmem:$0x10010] =	vst v1  }
0x1c0: {  	v1 =	vld [tilespmem:s26+$0x20];
	_ =	sdelay $0x4  }
0x1c1: {  	[tilespmem:$0x10020] =	vst v1  }
0x1c2: {  	v1 =	vld [tilespmem:s26+$0x30];
	_ =	sdelay $0x4  }
0x1c3: {  	[tilespmem:$0x10030] =	vst v1  }
0x1c4: {  	v1 =	vld [tilespmem:s26+$0x40];
	_ =	sdelay $0x4  }
0x1c5: {  	[tilespmem:$0x10040] =	vst v1  }
0x1c6: {  	[tilespmem:s16], [sflag:$0x1] =	stream.indirect.gather [hbm4b:s4+s17], $0x80, s18, s17, $0xb8;
	[tilespmem:$0x1F140] =	vst v63  }
0x1c7: {  	_ =	swait.ge [sflag:s19], $0x2800  }
0x1c8: {  	[sflag:s19] =	ssyncset.done $0x0  }
0x1c9: {  	s28 =	simm.s32 $0x8000;
	[sflag:s19] =	ssyncadd.s32 $0xFFFFD800  }
0x1ca: {  	[spmem:s2] =	stream.indirect.scatter.add.f32 [tilespmem:s16], [sflag:$0x2], $0x80, s28, s17, $0xb8;
	[tilespmem:$0x1F140] =	vst v63  }
0x1cb: {  	v1 =	vld [tilespmem:s26+$0x80];
	_ =	sdelay $0x4  }
0x1cc: {  	[tilespmem:$0x10080] =	vst v1  }
0x1cd: {  	v1 =	vld [tilespmem:s26+$0x90];
	_ =	sdelay $0x4  }
0x1ce: {  	[tilespmem:$0x10090] =	vst v1  }
0x1cf: {  	v1 =	vld [tilespmem:s26+$0xA0];
	_ =	sdelay $0x4  }
0x1d0: {  	[tilespmem:$0x100A0] =	vst v1  }
0x1d1: {  	v1 =	vld [tilespmem:s26+$0xB0];
	_ =	sdelay $0x4  }
0x1d2: {  	[tilespmem:$0x100B0] =	vst v1  }
0x1d3: {  	v1 =	vld [tilespmem:s26+$0xC0];
	_ =	sdelay $0x4  }
0x1d4: {  	[tilespmem:$0x100C0] =	vst v1  }
0x1d5: {  	[tilespmem:s21], [sflag:$0x1] =	stream.indirect.gather [hbm4b:s4+s17], $0x80, s20, s17, $0xb8;
	[tilespmem:$0x1F140] =	vst v63  }
0x1d6: {  	_ =	swait.ge [sflag:s19], $0x2800  }
0x1d7: {  	[sflag:s19] =	ssyncset.done $0x0  }
0x1d8: {  	[sflag:s19] =	ssyncadd.s32 $0xFFFFD800  }
0x1d9: {  	_ =	swait.ge [sflag:s22], $0x2800  }
0x1da: {  	[sflag:s22] =	ssyncset.done $0x0  }
0x1db: {  	s31 =	simm.s32 $0x8080;
	[sflag:s22] =	ssyncadd.s32 $0xFFFFD800  }
0x1dc: {  	[spmem:s2] =	stream.indirect.scatter.add.f32 [tilespmem:s21], [sflag:$0x3], $0x80, s31, s17, $0xb8;
	[tilespmem:$0x1F140] =	vst v63  }
0x1dd: {  	_ =	swait.ge [sflag:s14], $0x2800  }
0x1de: {  	s30 =	simm.s32 $0x800;
	s26 =	simm.s32 $0x400;
	[sflag:s14] =	ssyncset.done $0x0  }
.LBB2_18:
0x1df: {  	s29 =	sshra.s32 s26, $0x2  }
0x1e0: {  	[sflag:s14] =	ssyncadd.s32 $0xFFFFD800;
	s26 =	smov.u32 s30;
	s28 =	sadd.s32 $0x400, s30  }
0x1e1: {  	p1 =	seq.s32 s30, $0x1F000;
	v1 =	vld [tilespmem:s29+$0x0];
	_ =	sdelay $0x4  }
0x1e2: {  	[tilespmem:$0x10000] =	vst v1  }
0x1e3: {  	v1 =	vld [tilespmem:s29+$0x10];
	_ =	sdelay $0x4  }
0x1e4: {  	[tilespmem:$0x10010] =	vst v1  }
0x1e5: {  	v1 =	vld [tilespmem:s29+$0x20];
	_ =	sdelay $0x4  }
0x1e6: {  	[tilespmem:$0x10020] =	vst v1  }
0x1e7: {  	v1 =	vld [tilespmem:s29+$0x30];
	_ =	sdelay $0x4  }
0x1e8: {  	[tilespmem:$0x10030] =	vst v1  }
0x1e9: {  	v1 =	vld [tilespmem:s29+$0x40];
	_ =	sdelay $0x4  }
0x1ea: {  	[tilespmem:$0x10040] =	vst v1  }
0x1eb: {  	[tilespmem:s16], [sflag:$0x1] =	stream.indirect.gather [hbm4b:s4+s17], $0x80, s18, s17, $0xb8;
	[tilespmem:$0x1F140] =	vst v63  }
0x1ec: {  	_ =	swait.ge [sflag:s19], $0x2800  }
0x1ed: {  	[sflag:s19] =	ssyncset.done $0x0  }
0x1ee: {  	s30 =	sadd.s32 $0x8000, s29;
	[sflag:s19] =	ssyncadd.s32 $0xFFFFD800  }
0x1ef: {  	[spmem:s2] =	stream.indirect.scatter.add.f32 [tilespmem:s16], [sflag:$0x2], $0x80, s30, s17, $0xb8;
	[tilespmem:$0x1F140] =	vst v63  }
0x1f0: {  	v1 =	vld [tilespmem:s29+$0x80];
	_ =	sdelay $0x4  }
0x1f1: {  	[tilespmem:$0x10080] =	vst v1  }
0x1f2: {  	v1 =	vld [tilespmem:s29+$0x90];
	_ =	sdelay $0x4  }
0x1f3: {  	[tilespmem:$0x10090] =	vst v1  }
0x1f4: {  	v1 =	vld [tilespmem:s29+$0xA0];
	_ =	sdelay $0x4  }
0x1f5: {  	[tilespmem:$0x100A0] =	vst v1  }
0x1f6: {  	v1 =	vld [tilespmem:s29+$0xB0];
	_ =	sdelay $0x4  }
0x1f7: {  	[tilespmem:$0x100B0] =	vst v1  }
0x1f8: {  	v1 =	vld [tilespmem:s29+$0xC0];
	_ =	sdelay $0x4  }
0x1f9: {  	[tilespmem:$0x100C0] =	vst v1  }
0x1fa: {  	[tilespmem:s21], [sflag:$0x1] =	stream.indirect.gather [hbm4b:s4+s17], $0x80, s20, s17, $0xb8;
	[tilespmem:$0x1F140] =	vst v63  }
0x1fb: {  	_ =	swait.ge [sflag:s19], $0x2800  }
0x1fc: {  	[sflag:s19] =	ssyncset.done $0x0  }
0x1fd: {  	[sflag:s19] =	ssyncadd.s32 $0xFFFFD800  }
0x1fe: {  	_ =	swait.ge [sflag:s22], $0x2800  }
.Ltmp11:
0x1ff: {  	[sflag:s22] =	ssyncset.done $0x0;
	(pc) =	sbr.rel @!p1 .LBB2_18-.Ltmp11, $4  }
0x200: {  	s29 =	sadd.s32 $0x8080, s29;
	[sflag:s22] =	ssyncadd.s32 $0xFFFFD800  }
0x201: {  	[spmem:s2] =	stream.indirect.scatter.add.f32 [tilespmem:s21], [sflag:$0x3], $0x80, s29, s17, $0xb8;
	[tilespmem:$0x1F140] =	vst v63  }
0x202: {  	_ =	swait.ge [sflag:s14], $0x2800  }
0x203: {  	s30 =	smov.u32 s28;
	[sflag:s14] =	ssyncset.done $0x0  }
0x204: {  	s26 =	sshra.s32 s26, $0x2;
	[sflag:s14] =	ssyncadd.s32 $0xFFFFD800  }
0x205: {  	v1 =	vld [tilespmem:s26+$0x0];
	_ =	sdelay $0x4  }
0x206: {  	[tilespmem:$0x10000] =	vst v1  }
0x207: {  	v1 =	vld [tilespmem:s26+$0x10];
	_ =	sdelay $0x4  }
0x208: {  	[tilespmem:$0x10010] =	vst v1  }
0x209: {  	v1 =	vld [tilespmem:s26+$0x20];
	_ =	sdelay $0x4  }
0x20a: {  	[tilespmem:$0x10020] =	vst v1  }
0x20b: {  	v1 =	vld [tilespmem:s26+$0x30];
	_ =	sdelay $0x4  }
0x20c: {  	[tilespmem:$0x10030] =	vst v1  }
0x20d: {  	v1 =	vld [tilespmem:s26+$0x40];
	_ =	sdelay $0x4  }
0x20e: {  	[tilespmem:$0x10040] =	vst v1  }
0x20f: {  	[tilespmem:s16], [sflag:$0x1] =	stream.indirect.gather [hbm4b:s4+s17], $0x80, s18, s17, $0xb8;
	[tilespmem:$0x1F140] =	vst v63  }
0x210: {  	_ =	swait.ge [sflag:s19], $0x2800  }
0x211: {  	[sflag:s19] =	ssyncset.done $0x0  }
0x212: {  	s28 =	sadd.s32 $0x8000, s26;
	[sflag:s19] =	ssyncadd.s32 $0xFFFFD800  }
0x213: {  	[spmem:s2] =	stream.indirect.scatter.add.f32 [tilespmem:s16], [sflag:$0x2], $0x80, s28, s17, $0xb8;
	[tilespmem:$0x1F140] =	vst v63  }
0x214: {  	v1 =	vld [tilespmem:s26+$0x80];
	_ =	sdelay $0x4  }
0x215: {  	[tilespmem:$0x10080] =	vst v1  }
0x216: {  	v1 =	vld [tilespmem:s26+$0x90];
	_ =	sdelay $0x4  }
0x217: {  	[tilespmem:$0x10090] =	vst v1  }
0x218: {  	v1 =	vld [tilespmem:s26+$0xA0];
	_ =	sdelay $0x4  }
0x219: {  	[tilespmem:$0x100A0] =	vst v1  }
0x21a: {  	v1 =	vld [tilespmem:s26+$0xB0];
	_ =	sdelay $0x4  }
0x21b: {  	[tilespmem:$0x100B0] =	vst v1  }
0x21c: {  	v1 =	vld [tilespmem:s26+$0xC0];
	_ =	sdelay $0x4  }
0x21d: {  	[tilespmem:$0x100C0] =	vst v1  }
0x21e: {  	[tilespmem:s21], [sflag:$0x1] =	stream.indirect.gather [hbm4b:s4+s17], $0x80, s20, s17, $0xb8;
	[tilespmem:$0x1F140] =	vst v63  }
0x21f: {  	_ =	swait.ge [sflag:s19], $0x2800  }
0x220: {  	[sflag:s19] =	ssyncset.done $0x0  }
0x221: {  	[sflag:s19] =	ssyncadd.s32 $0xFFFFD800  }
0x222: {  	_ =	swait.ge [sflag:s22], $0x2800  }
0x223: {  	[sflag:s22] =	ssyncset.done $0x0  }
.Ltmp12:
0x224: {  	s26 =	sadd.s32 $0x8080, s26;
	[sflag:s22] =	ssyncadd.s32 $0xFFFFD800;
	(pc) =	sbr.rel .LBB2_23-.Ltmp12, $4  }
0x225: {  	[spmem:s2] =	stream.indirect.scatter.add.f32 [tilespmem:s21], [sflag:$0x3], $0x80, s26, s17, $0xb8;
	[tilespmem:$0x1F140] =	vst v63  }
0x226: {  	_ =	swait.ge [sflag:s14], $0x2800  }
0x227: {  	[sflag:s14] =	ssyncset.done $0x0  }
0x228: {  	[sflag:s14] =	ssyncadd.s32 $0xFFFFD800  }
.LBB2_20:
0x229: {  	v1 =	vld [tilespmem:s26+$0x0];
	_ =	sdelay $0x4  }
0x22a: {  	v1 =	vadd.s32 $0x2710, v1  }
0x22b: {  	[tilespmem:$0x10000] =	vst v1  }
0x22c: {  	v1 =	vld [tilespmem:s26+$0x10];
	_ =	sdelay $0x4  }
0x22d: {  	v1 =	vadd.s32 $0x2710, v1  }
0x22e: {  	[tilespmem:$0x10010] =	vst v1  }
0x22f: {  	v1 =	vld [tilespmem:s26+$0x20];
	_ =	sdelay $0x4  }
0x230: {  	v1 =	vadd.s32 $0x2710, v1  }
0x231: {  	[tilespmem:$0x10020] =	vst v1  }
0x232: {  	v1 =	vld [tilespmem:s26+$0x30];
	_ =	sdelay $0x4  }
0x233: {  	v1 =	vadd.s32 $0x2710, v1  }
0x234: {  	[tilespmem:$0x10030] =	vst v1  }
0x235: {  	v1 =	vld [tilespmem:s26+$0x40];
	_ =	sdelay $0x4  }
0x236: {  	v1 =	vadd.s32 $0x2710, v1  }
0x237: {  	[tilespmem:$0x10040] =	vst v1  }
0x238: {  	[tilespmem:s16], [sflag:$0x1] =	stream.indirect.gather [hbm4b:s4+s17], $0x80, s18, s17, $0xb8;
	[tilespmem:$0x1F140] =	vst v63  }
0x239: {  	_ =	swait.ge [sflag:s19], $0x2800  }
0x23a: {  	[sflag:s19] =	ssyncset.done $0x0  }
0x23b: {  	s28 =	simm.s32 $0x8000;
	[sflag:s19] =	ssyncadd.s32 $0xFFFFD800  }
0x23c: {  	[spmem:s2] =	stream.indirect.scatter.add.f32 [tilespmem:s16], [sflag:$0x2], $0x80, s28, s17, $0xb8;
	[tilespmem:$0x1F140] =	vst v63  }
0x23d: {  	v1 =	vld [tilespmem:s26+$0x80];
	_ =	sdelay $0x4  }
0x23e: {  	v1 =	vadd.s32 $0x2710, v1  }
0x23f: {  	[tilespmem:$0x10080] =	vst v1  }
0x240: {  	v1 =	vld [tilespmem:s26+$0x90];
	_ =	sdelay $0x4  }
0x241: {  	v1 =	vadd.s32 $0x2710, v1  }
0x242: {  	[tilespmem:$0x10090] =	vst v1  }
0x243: {  	v1 =	vld [tilespmem:s26+$0xA0];
	_ =	sdelay $0x4  }
0x244: {  	v1 =	vadd.s32 $0x2710, v1  }
0x245: {  	[tilespmem:$0x100A0] =	vst v1  }
0x246: {  	v1 =	vld [tilespmem:s26+$0xB0];
	_ =	sdelay $0x4  }
0x247: {  	v1 =	vadd.s32 $0x2710, v1  }
0x248: {  	[tilespmem:$0x100B0] =	vst v1  }
0x249: {  	v1 =	vld [tilespmem:s26+$0xC0];
	_ =	sdelay $0x4  }
0x24a: {  	v1 =	vadd.s32 $0x2710, v1  }
0x24b: {  	[tilespmem:$0x100C0] =	vst v1  }
0x24c: {  	[tilespmem:s21], [sflag:$0x1] =	stream.indirect.gather [hbm4b:s4+s17], $0x80, s20, s17, $0xb8;
	[tilespmem:$0x1F140] =	vst v63  }
0x24d: {  	_ =	swait.ge [sflag:s19], $0x2800  }
0x24e: {  	[sflag:s19] =	ssyncset.done $0x0  }
0x24f: {  	[sflag:s19] =	ssyncadd.s32 $0xFFFFD800  }
0x250: {  	_ =	swait.ge [sflag:s22], $0x2800  }
0x251: {  	[sflag:s22] =	ssyncset.done $0x0  }
0x252: {  	s31 =	simm.s32 $0x8080;
	[sflag:s22] =	ssyncadd.s32 $0xFFFFD800  }
0x253: {  	[spmem:s2] =	stream.indirect.scatter.add.f32 [tilespmem:s21], [sflag:$0x3], $0x80, s31, s17, $0xb8;
	[tilespmem:$0x1F140] =	vst v63  }
0x254: {  	_ =	swait.ge [sflag:s14], $0x2800  }
0x255: {  	s30 =	simm.s32 $0x800;
	s26 =	simm.s32 $0x400;
	[sflag:s14] =	ssyncset.done $0x0  }
.LBB2_21:
0x256: {  	s29 =	sshra.s32 s26, $0x2  }
0x257: {  	[sflag:s14] =	ssyncadd.s32 $0xFFFFD800;
	s26 =	smov.u32 s30;
	s28 =	sadd.s32 $0x400, s30  }
0x258: {  	p1 =	sne.s32 s30, $0x1F000;
	v1 =	vld [tilespmem:s29+$0x0];
	_ =	sdelay $0x4  }
0x259: {  	v1 =	vadd.s32 $0x2710, v1  }
0x25a: {  	[tilespmem:$0x10000] =	vst v1  }
0x25b: {  	v1 =	vld [tilespmem:s29+$0x10];
	_ =	sdelay $0x4  }
0x25c: {  	v1 =	vadd.s32 $0x2710, v1  }
0x25d: {  	[tilespmem:$0x10010] =	vst v1  }
0x25e: {  	v1 =	vld [tilespmem:s29+$0x20];
	_ =	sdelay $0x4  }
0x25f: {  	v1 =	vadd.s32 $0x2710, v1  }
0x260: {  	[tilespmem:$0x10020] =	vst v1  }
0x261: {  	v1 =	vld [tilespmem:s29+$0x30];
	_ =	sdelay $0x4  }
0x262: {  	v1 =	vadd.s32 $0x2710, v1  }
0x263: {  	[tilespmem:$0x10030] =	vst v1  }
0x264: {  	v1 =	vld [tilespmem:s29+$0x40];
	_ =	sdelay $0x4  }
0x265: {  	v1 =	vadd.s32 $0x2710, v1  }
0x266: {  	[tilespmem:$0x10040] =	vst v1  }
0x267: {  	[tilespmem:s16], [sflag:$0x1] =	stream.indirect.gather [hbm4b:s4+s17], $0x80, s18, s17, $0xb8;
	[tilespmem:$0x1F140] =	vst v63  }
0x268: {  	_ =	swait.ge [sflag:s19], $0x2800  }
0x269: {  	[sflag:s19] =	ssyncset.done $0x0  }
0x26a: {  	s30 =	sadd.s32 $0x8000, s29;
	[sflag:s19] =	ssyncadd.s32 $0xFFFFD800  }
0x26b: {  	[spmem:s2] =	stream.indirect.scatter.add.f32 [tilespmem:s16], [sflag:$0x2], $0x80, s30, s17, $0xb8;
	[tilespmem:$0x1F140] =	vst v63  }
0x26c: {  	v1 =	vld [tilespmem:s29+$0x80];
	_ =	sdelay $0x4  }
0x26d: {  	v1 =	vadd.s32 $0x2710, v1  }
0x26e: {  	[tilespmem:$0x10080] =	vst v1  }
0x26f: {  	v1 =	vld [tilespmem:s29+$0x90];
	_ =	sdelay $0x4  }
0x270: {  	v1 =	vadd.s32 $0x2710, v1  }
0x271: {  	[tilespmem:$0x10090] =	vst v1  }
0x272: {  	v1 =	vld [tilespmem:s29+$0xA0];
	_ =	sdelay $0x4  }
0x273: {  	v1 =	vadd.s32 $0x2710, v1  }
0x274: {  	[tilespmem:$0x100A0] =	vst v1  }
0x275: {  	v1 =	vld [tilespmem:s29+$0xB0];
	_ =	sdelay $0x4  }
0x276: {  	v1 =	vadd.s32 $0x2710, v1  }
0x277: {  	[tilespmem:$0x100B0] =	vst v1  }
0x278: {  	v1 =	vld [tilespmem:s29+$0xC0];
	_ =	sdelay $0x4  }
0x279: {  	v1 =	vadd.s32 $0x2710, v1  }
0x27a: {  	[tilespmem:$0x100C0] =	vst v1  }
0x27b: {  	[tilespmem:s21], [sflag:$0x1] =	stream.indirect.gather [hbm4b:s4+s17], $0x80, s20, s17, $0xb8;
	[tilespmem:$0x1F140] =	vst v63  }
0x27c: {  	_ =	swait.ge [sflag:s19], $0x2800  }
0x27d: {  	[sflag:s19] =	ssyncset.done $0x0  }
0x27e: {  	[sflag:s19] =	ssyncadd.s32 $0xFFFFD800  }
0x27f: {  	_ =	swait.ge [sflag:s22], $0x2800  }
.Ltmp13:
0x280: {  	[sflag:s22] =	ssyncset.done $0x0;
	(pc) =	sbr.rel @p1 .LBB2_21-.Ltmp13, $4  }
0x281: {  	s29 =	sadd.s32 $0x8080, s29;
	[sflag:s22] =	ssyncadd.s32 $0xFFFFD800  }
0x282: {  	[spmem:s2] =	stream.indirect.scatter.add.f32 [tilespmem:s21], [sflag:$0x3], $0x80, s29, s17, $0xb8;
	[tilespmem:$0x1F140] =	vst v63  }
0x283: {  	_ =	swait.ge [sflag:s14], $0x2800  }
0x284: {  	s30 =	smov.u32 s28;
	[sflag:s14] =	ssyncset.done $0x0  }
.Ltmp14:
0x285: {  	_ = 	snop;
	(pc) =	sbr.rel .LBB2_22-.Ltmp14, $1  }
0x286: {  	_ =	sdelay $0x3  }
.LBB2_24:
0x287: {  	_ =	sfence.sel $0x180000  }
0x288: {  	[bflag:$0x0] =	sbarrier.arrive $0xFFFF  }
0x289: {  	p0 =	sne.s32 s1, $0x0;
	_ =	strace $0x9000004D  }
0x28a: {  	s0 =	sadd.s32 @!p0 $0x100000, s0;
	[bflag:$0x2] =	sbarrier.arrive $0xFFFF  }
0x28b: {  	[sflag:s0] =	ssyncadd.tile.s32 @!p0 $0x1;
	_ =	shalt  }
.Lfunc_end2:
_tile_overlayer_lowered:
.L_overlay_start_2:
0x28c: {  	(tag) =	ssettag $0x2  }
0x28d: {  	s0 =	rddreg [dreg:$0x0];
	s2 =	stileid.u32  }
0x28e: {  	s1 =	rddreg [dreg:$0x1];
	p0 =	sne.s32 s2, $0x0  }
0x28f: {  	s3 =	rddreg [dreg:$0x2];
	[bflag:$0x3] =	sbarrier.arrive $0xFFFF;
	s2 =	simm.s32 @!p0 $0x1C03  }
0x290: {  	[timem:s3], [sflag:s2] =	dma.local @!p0 [hbm:s0], s1  }
0x291: {  	s0 =	simm.s32 @!p0 $0x3  }
0x292: {  	_ =	swait.ge @!p0 [sflag:s0], s1  }
0x293: {  	s1 =	ssub.s32 @!p0 $0x0, s1;
	[sflag:s0] =	ssyncset.done @!p0 $0x0  }
0x294: {  	[sflag:s0] =	ssyncadd.s32 @!p0 s1  }
0x295: {  	[bflag:$0x3] =	sbarrier.arrive $0xFFFF  }
0x296: {  	_ =	shalt  }

// kernel: kernel.8.cloned.1.call-start
scs
__scs_entry_jumppad:
0x0: {  	(pc) =	sbr.rel $0x88, $3  }
0x1: {  	(tag) =	ssettag $0x0;
	lr =	simm.s32 $0x1  }
0x2: {  	[smem:$0x3F96] =	sst lr;
	_ =	strace $0xD0000000  }
0x3: {  	_ = 	snop  }
0x4: {  	_ = 	snop  }
0x5: {  	_ = 	snop  }
0x6: {  	_ = 	snop  }
0x7: {  	_ = 	snop  }
__scs_overlays_trampoline_lowered:
0x8: {  	[smem:$0x3FA5] =	sst s0  }
0x9: {  	[smem:$0x3FA6] =	sst s1  }
0xa: {  	[smem:$0x3FA7] =	sst s2  }
0xb: {  	[smem:$0x3FA8] =	sst s3  }
0xc: {  	[smem:$0x3FA9] =	sst s4  }
0xd: {  	[smem:$0x3FAA] =	sst s5  }
0xe: {  	[smem:$0x3FAB] =	sst s6  }
0xf: {  	[smem:$0x3FAC] =	sst s7  }
0x10: {  	[smem:$0x3FAD] =	sst s8  }
0x11: {  	[smem:$0x3FAE] =	sst s9;
	s0 =	simm.s32 @!p0 $0x0  }
0x12: {  	s1 =	sld [smem:$0x3F94];
	s0 =	simm.s32 @p0 $0x1  }
0x13: {  	[smem:$0x3FAF] =	sst s0;
	s0 =	simm.s32 @!p1 $0x0  }
0x14: {  	s2 =	sld [smem:$0x3F93];
	s0 =	simm.s32 @p1 $0x1  }
0x15: {  	[smem:$0x3FB0] =	sst s0;
	s0 =	simm.s32 @!p2 $0x0  }
0x16: {  	s3 =	sld [smem:$0x3FDB];
	s0 =	simm.s32 @p2 $0x1  }
0x17: {  	s4 =	simm.s32 $0x1BF5;
	[smem:$0x3FB2] =	sst s0  }
0x18: {  	s0 =	sld [smem:$0x3F95];
	_ =	swait.ge [sflag:s4], $0x0  }
0x19: {  	s7 =	sld [smem:$0x3F96]  }
0x1a: {  	s8 =	sadd.s32 $0xFFFFE003, lr  }
0x1b: {  	s9 =	sadd.s32 $0xFFFFFEF7, lr;
	s5 =	simm.s32 $0xFFFFFFFF;
	p2 =	slt.u32 s8, $0xFFFFF086  }
0x1c: {  	p1 =	slt.u32 s9, $0xF7A;
	s5 =	simm.s32 @!p2 $0x0  }
0x1d: {  	s5 =	simm.s32 @p1 $0x1;
	p0 =	seq.s32 s7, s2  }
0x1e: {  	s7 =	smul.u32 @!p0 $0xF7A, s2;
	p2 =	seq.s32 @!p0 s5, $0x0  }
0x1f: {  	s9 =	smul.u32 $0xF7A, s1;
	s8 =	simm.s32 @!p0 $0x1BF5;
	p2 =	por !p2, p0  }
0x20: {  	[sflag:s8] =	ssyncset.s32 @!p0 $0xFFFFF086;
	s6 =	sadd.s32 @!p0 s3, s7;
	s7 =	simm.s32 @!p0 $0x108  }
0x21: {  	s3 =	sadd.s32 s3, s9;
	s6 =	sadd.s32 @!p0 $0x88, s6;
	s7 =	simm.s32 @p2 $0x1082  }
0x22: {  	[simem:s7], [sflag:s8] =	dma.local @!p0 [hbm:s6], $0xF7A  }
0x23: {  	s9 =	sor.u32 $0xD0000000, s2;
	s6 =	simm.s32 $0x108;
	_ =	swait.ge @!p0 [sflag:s8], $0x0  }
0x24: {  	s3 =	sadd.s32 $0x88, s3;
	s6 =	simm.s32 @!p1 $0x1082;
	[sflag:s4] =	ssyncset.s32 $0xFFFFF086  }
0x25: {  	[simem:s6], [sflag:s4] =	dma.local [hbm:s3], $0xF7A  }
0x26: {  	[smem:$0x3F96] =	sst s1;
	(tag) =	ssettag s2;
	_ =	strace s9  }
0x27: {  	s1 =	sld [smem:$0x3FA6]  }
0x28: {  	s2 =	sld [smem:$0x3FA7]  }
0x29: {  	s4 =	sld [smem:$0x3FA9]  }
0x2a: {  	p0 =	seq.s32 s5, $0x0;
	s5 =	sld [smem:$0x3FAA]  }
0x2b: {  	s6 =	sld [smem:$0x3FAB]  }
0x2c: {  	s7 =	sld [smem:$0x3FAC]  }
0x2d: {  	s3 =	simm.s32 $0x108;
	s8 =	sld [smem:$0x3FAD]  }
0x2e: {  	s3 =	simm.s32 @!p0 $0x1082;
	s9 =	sld [smem:$0x3FAE]  }
0x2f: {  	lr =	sadd.s32 s0, s3;
	s0 =	sld [smem:$0x3FA5]  }
0x30: {  	s3 =	sld [smem:$0x3FA8]  }
0x31: {  	[smem:$0x3FB1] =	sst s10  }
0x32: {  	s10 =	sld [smem:$0x3FAF];
	_ =	sdelay $0x3  }
0x33: {  	p0 =	seq.s32 s10, $0x1;
	s10 =	sld [smem:$0x3FB1];
	_ =	sdelay $0x3  }
0x34: {  	[smem:$0x3FB1] =	sst s10  }
0x35: {  	s10 =	sld [smem:$0x3FB0];
	_ =	sdelay $0x3  }
0x36: {  	p1 =	seq.s32 s10, $0x1;
	s10 =	sld [smem:$0x3FB1];
	_ =	sdelay $0x3  }
0x37: {  	[smem:$0x3FB1] =	sst s10  }
0x38: {  	s10 =	sld [smem:$0x3FB2]  }
0x39: {  	_ = 	snop;
	(pc) =	sbr.ind lr, $3  }
0x3a: {  	_ = 	snop  }
0x3b: {  	_ = 	snop  }
0x3c: {  	p2 =	seq.s32 s10, $0x1;
	s10 =	sld [smem:$0x3FB1]  }
0x3d: {  	_ =	shalt  }
0x3e: {  	_ =	shalt  }
0x3f: {  	_ =	shalt  }
0x40: {  	_ =	shalt  }
0x41: {  	_ =	shalt  }
0x42: {  	_ =	shalt  }
0x43: {  	_ =	shalt  }
0x44: {  	_ =	shalt  }
0x45: {  	_ =	shalt  }
0x46: {  	_ =	shalt  }
0x47: {  	_ =	shalt  }
0x48: {  	_ =	shalt  }
0x49: {  	_ =	shalt  }
0x4a: {  	_ =	shalt  }
0x4b: {  	_ =	shalt  }
0x4c: {  	_ =	shalt  }
0x4d: {  	_ =	shalt  }
0x4e: {  	_ =	shalt  }
0x4f: {  	_ =	shalt  }
0x50: {  	_ =	shalt  }
0x51: {  	_ =	shalt  }
0x52: {  	_ =	shalt  }
0x53: {  	_ =	shalt  }
0x54: {  	_ =	shalt  }
0x55: {  	_ =	shalt  }
0x56: {  	_ =	shalt  }
0x57: {  	_ =	shalt  }
0x58: {  	_ =	shalt  }
0x59: {  	_ =	shalt  }
0x5a: {  	_ =	shalt  }
0x5b: {  	_ =	shalt  }
0x5c: {  	_ =	shalt  }
0x5d: {  	_ =	shalt  }
0x5e: {  	_ =	shalt  }
0x5f: {  	_ =	shalt  }
0x60: {  	_ =	shalt  }
0x61: {  	_ =	shalt  }
0x62: {  	_ =	shalt  }
0x63: {  	_ =	shalt  }
0x64: {  	_ =	shalt  }
0x65: {  	_ =	shalt  }
0x66: {  	_ =	shalt  }
0x67: {  	_ =	shalt  }
0x68: {  	_ =	shalt  }
0x69: {  	_ =	shalt  }
0x6a: {  	_ =	shalt  }
0x6b: {  	_ =	shalt  }
0x6c: {  	_ =	shalt  }
0x6d: {  	_ =	shalt  }
0x6e: {  	_ =	shalt  }
0x6f: {  	_ =	shalt  }
0x70: {  	_ =	shalt  }
0x71: {  	_ =	shalt  }
0x72: {  	_ =	shalt  }
0x73: {  	_ =	shalt  }
0x74: {  	_ =	shalt  }
0x75: {  	_ =	shalt  }
0x76: {  	_ =	shalt  }
0x77: {  	_ =	shalt  }
0x78: {  	_ =	shalt  }
0x79: {  	_ =	shalt  }
0x7a: {  	_ =	shalt  }
0x7b: {  	_ =	shalt  }
0x7c: {  	_ =	shalt  }
0x7d: {  	_ =	shalt  }
0x7e: {  	_ =	shalt  }
0x7f: {  	_ =	shalt  }
0x80: {  	_ =	shalt  }
0x81: {  	_ =	shalt  }
0x82: {  	_ =	shalt  }
0x83: {  	_ =	shalt  }
0x84: {  	_ =	shalt  }
0x85: {  	_ =	shalt  }
0x86: {  	_ =	shalt  }
0x87: {  	_ =	shalt  }
.Lfunc_end0:
.L_simem_size_0:
called_computation_lowered:
.L_overlay_start_0:
0x88: {  	s2 =	sld [smem:$0x3FD9]  }
0x89: {  	s3 =	sld [smem:$0x3FFE];
	_ =	sdelay $0x1  }
0x8a: {  	s1 =	srdreg.scid  }
0x8b: {  	s0 =	sand.u32 $0x1, s1  }
0x8c: {  	s16 =	sshll.u32 s0, $0xA;
	s2 =	sadd.s32 s3, s2  }
0x8d: {  	s2 =	sadd.s32 s2, s16  }
0x8e: {  	[smem:$0x3FBD] =	sst s2  }
0x8f: {  	_ = 	snop  }
0x90: {  	(tm) =	ssettm $0x1  }
0x91: {  	s17 =	sld [smem:$0x3FFB];
	_ =	sdelay $0x3  }
0x92: {  	_ =	strace s17  }
0x93: {  	s2 =	sld [smem:$0x3FFC];
	_ =	sdelay $0x3  }
0x94: {  	_ =	strace s2  }
0x95: {  	s2 =	sld [smem:$0x3FFD];
	_ =	sdelay $0x3  }
0x96: {  	_ =	strace s2  }
0x97: {  	_ =	strace $0x8FFFFFFF  }
0x98: {  	s18 =	sld [smem:$0x3FDB];
	_ =	sdelay $0x1  }
0x99: {  	s19 =	simm.s32 $_scs_section_size  }
0x9a: {  	s4 =	simm.s32 $_size__tile_overlayer_lowered;
	s5 =	simm.s32 $_tile_overlayer_lowered  }
0x9b: {  	s22 =	simm.s32 $0x1BFF;
	s21 =	sshll.u32 s5, $0x1;
	s2 =	sadd.s32 s19, s18  }
0x9c: {  	s6 =	simm.s32 $0x0;
	s20 =	sshll.u32 s4, $0x1;
	s4 =	sadd.s32 s21, s2  }
0x9d: {  	[timem:s6], [sflag:s22] =	dma.local [hbm:s4], s20  }
0x9e: {  	_ =	swait.ge [sflag:s22], s20  }
0x9f: {  	s3 =	ssub.s32 $0x0, s20;
	[sflag:s22] =	ssyncset.done $0x0  }
0xa0: {  	[sflag:s22] =	ssyncadd.s32 s3;
	_ =	sdelay $0x1  }
0xa1: {  	s23 =	simm.s32 $0x1B8B  }
0xa2: {  	_ =	swait.ge [sflag:s23], $0x1  }
0xa3: {  	[sflag:s23] =	ssyncset.done $0x0  }
0xa4: {  	s25 =	simm.s32 $0x1B8E;
	s24 =	sld [smem:$0x3FFE];
	[sflag:s23] =	ssyncadd.s32 $0xFFFFFFFF  }
0xa5: {  	s26 =	simm.s32 $execute0_lowered;
	[smem:$0x3FD2] =	sst s25  }
0xa6: {  	s4 =	sshll.u32 s26, $0x1;
	_ =	strace $0x80000046;
	[dreg:$0x1] =	wrdreg $0xFFFFFFFF  }
0xa7: {  	s28 =	simm.s32 $_size_execute0_lowered;
	s2 =	sadd.s32 s2, s4;
	[dreg:$0x0] =	wrdreg $0x0  }
0xa8: {  	s4 =	sshll.u32 s28, $0x1;
	[dreg:$0x2] =	wrdreg s2  }
0xa9: {  	[dreg:$0x3] =	wrdreg s4  }
0xaa: {  	[dreg:$0x4] =	wrdreg $0xC0  }
0xab: {  	_ =	task [dreg:s6], $0x5FFFF  }
0xac: {  	[dreg:$0x1] =	wrdreg $0xFFFFFFFF  }
0xad: {  	[dreg:$0x0] =	wrdreg $0x60  }
0xae: {  	[dreg:$0x2] =	wrdreg s24  }
0xaf: {  	[dreg:$0x3] =	wrdreg $0x90000  }
0xb0: {  	[dreg:$0x4] =	wrdreg $0x9  }
0xb1: {  	_ =	task.clear_ibuf [dreg:s6], $0x5FFFF;
	_ =	strace $0x90000046  }
0xb2: {  	s29 =	simm.s32 $0x9;
	_ =	strace $0x80000048  }
0xb3: {  	_ =	swait.ge [sflag:s29], $0x1  }
0xb4: {  	[sflag:s29] =	ssyncadd.s32 $0xFFFFFFFF  }
0xb5: {  	_ =	strace $0x90000048  }
0xb6: {  	_ =	sfence  }
0xb7: {  	s30 =	sld [smem:$0x0];
	_ =	sdelay $0x2  }
0xb8: {  	s31 =	sshll.u32 s1, $0xD;
	s1 =	sshrl.u32 s1, $0x2  }
0xb9: {  	s3 =	sand.u32 $0x4000, s31;
	s1 =	sadd.s32 s1, s30  }
0xba: {  	s0 =	sor.u32 s3, s0;
	s1 =	sshll.u32 s1, $0x11  }
0xbb: {  	s0 =	sor.u32 s1, s0  }
0xbc: {  	s0 =	sadd.s32 $0x8F2B, s0  }
0xbd: {  	[sflag:s0] =	ssyncadd.remote.s32 $0x1  }
0xbe: {  	_ =	sfence.sel $0xFFFF  }
0xbf: {  	[dreg:$0x0] =	wrdreg $0xFFFFFFFF;
	(pc) =	sbr.abs _section_cstart, $3  }
0xc0: {  	[dreg:$0x1] =	wrdreg $0xFFFFFFFF  }
0xc1: {  	_ =	task.clear_ibuf [dreg:s6], $0x2FFFF;
	_ =	strace $0x9FFFFFFF  }
0xc2: {  	(tm) =	ssettm $0x7FFFFFFF  }
0xc3: {  	_ =	shalt  }
tec
execute0_lowered:
.L_overlay_start_1:
0x0: {  	(tag) =	ssettag $0x1  }
0x1: {  	s4 =	rddreg [dreg:$0x0]  }
0x2: {  	s1 =	rddreg [dreg:$0x1]  }
0x3: {  	s2 =	srdreg.scid;
	s0 =	rddreg [dreg:$0x2]  }
0x4: {  	s3 =	simm.s32 $0x0;
	s15 =	simm.s32 $0x1;
	s16 =	simm.s32 $0x6800  }
0x5: {  	s17 =	simm.s32 $0x50;
	s5 =	sand.u32 $0x1, s2;
	s2 =	stileid.u32  }
0x6: {  	s18 =	simm.s32 $0x4000;
	[smem:$0x7FF] =	sst s3;
	s6 =	smul.u32 $0x28000, s5  }
0x7: {  	s7 =	sshll.u32 s2, $0xB;
	s8 =	smul.u32 $0x2800, s2;
	_ =	strace $0x80000047  }
0x8: {  	s28 =	ssub.s32 $0x2, s5;
	s9 =	smul.u32 $0x50000, s2;
	s5 =	sshll.u32 s5, $0xF  }
0x9: {  	s19 =	sshll.u32 s2, $0x6;
	s7 =	sadd.s32 s7, s4;
	s29 =	sshrl.u32 s28, $0x1  }
0xa: {  	s19 =	sor.u32 $0x1C01, s19;
	s6 =	sadd.s32 s8, s6;
	s8 =	ssub.s32 s28, s29  }
0xb: {  	s30 =	sadd.s32 s5, s7;
	s31 =	sshrl.u32 s9, $0x2;
	s6 =	sadd.s32 s6, s4  }
0xc: {  	s4 =	sadd.s32 $0x3200, s30;
	s5 =	sadd.s32 s31, s1;
	s7 =	smax.u32 s8, $0x1  }
0xd: {  	s6 =	sadd.s32 $0x13200, s6;
	s8 =	sadd.s32 $0x2800, s5;
	s9 =	sadd.s32 $0x5000, s5  }
0xe: {  	s10 =	sadd.s32 $0x7800, s5;
	s11 =	sadd.s32 $0xA000, s5;
	s12 =	sadd.s32 $0xC800, s5  }
0xf: {  	v0 =	vimm.f32 $0.0e+00;
	v1 =	vimm.f32 $1.000000000e+00;
	s13 =	sadd.s32 $0xF000, s5;
	s14 =	sadd.s32 $0x11800, s5;
	s20 =	sshrl.u32 s5, $0x3  }
.LBB2_1:
0x10: {  	s21 =	simm.s32 $0x200;
	s22 =	simm.s32 $0x0  }
.LBB2_2:
0x11: {  	p0 =	sne.s32 s21, $0x9E00;
	[tilespmem:s22+$0x6800] =	vst v0;
	s23 =	smov.u32 s21;
	s21 =	sadd.s32 $0x200, s21  }
.Ltmp0:
0x12: {  	[tilespmem:s22+$0x4000] =	vst v1;
	(pc) =	sbr.rel @p0 .LBB2_2-.Ltmp0, $2  }
0x13: {  	_ =	sdelay $0x2  }
0x14: {  	s22 =	sshra.s32 s23, $0x2  }
0x15: {  	[tilespmem:s22+$0x6800] =	vst v0  }
0x16: {  	[tilespmem:s22+$0x4000] =	vst v1;
	s21 =	simm.s32 $0x0  }
0x17: {  	[tilespmem:s21], [sflag:$0x1] =	stream.linear.gather [hbm4b:s4+s21], $0x3E80, $0x38;
	[tilespmem:$0xB800] =	vst v63  }
0x18: {  	_ =	swait.ge [sflag:s15], $0x3E80  }
0x19: {  	[sflag:s15] =	ssyncset.done $0x0  }
0x1a: {  	[sflag:s15] =	ssyncadd.s32 $0xFFFFC180  }
0x1b: {  	[spmem:s5] =	stream.linear.scatter [tilespmem:s16], [sflag:$0x1], $0x2800, $0x38;
	[tilespmem:$0xB800] =	vst v63  }
0x1c: {  	_ =	swait.ge [sflag:s15], $0x2800  }
0x1d: {  	[sflag:s15] =	ssyncset.done $0x0  }
0x1e: {  	[sflag:s15] =	ssyncadd.s32 $0xFFFFD800  }
0x1f: {  	[spmem:s8] =	stream.linear.scatter [tilespmem:s16], [sflag:$0x1], $0x2800, $0x38;
	[tilespmem:$0xB800] =	vst v63  }
0x20: {  	_ =	swait.ge [sflag:s15], $0x2800  }
0x21: {  	[sflag:s15] =	ssyncset.done $0x0  }
0x22: {  	[sflag:s15] =	ssyncadd.s32 $0xFFFFD800  }
0x23: {  	[spmem:s9] =	stream.linear.scatter [tilespmem:s16], [sflag:$0x1], $0x2800, $0x38;
	[tilespmem:$0xB800] =	vst v63  }
0x24: {  	_ =	swait.ge [sflag:s15], $0x2800  }
0x25: {  	[sflag:s15] =	ssyncset.done $0x0  }
0x26: {  	[sflag:s15] =	ssyncadd.s32 $0xFFFFD800  }
0x27: {  	[spmem:s10] =	stream.linear.scatter [tilespmem:s16], [sflag:$0x1], $0x2800, $0x38;
	[tilespmem:$0xB800] =	vst v63  }
0x28: {  	_ =	swait.ge [sflag:s15], $0x2800  }
0x29: {  	[sflag:s15] =	ssyncset.done $0x0  }
0x2a: {  	[sflag:s15] =	ssyncadd.s32 $0xFFFFD800  }
0x2b: {  	[spmem:s11] =	stream.linear.scatter [tilespmem:s16], [sflag:$0x1], $0x2800, $0x38;
	[tilespmem:$0xB800] =	vst v63  }
0x2c: {  	_ =	swait.ge [sflag:s15], $0x2800  }
0x2d: {  	[sflag:s15] =	ssyncset.done $0x0  }
0x2e: {  	[sflag:s15] =	ssyncadd.s32 $0xFFFFD800  }
0x2f: {  	[spmem:s12] =	stream.linear.scatter [tilespmem:s16], [sflag:$0x1], $0x2800, $0x38;
	[tilespmem:$0xB800] =	vst v63  }
0x30: {  	_ =	swait.ge [sflag:s15], $0x2800  }
0x31: {  	[sflag:s15] =	ssyncset.done $0x0  }
0x32: {  	[sflag:s15] =	ssyncadd.s32 $0xFFFFD800  }
0x33: {  	[spmem:s13] =	stream.linear.scatter [tilespmem:s16], [sflag:$0x1], $0x2800, $0x38;
	[tilespmem:$0xB800] =	vst v63  }
0x34: {  	_ =	swait.ge [sflag:s15], $0x2800  }
0x35: {  	[sflag:s15] =	ssyncset.done $0x0  }
0x36: {  	[sflag:s15] =	ssyncadd.s32 $0xFFFFD800  }
0x37: {  	[spmem:s14] =	stream.linear.scatter [tilespmem:s16], [sflag:$0x1], $0x2800, $0x38;
	[tilespmem:$0xB800] =	vst v63  }
0x38: {  	_ =	swait.ge [sflag:s15], $0x2800  }
0x39: {  	[sflag:s15] =	ssyncset.done $0x0  }
0x3a: {  	[sflag:s15] =	ssyncadd.s32 $0xFFFFD800  }
0x3b: {  	s31 =	simm.s32 $0x0;
	[bflag:$0x0] =	sbarrier.arrive $0xFFFF  }
0x3c: {  	[spmem:s1] =	stream.indirect.scatter.add.f32 [tilespmem:s18], [sflag:$0x1], $0x10, s31, s17, $0xb8;
	[tilespmem:$0xB800] =	vst v63  }
0x3d: {  	_ =	swait.ge [sflag:s15], $0x500  }
0x3e: {  	s21 =	simm.s32 $0x200;
	[sflag:s15] =	ssyncset.done $0x0  }
.LBB2_4:
0x3f: {  	s22 =	sshra.s32 s21, $0x2;
	[sflag:s15] =	ssyncadd.s32 $0xFFFFFB00;
	p0 =	sne.s32 s21, $0xF800  }
0x40: {  	[spmem:s1] =	stream.indirect.scatter.add.f32 [tilespmem:s18], [sflag:$0x1], $0x10, s22, s17, $0xb8;
	[tilespmem:$0xB800] =	vst v63  }
.Ltmp1:
0x41: {  	_ = 	snop;
	(pc) =	sbr.rel @p0 .LBB2_4-.Ltmp1, $4  }
0x42: {  	_ = 	snop  }
0x43: {  	s21 =	sadd.s32 $0x200, s21  }
0x44: {  	_ =	swait.ge [sflag:s15], $0x500  }
0x45: {  	[sflag:s15] =	ssyncset.done $0x0  }
0x46: {  	s3 =	sadd.s32 $0x1, s3  }
0x47: {  	[sflag:s15] =	ssyncadd.s32 $0xFFFFFB00;
	p0 =	sne.s32 s3, s7  }
.Ltmp2:
0x48: {  	[bflag:$0x0] =	sbarrier.arrive $0xFFFF;
	(pc) =	sbr.rel @p0 .LBB2_1-.Ltmp2, $4  }
0x49: {  	[hbm:s6], [sflag:s19] =	dma.local [spmem:s20], $0x2800  }
0x4a: {  	_ =	swait.ge [sflag:s15], $0x2800  }
0x4b: {  	[sflag:s15] =	ssyncset.done $0x0  }
0x4c: {  	[sflag:s15] =	ssyncadd.s32 $0xFFFFD800  }
0x4d: {  	_ =	sfence.sel $0x180000  }
0x4e: {  	[bflag:$0x0] =	sbarrier.arrive $0xFFFF  }
0x4f: {  	p0 =	sne.s32 s2, $0x0;
	_ =	strace $0x90000047  }
0x50: {  	s0 =	sadd.s32 @!p0 $0x100000, s0;
	[bflag:$0x2] =	sbarrier.arrive $0xFFFF  }
0x51: {  	[sflag:s0] =	ssyncadd.tile.s32 @!p0 $0x1;
	_ =	shalt  }
.Lfunc_end2:
_tile_overlayer_lowered:
.L_overlay_start_2:
0x52: {  	(tag) =	ssettag $0x2  }
0x53: {  	s0 =	rddreg [dreg:$0x0];
	s2 =	stileid.u32  }
0x54: {  	s1 =	rddreg [dreg:$0x1];
	p0 =	sne.s32 s2, $0x0  }
0x55: {  	s3 =	rddreg [dreg:$0x2];
	[bflag:$0x3] =	sbarrier.arrive $0xFFFF;
	s2 =	simm.s32 @!p0 $0x1C01  }
0x56: {  	[timem:s3], [sflag:s2] =	dma.local @!p0 [hbm:s0], s1  }
0x57: {  	s0 =	simm.s32 @!p0 $0x1  }
0x58: {  	_ =	swait.ge @!p0 [sflag:s0], s1  }
0x59: {  	s1 =	ssub.s32 @!p0 $0x0, s1;
	[sflag:s0] =	ssyncset.done @!p0 $0x0  }
0x5a: {  	[sflag:s0] =	ssyncadd.s32 @!p0 s1  }
0x5b: {  	[bflag:$0x3] =	sbarrier.arrive $0xFFFF  }
0x5c: {  	_ =	shalt  }

</sc_bundles>
